<compile_context>
chip_gen: v7x
topology: tpu7x:2x2x1
jax: 0.10.2.dev20260603
libtpu: 0.0.44.dev20260713+nightly
codegen_flags: <defaults>
</compile_context>

<pallas_src>
import jax
import jax.numpy as jnp
from jax import lax
from jax.experimental import pallas as pl
from jax.experimental.pallas import tpu as pltpu
from jax.experimental.pallas import tpu_sc as plsc

N = 10000
E = 320000
D_IN = 128
D_EDGE = 16
HID = 50
HP = 128
HQ = 64
EPS_BN = 1e-5

NC = 2
NS = 16
NW = NC * NS
EPW = E // NW
NP = 10240
RPT = NP // NS

CH = 40
NCHUNK = EPW // CH
NBUF = 5
NOUT = NCHUNK // NBUF

CH2 = 40
NCHUNK2 = EPW // CH2
EBUF = 5
NOUT2 = NCHUNK2 // EBUF

CHH = 80
NCHUNKH = EPW // CHH

_MESH = plsc.VectorSubcoreMesh(core_axis_name="c", subcore_axis_name="s",
                               num_cores=NC, num_subcores=NS)


def _pad2(w, r, c):
    return jnp.zeros((r, c), jnp.float32).at[:w.shape[0], :w.shape[1]].set(w)


def _pad_row(v, c):
    return jnp.zeros((1, c), jnp.float32).at[0, :v.shape[0]].set(v)



def _hist_body(col_hbm, zero_hbm, out_hbm, col_v, ones_v, deg_sh, sem):
    c = lax.axis_index("c")
    s = lax.axis_index("s")
    wid = s * NC + c
    for i in range(CHH // 16):
        ones_v[pl.ds(16 * i, 16)] = jnp.full((16,), 1.0, jnp.float32)
    @pl.when(s == 0)
    def _():
        pltpu.sync_copy(zero_hbm, deg_sh)
    plsc.subcore_barrier()
    base = wid * EPW

    @pl.loop(0, NCHUNKH)
    def _(j):
        off = pl.multiple_of(base + j * CHH, 8)
        pltpu.sync_copy(col_hbm.at[pl.ds(off, CHH)], col_v)
        pltpu.sync_copy(ones_v, deg_sh.at[col_v], add=True)

    plsc.subcore_barrier()
    r0 = s * RPT
    pltpu.sync_copy(deg_sh.at[pl.ds(r0, RPT)], out_hbm.at[c, pl.ds(r0, RPT)])


_hist = pl.kernel(
    _hist_body,
    out_type=jax.ShapeDtypeStruct((NC, NP), jnp.float32),
    mesh=_MESH,
    scratch_types=[
        pltpu.VMEM((CHH,), jnp.int32),
        pltpu.VMEM((CHH,), jnp.float32),
        pltpu.VMEM_SHARED((NP,), jnp.float32),
        pltpu.SemaphoreType.DMA,
    ],
)


def _segsum_body(u_hbm, row_hbm, col_hbm, zero_hbm, out_hbm, *sc):
    row_v = sc[0:NBUF]
    col_v = sc[NBUF:2 * NBUF]
    gbuf = sc[2 * NBUF:3 * NBUF]
    acc_sh = sc[3 * NBUF]
    sga = sc[3 * NBUF + 1:4 * NBUF + 1]
    ssc = sc[4 * NBUF + 1:5 * NBUF + 1]
    c = lax.axis_index("c")
    s = lax.axis_index("s")
    wid = s * NC + c
    @pl.when(s == 0)
    def _():
        pltpu.sync_copy(zero_hbm, acc_sh)
    plsc.subcore_barrier()
    base = wid * EPW

    for b in range(NBUF):
        off = pl.multiple_of(base + b * CH, 8)
        pltpu.sync_copy(row_hbm.at[pl.ds(off, CH)], row_v[b])
        pltpu.sync_copy(col_hbm.at[pl.ds(off, CH)], col_v[b])
        pltpu.async_copy(u_hbm.at[row_v[b]], gbuf[b], sga[b])

    @pl.loop(0, NOUT)
    def _(g):
        for b in range(NBUF):
            pltpu.make_async_copy(u_hbm.at[row_v[b]], gbuf[b], sga[b]).wait()
            pltpu.async_copy(gbuf[b], acc_sh.at[col_v[b]], ssc[b], add=True)
        for b in range(NBUF):
            pltpu.make_async_copy(gbuf[b], acc_sh.at[col_v[b]], ssc[b]).wait()
            @pl.when(g < NOUT - 1)
            def _():
                off = pl.multiple_of(base + ((g + 1) * NBUF + b) * CH, 8)
                pltpu.sync_copy(row_hbm.at[pl.ds(off, CH)], row_v[b])
                pltpu.sync_copy(col_hbm.at[pl.ds(off, CH)], col_v[b])
                pltpu.async_copy(u_hbm.at[row_v[b]], gbuf[b], sga[b])

    plsc.subcore_barrier()
    r0 = s * RPT
    pltpu.sync_copy(acc_sh.at[pl.ds(r0, RPT)],
                    out_hbm.at[c, pl.ds(r0, RPT)])


_segsum = pl.kernel(
    _segsum_body,
    out_type=jax.ShapeDtypeStruct((NC, NP, HP), jnp.float32),
    mesh=_MESH,
    scratch_types=(
        [pltpu.VMEM((CH,), jnp.int32) for _ in range(2 * NBUF)]
        + [pltpu.VMEM((CH, HP), jnp.float32) for _ in range(NBUF)]
        + [pltpu.VMEM_SHARED((NP, HP), jnp.float32)]
        + [pltpu.SemaphoreType.DMA for _ in range(2 * NBUF)]
    ),
)


def _edge_body(a_hbm, b_hbm, row_hbm, col_hbm, g_hbm, *sc):
    row_v = sc[0:EBUF]
    col_v = sc[EBUF:2 * EBUF]
    bufa = sc[2 * EBUF:3 * EBUF]
    bufb = sc[3 * EBUF:4 * EBUF]
    bufc = sc[4 * EBUF:5 * EBUF]
    sga = sc[5 * EBUF:6 * EBUF]
    sgb = sc[6 * EBUF:7 * EBUF]
    swc = sc[7 * EBUF:8 * EBUF]
    c = lax.axis_index("c")
    s = lax.axis_index("s")
    wid = s * NC + c
    base = wid * EPW

    for b in range(EBUF):
        off = pl.multiple_of(base + b * CH2, 8)
        pltpu.sync_copy(row_hbm.at[pl.ds(off, CH2)], row_v[b])
        pltpu.sync_copy(col_hbm.at[pl.ds(off, CH2)], col_v[b])
        pltpu.async_copy(a_hbm.at[row_v[b]], bufa[b], sga[b])
        pltpu.async_copy(b_hbm.at[col_v[b]], bufb[b], sgb[b])

    @pl.loop(0, NOUT2)
    def _(g):
        for b in range(EBUF):
            off = pl.multiple_of(base + (g * EBUF + b) * CH2, 8)
            pltpu.make_async_copy(a_hbm.at[row_v[b]], bufa[b], sga[b]).wait()
            pltpu.make_async_copy(b_hbm.at[col_v[b]], bufb[b], sgb[b]).wait()

            @pl.loop(0, CH2)
            def _(r):
                for k in range(HQ // 16):
                    bufc[b][r, pl.ds(16 * k, 16)] = (
                        bufa[b][r, pl.ds(16 * k, 16)]
                        + bufb[b][r, pl.ds(16 * k, 16)])

            pltpu.async_copy(bufc[b], g_hbm.at[pl.ds(off, CH2)], swc[b])
        for b in range(EBUF):
            off = pl.multiple_of(base + (g * EBUF + b) * CH2, 8)
            pltpu.make_async_copy(bufc[b], g_hbm.at[pl.ds(off, CH2)],
                                  swc[b]).wait()
            @pl.when(g < NOUT2 - 1)
            def _():
                off2 = pl.multiple_of(base + ((g + 1) * EBUF + b) * CH2, 8)
                pltpu.sync_copy(row_hbm.at[pl.ds(off2, CH2)], row_v[b])
                pltpu.sync_copy(col_hbm.at[pl.ds(off2, CH2)], col_v[b])
                pltpu.async_copy(a_hbm.at[row_v[b]], bufa[b], sga[b])
                pltpu.async_copy(b_hbm.at[col_v[b]], bufb[b], sgb[b])


_edge = pl.kernel(
    _edge_body,
    out_type=jax.ShapeDtypeStruct((E, HQ), jnp.float32),
    mesh=_MESH,
    scratch_types=(
        [pltpu.VMEM((CH2,), jnp.int32) for _ in range(2 * EBUF)]
        + [pltpu.VMEM((CH2, HP), jnp.float32) for _ in range(2 * EBUF)]
        + [pltpu.VMEM((CH2, HQ), jnp.float32) for _ in range(EBUF)]
        + [pltpu.SemaphoreType.DMA for _ in range(3 * EBUF)]
    ),
)



def _tc1_body(dp_ref, x_ref, wn_ref, bn_ref, wi_ref, wr_ref, b_ref,
              dis_ref, u_ref, r_ref):
    deg = dp_ref[0, :N, :] + dp_ref[1, :N, :]
    dis = jnp.where(deg > 0, lax.rsqrt(jnp.maximum(deg, 1.0)), 0.0)
    dis_ref[...] = dis
    h0 = jnp.maximum(
        jnp.dot(x_ref[...], wn_ref[...], preferred_element_type=jnp.float32)
        + bn_ref[...], 0.0)
    u_ref[...] = dis * jnp.dot(h0, wi_ref[...],
                               preferred_element_type=jnp.float32)
    r_ref[...] = jnp.dot(h0, wr_ref[...],
                         preferred_element_type=jnp.float32) + b_ref[...]


def _bn(t, g, b):
    mu = jnp.mean(t, axis=0, keepdims=True)
    var = jnp.mean((t - mu) ** 2, axis=0, keepdims=True)
    return (t - mu) * lax.rsqrt(var + EPS_BN) * g + b


def _tc2_body(p_ref, r_ref, dis_ref, g_ref, be_ref, wi_ref, wr_ref, b_ref,
              u_ref, r2_ref):
    dis = dis_ref[...]
    agg = dis * (p_ref[0, :N, :HQ] + p_ref[1, :N, :HQ])
    h = _bn(jnp.maximum(agg + r_ref[...], 0.0), g_ref[...], be_ref[...])
    u_ref[...] = dis * jnp.dot(h, wi_ref[...],
                               preferred_element_type=jnp.float32)
    r2_ref[...] = jnp.dot(h, wr_ref[...],
                          preferred_element_type=jnp.float32) + b_ref[...]


def _tc3_body(p_ref, r_ref, dis_ref, g_ref, be_ref, ma_ref, mb_ref,
              a_ref, b_ref):
    agg = dis_ref[...] * (p_ref[0, :N, :HQ] + p_ref[1, :N, :HQ])
    h = _bn(jnp.maximum(agg + r_ref[...], 0.0), g_ref[...], be_ref[...])
    a_ref[...] = jnp.dot(h, ma_ref[...], preferred_element_type=jnp.float32)
    b_ref[...] = jnp.dot(h, mb_ref[...], preferred_element_type=jnp.float32)


def _tc_final_body(g_ref, ea_ref, wc_ref, c_ref, w2_ref, b2_ref, o_ref):
    ce = jnp.dot(ea_ref[...], wc_ref[...],
                 preferred_element_type=jnp.float32) + c_ref[...]
    t = jnp.tanh(g_ref[...] + ce)
    m = jnp.sum(t * w2_ref[...], axis=1, keepdims=True) + b2_ref[0, 0]
    o_ref[...] = 1.0 / (1.0 + jnp.exp(-m))


def _full(shape, dtype=jnp.float32):
    return pl.BlockSpec(shape, lambda *_: tuple(0 for _ in shape))


BE = 8000


def kernel(x, edge_index, edge_attr, W_node, b_node, W1_init, W1_root, b1,
           g1, be1, W2_init, W2_root, b2, g2, be2, W_e1, b_e1, W_e2, b_e2,
           W_m1, b_m1, W_m2, b_m2):
    f32 = jnp.float32
    row = edge_index[0]
    col = edge_index[1]

    wn = _pad2(W_node, D_IN, HQ)
    bn_ = _pad_row(b_node, HQ)
    w1i = _pad2(W1_init, HQ, HP)
    w1r = _pad2(W1_root, HQ, HQ)
    b1p = _pad_row(b1, HQ)
    g1p = _pad_row(g1, HQ)
    be1p = _pad_row(be1, HQ)
    w2i = _pad2(W2_init, HQ, HP)
    w2r = _pad2(W2_root, HQ, HQ)
    b2p = _pad_row(b2, HQ)
    g2p = _pad_row(g2, HQ)
    be2p = _pad_row(be2, HQ)
    m1top = W_m1[:HID]
    m1bot = W_m1[HID:]
    ma = _pad2(W_e1[:HID] @ m1top, HQ, HP)
    mb = _pad2(W_e1[HID:] @ m1top, HQ, HP)
    wc = _pad2(W_e2 @ m1bot, D_EDGE, HQ)
    cvec = _pad_row(b_e1 @ m1top + b_e2 @ m1bot + b_m1, HQ)
    w2 = _pad_row(W_m2[:, 0], HQ)
    b2m = b_m2.reshape(1, 1)

    zero_n = jnp.zeros((NP,), f32)
    zero_nh = jnp.zeros((NP, HP), f32)

    deg_parts = _hist(col, zero_n)
    deg_parts = deg_parts.reshape(NC, NP, 1)

    dis, u1, r1 = pl.pallas_call(
        _tc1_body,
        out_shape=(jax.ShapeDtypeStruct((N, 1), f32),
                   jax.ShapeDtypeStruct((N, HP), f32),
                   jax.ShapeDtypeStruct((N, HQ), f32)),
    )(deg_parts, x, wn, bn_, w1i, w1r, b1p)

    p1 = _segsum(u1, row, col, zero_nh)

    u2, r2 = pl.pallas_call(
        _tc2_body,
        out_shape=(jax.ShapeDtypeStruct((N, HP), f32),
                   jax.ShapeDtypeStruct((N, HQ), f32)),
    )(p1, r1, dis, g1p, be1p, w2i, w2r, b2p)

    p2 = _segsum(u2, row, col, zero_nh)

    a2, b2t = pl.pallas_call(
        _tc3_body,
        out_shape=(jax.ShapeDtypeStruct((N, HP), f32),
                   jax.ShapeDtypeStruct((N, HP), f32)),
    )(p2, r2, dis, g2p, be2p, ma, mb)

    gsum = _edge(a2, b2t, row, col)

    mask = pl.pallas_call(
        _tc_final_body,
        grid=(E // BE,),
        in_specs=[pl.BlockSpec((BE, HQ), lambda i: (i, 0)),
                  pl.BlockSpec((BE, D_EDGE), lambda i: (i, 0)),
                  _full((D_EDGE, HQ)), _full((1, HQ)),
                  _full((1, HQ)), _full((1, 1))],
        out_specs=pl.BlockSpec((BE, 1), lambda i: (i, 0)),
        out_shape=jax.ShapeDtypeStruct((E, 1), f32),
    )(gsum, edge_attr, wc, cvec, w2, b2m)

    return mask.reshape(-1)

# --- scband reference (transcript-rebuilt; emitter-appended) ---
"""Pipeline reference for scband-instance-level-explainer-51685636440300 (READ-ONLY COPY).

The authoritative reference and input builder live on the scoring server;
editing this copy changes nothing except your own understanding.
"""

import jax, jax.numpy as jnp
import numpy as np

N = 10000
E = 320000
D_IN = 128
D_EDGE = 16
HID = 50
EPS_BN = 1e-5

def _xavier(key, shape):
    a = float(np.sqrt(6.0 / (shape[0] + shape[1])))
    return jax.random.uniform(key, shape, dtype=jnp.float32, minval=-a, maxval=a)

def setup_inputs(seed: int = 0) -> dict:
    key = jax.random.key(seed)
    ks = jax.random.split(key, 16)
    z = lambda *s: jnp.zeros(s, jnp.float32)
    inp = {
        'x': jax.random.normal(ks[0], (N, D_IN), dtype=jnp.float32),
        'edge_index': jax.random.randint(ks[1], (2, E), 0, N, dtype=jnp.int32),
        'edge_attr': jax.random.normal(ks[2], (E, D_EDGE), dtype=jnp.float32),
        'W_node': _xavier(ks[3], (D_IN, HID)), 'b_node': z(HID),
        'W1_init': _xavier(ks[4], (HID, HID)), 'W1_root': _xavier(ks[5], (HID, HID)), 'b1': z(HID),
        'g1': jnp.ones((HID,), jnp.float32), 'be1': z(HID),
        'W2_init': _xavier(ks[6], (HID, HID)), 'W2_root': _xavier(ks[7], (HID, HID)), 'b2': z(HID),
        'g2': jnp.ones((HID,), jnp.float32), 'be2': z(HID),
        'W_e1': _xavier(ks[8], (2 * HID, HID)), 'b_e1': z(HID),
        'W_e2': _xavier(ks[9], (D_EDGE, HID)), 'b_e2': z(HID),
        'W_m1': _xavier(ks[10], (2 * HID, HID)), 'b_m1': z(HID),
        'W_m2': _xavier(ks[11], (HID, 1)), 'b_m2': z(1),
    }
    return inp

def reference(x, edge_index, edge_attr, W_node, b_node, W1_init, W1_root, b1, g1, be1,
              W2_init, W2_root, b2, g2, be2, W_e1, b_e1, W_e2, b_e2, W_m1, b_m1, W_m2, b_m2):
    row = edge_index[0]
    col = edge_index[1]
    # node_lin + relu (flatten is a no-op for 2D x)
    h = jax.nn.relu(x @ W_node + b_node)
    # gcn_norm (symmetric, no self loops) used by ARMAConv
    deg = jax.ops.segment_sum(jnp.ones((E,), jnp.float32), col, num_segments=N)
    dis = jnp.where(deg > 0, jax.lax.rsqrt(jnp.where(deg > 0, deg, 1.0)), 0.0)
    norm = dis[row] * dis[col]

    def arma(hin, Wi, Wr, b):
        out = hin @ Wi
        agg = jax.ops.segment_sum(norm[:, None] * out[row], col, num_segments=N)
        return jax.nn.relu(agg + hin @ Wr + b)

    def bn(hin, g, b):
        mu = hin.mean(axis=0)
        var = hin.var(axis=0)
        return (hin - mu) / jnp.sqrt(var + EPS_BN) * g + b

    h = bn(jax.nn.relu(arma(h, W1_init, W1_root, b1)), g1, be1)
    h = bn(jax.nn.relu(arma(h, W2_init, W2_root, b2)), g2, be2)
    # per-edge features: gather src/dst node embeddings
    e = jnp.concatenate([h[row], h[col]], axis=1)
    # e_in_channels > 1 branch
    e1 = e @ W_e1 + b_e1
    e2 = edge_attr @ W_e2 + b_e2
    e = jnp.concatenate([e1, e2], axis=1)
    mask = (jnp.tanh(e @ W_m1 + b_m1) @ W_m2 + b_m2).reshape(-1)
    # _reparameterize(training=False) -> sigmoid
    return jax.nn.sigmoid(mask)

if __name__ == "__main__":
    import jax
    _d = setup_inputs()
    print(jax.jit(kernel)(*tuple(_d.values())))

</pallas_src>

<mosaic_0001>
#map = affine_map<(d0, d1) -> (0, 0)>
#map1 = affine_map<(d0, d1) -> (0)>
module attributes {stable_mosaic.version = 14 : i64} {
  func.func @_edge_body(%arg0: i32, %arg1: i32, %arg2: memref<10000x128xf32, #tpu.memory_space<hbm>>, %arg3: memref<10000x128xf32, #tpu.memory_space<hbm>>, %arg4: memref<320000xi32, #tpu.memory_space<hbm>>, %arg5: memref<320000xi32, #tpu.memory_space<hbm>>, %arg6: memref<320000x64xf32, #tpu.memory_space<hbm>>, %arg7: memref<40xi32, #tpu.memory_space<vmem>>, %arg8: memref<40xi32, #tpu.memory_space<vmem>>, %arg9: memref<40xi32, #tpu.memory_space<vmem>>, %arg10: memref<40xi32, #tpu.memory_space<vmem>>, %arg11: memref<40xi32, #tpu.memory_space<vmem>>, %arg12: memref<40xi32, #tpu.memory_space<vmem>>, %arg13: memref<40xi32, #tpu.memory_space<vmem>>, %arg14: memref<40xi32, #tpu.memory_space<vmem>>, %arg15: memref<40xi32, #tpu.memory_space<vmem>>, %arg16: memref<40xi32, #tpu.memory_space<vmem>>, %arg17: memref<40x128xf32, #tpu.memory_space<vmem>>, %arg18: memref<40x128xf32, #tpu.memory_space<vmem>>, %arg19: memref<40x128xf32, #tpu.memory_space<vmem>>, %arg20: memref<40x128xf32, #tpu.memory_space<vmem>>, %arg21: memref<40x128xf32, #tpu.memory_space<vmem>>, %arg22: memref<40x128xf32, #tpu.memory_space<vmem>>, %arg23: memref<40x128xf32, #tpu.memory_space<vmem>>, %arg24: memref<40x128xf32, #tpu.memory_space<vmem>>, %arg25: memref<40x128xf32, #tpu.memory_space<vmem>>, %arg26: memref<40x128xf32, #tpu.memory_space<vmem>>, %arg27: memref<40x64xf32, #tpu.memory_space<vmem>>, %arg28: memref<40x64xf32, #tpu.memory_space<vmem>>, %arg29: memref<40x64xf32, #tpu.memory_space<vmem>>, %arg30: memref<40x64xf32, #tpu.memory_space<vmem>>, %arg31: memref<40x64xf32, #tpu.memory_space<vmem>>, %arg32: memref<!tpu.dma_semaphore, #tpu.memory_space<semaphore_mem>>, %arg33: memref<!tpu.dma_semaphore, #tpu.memory_space<semaphore_mem>>, %arg34: memref<!tpu.dma_semaphore, #tpu.memory_space<semaphore_mem>>, %arg35: memref<!tpu.dma_semaphore, #tpu.memory_space<semaphore_mem>>, %arg36: memref<!tpu.dma_semaphore, #tpu.memory_space<semaphore_mem>>, %arg37: memref<!tpu.dma_semaphore, #tpu.memory_space<semaphore_mem>>, %arg38: memref<!tpu.dma_semaphore, #tpu.memory_space<semaphore_mem>>, %arg39: memref<!tpu.dma_semaphore, #tpu.memory_space<semaphore_mem>>, %arg40: memref<!tpu.dma_semaphore, #tpu.memory_space<semaphore_mem>>, %arg41: memref<!tpu.dma_semaphore, #tpu.memory_space<semaphore_mem>>, %arg42: memref<!tpu.dma_semaphore, #tpu.memory_space<semaphore_mem>>, %arg43: memref<!tpu.dma_semaphore, #tpu.memory_space<semaphore_mem>>, %arg44: memref<!tpu.dma_semaphore, #tpu.memory_space<semaphore_mem>>, %arg45: memref<!tpu.dma_semaphore, #tpu.memory_space<semaphore_mem>>, %arg46: memref<!tpu.dma_semaphore, #tpu.memory_space<semaphore_mem>>) attributes {dimension_semantics = [#tpu.dimension_semantics<core_parallel>, #tpu.dimension_semantics<subcore_parallel>], iteration_bounds = array<i64: 2, 16>, scalar_prefetch = 0 : i64, scratch_operands = 40 : i64, tpu.core_type = #tpu.core_type<sc_vector_subcore>, window_params = [{transform_indices = #map}, {transform_indices = #map}, {transform_indices = #map1}, {transform_indices = #map1}, {transform_indices = #map}]} {
    %mul3A = arith.constant 2 : i32
    %mul3A_0 = arith.muli %arg1, %mul3A : i32
    %add3A = arith.addi %mul3A_0, %arg0 : i32
    %mul3A_1 = arith.constant 10000 : i32
    %mul3A_2 = arith.muli %add3A, %mul3A_1 : i32
    %add3A_3 = arith.constant 0 : i32
    %add3A_4 = arith.addi %mul3A_2, %add3A_3 : i32
    %multiple_of3A = tpu.assume_multiple %add3A_4, 8 : i32
    "tpu.region"() ({
      %run_scoped3A = tpu.sem_alloc : memref<!tpu.dma_semaphore, #tpu.memory_space<semaphore_mem>>
      %dma_start3A_50 = tpu.memref_slice %arg4[%multiple_of3A] : memref<320000xi32, #tpu.memory_space<hbm>> -> memref<40xi32, #tpu.memory_space<hbm>>
      %dma_start3A_51 = tpu.memref_slice %arg4[%multiple_of3A] : memref<320000xi32, #tpu.memory_space<hbm>> -> memref<40xi32, #tpu.memory_space<hbm>>
      tpu.enqueue_dma source(%dma_start3A_51 : memref<40xi32, #tpu.memory_space<hbm>>) target(%arg7 : memref<40xi32, #tpu.memory_space<vmem>>) target_semaphore(%run_scoped3A : memref<!tpu.dma_semaphore, #tpu.memory_space<semaphore_mem>>)
      %dma_wait3A = tpu.memref_slice %arg4[%multiple_of3A] : memref<320000xi32, #tpu.memory_space<hbm>> -> memref<40xi32, #tpu.memory_space<hbm>>
      %dma_wait3A_52 = tpu.memref_slice %arg4[%multiple_of3A] : memref<320000xi32, #tpu.memory_space<hbm>> -> memref<40xi32, #tpu.memory_space<hbm>>
      tpu.wait_dma2 semaphore(%run_scoped3A : memref<!tpu.dma_semaphore, #tpu.memory_space<semaphore_mem>>) src(%dma_wait3A_52 : memref<40xi32, #tpu.memory_space<hbm>>) dst(%arg7 : memref<40xi32, #tpu.memory_space<vmem>>)
      tpu.yield
    }) : () -> ()
    "tpu.region"() ({
      %run_scoped3A = tpu.sem_alloc : memref<!tpu.dma_semaphore, #tpu.memory_space<semaphore_mem>>
      %dma_start3A_50 = tpu.memref_slice %arg5[%multiple_of3A] : memref<320000xi32, #tpu.memory_space<hbm>> -> memref<40xi32, #tpu.memory_space<hbm>>
      %dma_start3A_51 = tpu.memref_slice %arg5[%multiple_of3A] : memref<320000xi32, #tpu.memory_space<hbm>> -> memref<40xi32, #tpu.memory_space<hbm>>
      tpu.enqueue_dma source(%dma_start3A_51 : memref<40xi32, #tpu.memory_space<hbm>>) target(%arg12 : memref<40xi32, #tpu.memory_space<vmem>>) target_semaphore(%run_scoped3A : memref<!tpu.dma_semaphore, #tpu.memory_space<semaphore_mem>>)
      %dma_wait3A = tpu.memref_slice %arg5[%multiple_of3A] : memref<320000xi32, #tpu.memory_space<hbm>> -> memref<40xi32, #tpu.memory_space<hbm>>
      %dma_wait3A_52 = tpu.memref_slice %arg5[%multiple_of3A] : memref<320000xi32, #tpu.memory_space<hbm>> -> memref<40xi32, #tpu.memory_space<hbm>>
      tpu.wait_dma2 semaphore(%run_scoped3A : memref<!tpu.dma_semaphore, #tpu.memory_space<semaphore_mem>>) src(%dma_wait3A_52 : memref<40xi32, #tpu.memory_space<hbm>>) dst(%arg12 : memref<40xi32, #tpu.memory_space<vmem>>)
      tpu.yield
    }) : () -> ()
    %dma_start3A = arith.constant 0 : i32
    %dma_start3A_5 = arith.constant 0 : i32
    %dma_start3A_6 = tpu.memref_slice %arg2[%dma_start3A, %dma_start3A_5] : memref<10000x128xf32, #tpu.memory_space<hbm>> -> memref<10000x128xf32, #tpu.memory_space<hbm>>
    tpu.enqueue_indirect_dma source(%dma_start3A_6 : memref<10000x128xf32, #tpu.memory_space<hbm>>) target(%arg17 : memref<40x128xf32, #tpu.memory_space<vmem>>) offsets(%arg7 : memref<40xi32, #tpu.memory_space<vmem>>) semaphore(%arg32 : memref<!tpu.dma_semaphore, #tpu.memory_space<semaphore_mem>>)
    %dma_start3A_7 = arith.constant 0 : i32
    %dma_start3A_8 = arith.constant 0 : i32
    %dma_start3A_9 = tpu.memref_slice %arg3[%dma_start3A_7, %dma_start3A_8] : memref<10000x128xf32, #tpu.memory_space<hbm>> -> memref<10000x128xf32, #tpu.memory_space<hbm>>
    tpu.enqueue_indirect_dma source(%dma_start3A_9 : memref<10000x128xf32, #tpu.memory_space<hbm>>) target(%arg22 : memref<40x128xf32, #tpu.memory_space<vmem>>) offsets(%arg12 : memref<40xi32, #tpu.memory_space<vmem>>) semaphore(%arg37 : memref<!tpu.dma_semaphore, #tpu.memory_space<semaphore_mem>>)
    %add3A_10 = arith.constant 40 : i32
    %add3A_11 = arith.addi %mul3A_2, %add3A_10 : i32
    %multiple_of3A_12 = tpu.assume_multiple %add3A_11, 8 : i32
    "tpu.region"() ({
      %run_scoped3A = tpu.sem_alloc : memref<!tpu.dma_semaphore, #tpu.memory_space<semaphore_mem>>
      %dma_start3A_50 = tpu.memref_slice %arg4[%multiple_of3A_12] : memref<320000xi32, #tpu.memory_space<hbm>> -> memref<40xi32, #tpu.memory_space<hbm>>
      %dma_start3A_51 = tpu.memref_slice %arg4[%multiple_of3A_12] : memref<320000xi32, #tpu.memory_space<hbm>> -> memref<40xi32, #tpu.memory_space<hbm>>
      tpu.enqueue_dma source(%dma_start3A_51 : memref<40xi32, #tpu.memory_space<hbm>>) target(%arg8 : memref<40xi32, #tpu.memory_space<vmem>>) target_semaphore(%run_scoped3A : memref<!tpu.dma_semaphore, #tpu.memory_space<semaphore_mem>>)
      %dma_wait3A = tpu.memref_slice %arg4[%multiple_of3A_12] : memref<320000xi32, #tpu.memory_space<hbm>> -> memref<40xi32, #tpu.memory_space<hbm>>
      %dma_wait3A_52 = tpu.memref_slice %arg4[%multiple_of3A_12] : memref<320000xi32, #tpu.memory_space<hbm>> -> memref<40xi32, #tpu.memory_space<hbm>>
      tpu.wait_dma2 semaphore(%run_scoped3A : memref<!tpu.dma_semaphore, #tpu.memory_space<semaphore_mem>>) src(%dma_wait3A_52 : memref<40xi32, #tpu.memory_space<hbm>>) dst(%arg8 : memref<40xi32, #tpu.memory_space<vmem>>)
      tpu.yield
    }) : () -> ()
    "tpu.region"() ({
      %run_scoped3A = tpu.sem_alloc : memref<!tpu.dma_semaphore, #tpu.memory_space<semaphore_mem>>
      %dma_start3A_50 = tpu.memref_slice %arg5[%multiple_of3A_12] : memref<320000xi32, #tpu.memory_space<hbm>> -> memref<40xi32, #tpu.memory_space<hbm>>
      %dma_start3A_51 = tpu.memref_slice %arg5[%multiple_of3A_12] : memref<320000xi32, #tpu.memory_space<hbm>> -> memref<40xi32, #tpu.memory_space<hbm>>
      tpu.enqueue_dma source(%dma_start3A_51 : memref<40xi32, #tpu.memory_space<hbm>>) target(%arg13 : memref<40xi32, #tpu.memory_space<vmem>>) target_semaphore(%run_scoped3A : memref<!tpu.dma_semaphore, #tpu.memory_space<semaphore_mem>>)
      %dma_wait3A = tpu.memref_slice %arg5[%multiple_of3A_12] : memref<320000xi32, #tpu.memory_space<hbm>> -> memref<40xi32, #tpu.memory_space<hbm>>
      %dma_wait3A_52 = tpu.memref_slice %arg5[%multiple_of3A_12] : memref<320000xi32, #tpu.memory_space<hbm>> -> memref<40xi32, #tpu.memory_space<hbm>>
      tpu.wait_dma2 semaphore(%run_scoped3A : memref<!tpu.dma_semaphore, #tpu.memory_space<semaphore_mem>>) src(%dma_wait3A_52 : memref<40xi32, #tpu.memory_space<hbm>>) dst(%arg13 : memref<40xi32, #tpu.memory_space<vmem>>)
      tpu.yield
    }) : () -> ()
    %dma_start3A_13 = arith.constant 0 : i32
    %dma_start3A_14 = arith.constant 0 : i32
    %dma_start3A_15 = tpu.memref_slice %arg2[%dma_start3A_13, %dma_start3A_14] : memref<10000x128xf32, #tpu.memory_space<hbm>> -> memref<10000x128xf32, #tpu.memory_space<hbm>>
    tpu.enqueue_indirect_dma source(%dma_start3A_15 : memref<10000x128xf32, #tpu.memory_space<hbm>>) target(%arg18 : memref<40x128xf32, #tpu.memory_space<vmem>>) offsets(%arg8 : memref<40xi32, #tpu.memory_space<vmem>>) semaphore(%arg33 : memref<!tpu.dma_semaphore, #tpu.memory_space<semaphore_mem>>)
    %dma_start3A_16 = arith.constant 0 : i32
    %dma_start3A_17 = arith.constant 0 : i32
    %dma_start3A_18 = tpu.memref_slice %arg3[%dma_start3A_16, %dma_start3A_17] : memref<10000x128xf32, #tpu.memory_space<hbm>> -> memref<10000x128xf32, #tpu.memory_space<hbm>>
    tpu.enqueue_indirect_dma source(%dma_start3A_18 : memref<10000x128xf32, #tpu.memory_space<hbm>>) target(%arg23 : memref<40x128xf32, #tpu.memory_space<vmem>>) offsets(%arg13 : memref<40xi32, #tpu.memory_space<vmem>>) semaphore(%arg38 : memref<!tpu.dma_semaphore, #tpu.memory_space<semaphore_mem>>)
    %add3A_19 = arith.constant 80 : i32
    %add3A_20 = arith.addi %mul3A_2, %add3A_19 : i32
    %multiple_of3A_21 = tpu.assume_multiple %add3A_20, 8 : i32
    "tpu.region"() ({
      %run_scoped3A = tpu.sem_alloc : memref<!tpu.dma_semaphore, #tpu.memory_space<semaphore_mem>>
      %dma_start3A_50 = tpu.memref_slice %arg4[%multiple_of3A_21] : memref<320000xi32, #tpu.memory_space<hbm>> -> memref<40xi32, #tpu.memory_space<hbm>>
      %dma_start3A_51 = tpu.memref_slice %arg4[%multiple_of3A_21] : memref<320000xi32, #tpu.memory_space<hbm>> -> memref<40xi32, #tpu.memory_space<hbm>>
      tpu.enqueue_dma source(%dma_start3A_51 : memref<40xi32, #tpu.memory_space<hbm>>) target(%arg9 : memref<40xi32, #tpu.memory_space<vmem>>) target_semaphore(%run_scoped3A : memref<!tpu.dma_semaphore, #tpu.memory_space<semaphore_mem>>)
      %dma_wait3A = tpu.memref_slice %arg4[%multiple_of3A_21] : memref<320000xi32, #tpu.memory_space<hbm>> -> memref<40xi32, #tpu.memory_space<hbm>>
      %dma_wait3A_52 = tpu.memref_slice %arg4[%multiple_of3A_21] : memref<320000xi32, #tpu.memory_space<hbm>> -> memref<40xi32, #tpu.memory_space<hbm>>
      tpu.wait_dma2 semaphore(%run_scoped3A : memref<!tpu.dma_semaphore, #tpu.memory_space<semaphore_mem>>) src(%dma_wait3A_52 : memref<40xi32, #tpu.memory_space<hbm>>) dst(%arg9 : memref<40xi32, #tpu.memory_space<vmem>>)
      tpu.yield
    }) : () -> ()
    "tpu.region"() ({
      %run_scoped3A = tpu.sem_alloc : memref<!tpu.dma_semaphore, #tpu.memory_space<semaphore_mem>>
      %dma_start3A_50 = tpu.memref_slice %arg5[%multiple_of3A_21] : memref<320000xi32, #tpu.memory_space<hbm>> -> memref<40xi32, #tpu.memory_space<hbm>>
      %dma_start3A_51 = tpu.memref_slice %arg5[%multiple_of3A_21] : memref<320000xi32, #tpu.memory_space<hbm>> -> memref<40xi32, #tpu.memory_space<hbm>>
      tpu.enqueue_dma source(%dma_start3A_51 : memref<40xi32, #tpu.memory_space<hbm>>) target(%arg14 : memref<40xi32, #tpu.memory_space<vmem>>) target_semaphore(%run_scoped3A : memref<!tpu.dma_semaphore, #tpu.memory_space<semaphore_mem>>)
      %dma_wait3A = tpu.memref_slice %arg5[%multiple_of3A_21] : memref<320000xi32, #tpu.memory_space<hbm>> -> memref<40xi32, #tpu.memory_space<hbm>>
      %dma_wait3A_52 = tpu.memref_slice %arg5[%multiple_of3A_21] : memref<320000xi32, #tpu.memory_space<hbm>> -> memref<40xi32, #tpu.memory_space<hbm>>
      tpu.wait_dma2 semaphore(%run_scoped3A : memref<!tpu.dma_semaphore, #tpu.memory_space<semaphore_mem>>) src(%dma_wait3A_52 : memref<40xi32, #tpu.memory_space<hbm>>) dst(%arg14 : memref<40xi32, #tpu.memory_space<vmem>>)
      tpu.yield
    }) : () -> ()
    %dma_start3A_22 = arith.constant 0 : i32
    %dma_start3A_23 = arith.constant 0 : i32
    %dma_start3A_24 = tpu.memref_slice %arg2[%dma_start3A_22, %dma_start3A_23] : memref<10000x128xf32, #tpu.memory_space<hbm>> -> memref<10000x128xf32, #tpu.memory_space<hbm>>
    tpu.enqueue_indirect_dma source(%dma_start3A_24 : memref<10000x128xf32, #tpu.memory_space<hbm>>) target(%arg19 : memref<40x128xf32, #tpu.memory_space<vmem>>) offsets(%arg9 : memref<40xi32, #tpu.memory_space<vmem>>) semaphore(%arg34 : memref<!tpu.dma_semaphore, #tpu.memory_space<semaphore_mem>>)
    %dma_start3A_25 = arith.constant 0 : i32
    %dma_start3A_26 = arith.constant 0 : i32
    %dma_start3A_27 = tpu.memref_slice %arg3[%dma_start3A_25, %dma_start3A_26] : memref<10000x128xf32, #tpu.memory_space<hbm>> -> memref<10000x128xf32, #tpu.memory_space<hbm>>
    tpu.enqueue_indirect_dma source(%dma_start3A_27 : memref<10000x128xf32, #tpu.memory_space<hbm>>) target(%arg24 : memref<40x128xf32, #tpu.memory_space<vmem>>) offsets(%arg14 : memref<40xi32, #tpu.memory_space<vmem>>) semaphore(%arg39 : memref<!tpu.dma_semaphore, #tpu.memory_space<semaphore_mem>>)
    %add3A_28 = arith.constant 120 : i32
    %add3A_29 = arith.addi %mul3A_2, %add3A_28 : i32
    %multiple_of3A_30 = tpu.assume_multiple %add3A_29, 8 : i32
    "tpu.region"() ({
      %run_scoped3A = tpu.sem_alloc : memref<!tpu.dma_semaphore, #tpu.memory_space<semaphore_mem>>
      %dma_start3A_50 = tpu.memref_slice %arg4[%multiple_of3A_30] : memref<320000xi32, #tpu.memory_space<hbm>> -> memref<40xi32, #tpu.memory_space<hbm>>
      %dma_start3A_51 = tpu.memref_slice %arg4[%multiple_of3A_30] : memref<320000xi32, #tpu.memory_space<hbm>> -> memref<40xi32, #tpu.memory_space<hbm>>
      tpu.enqueue_dma source(%dma_start3A_51 : memref<40xi32, #tpu.memory_space<hbm>>) target(%arg10 : memref<40xi32, #tpu.memory_space<vmem>>) target_semaphore(%run_scoped3A : memref<!tpu.dma_semaphore, #tpu.memory_space<semaphore_mem>>)
      %dma_wait3A = tpu.memref_slice %arg4[%multiple_of3A_30] : memref<320000xi32, #tpu.memory_space<hbm>> -> memref<40xi32, #tpu.memory_space<hbm>>
      %dma_wait3A_52 = tpu.memref_slice %arg4[%multiple_of3A_30] : memref<320000xi32, #tpu.memory_space<hbm>> -> memref<40xi32, #tpu.memory_space<hbm>>
      tpu.wait_dma2 semaphore(%run_scoped3A : memref<!tpu.dma_semaphore, #tpu.memory_space<semaphore_mem>>) src(%dma_wait3A_52 : memref<40xi32, #tpu.memory_space<hbm>>) dst(%arg10 : memref<40xi32, #tpu.memory_space<vmem>>)
      tpu.yield
    }) : () -> ()
    "tpu.region"() ({
      %run_scoped3A = tpu.sem_alloc : memref<!tpu.dma_semaphore, #tpu.memory_space<semaphore_mem>>
      %dma_start3A_50 = tpu.memref_slice %arg5[%multiple_of3A_30] : memref<320000xi32, #tpu.memory_space<hbm>> -> memref<40xi32, #tpu.memory_space<hbm>>
      %dma_start3A_51 = tpu.memref_slice %arg5[%multiple_of3A_30] : memref<320000xi32, #tpu.memory_space<hbm>> -> memref<40xi32, #tpu.memory_space<hbm>>
      tpu.enqueue_dma source(%dma_start3A_51 : memref<40xi32, #tpu.memory_space<hbm>>) target(%arg15 : memref<40xi32, #tpu.memory_space<vmem>>) target_semaphore(%run_scoped3A : memref<!tpu.dma_semaphore, #tpu.memory_space<semaphore_mem>>)
      %dma_wait3A = tpu.memref_slice %arg5[%multiple_of3A_30] : memref<320000xi32, #tpu.memory_space<hbm>> -> memref<40xi32, #tpu.memory_space<hbm>>
      %dma_wait3A_52 = tpu.memref_slice %arg5[%multiple_of3A_30] : memref<320000xi32, #tpu.memory_space<hbm>> -> memref<40xi32, #tpu.memory_space<hbm>>
      tpu.wait_dma2 semaphore(%run_scoped3A : memref<!tpu.dma_semaphore, #tpu.memory_space<semaphore_mem>>) src(%dma_wait3A_52 : memref<40xi32, #tpu.memory_space<hbm>>) dst(%arg15 : memref<40xi32, #tpu.memory_space<vmem>>)
      tpu.yield
    }) : () -> ()
    %dma_start3A_31 = arith.constant 0 : i32
    %dma_start3A_32 = arith.constant 0 : i32
    %dma_start3A_33 = tpu.memref_slice %arg2[%dma_start3A_31, %dma_start3A_32] : memref<10000x128xf32, #tpu.memory_space<hbm>> -> memref<10000x128xf32, #tpu.memory_space<hbm>>
    tpu.enqueue_indirect_dma source(%dma_start3A_33 : memref<10000x128xf32, #tpu.memory_space<hbm>>) target(%arg20 : memref<40x128xf32, #tpu.memory_space<vmem>>) offsets(%arg10 : memref<40xi32, #tpu.memory_space<vmem>>) semaphore(%arg35 : memref<!tpu.dma_semaphore, #tpu.memory_space<semaphore_mem>>)
    %dma_start3A_34 = arith.constant 0 : i32
    %dma_start3A_35 = arith.constant 0 : i32
    %dma_start3A_36 = tpu.memref_slice %arg3[%dma_start3A_34, %dma_start3A_35] : memref<10000x128xf32, #tpu.memory_space<hbm>> -> memref<10000x128xf32, #tpu.memory_space<hbm>>
    tpu.enqueue_indirect_dma source(%dma_start3A_36 : memref<10000x128xf32, #tpu.memory_space<hbm>>) target(%arg25 : memref<40x128xf32, #tpu.memory_space<vmem>>) offsets(%arg15 : memref<40xi32, #tpu.memory_space<vmem>>) semaphore(%arg40 : memref<!tpu.dma_semaphore, #tpu.memory_space<semaphore_mem>>)
    %add3A_37 = arith.constant 160 : i32
    %add3A_38 = arith.addi %mul3A_2, %add3A_37 : i32
    %multiple_of3A_39 = tpu.assume_multiple %add3A_38, 8 : i32
    "tpu.region"() ({
      %run_scoped3A = tpu.sem_alloc : memref<!tpu.dma_semaphore, #tpu.memory_space<semaphore_mem>>
      %dma_start3A_50 = tpu.memref_slice %arg4[%multiple_of3A_39] : memref<320000xi32, #tpu.memory_space<hbm>> -> memref<40xi32, #tpu.memory_space<hbm>>
      %dma_start3A_51 = tpu.memref_slice %arg4[%multiple_of3A_39] : memref<320000xi32, #tpu.memory_space<hbm>> -> memref<40xi32, #tpu.memory_space<hbm>>
      tpu.enqueue_dma source(%dma_start3A_51 : memref<40xi32, #tpu.memory_space<hbm>>) target(%arg11 : memref<40xi32, #tpu.memory_space<vmem>>) target_semaphore(%run_scoped3A : memref<!tpu.dma_semaphore, #tpu.memory_space<semaphore_mem>>)
      %dma_wait3A = tpu.memref_slice %arg4[%multiple_of3A_39] : memref<320000xi32, #tpu.memory_space<hbm>> -> memref<40xi32, #tpu.memory_space<hbm>>
      %dma_wait3A_52 = tpu.memref_slice %arg4[%multiple_of3A_39] : memref<320000xi32, #tpu.memory_space<hbm>> -> memref<40xi32, #tpu.memory_space<hbm>>
      tpu.wait_dma2 semaphore(%run_scoped3A : memref<!tpu.dma_semaphore, #tpu.memory_space<semaphore_mem>>) src(%dma_wait3A_52 : memref<40xi32, #tpu.memory_space<hbm>>) dst(%arg11 : memref<40xi32, #tpu.memory_space<vmem>>)
      tpu.yield
    }) : () -> ()
    "tpu.region"() ({
      %run_scoped3A = tpu.sem_alloc : memref<!tpu.dma_semaphore, #tpu.memory_space<semaphore_mem>>
      %dma_start3A_50 = tpu.memref_slice %arg5[%multiple_of3A_39] : memref<320000xi32, #tpu.memory_space<hbm>> -> memref<40xi32, #tpu.memory_space<hbm>>
      %dma_start3A_51 = tpu.memref_slice %arg5[%multiple_of3A_39] : memref<320000xi32, #tpu.memory_space<hbm>> -> memref<40xi32, #tpu.memory_space<hbm>>
      tpu.enqueue_dma source(%dma_start3A_51 : memref<40xi32, #tpu.memory_space<hbm>>) target(%arg16 : memref<40xi32, #tpu.memory_space<vmem>>) target_semaphore(%run_scoped3A : memref<!tpu.dma_semaphore, #tpu.memory_space<semaphore_mem>>)
      %dma_wait3A = tpu.memref_slice %arg5[%multiple_of3A_39] : memref<320000xi32, #tpu.memory_space<hbm>> -> memref<40xi32, #tpu.memory_space<hbm>>
      %dma_wait3A_52 = tpu.memref_slice %arg5[%multiple_of3A_39] : memref<320000xi32, #tpu.memory_space<hbm>> -> memref<40xi32, #tpu.memory_space<hbm>>
      tpu.wait_dma2 semaphore(%run_scoped3A : memref<!tpu.dma_semaphore, #tpu.memory_space<semaphore_mem>>) src(%dma_wait3A_52 : memref<40xi32, #tpu.memory_space<hbm>>) dst(%arg16 : memref<40xi32, #tpu.memory_space<vmem>>)
      tpu.yield
    }) : () -> ()
    %dma_start3A_40 = arith.constant 0 : i32
    %dma_start3A_41 = arith.constant 0 : i32
    %dma_start3A_42 = tpu.memref_slice %arg2[%dma_start3A_40, %dma_start3A_41] : memref<10000x128xf32, #tpu.memory_space<hbm>> -> memref<10000x128xf32, #tpu.memory_space<hbm>>
    tpu.enqueue_indirect_dma source(%dma_start3A_42 : memref<10000x128xf32, #tpu.memory_space<hbm>>) target(%arg21 : memref<40x128xf32, #tpu.memory_space<vmem>>) offsets(%arg11 : memref<40xi32, #tpu.memory_space<vmem>>) semaphore(%arg36 : memref<!tpu.dma_semaphore, #tpu.memory_space<semaphore_mem>>)
    %dma_start3A_43 = arith.constant 0 : i32
    %dma_start3A_44 = arith.constant 0 : i32
    %dma_start3A_45 = tpu.memref_slice %arg3[%dma_start3A_43, %dma_start3A_44] : memref<10000x128xf32, #tpu.memory_space<hbm>> -> memref<10000x128xf32, #tpu.memory_space<hbm>>
    tpu.enqueue_indirect_dma source(%dma_start3A_45 : memref<10000x128xf32, #tpu.memory_space<hbm>>) target(%arg26 : memref<40x128xf32, #tpu.memory_space<vmem>>) offsets(%arg16 : memref<40xi32, #tpu.memory_space<vmem>>) semaphore(%arg41 : memref<!tpu.dma_semaphore, #tpu.memory_space<semaphore_mem>>)
    %scan3A = arith.constant 0 : i32
    %scan3A_46 = arith.constant 50 : i32
    %scan3A_47 = arith.addi %scan3A, %scan3A_46 : i32
    %scan3A_48 = arith.constant 1 : i32
    scf.for %scan3A_50 = %scan3A to %scan3A_47 step %scan3A_48  : i32 {
      %mul3A_51 = arith.constant 1 : i32
      %mul3A_52 = arith.muli %scan3A_50, %mul3A_51 : i32
      %add3A_53 = arith.constant 0 : i32
      %add3A_54 = arith.addi %add3A_53, %mul3A_52 : i32
      %mul3A_55 = arith.constant 5 : i32
      %mul3A_56 = arith.muli %add3A_54, %mul3A_55 : i32
      %add3A_57 = arith.constant 0 : i32
      %add3A_58 = arith.addi %mul3A_56, %add3A_57 : i32
      %mul3A_59 = arith.constant 40 : i32
      %mul3A_60 = arith.muli %add3A_58, %mul3A_59 : i32
      %add3A_61 = arith.addi %mul3A_2, %mul3A_60 : i32
      %multiple_of3A_62 = tpu.assume_multiple %add3A_61, 8 : i32
      %dma_wait3A = arith.constant 0 : i32
      %dma_wait3A_63 = arith.constant 0 : i32
      %dma_wait3A_64 = tpu.memref_slice %arg2[%dma_wait3A, %dma_wait3A_63] : memref<10000x128xf32, #tpu.memory_space<hbm>> -> memref<10000x128xf32, #tpu.memory_space<hbm>>
      tpu.wait_indirect_dma semaphore(%arg32 : memref<!tpu.dma_semaphore, #tpu.memory_space<semaphore_mem>>) src(%dma_wait3A_64 : memref<10000x128xf32, #tpu.memory_space<hbm>>) dst(%arg17 : memref<40x128xf32, #tpu.memory_space<vmem>>)
      %dma_wait3A_65 = arith.constant 0 : i32
      %dma_wait3A_66 = arith.constant 0 : i32
      %dma_wait3A_67 = tpu.memref_slice %arg3[%dma_wait3A_65, %dma_wait3A_66] : memref<10000x128xf32, #tpu.memory_space<hbm>> -> memref<10000x128xf32, #tpu.memory_space<hbm>>
      tpu.wait_indirect_dma semaphore(%arg37 : memref<!tpu.dma_semaphore, #tpu.memory_space<semaphore_mem>>) src(%dma_wait3A_67 : memref<10000x128xf32, #tpu.memory_space<hbm>>) dst(%arg22 : memref<40x128xf32, #tpu.memory_space<vmem>>)
      %scan3A_68 = arith.constant 0 : i32
      %scan3A_69 = arith.constant 40 : i32
      %scan3A_70 = arith.addi %scan3A_68, %scan3A_69 : i32
      %scan3A_71 = arith.constant 1 : i32
      scf.for %scan3A_251 = %scan3A_68 to %scan3A_70 step %scan3A_71  : i32 {
        %mul3A_252 = arith.constant 1 : i32
        %mul3A_253 = arith.muli %scan3A_251, %mul3A_252 : i32
        %add3A_254 = arith.constant 0 : i32
        %add3A_255 = arith.addi %add3A_254, %mul3A_253 : i32
        %get3A = arith.index_cast %add3A_255 : i32 to index
        %get3A_256 = arith.constant 0 : index
        %get3A_257 = tpu.vector_load %arg17[%get3A, %get3A_256] {strides = array<i32>} : memref<40x128xf32, #tpu.memory_space<vmem>>, vector<1x16xf32>,
        %get3A_258 = vector.shape_cast %get3A_257 : vector<1x16xf32> to vector<16xf32>
        %get3A_259 = arith.index_cast %add3A_255 : i32 to index
        %get3A_260 = arith.constant 0 : index
        %get3A_261 = tpu.vector_load %arg22[%get3A_259, %get3A_260] {strides = array<i32>} : memref<40x128xf32, #tpu.memory_space<vmem>>, vector<1x16xf32>,
        %get3A_262 = vector.shape_cast %get3A_261 : vector<1x16xf32> to vector<16xf32>
        %add3A_263 = arith.addf %get3A_258, %get3A_262 : vector<16xf32>
        %swap3A = arith.index_cast %add3A_255 : i32 to index
        %swap3A_264 = arith.constant 0 : index
        %swap3A_265 = tpu.vector_load %arg27[%swap3A, %swap3A_264] {strides = array<i32>} : memref<40x64xf32, #tpu.memory_space<vmem>>, vector<1x16xf32>,
        %swap3A_266 = vector.shape_cast %swap3A_265 : vector<1x16xf32> to vector<16xf32>
        %swap3A_267 = vector.shape_cast %add3A_263 : vector<16xf32> to vector<1x16xf32>
        tpu.vector_store %arg27[%swap3A, %swap3A_264], %swap3A_267 {strides = array<i32>} : memref<40x64xf32, #tpu.memory_space<vmem>>, vector<1x16xf32>,
        %get3A_268 = arith.index_cast %add3A_255 : i32 to index
        %get3A_269 = arith.constant 16 : index
        %get3A_270 = tpu.vector_load %arg17[%get3A_268, %get3A_269] {strides = array<i32>} : memref<40x128xf32, #tpu.memory_space<vmem>>, vector<1x16xf32>,
        %get3A_271 = vector.shape_cast %get3A_270 : vector<1x16xf32> to vector<16xf32>
        %get3A_272 = arith.index_cast %add3A_255 : i32 to index
        %get3A_273 = arith.constant 16 : index
        %get3A_274 = tpu.vector_load %arg22[%get3A_272, %get3A_273] {strides = array<i32>} : memref<40x128xf32, #tpu.memory_space<vmem>>, vector<1x16xf32>,
        %get3A_275 = vector.shape_cast %get3A_274 : vector<1x16xf32> to vector<16xf32>
        %add3A_276 = arith.addf %get3A_271, %get3A_275 : vector<16xf32>
        %swap3A_277 = arith.index_cast %add3A_255 : i32 to index
        %swap3A_278 = arith.constant 16 : index
        %swap3A_279 = tpu.vector_load %arg27[%swap3A_277, %swap3A_278] {strides = array<i32>} : memref<40x64xf32, #tpu.memory_space<vmem>>, vector<1x16xf32>,
        %swap3A_280 = vector.shape_cast %swap3A_279 : vector<1x16xf32> to vector<16xf32>
        %swap3A_281 = vector.shape_cast %add3A_276 : vector<16xf32> to vector<1x16xf32>
        tpu.vector_store %arg27[%swap3A_277, %swap3A_278], %swap3A_281 {strides = array<i32>} : memref<40x64xf32, #tpu.memory_space<vmem>>, vector<1x16xf32>,
        %get3A_282 = arith.index_cast %add3A_255 : i32 to index
        %get3A_283 = arith.constant 32 : index
        %get3A_284 = tpu.vector_load %arg17[%get3A_282, %get3A_283] {strides = array<i32>} : memref<40x128xf32, #tpu.memory_space<vmem>>, vector<1x16xf32>,
        %get3A_285 = vector.shape_cast %get3A_284 : vector<1x16xf32> to vector<16xf32>
        %get3A_286 = arith.index_cast %add3A_255 : i32 to index
        %get3A_287 = arith.constant 32 : index
        %get3A_288 = tpu.vector_load %arg22[%get3A_286, %get3A_287] {strides = array<i32>} : memref<40x128xf32, #tpu.memory_space<vmem>>, vector<1x16xf32>,
        %get3A_289 = vector.shape_cast %get3A_288 : vector<1x16xf32> to vector<16xf32>
        %add3A_290 = arith.addf %get3A_285, %get3A_289 : vector<16xf32>
        %swap3A_291 = arith.index_cast %add3A_255 : i32 to index
        %swap3A_292 = arith.constant 32 : index
        %swap3A_293 = tpu.vector_load %arg27[%swap3A_291, %swap3A_292] {strides = array<i32>} : memref<40x64xf32, #tpu.memory_space<vmem>>, vector<1x16xf32>,
        %swap3A_294 = vector.shape_cast %swap3A_293 : vector<1x16xf32> to vector<16xf32>
        %swap3A_295 = vector.shape_cast %add3A_290 : vector<16xf32> to vector<1x16xf32>
        tpu.vector_store %arg27[%swap3A_291, %swap3A_292], %swap3A_295 {strides = array<i32>} : memref<40x64xf32, #tpu.memory_space<vmem>>, vector<1x16xf32>,
        %get3A_296 = arith.index_cast %add3A_255 : i32 to index
        %get3A_297 = arith.constant 48 : index
        %get3A_298 = tpu.vector_load %arg17[%get3A_296, %get3A_297] {strides = array<i32>} : memref<40x128xf32, #tpu.memory_space<vmem>>, vector<1x16xf32>,
        %get3A_299 = vector.shape_cast %get3A_298 : vector<1x16xf32> to vector<16xf32>
        %get3A_300 = arith.index_cast %add3A_255 : i32 to index
        %get3A_301 = arith.constant 48 : index
        %get3A_302 = tpu.vector_load %arg22[%get3A_300, %get3A_301] {strides = array<i32>} : memref<40x128xf32, #tpu.memory_space<vmem>>, vector<1x16xf32>,
        %get3A_303 = vector.shape_cast %get3A_302 : vector<1x16xf32> to vector<16xf32>
        %add3A_304 = arith.addf %get3A_299, %get3A_303 : vector<16xf32>
        %swap3A_305 = arith.index_cast %add3A_255 : i32 to index
        %swap3A_306 = arith.constant 48 : index
        %swap3A_307 = tpu.vector_load %arg27[%swap3A_305, %swap3A_306] {strides = array<i32>} : memref<40x64xf32, #tpu.memory_space<vmem>>, vector<1x16xf32>,
        %swap3A_308 = vector.shape_cast %swap3A_307 : vector<1x16xf32> to vector<16xf32>
        %swap3A_309 = vector.shape_cast %add3A_304 : vector<16xf32> to vector<1x16xf32>
        tpu.vector_store %arg27[%swap3A_305, %swap3A_306], %swap3A_309 {strides = array<i32>} : memref<40x64xf32, #tpu.memory_space<vmem>>, vector<1x16xf32>,
      }
      %scan3A_72 = arith.constant 40 : i32
      %dma_start3A_73 = arith.constant 0 : i32
      %dma_start3A_74 = tpu.memref_slice %arg6[%multiple_of3A_62, %dma_start3A_73] : memref<320000x64xf32, #tpu.memory_space<hbm>> -> memref<40x64xf32, #tpu.memory_space<hbm>>
      %dma_start3A_75 = arith.constant 0 : i32
      %dma_start3A_76 = tpu.memref_slice %arg6[%multiple_of3A_62, %dma_start3A_75] : memref<320000x64xf32, #tpu.memory_space<hbm>> -> memref<40x64xf32, #tpu.memory_space<hbm>>
      tpu.enqueue_dma source(%arg27 : memref<40x64xf32, #tpu.memory_space<vmem>>) target(%dma_start3A_76 : memref<40x64xf32, #tpu.memory_space<hbm>>) target_semaphore(%arg42 : memref<!tpu.dma_semaphore, #tpu.memory_space<semaphore_mem>>)
      %mul3A_77 = arith.constant 5 : i32
      %mul3A_78 = arith.muli %add3A_54, %mul3A_77 : i32
      %add3A_79 = arith.constant 1 : i32
      %add3A_80 = arith.addi %mul3A_78, %add3A_79 : i32
      %mul3A_81 = arith.constant 40 : i32
      %mul3A_82 = arith.muli %add3A_80, %mul3A_81 : i32
      %add3A_83 = arith.addi %mul3A_2, %mul3A_82 : i32
      %multiple_of3A_84 = tpu.assume_multiple %add3A_83, 8 : i32
      %dma_wait3A_85 = arith.constant 0 : i32
      %dma_wait3A_86 = arith.constant 0 : i32
      %dma_wait3A_87 = tpu.memref_slice %arg2[%dma_wait3A_85, %dma_wait3A_86] : memref<10000x128xf32, #tpu.memory_space<hbm>> -> memref<10000x128xf32, #tpu.memory_space<hbm>>
      tpu.wait_indirect_dma semaphore(%arg33 : memref<!tpu.dma_semaphore, #tpu.memory_space<semaphore_mem>>) src(%dma_wait3A_87 : memref<10000x128xf32, #tpu.memory_space<hbm>>) dst(%arg18 : memref<40x128xf32, #tpu.memory_space<vmem>>)
      %dma_wait3A_88 = arith.constant 0 : i32
      %dma_wait3A_89 = arith.constant 0 : i32
      %dma_wait3A_90 = tpu.memref_slice %arg3[%dma_wait3A_88, %dma_wait3A_89] : memref<10000x128xf32, #tpu.memory_space<hbm>> -> memref<10000x128xf32, #tpu.memory_space<hbm>>
      tpu.wait_indirect_dma semaphore(%arg38 : memref<!tpu.dma_semaphore, #tpu.memory_space<semaphore_mem>>) src(%dma_wait3A_90 : memref<10000x128xf32, #tpu.memory_space<hbm>>) dst(%arg23 : memref<40x128xf32, #tpu.memory_space<vmem>>)
      %scan3A_91 = arith.constant 0 : i32
      %scan3A_92 = arith.constant 40 : i32
      %scan3A_93 = arith.addi %scan3A_91, %scan3A_92 : i32
      %scan3A_94 = arith.constant 1 : i32
      scf.for %scan3A_251 = %scan3A_91 to %scan3A_93 step %scan3A_94  : i32 {
        %mul3A_252 = arith.constant 1 : i32
        %mul3A_253 = arith.muli %scan3A_251, %mul3A_252 : i32
        %add3A_254 = arith.constant 0 : i32
        %add3A_255 = arith.addi %add3A_254, %mul3A_253 : i32
        %get3A = arith.index_cast %add3A_255 : i32 to index
        %get3A_256 = arith.constant 0 : index
        %get3A_257 = tpu.vector_load %arg18[%get3A, %get3A_256] {strides = array<i32>} : memref<40x128xf32, #tpu.memory_space<vmem>>, vector<1x16xf32>,
        %get3A_258 = vector.shape_cast %get3A_257 : vector<1x16xf32> to vector<16xf32>
        %get3A_259 = arith.index_cast %add3A_255 : i32 to index
        %get3A_260 = arith.constant 0 : index
        %get3A_261 = tpu.vector_load %arg23[%get3A_259, %get3A_260] {strides = array<i32>} : memref<40x128xf32, #tpu.memory_space<vmem>>, vector<1x16xf32>,
        %get3A_262 = vector.shape_cast %get3A_261 : vector<1x16xf32> to vector<16xf32>
        %add3A_263 = arith.addf %get3A_258, %get3A_262 : vector<16xf32>
        %swap3A = arith.index_cast %add3A_255 : i32 to index
        %swap3A_264 = arith.constant 0 : index
        %swap3A_265 = tpu.vector_load %arg28[%swap3A, %swap3A_264] {strides = array<i32>} : memref<40x64xf32, #tpu.memory_space<vmem>>, vector<1x16xf32>,
        %swap3A_266 = vector.shape_cast %swap3A_265 : vector<1x16xf32> to vector<16xf32>
        %swap3A_267 = vector.shape_cast %add3A_263 : vector<16xf32> to vector<1x16xf32>
        tpu.vector_store %arg28[%swap3A, %swap3A_264], %swap3A_267 {strides = array<i32>} : memref<40x64xf32, #tpu.memory_space<vmem>>, vector<1x16xf32>,
        %get3A_268 = arith.index_cast %add3A_255 : i32 to index
        %get3A_269 = arith.constant 16 : index
        %get3A_270 = tpu.vector_load %arg18[%get3A_268, %get3A_269] {strides = array<i32>} : memref<40x128xf32, #tpu.memory_space<vmem>>, vector<1x16xf32>,
        %get3A_271 = vector.shape_cast %get3A_270 : vector<1x16xf32> to vector<16xf32>
        %get3A_272 = arith.index_cast %add3A_255 : i32 to index
        %get3A_273 = arith.constant 16 : index
        %get3A_274 = tpu.vector_load %arg23[%get3A_272, %get3A_273] {strides = array<i32>} : memref<40x128xf32, #tpu.memory_space<vmem>>, vector<1x16xf32>,
        %get3A_275 = vector.shape_cast %get3A_274 : vector<1x16xf32> to vector<16xf32>
        %add3A_276 = arith.addf %get3A_271, %get3A_275 : vector<16xf32>
        %swap3A_277 = arith.index_cast %add3A_255 : i32 to index
        %swap3A_278 = arith.constant 16 : index
        %swap3A_279 = tpu.vector_load %arg28[%swap3A_277, %swap3A_278] {strides = array<i32>} : memref<40x64xf32, #tpu.memory_space<vmem>>, vector<1x16xf32>,
        %swap3A_280 = vector.shape_cast %swap3A_279 : vector<1x16xf32> to vector<16xf32>
        %swap3A_281 = vector.shape_cast %add3A_276 : vector<16xf32> to vector<1x16xf32>
        tpu.vector_store %arg28[%swap3A_277, %swap3A_278], %swap3A_281 {strides = array<i32>} : memref<40x64xf32, #tpu.memory_space<vmem>>, vector<1x16xf32>,
        %get3A_282 = arith.index_cast %add3A_255 : i32 to index
        %get3A_283 = arith.constant 32 : index
        %get3A_284 = tpu.vector_load %arg18[%get3A_282, %get3A_283] {strides = array<i32>} : memref<40x128xf32, #tpu.memory_space<vmem>>, vector<1x16xf32>,
        %get3A_285 = vector.shape_cast %get3A_284 : vector<1x16xf32> to vector<16xf32>
        %get3A_286 = arith.index_cast %add3A_255 : i32 to index
        %get3A_287 = arith.constant 32 : index
        %get3A_288 = tpu.vector_load %arg23[%get3A_286, %get3A_287] {strides = array<i32>} : memref<40x128xf32, #tpu.memory_space<vmem>>, vector<1x16xf32>,
        %get3A_289 = vector.shape_cast %get3A_288 : vector<1x16xf32> to vector<16xf32>
        %add3A_290 = arith.addf %get3A_285, %get3A_289 : vector<16xf32>
        %swap3A_291 = arith.index_cast %add3A_255 : i32 to index
        %swap3A_292 = arith.constant 32 : index
        %swap3A_293 = tpu.vector_load %arg28[%swap3A_291, %swap3A_292] {strides = array<i32>} : memref<40x64xf32, #tpu.memory_space<vmem>>, vector<1x16xf32>,
        %swap3A_294 = vector.shape_cast %swap3A_293 : vector<1x16xf32> to vector<16xf32>
        %swap3A_295 = vector.shape_cast %add3A_290 : vector<16xf32> to vector<1x16xf32>
        tpu.vector_store %arg28[%swap3A_291, %swap3A_292], %swap3A_295 {strides = array<i32>} : memref<40x64xf32, #tpu.memory_space<vmem>>, vector<1x16xf32>,
        %get3A_296 = arith.index_cast %add3A_255 : i32 to index
        %get3A_297 = arith.constant 48 : index
        %get3A_298 = tpu.vector_load %arg18[%get3A_296, %get3A_297] {strides = array<i32>} : memref<40x128xf32, #tpu.memory_space<vmem>>, vector<1x16xf32>,
        %get3A_299 = vector.shape_cast %get3A_298 : vector<1x16xf32> to vector<16xf32>
        %get3A_300 = arith.index_cast %add3A_255 : i32 to index
        %get3A_301 = arith.constant 48 : index
        %get3A_302 = tpu.vector_load %arg23[%get3A_300, %get3A_301] {strides = array<i32>} : memref<40x128xf32, #tpu.memory_space<vmem>>, vector<1x16xf32>,
        %get3A_303 = vector.shape_cast %get3A_302 : vector<1x16xf32> to vector<16xf32>
        %add3A_304 = arith.addf %get3A_299, %get3A_303 : vector<16xf32>
        %swap3A_305 = arith.index_cast %add3A_255 : i32 to index
        %swap3A_306 = arith.constant 48 : index
        %swap3A_307 = tpu.vector_load %arg28[%swap3A_305, %swap3A_306] {strides = array<i32>} : memref<40x64xf32, #tpu.memory_space<vmem>>, vector<1x16xf32>,
        %swap3A_308 = vector.shape_cast %swap3A_307 : vector<1x16xf32> to vector<16xf32>
        %swap3A_309 = vector.shape_cast %add3A_304 : vector<16xf32> to vector<1x16xf32>
        tpu.vector_store %arg28[%swap3A_305, %swap3A_306], %swap3A_309 {strides = array<i32>} : memref<40x64xf32, #tpu.memory_space<vmem>>, vector<1x16xf32>,
      }
      %scan3A_95 = arith.constant 40 : i32
      %dma_start3A_96 = arith.constant 0 : i32
      %dma_start3A_97 = tpu.memref_slice %arg6[%multiple_of3A_84, %dma_start3A_96] : memref<320000x64xf32, #tpu.memory_space<hbm>> -> memref<40x64xf32, #tpu.memory_space<hbm>>
      %dma_start3A_98 = arith.constant 0 : i32
      %dma_start3A_99 = tpu.memref_slice %arg6[%multiple_of3A_84, %dma_start3A_98] : memref<320000x64xf32, #tpu.memory_space<hbm>> -> memref<40x64xf32, #tpu.memory_space<hbm>>
      tpu.enqueue_dma source(%arg28 : memref<40x64xf32, #tpu.memory_space<vmem>>) target(%dma_start3A_99 : memref<40x64xf32, #tpu.memory_space<hbm>>) target_semaphore(%arg43 : memref<!tpu.dma_semaphore, #tpu.memory_space<semaphore_mem>>)
      %mul3A_100 = arith.constant 5 : i32
      %mul3A_101 = arith.muli %add3A_54, %mul3A_100 : i32
      %add3A_102 = arith.constant 2 : i32
      %add3A_103 = arith.addi %mul3A_101, %add3A_102 : i32
      %mul3A_104 = arith.constant 40 : i32
      %mul3A_105 = arith.muli %add3A_103, %mul3A_104 : i32
      %add3A_106 = arith.addi %mul3A_2, %mul3A_105 : i32
      %multiple_of3A_107 = tpu.assume_multiple %add3A_106, 8 : i32
      %dma_wait3A_108 = arith.constant 0 : i32
      %dma_wait3A_109 = arith.constant 0 : i32
      %dma_wait3A_110 = tpu.memref_slice %arg2[%dma_wait3A_108, %dma_wait3A_109] : memref<10000x128xf32, #tpu.memory_space<hbm>> -> memref<10000x128xf32, #tpu.memory_space<hbm>>
      tpu.wait_indirect_dma semaphore(%arg34 : memref<!tpu.dma_semaphore, #tpu.memory_space<semaphore_mem>>) src(%dma_wait3A_110 : memref<10000x128xf32, #tpu.memory_space<hbm>>) dst(%arg19 : memref<40x128xf32, #tpu.memory_space<vmem>>)
      %dma_wait3A_111 = arith.constant 0 : i32
      %dma_wait3A_112 = arith.constant 0 : i32
      %dma_wait3A_113 = tpu.memref_slice %arg3[%dma_wait3A_111, %dma_wait3A_112] : memref<10000x128xf32, #tpu.memory_space<hbm>> -> memref<10000x128xf32, #tpu.memory_space<hbm>>
      tpu.wait_indirect_dma semaphore(%arg39 : memref<!tpu.dma_semaphore, #tpu.memory_space<semaphore_mem>>) src(%dma_wait3A_113 : memref<10000x128xf32, #tpu.memory_space<hbm>>) dst(%arg24 : memref<40x128xf32, #tpu.memory_space<vmem>>)
      %scan3A_114 = arith.constant 0 : i32
      %scan3A_115 = arith.constant 40 : i32
      %scan3A_116 = arith.addi %scan3A_114, %scan3A_115 : i32
      %scan3A_117 = arith.constant 1 : i32
      scf.for %scan3A_251 = %scan3A_114 to %scan3A_116 step %scan3A_117  : i32 {
        %mul3A_252 = arith.constant 1 : i32
        %mul3A_253 = arith.muli %scan3A_251, %mul3A_252 : i32
        %add3A_254 = arith.constant 0 : i32
        %add3A_255 = arith.addi %add3A_254, %mul3A_253 : i32
        %get3A = arith.index_cast %add3A_255 : i32 to index
        %get3A_256 = arith.constant 0 : index
        %get3A_257 = tpu.vector_load %arg19[%get3A, %get3A_256] {strides = array<i32>} : memref<40x128xf32, #tpu.memory_space<vmem>>, vector<1x16xf32>,
        %get3A_258 = vector.shape_cast %get3A_257 : vector<1x16xf32> to vector<16xf32>
        %get3A_259 = arith.index_cast %add3A_255 : i32 to index
        %get3A_260 = arith.constant 0 : index
        %get3A_261 = tpu.vector_load %arg24[%get3A_259, %get3A_260] {strides = array<i32>} : memref<40x128xf32, #tpu.memory_space<vmem>>, vector<1x16xf32>,
        %get3A_262 = vector.shape_cast %get3A_261 : vector<1x16xf32> to vector<16xf32>
        %add3A_263 = arith.addf %get3A_258, %get3A_262 : vector<16xf32>
        %swap3A = arith.index_cast %add3A_255 : i32 to index
        %swap3A_264 = arith.constant 0 : index
        %swap3A_265 = tpu.vector_load %arg29[%swap3A, %swap3A_264] {strides = array<i32>} : memref<40x64xf32, #tpu.memory_space<vmem>>, vector<1x16xf32>,
        %swap3A_266 = vector.shape_cast %swap3A_265 : vector<1x16xf32> to vector<16xf32>
        %swap3A_267 = vector.shape_cast %add3A_263 : vector<16xf32> to vector<1x16xf32>
        tpu.vector_store %arg29[%swap3A, %swap3A_264], %swap3A_267 {strides = array<i32>} : memref<40x64xf32, #tpu.memory_space<vmem>>, vector<1x16xf32>,
        %get3A_268 = arith.index_cast %add3A_255 : i32 to index
        %get3A_269 = arith.constant 16 : index
        %get3A_270 = tpu.vector_load %arg19[%get3A_268, %get3A_269] {strides = array<i32>} : memref<40x128xf32, #tpu.memory_space<vmem>>, vector<1x16xf32>,
        %get3A_271 = vector.shape_cast %get3A_270 : vector<1x16xf32> to vector<16xf32>
        %get3A_272 = arith.index_cast %add3A_255 : i32 to index
        %get3A_273 = arith.constant 16 : index
        %get3A_274 = tpu.vector_load %arg24[%get3A_272, %get3A_273] {strides = array<i32>} : memref<40x128xf32, #tpu.memory_space<vmem>>, vector<1x16xf32>,
        %get3A_275 = vector.shape_cast %get3A_274 : vector<1x16xf32> to vector<16xf32>
        %add3A_276 = arith.addf %get3A_271, %get3A_275 : vector<16xf32>
        %swap3A_277 = arith.index_cast %add3A_255 : i32 to index
        %swap3A_278 = arith.constant 16 : index
        %swap3A_279 = tpu.vector_load %arg29[%swap3A_277, %swap3A_278] {strides = array<i32>} : memref<40x64xf32, #tpu.memory_space<vmem>>, vector<1x16xf32>,
        %swap3A_280 = vector.shape_cast %swap3A_279 : vector<1x16xf32> to vector<16xf32>
        %swap3A_281 = vector.shape_cast %add3A_276 : vector<16xf32> to vector<1x16xf32>
        tpu.vector_store %arg29[%swap3A_277, %swap3A_278], %swap3A_281 {strides = array<i32>} : memref<40x64xf32, #tpu.memory_space<vmem>>, vector<1x16xf32>,
        %get3A_282 = arith.index_cast %add3A_255 : i32 to index
        %get3A_283 = arith.constant 32 : index
        %get3A_284 = tpu.vector_load %arg19[%get3A_282, %get3A_283] {strides = array<i32>} : memref<40x128xf32, #tpu.memory_space<vmem>>, vector<1x16xf32>,
        %get3A_285 = vector.shape_cast %get3A_284 : vector<1x16xf32> to vector<16xf32>
        %get3A_286 = arith.index_cast %add3A_255 : i32 to index
        %get3A_287 = arith.constant 32 : index
        %get3A_288 = tpu.vector_load %arg24[%get3A_286, %get3A_287] {strides = array<i32>} : memref<40x128xf32, #tpu.memory_space<vmem>>, vector<1x16xf32>,
        %get3A_289 = vector.shape_cast %get3A_288 : vector<1x16xf32> to vector<16xf32>
        %add3A_290 = arith.addf %get3A_285, %get3A_289 : vector<16xf32>
        %swap3A_291 = arith.index_cast %add3A_255 : i32 to index
        %swap3A_292 = arith.constant 32 : index
        %swap3A_293 = tpu.vector_load %arg29[%swap3A_291, %swap3A_292] {strides = array<i32>} : memref<40x64xf32, #tpu.memory_space<vmem>>, vector<1x16xf32>,
        %swap3A_294 = vector.shape_cast %swap3A_293 : vector<1x16xf32> to vector<16xf32>
        %swap3A_295 = vector.shape_cast %add3A_290 : vector<16xf32> to vector<1x16xf32>
        tpu.vector_store %arg29[%swap3A_291, %swap3A_292], %swap3A_295 {strides = array<i32>} : memref<40x64xf32, #tpu.memory_space<vmem>>, vector<1x16xf32>,
        %get3A_296 = arith.index_cast %add3A_255 : i32 to index
        %get3A_297 = arith.constant 48 : index
        %get3A_298 = tpu.vector_load %arg19[%get3A_296, %get3A_297] {strides = array<i32>} : memref<40x128xf32, #tpu.memory_space<vmem>>, vector<1x16xf32>,
        %get3A_299 = vector.shape_cast %get3A_298 : vector<1x16xf32> to vector<16xf32>
        %get3A_300 = arith.index_cast %add3A_255 : i32 to index
        %get3A_301 = arith.constant 48 : index
        %get3A_302 = tpu.vector_load %arg24[%get3A_300, %get3A_301] {strides = array<i32>} : memref<40x128xf32, #tpu.memory_space<vmem>>, vector<1x16xf32>,
        %get3A_303 = vector.shape_cast %get3A_302 : vector<1x16xf32> to vector<16xf32>
        %add3A_304 = arith.addf %get3A_299, %get3A_303 : vector<16xf32>
        %swap3A_305 = arith.index_cast %add3A_255 : i32 to index
        %swap3A_306 = arith.constant 48 : index
        %swap3A_307 = tpu.vector_load %arg29[%swap3A_305, %swap3A_306] {strides = array<i32>} : memref<40x64xf32, #tpu.memory_space<vmem>>, vector<1x16xf32>,
        %swap3A_308 = vector.shape_cast %swap3A_307 : vector<1x16xf32> to vector<16xf32>
        %swap3A_309 = vector.shape_cast %add3A_304 : vector<16xf32> to vector<1x16xf32>
        tpu.vector_store %arg29[%swap3A_305, %swap3A_306], %swap3A_309 {strides = array<i32>} : memref<40x64xf32, #tpu.memory_space<vmem>>, vector<1x16xf32>,
      }
      %scan3A_118 = arith.constant 40 : i32
      %dma_start3A_119 = arith.constant 0 : i32
      %dma_start3A_120 = tpu.memref_slice %arg6[%multiple_of3A_107, %dma_start3A_119] : memref<320000x64xf32, #tpu.memory_space<hbm>> -> memref<40x64xf32, #tpu.memory_space<hbm>>
      %dma_start3A_121 = arith.constant 0 : i32
      %dma_start3A_122 = tpu.memref_slice %arg6[%multiple_of3A_107, %dma_start3A_121] : memref<320000x64xf32, #tpu.memory_space<hbm>> -> memref<40x64xf32, #tpu.memory_space<hbm>>
      tpu.enqueue_dma source(%arg29 : memref<40x64xf32, #tpu.memory_space<vmem>>) target(%dma_start3A_122 : memref<40x64xf32, #tpu.memory_space<hbm>>) target_semaphore(%arg44 : memref<!tpu.dma_semaphore, #tpu.memory_space<semaphore_mem>>)
      %mul3A_123 = arith.constant 5 : i32
      %mul3A_124 = arith.muli %add3A_54, %mul3A_123 : i32
      %add3A_125 = arith.constant 3 : i32
      %add3A_126 = arith.addi %mul3A_124, %add3A_125 : i32
      %mul3A_127 = arith.constant 40 : i32
      %mul3A_128 = arith.muli %add3A_126, %mul3A_127 : i32
      %add3A_129 = arith.addi %mul3A_2, %mul3A_128 : i32
      %multiple_of3A_130 = tpu.assume_multiple %add3A_129, 8 : i32
      %dma_wait3A_131 = arith.constant 0 : i32
      %dma_wait3A_132 = arith.constant 0 : i32
      %dma_wait3A_133 = tpu.memref_slice %arg2[%dma_wait3A_131, %dma_wait3A_132] : memref<10000x128xf32, #tpu.memory_space<hbm>> -> memref<10000x128xf32, #tpu.memory_space<hbm>>
      tpu.wait_indirect_dma semaphore(%arg35 : memref<!tpu.dma_semaphore, #tpu.memory_space<semaphore_mem>>) src(%dma_wait3A_133 : memref<10000x128xf32, #tpu.memory_space<hbm>>) dst(%arg20 : memref<40x128xf32, #tpu.memory_space<vmem>>)
      %dma_wait3A_134 = arith.constant 0 : i32
      %dma_wait3A_135 = arith.constant 0 : i32
      %dma_wait3A_136 = tpu.memref_slice %arg3[%dma_wait3A_134, %dma_wait3A_135] : memref<10000x128xf32, #tpu.memory_space<hbm>> -> memref<10000x128xf32, #tpu.memory_space<hbm>>
      tpu.wait_indirect_dma semaphore(%arg40 : memref<!tpu.dma_semaphore, #tpu.memory_space<semaphore_mem>>) src(%dma_wait3A_136 : memref<10000x128xf32, #tpu.memory_space<hbm>>) dst(%arg25 : memref<40x128xf32, #tpu.memory_space<vmem>>)
      %scan3A_137 = arith.constant 0 : i32
      %scan3A_138 = arith.constant 40 : i32
      %scan3A_139 = arith.addi %scan3A_137, %scan3A_138 : i32
      %scan3A_140 = arith.constant 1 : i32
      scf.for %scan3A_251 = %scan3A_137 to %scan3A_139 step %scan3A_140  : i32 {
        %mul3A_252 = arith.constant 1 : i32
        %mul3A_253 = arith.muli %scan3A_251, %mul3A_252 : i32
        %add3A_254 = arith.constant 0 : i32
        %add3A_255 = arith.addi %add3A_254, %mul3A_253 : i32
        %get3A = arith.index_cast %add3A_255 : i32 to index
        %get3A_256 = arith.constant 0 : index
        %get3A_257 = tpu.vector_load %arg20[%get3A, %get3A_256] {strides = array<i32>} : memref<40x128xf32, #tpu.memory_space<vmem>>, vector<1x16xf32>,
        %get3A_258 = vector.shape_cast %get3A_257 : vector<1x16xf32> to vector<16xf32>
        %get3A_259 = arith.index_cast %add3A_255 : i32 to index
        %get3A_260 = arith.constant 0 : index
        %get3A_261 = tpu.vector_load %arg25[%get3A_259, %get3A_260] {strides = array<i32>} : memref<40x128xf32, #tpu.memory_space<vmem>>, vector<1x16xf32>,
        %get3A_262 = vector.shape_cast %get3A_261 : vector<1x16xf32> to vector<16xf32>
        %add3A_263 = arith.addf %get3A_258, %get3A_262 : vector<16xf32>
        %swap3A = arith.index_cast %add3A_255 : i32 to index
        %swap3A_264 = arith.constant 0 : index
        %swap3A_265 = tpu.vector_load %arg30[%swap3A, %swap3A_264] {strides = array<i32>} : memref<40x64xf32, #tpu.memory_space<vmem>>, vector<1x16xf32>,
        %swap3A_266 = vector.shape_cast %swap3A_265 : vector<1x16xf32> to vector<16xf32>
        %swap3A_267 = vector.shape_cast %add3A_263 : vector<16xf32> to vector<1x16xf32>
        tpu.vector_store %arg30[%swap3A, %swap3A_264], %swap3A_267 {strides = array<i32>} : memref<40x64xf32, #tpu.memory_space<vmem>>, vector<1x16xf32>,
        %get3A_268 = arith.index_cast %add3A_255 : i32 to index
        %get3A_269 = arith.constant 16 : index
        %get3A_270 = tpu.vector_load %arg20[%get3A_268, %get3A_269] {strides = array<i32>} : memref<40x128xf32, #tpu.memory_space<vmem>>, vector<1x16xf32>,
        %get3A_271 = vector.shape_cast %get3A_270 : vector<1x16xf32> to vector<16xf32>
        %get3A_272 = arith.index_cast %add3A_255 : i32 to index
        %get3A_273 = arith.constant 16 : index
        %get3A_274 = tpu.vector_load %arg25[%get3A_272, %get3A_273] {strides = array<i32>} : memref<40x128xf32, #tpu.memory_space<vmem>>, vector<1x16xf32>,
        %get3A_275 = vector.shape_cast %get3A_274 : vector<1x16xf32> to vector<16xf32>
        %add3A_276 = arith.addf %get3A_271, %get3A_275 : vector<16xf32>
        %swap3A_277 = arith.index_cast %add3A_255 : i32 to index
        %swap3A_278 = arith.constant 16 : index
        %swap3A_279 = tpu.vector_load %arg30[%swap3A_277, %swap3A_278] {strides = array<i32>} : memref<40x64xf32, #tpu.memory_space<vmem>>, vector<1x16xf32>,
        %swap3A_280 = vector.shape_cast %swap3A_279 : vector<1x16xf32> to vector<16xf32>
        %swap3A_281 = vector.shape_cast %add3A_276 : vector<16xf32> to vector<1x16xf32>
        tpu.vector_store %arg30[%swap3A_277, %swap3A_278], %swap3A_281 {strides = array<i32>} : memref<40x64xf32, #tpu.memory_space<vmem>>, vector<1x16xf32>,
        %get3A_282 = arith.index_cast %add3A_255 : i32 to index
        %get3A_283 = arith.constant 32 : index
        %get3A_284 = tpu.vector_load %arg20[%get3A_282, %get3A_283] {strides = array<i32>} : memref<40x128xf32, #tpu.memory_space<vmem>>, vector<1x16xf32>,
        %get3A_285 = vector.shape_cast %get3A_284 : vector<1x16xf32> to vector<16xf32>
        %get3A_286 = arith.index_cast %add3A_255 : i32 to index
        %get3A_287 = arith.constant 32 : index
        %get3A_288 = tpu.vector_load %arg25[%get3A_286, %get3A_287] {strides = array<i32>} : memref<40x128xf32, #tpu.memory_space<vmem>>, vector<1x16xf32>,
        %get3A_289 = vector.shape_cast %get3A_288 : vector<1x16xf32> to vector<16xf32>
        %add3A_290 = arith.addf %get3A_285, %get3A_289 : vector<16xf32>
        %swap3A_291 = arith.index_cast %add3A_255 : i32 to index
        %swap3A_292 = arith.constant 32 : index
        %swap3A_293 = tpu.vector_load %arg30[%swap3A_291, %swap3A_292] {strides = array<i32>} : memref<40x64xf32, #tpu.memory_space<vmem>>, vector<1x16xf32>,
        %swap3A_294 = vector.shape_cast %swap3A_293 : vector<1x16xf32> to vector<16xf32>
        %swap3A_295 = vector.shape_cast %add3A_290 : vector<16xf32> to vector<1x16xf32>
        tpu.vector_store %arg30[%swap3A_291, %swap3A_292], %swap3A_295 {strides = array<i32>} : memref<40x64xf32, #tpu.memory_space<vmem>>, vector<1x16xf32>,
        %get3A_296 = arith.index_cast %add3A_255 : i32 to index
        %get3A_297 = arith.constant 48 : index
        %get3A_298 = tpu.vector_load %arg20[%get3A_296, %get3A_297] {strides = array<i32>} : memref<40x128xf32, #tpu.memory_space<vmem>>, vector<1x16xf32>,
        %get3A_299 = vector.shape_cast %get3A_298 : vector<1x16xf32> to vector<16xf32>
        %get3A_300 = arith.index_cast %add3A_255 : i32 to index
        %get3A_301 = arith.constant 48 : index
        %get3A_302 = tpu.vector_load %arg25[%get3A_300, %get3A_301] {strides = array<i32>} : memref<40x128xf32, #tpu.memory_space<vmem>>, vector<1x16xf32>,
        %get3A_303 = vector.shape_cast %get3A_302 : vector<1x16xf32> to vector<16xf32>
        %add3A_304 = arith.addf %get3A_299, %get3A_303 : vector<16xf32>
        %swap3A_305 = arith.index_cast %add3A_255 : i32 to index
        %swap3A_306 = arith.constant 48 : index
        %swap3A_307 = tpu.vector_load %arg30[%swap3A_305, %swap3A_306] {strides = array<i32>} : memref<40x64xf32, #tpu.memory_space<vmem>>, vector<1x16xf32>,
        %swap3A_308 = vector.shape_cast %swap3A_307 : vector<1x16xf32> to vector<16xf32>
        %swap3A_309 = vector.shape_cast %add3A_304 : vector<16xf32> to vector<1x16xf32>
        tpu.vector_store %arg30[%swap3A_305, %swap3A_306], %swap3A_309 {strides = array<i32>} : memref<40x64xf32, #tpu.memory_space<vmem>>, vector<1x16xf32>,
      }
      %scan3A_141 = arith.constant 40 : i32
      %dma_start3A_142 = arith.constant 0 : i32
      %dma_start3A_143 = tpu.memref_slice %arg6[%multiple_of3A_130, %dma_start3A_142] : memref<320000x64xf32, #tpu.memory_space<hbm>> -> memref<40x64xf32, #tpu.memory_space<hbm>>
      %dma_start3A_144 = arith.constant 0 : i32
      %dma_start3A_145 = tpu.memref_slice %arg6[%multiple_of3A_130, %dma_start3A_144] : memref<320000x64xf32, #tpu.memory_space<hbm>> -> memref<40x64xf32, #tpu.memory_space<hbm>>
      tpu.enqueue_dma source(%arg30 : memref<40x64xf32, #tpu.memory_space<vmem>>) target(%dma_start3A_145 : memref<40x64xf32, #tpu.memory_space<hbm>>) target_semaphore(%arg45 : memref<!tpu.dma_semaphore, #tpu.memory_space<semaphore_mem>>)
      %mul3A_146 = arith.constant 5 : i32
      %mul3A_147 = arith.muli %add3A_54, %mul3A_146 : i32
      %add3A_148 = arith.constant 4 : i32
      %add3A_149 = arith.addi %mul3A_147, %add3A_148 : i32
      %mul3A_150 = arith.constant 40 : i32
      %mul3A_151 = arith.muli %add3A_149, %mul3A_150 : i32
      %add3A_152 = arith.addi %mul3A_2, %mul3A_151 : i32
      %multiple_of3A_153 = tpu.assume_multiple %add3A_152, 8 : i32
      %dma_wait3A_154 = arith.constant 0 : i32
      %dma_wait3A_155 = arith.constant 0 : i32
      %dma_wait3A_156 = tpu.memref_slice %arg2[%dma_wait3A_154, %dma_wait3A_155] : memref<10000x128xf32, #tpu.memory_space<hbm>> -> memref<10000x128xf32, #tpu.memory_space<hbm>>
      tpu.wait_indirect_dma semaphore(%arg36 : memref<!tpu.dma_semaphore, #tpu.memory_space<semaphore_mem>>) src(%dma_wait3A_156 : memref<10000x128xf32, #tpu.memory_space<hbm>>) dst(%arg21 : memref<40x128xf32, #tpu.memory_space<vmem>>)
      %dma_wait3A_157 = arith.constant 0 : i32
      %dma_wait3A_158 = arith.constant 0 : i32
      %dma_wait3A_159 = tpu.memref_slice %arg3[%dma_wait3A_157, %dma_wait3A_158] : memref<10000x128xf32, #tpu.memory_space<hbm>> -> memref<10000x128xf32, #tpu.memory_space<hbm>>
      tpu.wait_indirect_dma semaphore(%arg41 : memref<!tpu.dma_semaphore, #tpu.memory_space<semaphore_mem>>) src(%dma_wait3A_159 : memref<10000x128xf32, #tpu.memory_space<hbm>>) dst(%arg26 : memref<40x128xf32, #tpu.memory_space<vmem>>)
      %scan3A_160 = arith.constant 0 : i32
      %scan3A_161 = arith.constant 40 : i32
      %scan3A_162 = arith.addi %scan3A_160, %scan3A_161 : i32
      %scan3A_163 = arith.constant 1 : i32
      scf.for %scan3A_251 = %scan3A_160 to %scan3A_162 step %scan3A_163  : i32 {
        %mul3A_252 = arith.constant 1 : i32
        %mul3A_253 = arith.muli %scan3A_251, %mul3A_252 : i32
        %add3A_254 = arith.constant 0 : i32
        %add3A_255 = arith.addi %add3A_254, %mul3A_253 : i32
        %get3A = arith.index_cast %add3A_255 : i32 to index
        %get3A_256 = arith.constant 0 : index
        %get3A_257 = tpu.vector_load %arg21[%get3A, %get3A_256] {strides = array<i32>} : memref<40x128xf32, #tpu.memory_space<vmem>>, vector<1x16xf32>,
        %get3A_258 = vector.shape_cast %get3A_257 : vector<1x16xf32> to vector<16xf32>
        %get3A_259 = arith.index_cast %add3A_255 : i32 to index
        %get3A_260 = arith.constant 0 : index
        %get3A_261 = tpu.vector_load %arg26[%get3A_259, %get3A_260] {strides = array<i32>} : memref<40x128xf32, #tpu.memory_space<vmem>>, vector<1x16xf32>,
        %get3A_262 = vector.shape_cast %get3A_261 : vector<1x16xf32> to vector<16xf32>
        %add3A_263 = arith.addf %get3A_258, %get3A_262 : vector<16xf32>
        %swap3A = arith.index_cast %add3A_255 : i32 to index
        %swap3A_264 = arith.constant 0 : index
        %swap3A_265 = tpu.vector_load %arg31[%swap3A, %swap3A_264] {strides = array<i32>} : memref<40x64xf32, #tpu.memory_space<vmem>>, vector<1x16xf32>,
        %swap3A_266 = vector.shape_cast %swap3A_265 : vector<1x16xf32> to vector<16xf32>
        %swap3A_267 = vector.shape_cast %add3A_263 : vector<16xf32> to vector<1x16xf32>
        tpu.vector_store %arg31[%swap3A, %swap3A_264], %swap3A_267 {strides = array<i32>} : memref<40x64xf32, #tpu.memory_space<vmem>>, vector<1x16xf32>,
        %get3A_268 = arith.index_cast %add3A_255 : i32 to index
        %get3A_269 = arith.constant 16 : index
        %get3A_270 = tpu.vector_load %arg21[%get3A_268, %get3A_269] {strides = array<i32>} : memref<40x128xf32, #tpu.memory_space<vmem>>, vector<1x16xf32>,
        %get3A_271 = vector.shape_cast %get3A_270 : vector<1x16xf32> to vector<16xf32>
        %get3A_272 = arith.index_cast %add3A_255 : i32 to index
        %get3A_273 = arith.constant 16 : index
        %get3A_274 = tpu.vector_load %arg26[%get3A_272, %get3A_273] {strides = array<i32>} : memref<40x128xf32, #tpu.memory_space<vmem>>, vector<1x16xf32>,
        %get3A_275 = vector.shape_cast %get3A_274 : vector<1x16xf32> to vector<16xf32>
        %add3A_276 = arith.addf %get3A_271, %get3A_275 : vector<16xf32>
        %swap3A_277 = arith.index_cast %add3A_255 : i32 to index
        %swap3A_278 = arith.constant 16 : index
        %swap3A_279 = tpu.vector_load %arg31[%swap3A_277, %swap3A_278] {strides = array<i32>} : memref<40x64xf32, #tpu.memory_space<vmem>>, vector<1x16xf32>,
        %swap3A_280 = vector.shape_cast %swap3A_279 : vector<1x16xf32> to vector<16xf32>
        %swap3A_281 = vector.shape_cast %add3A_276 : vector<16xf32> to vector<1x16xf32>
        tpu.vector_store %arg31[%swap3A_277, %swap3A_278], %swap3A_281 {strides = array<i32>} : memref<40x64xf32, #tpu.memory_space<vmem>>, vector<1x16xf32>,
        %get3A_282 = arith.index_cast %add3A_255 : i32 to index
        %get3A_283 = arith.constant 32 : index
        %get3A_284 = tpu.vector_load %arg21[%get3A_282, %get3A_283] {strides = array<i32>} : memref<40x128xf32, #tpu.memory_space<vmem>>, vector<1x16xf32>,
        %get3A_285 = vector.shape_cast %get3A_284 : vector<1x16xf32> to vector<16xf32>
        %get3A_286 = arith.index_cast %add3A_255 : i32 to index
        %get3A_287 = arith.constant 32 : index
        %get3A_288 = tpu.vector_load %arg26[%get3A_286, %get3A_287] {strides = array<i32>} : memref<40x128xf32, #tpu.memory_space<vmem>>, vector<1x16xf32>,
        %get3A_289 = vector.shape_cast %get3A_288 : vector<1x16xf32> to vector<16xf32>
        %add3A_290 = arith.addf %get3A_285, %get3A_289 : vector<16xf32>
        %swap3A_291 = arith.index_cast %add3A_255 : i32 to index
        %swap3A_292 = arith.constant 32 : index
        %swap3A_293 = tpu.vector_load %arg31[%swap3A_291, %swap3A_292] {strides = array<i32>} : memref<40x64xf32, #tpu.memory_space<vmem>>, vector<1x16xf32>,
        %swap3A_294 = vector.shape_cast %swap3A_293 : vector<1x16xf32> to vector<16xf32>
        %swap3A_295 = vector.shape_cast %add3A_290 : vector<16xf32> to vector<1x16xf32>
        tpu.vector_store %arg31[%swap3A_291, %swap3A_292], %swap3A_295 {strides = array<i32>} : memref<40x64xf32, #tpu.memory_space<vmem>>, vector<1x16xf32>,
        %get3A_296 = arith.index_cast %add3A_255 : i32 to index
        %get3A_297 = arith.constant 48 : index
        %get3A_298 = tpu.vector_load %arg21[%get3A_296, %get3A_297] {strides = array<i32>} : memref<40x128xf32, #tpu.memory_space<vmem>>, vector<1x16xf32>,
        %get3A_299 = vector.shape_cast %get3A_298 : vector<1x16xf32> to vector<16xf32>
        %get3A_300 = arith.index_cast %add3A_255 : i32 to index
        %get3A_301 = arith.constant 48 : index
        %get3A_302 = tpu.vector_load %arg26[%get3A_300, %get3A_301] {strides = array<i32>} : memref<40x128xf32, #tpu.memory_space<vmem>>, vector<1x16xf32>,
        %get3A_303 = vector.shape_cast %get3A_302 : vector<1x16xf32> to vector<16xf32>
        %add3A_304 = arith.addf %get3A_299, %get3A_303 : vector<16xf32>
        %swap3A_305 = arith.index_cast %add3A_255 : i32 to index
        %swap3A_306 = arith.constant 48 : index
        %swap3A_307 = tpu.vector_load %arg31[%swap3A_305, %swap3A_306] {strides = array<i32>} : memref<40x64xf32, #tpu.memory_space<vmem>>, vector<1x16xf32>,
        %swap3A_308 = vector.shape_cast %swap3A_307 : vector<1x16xf32> to vector<16xf32>
        %swap3A_309 = vector.shape_cast %add3A_304 : vector<16xf32> to vector<1x16xf32>
        tpu.vector_store %arg31[%swap3A_305, %swap3A_306], %swap3A_309 {strides = array<i32>} : memref<40x64xf32, #tpu.memory_space<vmem>>, vector<1x16xf32>,
      }
      %scan3A_164 = arith.constant 40 : i32
      %dma_start3A_165 = arith.constant 0 : i32
      %dma_start3A_166 = tpu.memref_slice %arg6[%multiple_of3A_153, %dma_start3A_165] : memref<320000x64xf32, #tpu.memory_space<hbm>> -> memref<40x64xf32, #tpu.memory_space<hbm>>
      %dma_start3A_167 = arith.constant 0 : i32
      %dma_start3A_168 = tpu.memref_slice %arg6[%multiple_of3A_153, %dma_start3A_167] : memref<320000x64xf32, #tpu.memory_space<hbm>> -> memref<40x64xf32, #tpu.memory_space<hbm>>
      tpu.enqueue_dma source(%arg31 : memref<40x64xf32, #tpu.memory_space<vmem>>) target(%dma_start3A_168 : memref<40x64xf32, #tpu.memory_space<hbm>>) target_semaphore(%arg46 : memref<!tpu.dma_semaphore, #tpu.memory_space<semaphore_mem>>)
      %mul3A_169 = arith.constant 5 : i32
      %mul3A_170 = arith.muli %add3A_54, %mul3A_169 : i32
      %add3A_171 = arith.constant 0 : i32
      %add3A_172 = arith.addi %mul3A_170, %add3A_171 : i32
      %mul3A_173 = arith.constant 40 : i32
      %mul3A_174 = arith.muli %add3A_172, %mul3A_173 : i32
      %add3A_175 = arith.addi %mul3A_2, %mul3A_174 : i32
      %multiple_of3A_176 = tpu.assume_multiple %add3A_175, 8 : i32
      %dma_wait3A_177 = arith.constant 0 : i32
      %dma_wait3A_178 = tpu.memref_slice %arg6[%multiple_of3A_176, %dma_wait3A_177] : memref<320000x64xf32, #tpu.memory_space<hbm>> -> memref<40x64xf32, #tpu.memory_space<hbm>>
      %dma_wait3A_179 = arith.constant 0 : i32
      %dma_wait3A_180 = tpu.memref_slice %arg6[%multiple_of3A_176, %dma_wait3A_179] : memref<320000x64xf32, #tpu.memory_space<hbm>> -> memref<40x64xf32, #tpu.memory_space<hbm>>
      tpu.wait_dma2 semaphore(%arg42 : memref<!tpu.dma_semaphore, #tpu.memory_space<semaphore_mem>>) src(%arg27 : memref<40x64xf32, #tpu.memory_space<vmem>>) dst(%dma_wait3A_180 : memref<40x64xf32, #tpu.memory_space<hbm>>)
      %lt3A = arith.constant 49 : i32
      %lt3A_181 = arith.cmpi slt, %add3A_54, %lt3A : i32
      %convert_element_type3A = arith.extui %lt3A_181 : i1 to i32
      %cond3A = arith.constant 0 : i32
      %cond3A_182 = arith.cmpi ne, %convert_element_type3A, %cond3A : i32
      scf.if %cond3A_182 {
        %add3A_251 = arith.constant 1 : i32
        %add3A_252 = arith.addi %add3A_54, %add3A_251 : i32
        %mul3A_253 = arith.constant 5 : i32
        %mul3A_254 = arith.muli %add3A_252, %mul3A_253 : i32
        %add3A_255 = arith.constant 0 : i32
        %add3A_256 = arith.addi %mul3A_254, %add3A_255 : i32
        %mul3A_257 = arith.constant 40 : i32
        %mul3A_258 = arith.muli %add3A_256, %mul3A_257 : i32
        %add3A_259 = arith.addi %mul3A_2, %mul3A_258 : i32
        %multiple_of3A_260 = tpu.assume_multiple %add3A_259, 8 : i32
        "tpu.region"() ({
          %run_scoped3A = tpu.sem_alloc : memref<!tpu.dma_semaphore, #tpu.memory_space<semaphore_mem>>
          %dma_start3A_267 = tpu.memref_slice %arg4[%multiple_of3A_260] : memref<320000xi32, #tpu.memory_space<hbm>> -> memref<40xi32, #tpu.memory_space<hbm>>
          %dma_start3A_268 = tpu.memref_slice %arg4[%multiple_of3A_260] : memref<320000xi32, #tpu.memory_space<hbm>> -> memref<40xi32, #tpu.memory_space<hbm>>
          tpu.enqueue_dma source(%dma_start3A_268 : memref<40xi32, #tpu.memory_space<hbm>>) target(%arg7 : memref<40xi32, #tpu.memory_space<vmem>>) target_semaphore(%run_scoped3A : memref<!tpu.dma_semaphore, #tpu.memory_space<semaphore_mem>>)
          %dma_wait3A_269 = tpu.memref_slice %arg4[%multiple_of3A_260] : memref<320000xi32, #tpu.memory_space<hbm>> -> memref<40xi32, #tpu.memory_space<hbm>>
          %dma_wait3A_270 = tpu.memref_slice %arg4[%multiple_of3A_260] : memref<320000xi32, #tpu.memory_space<hbm>> -> memref<40xi32, #tpu.memory_space<hbm>>
          tpu.wait_dma2 semaphore(%run_scoped3A : memref<!tpu.dma_semaphore, #tpu.memory_space<semaphore_mem>>) src(%dma_wait3A_270 : memref<40xi32, #tpu.memory_space<hbm>>) dst(%arg7 : memref<40xi32, #tpu.memory_space<vmem>>)
          tpu.yield
        }) : () -> ()
        "tpu.region"() ({
          %run_scoped3A = tpu.sem_alloc : memref<!tpu.dma_semaphore, #tpu.memory_space<semaphore_mem>>
          %dma_start3A_267 = tpu.memref_slice %arg5[%multiple_of3A_260] : memref<320000xi32, #tpu.memory_space<hbm>> -> memref<40xi32, #tpu.memory_space<hbm>>
          %dma_start3A_268 = tpu.memref_slice %arg5[%multiple_of3A_260] : memref<320000xi32, #tpu.memory_space<hbm>> -> memref<40xi32, #tpu.memory_space<hbm>>
          tpu.enqueue_dma source(%dma_start3A_268 : memref<40xi32, #tpu.memory_space<hbm>>) target(%arg12 : memref<40xi32, #tpu.memory_space<vmem>>) target_semaphore(%run_scoped3A : memref<!tpu.dma_semaphore, #tpu.memory_space<semaphore_mem>>)
          %dma_wait3A_269 = tpu.memref_slice %arg5[%multiple_of3A_260] : memref<320000xi32, #tpu.memory_space<hbm>> -> memref<40xi32, #tpu.memory_space<hbm>>
          %dma_wait3A_270 = tpu.memref_slice %arg5[%multiple_of3A_260] : memref<320000xi32, #tpu.memory_space<hbm>> -> memref<40xi32, #tpu.memory_space<hbm>>
          tpu.wait_dma2 semaphore(%run_scoped3A : memref<!tpu.dma_semaphore, #tpu.memory_space<semaphore_mem>>) src(%dma_wait3A_270 : memref<40xi32, #tpu.memory_space<hbm>>) dst(%arg12 : memref<40xi32, #tpu.memory_space<vmem>>)
          tpu.yield
        }) : () -> ()
        %dma_start3A_261 = arith.constant 0 : i32
        %dma_start3A_262 = arith.constant 0 : i32
        %dma_start3A_263 = tpu.memref_slice %arg2[%dma_start3A_261, %dma_start3A_262] : memref<10000x128xf32, #tpu.memory_space<hbm>> -> memref<10000x128xf32, #tpu.memory_space<hbm>>
        tpu.enqueue_indirect_dma source(%dma_start3A_263 : memref<10000x128xf32, #tpu.memory_space<hbm>>) target(%arg17 : memref<40x128xf32, #tpu.memory_space<vmem>>) offsets(%arg7 : memref<40xi32, #tpu.memory_space<vmem>>) semaphore(%arg32 : memref<!tpu.dma_semaphore, #tpu.memory_space<semaphore_mem>>)
        %dma_start3A_264 = arith.constant 0 : i32
        %dma_start3A_265 = arith.constant 0 : i32
        %dma_start3A_266 = tpu.memref_slice %arg3[%dma_start3A_264, %dma_start3A_265] : memref<10000x128xf32, #tpu.memory_space<hbm>> -> memref<10000x128xf32, #tpu.memory_space<hbm>>
        tpu.enqueue_indirect_dma source(%dma_start3A_266 : memref<10000x128xf32, #tpu.memory_space<hbm>>) target(%arg22 : memref<40x128xf32, #tpu.memory_space<vmem>>) offsets(%arg12 : memref<40xi32, #tpu.memory_space<vmem>>) semaphore(%arg37 : memref<!tpu.dma_semaphore, #tpu.memory_space<semaphore_mem>>)
      } else {
      }
      %mul3A_183 = arith.constant 5 : i32
      %mul3A_184 = arith.muli %add3A_54, %mul3A_183 : i32
      %add3A_185 = arith.constant 1 : i32
      %add3A_186 = arith.addi %mul3A_184, %add3A_185 : i32
      %mul3A_187 = arith.constant 40 : i32
      %mul3A_188 = arith.muli %add3A_186, %mul3A_187 : i32
      %add3A_189 = arith.addi %mul3A_2, %mul3A_188 : i32
      %multiple_of3A_190 = tpu.assume_multiple %add3A_189, 8 : i32
      %dma_wait3A_191 = arith.constant 0 : i32
      %dma_wait3A_192 = tpu.memref_slice %arg6[%multiple_of3A_190, %dma_wait3A_191] : memref<320000x64xf32, #tpu.memory_space<hbm>> -> memref<40x64xf32, #tpu.memory_space<hbm>>
      %dma_wait3A_193 = arith.constant 0 : i32
      %dma_wait3A_194 = tpu.memref_slice %arg6[%multiple_of3A_190, %dma_wait3A_193] : memref<320000x64xf32, #tpu.memory_space<hbm>> -> memref<40x64xf32, #tpu.memory_space<hbm>>
      tpu.wait_dma2 semaphore(%arg43 : memref<!tpu.dma_semaphore, #tpu.memory_space<semaphore_mem>>) src(%arg28 : memref<40x64xf32, #tpu.memory_space<vmem>>) dst(%dma_wait3A_194 : memref<40x64xf32, #tpu.memory_space<hbm>>)
      %lt3A_195 = arith.constant 49 : i32
      %lt3A_196 = arith.cmpi slt, %add3A_54, %lt3A_195 : i32
      %convert_element_type3A_197 = arith.extui %lt3A_196 : i1 to i32
      %cond3A_198 = arith.constant 0 : i32
      %cond3A_199 = arith.cmpi ne, %convert_element_type3A_197, %cond3A_198 : i32
      scf.if %cond3A_199 {
        %add3A_251 = arith.constant 1 : i32
        %add3A_252 = arith.addi %add3A_54, %add3A_251 : i32
        %mul3A_253 = arith.constant 5 : i32
        %mul3A_254 = arith.muli %add3A_252, %mul3A_253 : i32
        %add3A_255 = arith.constant 1 : i32
        %add3A_256 = arith.addi %mul3A_254, %add3A_255 : i32
        %mul3A_257 = arith.constant 40 : i32
        %mul3A_258 = arith.muli %add3A_256, %mul3A_257 : i32
        %add3A_259 = arith.addi %mul3A_2, %mul3A_258 : i32
        %multiple_of3A_260 = tpu.assume_multiple %add3A_259, 8 : i32
        "tpu.region"() ({
          %run_scoped3A = tpu.sem_alloc : memref<!tpu.dma_semaphore, #tpu.memory_space<semaphore_mem>>
          %dma_start3A_267 = tpu.memref_slice %arg4[%multiple_of3A_260] : memref<320000xi32, #tpu.memory_space<hbm>> -> memref<40xi32, #tpu.memory_space<hbm>>
          %dma_start3A_268 = tpu.memref_slice %arg4[%multiple_of3A_260] : memref<320000xi32, #tpu.memory_space<hbm>> -> memref<40xi32, #tpu.memory_space<hbm>>
          tpu.enqueue_dma source(%dma_start3A_268 : memref<40xi32, #tpu.memory_space<hbm>>) target(%arg8 : memref<40xi32, #tpu.memory_space<vmem>>) target_semaphore(%run_scoped3A : memref<!tpu.dma_semaphore, #tpu.memory_space<semaphore_mem>>)
          %dma_wait3A_269 = tpu.memref_slice %arg4[%multiple_of3A_260] : memref<320000xi32, #tpu.memory_space<hbm>> -> memref<40xi32, #tpu.memory_space<hbm>>
          %dma_wait3A_270 = tpu.memref_slice %arg4[%multiple_of3A_260] : memref<320000xi32, #tpu.memory_space<hbm>> -> memref<40xi32, #tpu.memory_space<hbm>>
          tpu.wait_dma2 semaphore(%run_scoped3A : memref<!tpu.dma_semaphore, #tpu.memory_space<semaphore_mem>>) src(%dma_wait3A_270 : memref<40xi32, #tpu.memory_space<hbm>>) dst(%arg8 : memref<40xi32, #tpu.memory_space<vmem>>)
          tpu.yield
        }) : () -> ()
        "tpu.region"() ({
          %run_scoped3A = tpu.sem_alloc : memref<!tpu.dma_semaphore, #tpu.memory_space<semaphore_mem>>
          %dma_start3A_267 = tpu.memref_slice %arg5[%multiple_of3A_260] : memref<320000xi32, #tpu.memory_space<hbm>> -> memref<40xi32, #tpu.memory_space<hbm>>
          %dma_start3A_268 = tpu.memref_slice %arg5[%multiple_of3A_260] : memref<320000xi32, #tpu.memory_space<hbm>> -> memref<40xi32, #tpu.memory_space<hbm>>
          tpu.enqueue_dma source(%dma_start3A_268 : memref<40xi32, #tpu.memory_space<hbm>>) target(%arg13 : memref<40xi32, #tpu.memory_space<vmem>>) target_semaphore(%run_scoped3A : memref<!tpu.dma_semaphore, #tpu.memory_space<semaphore_mem>>)
          %dma_wait3A_269 = tpu.memref_slice %arg5[%multiple_of3A_260] : memref<320000xi32, #tpu.memory_space<hbm>> -> memref<40xi32, #tpu.memory_space<hbm>>
          %dma_wait3A_270 = tpu.memref_slice %arg5[%multiple_of3A_260] : memref<320000xi32, #tpu.memory_space<hbm>> -> memref<40xi32, #tpu.memory_space<hbm>>
          tpu.wait_dma2 semaphore(%run_scoped3A : memref<!tpu.dma_semaphore, #tpu.memory_space<semaphore_mem>>) src(%dma_wait3A_270 : memref<40xi32, #tpu.memory_space<hbm>>) dst(%arg13 : memref<40xi32, #tpu.memory_space<vmem>>)
          tpu.yield
        }) : () -> ()
        %dma_start3A_261 = arith.constant 0 : i32
        %dma_start3A_262 = arith.constant 0 : i32
        %dma_start3A_263 = tpu.memref_slice %arg2[%dma_start3A_261, %dma_start3A_262] : memref<10000x128xf32, #tpu.memory_space<hbm>> -> memref<10000x128xf32, #tpu.memory_space<hbm>>
        tpu.enqueue_indirect_dma source(%dma_start3A_263 : memref<10000x128xf32, #tpu.memory_space<hbm>>) target(%arg18 : memref<40x128xf32, #tpu.memory_space<vmem>>) offsets(%arg8 : memref<40xi32, #tpu.memory_space<vmem>>) semaphore(%arg33 : memref<!tpu.dma_semaphore, #tpu.memory_space<semaphore_mem>>)
        %dma_start3A_264 = arith.constant 0 : i32
        %dma_start3A_265 = arith.constant 0 : i32
        %dma_start3A_266 = tpu.memref_slice %arg3[%dma_start3A_264, %dma_start3A_265] : memref<10000x128xf32, #tpu.memory_space<hbm>> -> memref<10000x128xf32, #tpu.memory_space<hbm>>
        tpu.enqueue_indirect_dma source(%dma_start3A_266 : memref<10000x128xf32, #tpu.memory_space<hbm>>) target(%arg23 : memref<40x128xf32, #tpu.memory_space<vmem>>) offsets(%arg13 : memref<40xi32, #tpu.memory_space<vmem>>) semaphore(%arg38 : memref<!tpu.dma_semaphore, #tpu.memory_space<semaphore_mem>>)
      } else {
      }
      %mul3A_200 = arith.constant 5 : i32
      %mul3A_201 = arith.muli %add3A_54, %mul3A_200 : i32
      %add3A_202 = arith.constant 2 : i32
      %add3A_203 = arith.addi %mul3A_201, %add3A_202 : i32
      %mul3A_204 = arith.constant 40 : i32
      %mul3A_205 = arith.muli %add3A_203, %mul3A_204 : i32
      %add3A_206 = arith.addi %mul3A_2, %mul3A_205 : i32
      %multiple_of3A_207 = tpu.assume_multiple %add3A_206, 8 : i32
      %dma_wait3A_208 = arith.constant 0 : i32
      %dma_wait3A_209 = tpu.memref_slice %arg6[%multiple_of3A_207, %dma_wait3A_208] : memref<320000x64xf32, #tpu.memory_space<hbm>> -> memref<40x64xf32, #tpu.memory_space<hbm>>
      %dma_wait3A_210 = arith.constant 0 : i32
      %dma_wait3A_211 = tpu.memref_slice %arg6[%multiple_of3A_207, %dma_wait3A_210] : memref<320000x64xf32, #tpu.memory_space<hbm>> -> memref<40x64xf32, #tpu.memory_space<hbm>>
      tpu.wait_dma2 semaphore(%arg44 : memref<!tpu.dma_semaphore, #tpu.memory_space<semaphore_mem>>) src(%arg29 : memref<40x64xf32, #tpu.memory_space<vmem>>) dst(%dma_wait3A_211 : memref<40x64xf32, #tpu.memory_space<hbm>>)
      %lt3A_212 = arith.constant 49 : i32
      %lt3A_213 = arith.cmpi slt, %add3A_54, %lt3A_212 : i32
      %convert_element_type3A_214 = arith.extui %lt3A_213 : i1 to i32
      %cond3A_215 = arith.constant 0 : i32
      %cond3A_216 = arith.cmpi ne, %convert_element_type3A_214, %cond3A_215 : i32
      scf.if %cond3A_216 {
        %add3A_251 = arith.constant 1 : i32
        %add3A_252 = arith.addi %add3A_54, %add3A_251 : i32
        %mul3A_253 = arith.constant 5 : i32
        %mul3A_254 = arith.muli %add3A_252, %mul3A_253 : i32
        %add3A_255 = arith.constant 2 : i32
        %add3A_256 = arith.addi %mul3A_254, %add3A_255 : i32
        %mul3A_257 = arith.constant 40 : i32
        %mul3A_258 = arith.muli %add3A_256, %mul3A_257 : i32
        %add3A_259 = arith.addi %mul3A_2, %mul3A_258 : i32
        %multiple_of3A_260 = tpu.assume_multiple %add3A_259, 8 : i32
        "tpu.region"() ({
          %run_scoped3A = tpu.sem_alloc : memref<!tpu.dma_semaphore, #tpu.memory_space<semaphore_mem>>
          %dma_start3A_267 = tpu.memref_slice %arg4[%multiple_of3A_260] : memref<320000xi32, #tpu.memory_space<hbm>> -> memref<40xi32, #tpu.memory_space<hbm>>
          %dma_start3A_268 = tpu.memref_slice %arg4[%multiple_of3A_260] : memref<320000xi32, #tpu.memory_space<hbm>> -> memref<40xi32, #tpu.memory_space<hbm>>
          tpu.enqueue_dma source(%dma_start3A_268 : memref<40xi32, #tpu.memory_space<hbm>>) target(%arg9 : memref<40xi32, #tpu.memory_space<vmem>>) target_semaphore(%run_scoped3A : memref<!tpu.dma_semaphore, #tpu.memory_space<semaphore_mem>>)
          %dma_wait3A_269 = tpu.memref_slice %arg4[%multiple_of3A_260] : memref<320000xi32, #tpu.memory_space<hbm>> -> memref<40xi32, #tpu.memory_space<hbm>>
          %dma_wait3A_270 = tpu.memref_slice %arg4[%multiple_of3A_260] : memref<320000xi32, #tpu.memory_space<hbm>> -> memref<40xi32, #tpu.memory_space<hbm>>
          tpu.wait_dma2 semaphore(%run_scoped3A : memref<!tpu.dma_semaphore, #tpu.memory_space<semaphore_mem>>) src(%dma_wait3A_270 : memref<40xi32, #tpu.memory_space<hbm>>) dst(%arg9 : memref<40xi32, #tpu.memory_space<vmem>>)
          tpu.yield
        }) : () -> ()
        "tpu.region"() ({
          %run_scoped3A = tpu.sem_alloc : memref<!tpu.dma_semaphore, #tpu.memory_space<semaphore_mem>>
          %dma_start3A_267 = tpu.memref_slice %arg5[%multiple_of3A_260] : memref<320000xi32, #tpu.memory_space<hbm>> -> memref<40xi32, #tpu.memory_space<hbm>>
          %dma_start3A_268 = tpu.memref_slice %arg5[%multiple_of3A_260] : memref<320000xi32, #tpu.memory_space<hbm>> -> memref<40xi32, #tpu.memory_space<hbm>>
          tpu.enqueue_dma source(%dma_start3A_268 : memref<40xi32, #tpu.memory_space<hbm>>) target(%arg14 : memref<40xi32, #tpu.memory_space<vmem>>) target_semaphore(%run_scoped3A : memref<!tpu.dma_semaphore, #tpu.memory_space<semaphore_mem>>)
          %dma_wait3A_269 = tpu.memref_slice %arg5[%multiple_of3A_260] : memref<320000xi32, #tpu.memory_space<hbm>> -> memref<40xi32, #tpu.memory_space<hbm>>
          %dma_wait3A_270 = tpu.memref_slice %arg5[%multiple_of3A_260] : memref<320000xi32, #tpu.memory_space<hbm>> -> memref<40xi32, #tpu.memory_space<hbm>>
          tpu.wait_dma2 semaphore(%run_scoped3A : memref<!tpu.dma_semaphore, #tpu.memory_space<semaphore_mem>>) src(%dma_wait3A_270 : memref<40xi32, #tpu.memory_space<hbm>>) dst(%arg14 : memref<40xi32, #tpu.memory_space<vmem>>)
          tpu.yield
        }) : () -> ()
        %dma_start3A_261 = arith.constant 0 : i32
        %dma_start3A_262 = arith.constant 0 : i32
        %dma_start3A_263 = tpu.memref_slice %arg2[%dma_start3A_261, %dma_start3A_262] : memref<10000x128xf32, #tpu.memory_space<hbm>> -> memref<10000x128xf32, #tpu.memory_space<hbm>>
        tpu.enqueue_indirect_dma source(%dma_start3A_263 : memref<10000x128xf32, #tpu.memory_space<hbm>>) target(%arg19 : memref<40x128xf32, #tpu.memory_space<vmem>>) offsets(%arg9 : memref<40xi32, #tpu.memory_space<vmem>>) semaphore(%arg34 : memref<!tpu.dma_semaphore, #tpu.memory_space<semaphore_mem>>)
        %dma_start3A_264 = arith.constant 0 : i32
        %dma_start3A_265 = arith.constant 0 : i32
        %dma_start3A_266 = tpu.memref_slice %arg3[%dma_start3A_264, %dma_start3A_265] : memref<10000x128xf32, #tpu.memory_space<hbm>> -> memref<10000x128xf32, #tpu.memory_space<hbm>>
        tpu.enqueue_indirect_dma source(%dma_start3A_266 : memref<10000x128xf32, #tpu.memory_space<hbm>>) target(%arg24 : memref<40x128xf32, #tpu.memory_space<vmem>>) offsets(%arg14 : memref<40xi32, #tpu.memory_space<vmem>>) semaphore(%arg39 : memref<!tpu.dma_semaphore, #tpu.memory_space<semaphore_mem>>)
      } else {
      }
      %mul3A_217 = arith.constant 5 : i32
      %mul3A_218 = arith.muli %add3A_54, %mul3A_217 : i32
      %add3A_219 = arith.constant 3 : i32
      %add3A_220 = arith.addi %mul3A_218, %add3A_219 : i32
      %mul3A_221 = arith.constant 40 : i32
      %mul3A_222 = arith.muli %add3A_220, %mul3A_221 : i32
      %add3A_223 = arith.addi %mul3A_2, %mul3A_222 : i32
      %multiple_of3A_224 = tpu.assume_multiple %add3A_223, 8 : i32
      %dma_wait3A_225 = arith.constant 0 : i32
      %dma_wait3A_226 = tpu.memref_slice %arg6[%multiple_of3A_224, %dma_wait3A_225] : memref<320000x64xf32, #tpu.memory_space<hbm>> -> memref<40x64xf32, #tpu.memory_space<hbm>>
      %dma_wait3A_227 = arith.constant 0 : i32
      %dma_wait3A_228 = tpu.memref_slice %arg6[%multiple_of3A_224, %dma_wait3A_227] : memref<320000x64xf32, #tpu.memory_space<hbm>> -> memref<40x64xf32, #tpu.memory_space<hbm>>
      tpu.wait_dma2 semaphore(%arg45 : memref<!tpu.dma_semaphore, #tpu.memory_space<semaphore_mem>>) src(%arg30 : memref<40x64xf32, #tpu.memory_space<vmem>>) dst(%dma_wait3A_228 : memref<40x64xf32, #tpu.memory_space<hbm>>)
      %lt3A_229 = arith.constant 49 : i32
      %lt3A_230 = arith.cmpi slt, %add3A_54, %lt3A_229 : i32
      %convert_element_type3A_231 = arith.extui %lt3A_230 : i1 to i32
      %cond3A_232 = arith.constant 0 : i32
      %cond3A_233 = arith.cmpi ne, %convert_element_type3A_231, %cond3A_232 : i32
      scf.if %cond3A_233 {
        %add3A_251 = arith.constant 1 : i32
        %add3A_252 = arith.addi %add3A_54, %add3A_251 : i32
        %mul3A_253 = arith.constant 5 : i32
        %mul3A_254 = arith.muli %add3A_252, %mul3A_253 : i32
        %add3A_255 = arith.constant 3 : i32
        %add3A_256 = arith.addi %mul3A_254, %add3A_255 : i32
        %mul3A_257 = arith.constant 40 : i32
        %mul3A_258 = arith.muli %add3A_256, %mul3A_257 : i32
        %add3A_259 = arith.addi %mul3A_2, %mul3A_258 : i32
        %multiple_of3A_260 = tpu.assume_multiple %add3A_259, 8 : i32
        "tpu.region"() ({
          %run_scoped3A = tpu.sem_alloc : memref<!tpu.dma_semaphore, #tpu.memory_space<semaphore_mem>>
          %dma_start3A_267 = tpu.memref_slice %arg4[%multiple_of3A_260] : memref<320000xi32, #tpu.memory_space<hbm>> -> memref<40xi32, #tpu.memory_space<hbm>>
          %dma_start3A_268 = tpu.memref_slice %arg4[%multiple_of3A_260] : memref<320000xi32, #tpu.memory_space<hbm>> -> memref<40xi32, #tpu.memory_space<hbm>>
          tpu.enqueue_dma source(%dma_start3A_268 : memref<40xi32, #tpu.memory_space<hbm>>) target(%arg10 : memref<40xi32, #tpu.memory_space<vmem>>) target_semaphore(%run_scoped3A : memref<!tpu.dma_semaphore, #tpu.memory_space<semaphore_mem>>)
          %dma_wait3A_269 = tpu.memref_slice %arg4[%multiple_of3A_260] : memref<320000xi32, #tpu.memory_space<hbm>> -> memref<40xi32, #tpu.memory_space<hbm>>
          %dma_wait3A_270 = tpu.memref_slice %arg4[%multiple_of3A_260] : memref<320000xi32, #tpu.memory_space<hbm>> -> memref<40xi32, #tpu.memory_space<hbm>>
          tpu.wait_dma2 semaphore(%run_scoped3A : memref<!tpu.dma_semaphore, #tpu.memory_space<semaphore_mem>>) src(%dma_wait3A_270 : memref<40xi32, #tpu.memory_space<hbm>>) dst(%arg10 : memref<40xi32, #tpu.memory_space<vmem>>)
          tpu.yield
        }) : () -> ()
        "tpu.region"() ({
          %run_scoped3A = tpu.sem_alloc : memref<!tpu.dma_semaphore, #tpu.memory_space<semaphore_mem>>
          %dma_start3A_267 = tpu.memref_slice %arg5[%multiple_of3A_260] : memref<320000xi32, #tpu.memory_space<hbm>> -> memref<40xi32, #tpu.memory_space<hbm>>
          %dma_start3A_268 = tpu.memref_slice %arg5[%multiple_of3A_260] : memref<320000xi32, #tpu.memory_space<hbm>> -> memref<40xi32, #tpu.memory_space<hbm>>
          tpu.enqueue_dma source(%dma_start3A_268 : memref<40xi32, #tpu.memory_space<hbm>>) target(%arg15 : memref<40xi32, #tpu.memory_space<vmem>>) target_semaphore(%run_scoped3A : memref<!tpu.dma_semaphore, #tpu.memory_space<semaphore_mem>>)
          %dma_wait3A_269 = tpu.memref_slice %arg5[%multiple_of3A_260] : memref<320000xi32, #tpu.memory_space<hbm>> -> memref<40xi32, #tpu.memory_space<hbm>>
          %dma_wait3A_270 = tpu.memref_slice %arg5[%multiple_of3A_260] : memref<320000xi32, #tpu.memory_space<hbm>> -> memref<40xi32, #tpu.memory_space<hbm>>
          tpu.wait_dma2 semaphore(%run_scoped3A : memref<!tpu.dma_semaphore, #tpu.memory_space<semaphore_mem>>) src(%dma_wait3A_270 : memref<40xi32, #tpu.memory_space<hbm>>) dst(%arg15 : memref<40xi32, #tpu.memory_space<vmem>>)
          tpu.yield
        }) : () -> ()
        %dma_start3A_261 = arith.constant 0 : i32
        %dma_start3A_262 = arith.constant 0 : i32
        %dma_start3A_263 = tpu.memref_slice %arg2[%dma_start3A_261, %dma_start3A_262] : memref<10000x128xf32, #tpu.memory_space<hbm>> -> memref<10000x128xf32, #tpu.memory_space<hbm>>
        tpu.enqueue_indirect_dma source(%dma_start3A_263 : memref<10000x128xf32, #tpu.memory_space<hbm>>) target(%arg20 : memref<40x128xf32, #tpu.memory_space<vmem>>) offsets(%arg10 : memref<40xi32, #tpu.memory_space<vmem>>) semaphore(%arg35 : memref<!tpu.dma_semaphore, #tpu.memory_space<semaphore_mem>>)
        %dma_start3A_264 = arith.constant 0 : i32
        %dma_start3A_265 = arith.constant 0 : i32
        %dma_start3A_266 = tpu.memref_slice %arg3[%dma_start3A_264, %dma_start3A_265] : memref<10000x128xf32, #tpu.memory_space<hbm>> -> memref<10000x128xf32, #tpu.memory_space<hbm>>
        tpu.enqueue_indirect_dma source(%dma_start3A_266 : memref<10000x128xf32, #tpu.memory_space<hbm>>) target(%arg25 : memref<40x128xf32, #tpu.memory_space<vmem>>) offsets(%arg15 : memref<40xi32, #tpu.memory_space<vmem>>) semaphore(%arg40 : memref<!tpu.dma_semaphore, #tpu.memory_space<semaphore_mem>>)
      } else {
      }
      %mul3A_234 = arith.constant 5 : i32
      %mul3A_235 = arith.muli %add3A_54, %mul3A_234 : i32
      %add3A_236 = arith.constant 4 : i32
      %add3A_237 = arith.addi %mul3A_235, %add3A_236 : i32
      %mul3A_238 = arith.constant 40 : i32
      %mul3A_239 = arith.muli %add3A_237, %mul3A_238 : i32
      %add3A_240 = arith.addi %mul3A_2, %mul3A_239 : i32
      %multiple_of3A_241 = tpu.assume_multiple %add3A_240, 8 : i32
      %dma_wait3A_242 = arith.constant 0 : i32
      %dma_wait3A_243 = tpu.memref_slice %arg6[%multiple_of3A_241, %dma_wait3A_242] : memref<320000x64xf32, #tpu.memory_space<hbm>> -> memref<40x64xf32, #tpu.memory_space<hbm>>
      %dma_wait3A_244 = arith.constant 0 : i32
      %dma_wait3A_245 = tpu.memref_slice %arg6[%multiple_of3A_241, %dma_wait3A_244] : memref<320000x64xf32, #tpu.memory_space<hbm>> -> memref<40x64xf32, #tpu.memory_space<hbm>>
      tpu.wait_dma2 semaphore(%arg46 : memref<!tpu.dma_semaphore, #tpu.memory_space<semaphore_mem>>) src(%arg31 : memref<40x64xf32, #tpu.memory_space<vmem>>) dst(%dma_wait3A_245 : memref<40x64xf32, #tpu.memory_space<hbm>>)
      %lt3A_246 = arith.constant 49 : i32
      %lt3A_247 = arith.cmpi slt, %add3A_54, %lt3A_246 : i32
      %convert_element_type3A_248 = arith.extui %lt3A_247 : i1 to i32
      %cond3A_249 = arith.constant 0 : i32
      %cond3A_250 = arith.cmpi ne, %convert_element_type3A_248, %cond3A_249 : i32
      scf.if %cond3A_250 {
        %add3A_251 = arith.constant 1 : i32
        %add3A_252 = arith.addi %add3A_54, %add3A_251 : i32
        %mul3A_253 = arith.constant 5 : i32
        %mul3A_254 = arith.muli %add3A_252, %mul3A_253 : i32
        %add3A_255 = arith.constant 4 : i32
        %add3A_256 = arith.addi %mul3A_254, %add3A_255 : i32
        %mul3A_257 = arith.constant 40 : i32
        %mul3A_258 = arith.muli %add3A_256, %mul3A_257 : i32
        %add3A_259 = arith.addi %mul3A_2, %mul3A_258 : i32
        %multiple_of3A_260 = tpu.assume_multiple %add3A_259, 8 : i32
        "tpu.region"() ({
          %run_scoped3A = tpu.sem_alloc : memref<!tpu.dma_semaphore, #tpu.memory_space<semaphore_mem>>
          %dma_start3A_267 = tpu.memref_slice %arg4[%multiple_of3A_260] : memref<320000xi32, #tpu.memory_space<hbm>> -> memref<40xi32, #tpu.memory_space<hbm>>
          %dma_start3A_268 = tpu.memref_slice %arg4[%multiple_of3A_260] : memref<320000xi32, #tpu.memory_space<hbm>> -> memref<40xi32, #tpu.memory_space<hbm>>
          tpu.enqueue_dma source(%dma_start3A_268 : memref<40xi32, #tpu.memory_space<hbm>>) target(%arg11 : memref<40xi32, #tpu.memory_space<vmem>>) target_semaphore(%run_scoped3A : memref<!tpu.dma_semaphore, #tpu.memory_space<semaphore_mem>>)
          %dma_wait3A_269 = tpu.memref_slice %arg4[%multiple_of3A_260] : memref<320000xi32, #tpu.memory_space<hbm>> -> memref<40xi32, #tpu.memory_space<hbm>>
          %dma_wait3A_270 = tpu.memref_slice %arg4[%multiple_of3A_260] : memref<320000xi32, #tpu.memory_space<hbm>> -> memref<40xi32, #tpu.memory_space<hbm>>
          tpu.wait_dma2 semaphore(%run_scoped3A : memref<!tpu.dma_semaphore, #tpu.memory_space<semaphore_mem>>) src(%dma_wait3A_270 : memref<40xi32, #tpu.memory_space<hbm>>) dst(%arg11 : memref<40xi32, #tpu.memory_space<vmem>>)
          tpu.yield
        }) : () -> ()
        "tpu.region"() ({
          %run_scoped3A = tpu.sem_alloc : memref<!tpu.dma_semaphore, #tpu.memory_space<semaphore_mem>>
          %dma_start3A_267 = tpu.memref_slice %arg5[%multiple_of3A_260] : memref<320000xi32, #tpu.memory_space<hbm>> -> memref<40xi32, #tpu.memory_space<hbm>>
          %dma_start3A_268 = tpu.memref_slice %arg5[%multiple_of3A_260] : memref<320000xi32, #tpu.memory_space<hbm>> -> memref<40xi32, #tpu.memory_space<hbm>>
          tpu.enqueue_dma source(%dma_start3A_268 : memref<40xi32, #tpu.memory_space<hbm>>) target(%arg16 : memref<40xi32, #tpu.memory_space<vmem>>) target_semaphore(%run_scoped3A : memref<!tpu.dma_semaphore, #tpu.memory_space<semaphore_mem>>)
          %dma_wait3A_269 = tpu.memref_slice %arg5[%multiple_of3A_260] : memref<320000xi32, #tpu.memory_space<hbm>> -> memref<40xi32, #tpu.memory_space<hbm>>
          %dma_wait3A_270 = tpu.memref_slice %arg5[%multiple_of3A_260] : memref<320000xi32, #tpu.memory_space<hbm>> -> memref<40xi32, #tpu.memory_space<hbm>>
          tpu.wait_dma2 semaphore(%run_scoped3A : memref<!tpu.dma_semaphore, #tpu.memory_space<semaphore_mem>>) src(%dma_wait3A_270 : memref<40xi32, #tpu.memory_space<hbm>>) dst(%arg16 : memref<40xi32, #tpu.memory_space<vmem>>)
          tpu.yield
        }) : () -> ()
        %dma_start3A_261 = arith.constant 0 : i32
        %dma_start3A_262 = arith.constant 0 : i32
        %dma_start3A_263 = tpu.memref_slice %arg2[%dma_start3A_261, %dma_start3A_262] : memref<10000x128xf32, #tpu.memory_space<hbm>> -> memref<10000x128xf32, #tpu.memory_space<hbm>>
        tpu.enqueue_indirect_dma source(%dma_start3A_263 : memref<10000x128xf32, #tpu.memory_space<hbm>>) target(%arg21 : memref<40x128xf32, #tpu.memory_space<vmem>>) offsets(%arg11 : memref<40xi32, #tpu.memory_space<vmem>>) semaphore(%arg36 : memref<!tpu.dma_semaphore, #tpu.memory_space<semaphore_mem>>)
        %dma_start3A_264 = arith.constant 0 : i32
        %dma_start3A_265 = arith.constant 0 : i32
        %dma_start3A_266 = tpu.memref_slice %arg3[%dma_start3A_264, %dma_start3A_265] : memref<10000x128xf32, #tpu.memory_space<hbm>> -> memref<10000x128xf32, #tpu.memory_space<hbm>>
        tpu.enqueue_indirect_dma source(%dma_start3A_266 : memref<10000x128xf32, #tpu.memory_space<hbm>>) target(%arg26 : memref<40x128xf32, #tpu.memory_space<vmem>>) offsets(%arg16 : memref<40xi32, #tpu.memory_space<vmem>>) semaphore(%arg41 : memref<!tpu.dma_semaphore, #tpu.memory_space<semaphore_mem>>)
      } else {
      }
    }
    %scan3A_49 = arith.constant 50 : i32
    return
  }
}

#map = affine_map<(d0, d1) -> (0)>
#map1 = affine_map<(d0, d1) -> (0, 0)>
module attributes {stable_mosaic.version = 14 : i64} {
  func.func @_hist_body(%arg0: i32, %arg1: i32, %arg2: memref<320000xi32, #tpu.memory_space<hbm>>, %arg3: memref<10240xf32, #tpu.memory_space<hbm>>, %arg4: memref<2x10240xf32, #tpu.memory_space<hbm>>, %arg5: memref<80xi32, #tpu.memory_space<vmem>>, %arg6: memref<80xf32, #tpu.memory_space<vmem>>, %arg7: memref<10240xf32, #tpu.memory_space<vmem_shared>>, %arg8: memref<!tpu.dma_semaphore, #tpu.memory_space<semaphore_mem>>) attributes {dimension_semantics = [#tpu.dimension_semantics<core_parallel>, #tpu.dimension_semantics<subcore_parallel>], iteration_bounds = array<i64: 2, 16>, scalar_prefetch = 0 : i64, scratch_operands = 4 : i64, tpu.core_type = #tpu.core_type<sc_vector_subcore>, window_params = [{transform_indices = #map}, {transform_indices = #map}, {transform_indices = #map1}]} {
    %mul3A = arith.constant 2 : i32
    %mul3A_0 = arith.muli %arg1, %mul3A : i32
    %add3A = arith.addi %mul3A_0, %arg0 : i32
    %broadcast_in_dim3A = arith.constant 1.000000e+00 : f32
    %broadcast_in_dim3A_1 = vector.broadcast %broadcast_in_dim3A : f32 to vector<16xf32>
    %swap3A = arith.constant 0 : index
    %swap3A_2 = tpu.vector_load %arg6[%swap3A] {strides = array<i32>} : memref<80xf32, #tpu.memory_space<vmem>>, vector<16xf32>,
    %swap3A_3 = vector.shape_cast %swap3A_2 : vector<16xf32> to vector<16xf32>
    %swap3A_4 = vector.shape_cast %broadcast_in_dim3A_1 : vector<16xf32> to vector<16xf32>
    tpu.vector_store %arg6[%swap3A], %swap3A_4 {strides = array<i32>} : memref<80xf32, #tpu.memory_space<vmem>>, vector<16xf32>,
    %broadcast_in_dim3A_5 = arith.constant 1.000000e+00 : f32
    %broadcast_in_dim3A_6 = vector.broadcast %broadcast_in_dim3A_5 : f32 to vector<16xf32>
    %swap3A_7 = arith.constant 16 : index
    %swap3A_8 = tpu.vector_load %arg6[%swap3A_7] {strides = array<i32>} : memref<80xf32, #tpu.memory_space<vmem>>, vector<16xf32>,
    %swap3A_9 = vector.shape_cast %swap3A_8 : vector<16xf32> to vector<16xf32>
    %swap3A_10 = vector.shape_cast %broadcast_in_dim3A_6 : vector<16xf32> to vector<16xf32>
    tpu.vector_store %arg6[%swap3A_7], %swap3A_10 {strides = array<i32>} : memref<80xf32, #tpu.memory_space<vmem>>, vector<16xf32>,
    %broadcast_in_dim3A_11 = arith.constant 1.000000e+00 : f32
    %broadcast_in_dim3A_12 = vector.broadcast %broadcast_in_dim3A_11 : f32 to vector<16xf32>
    %swap3A_13 = arith.constant 32 : index
    %swap3A_14 = tpu.vector_load %arg6[%swap3A_13] {strides = array<i32>} : memref<80xf32, #tpu.memory_space<vmem>>, vector<16xf32>,
    %swap3A_15 = vector.shape_cast %swap3A_14 : vector<16xf32> to vector<16xf32>
    %swap3A_16 = vector.shape_cast %broadcast_in_dim3A_12 : vector<16xf32> to vector<16xf32>
    tpu.vector_store %arg6[%swap3A_13], %swap3A_16 {strides = array<i32>} : memref<80xf32, #tpu.memory_space<vmem>>, vector<16xf32>,
    %broadcast_in_dim3A_17 = arith.constant 1.000000e+00 : f32
    %broadcast_in_dim3A_18 = vector.broadcast %broadcast_in_dim3A_17 : f32 to vector<16xf32>
    %swap3A_19 = arith.constant 48 : index
    %swap3A_20 = tpu.vector_load %arg6[%swap3A_19] {strides = array<i32>} : memref<80xf32, #tpu.memory_space<vmem>>, vector<16xf32>,
    %swap3A_21 = vector.shape_cast %swap3A_20 : vector<16xf32> to vector<16xf32>
    %swap3A_22 = vector.shape_cast %broadcast_in_dim3A_18 : vector<16xf32> to vector<16xf32>
    tpu.vector_store %arg6[%swap3A_19], %swap3A_22 {strides = array<i32>} : memref<80xf32, #tpu.memory_space<vmem>>, vector<16xf32>,
    %broadcast_in_dim3A_23 = arith.constant 1.000000e+00 : f32
    %broadcast_in_dim3A_24 = vector.broadcast %broadcast_in_dim3A_23 : f32 to vector<16xf32>
    %swap3A_25 = arith.constant 64 : index
    %swap3A_26 = tpu.vector_load %arg6[%swap3A_25] {strides = array<i32>} : memref<80xf32, #tpu.memory_space<vmem>>, vector<16xf32>,
    %swap3A_27 = vector.shape_cast %swap3A_26 : vector<16xf32> to vector<16xf32>
    %swap3A_28 = vector.shape_cast %broadcast_in_dim3A_24 : vector<16xf32> to vector<16xf32>
    tpu.vector_store %arg6[%swap3A_25], %swap3A_28 {strides = array<i32>} : memref<80xf32, #tpu.memory_space<vmem>>, vector<16xf32>,
    %eq3A = arith.constant 0 : i32
    %eq3A_29 = arith.cmpi eq, %arg1, %eq3A : i32
    %convert_element_type3A = arith.extui %eq3A_29 : i1 to i32
    %cond3A = arith.constant 0 : i32
    %cond3A_30 = arith.cmpi ne, %convert_element_type3A, %cond3A : i32
    scf.if %cond3A_30 {
      "tpu.region"() ({
        %run_scoped3A = tpu.sem_alloc : memref<!tpu.dma_semaphore, #tpu.memory_space<semaphore_mem>>
        tpu.enqueue_dma source(%arg3 : memref<10240xf32, #tpu.memory_space<hbm>>) target(%arg7 : memref<10240xf32, #tpu.memory_space<vmem_shared>>) target_semaphore(%run_scoped3A : memref<!tpu.dma_semaphore, #tpu.memory_space<semaphore_mem>>)
        tpu.wait_dma2 semaphore(%run_scoped3A : memref<!tpu.dma_semaphore, #tpu.memory_space<semaphore_mem>>) src(%arg3 : memref<10240xf32, #tpu.memory_space<hbm>>) dst(%arg7 : memref<10240xf32, #tpu.memory_space<vmem_shared>>)
        tpu.yield
      }) : () -> ()
    } else {
    }
    %barrier3A = arith.constant 0 : index
    tpu.barrier barrier_id(%barrier3A)
    %mul3A_31 = arith.constant 10000 : i32
    %mul3A_32 = arith.muli %add3A, %mul3A_31 : i32
    %scan3A = arith.constant 0 : i32
    %scan3A_33 = arith.constant 125 : i32
    %scan3A_34 = arith.addi %scan3A, %scan3A_33 : i32
    %scan3A_35 = arith.constant 1 : i32
    scf.for %scan3A_40 = %scan3A to %scan3A_34 step %scan3A_35  : i32 {
      %mul3A_41 = arith.constant 1 : i32
      %mul3A_42 = arith.muli %scan3A_40, %mul3A_41 : i32
      %add3A_43 = arith.constant 0 : i32
      %add3A_44 = arith.addi %add3A_43, %mul3A_42 : i32
      %mul3A_45 = arith.constant 80 : i32
      %mul3A_46 = arith.muli %add3A_44, %mul3A_45 : i32
      %add3A_47 = arith.addi %mul3A_32, %mul3A_46 : i32
      %multiple_of3A = tpu.assume_multiple %add3A_47, 8 : i32
      "tpu.region"() ({
        %run_scoped3A = tpu.sem_alloc : memref<!tpu.dma_semaphore, #tpu.memory_space<semaphore_mem>>
        %dma_start3A = tpu.memref_slice %arg2[%multiple_of3A] : memref<320000xi32, #tpu.memory_space<hbm>> -> memref<80xi32, #tpu.memory_space<hbm>>
        %dma_start3A_48 = tpu.memref_slice %arg2[%multiple_of3A] : memref<320000xi32, #tpu.memory_space<hbm>> -> memref<80xi32, #tpu.memory_space<hbm>>
        tpu.enqueue_dma source(%dma_start3A_48 : memref<80xi32, #tpu.memory_space<hbm>>) target(%arg5 : memref<80xi32, #tpu.memory_space<vmem>>) target_semaphore(%run_scoped3A : memref<!tpu.dma_semaphore, #tpu.memory_space<semaphore_mem>>)
        %dma_wait3A = tpu.memref_slice %arg2[%multiple_of3A] : memref<320000xi32, #tpu.memory_space<hbm>> -> memref<80xi32, #tpu.memory_space<hbm>>
        %dma_wait3A_49 = tpu.memref_slice %arg2[%multiple_of3A] : memref<320000xi32, #tpu.memory_space<hbm>> -> memref<80xi32, #tpu.memory_space<hbm>>
        tpu.wait_dma2 semaphore(%run_scoped3A : memref<!tpu.dma_semaphore, #tpu.memory_space<semaphore_mem>>) src(%dma_wait3A_49 : memref<80xi32, #tpu.memory_space<hbm>>) dst(%arg5 : memref<80xi32, #tpu.memory_space<vmem>>)
        tpu.yield
      }) : () -> ()
      "tpu.region"() ({
        %run_scoped3A = tpu.sem_alloc : memref<!tpu.dma_semaphore, #tpu.memory_space<semaphore_mem>>
        %dma_start3A = arith.constant 0 : i32
        %dma_start3A_48 = tpu.memref_slice %arg7[%dma_start3A] : memref<10240xf32, #tpu.memory_space<vmem_shared>> -> memref<10240xf32, #tpu.memory_space<vmem_shared>>
        tpu.enqueue_indirect_dma source(%arg6 : memref<80xf32, #tpu.memory_space<vmem>>) target(%dma_start3A_48 : memref<10240xf32, #tpu.memory_space<vmem_shared>>) offsets(%arg5 : memref<80xi32, #tpu.memory_space<vmem>>) semaphore(%run_scoped3A : memref<!tpu.dma_semaphore, #tpu.memory_space<semaphore_mem>>) {add = true}
        %dma_wait3A = arith.constant 0 : i32
        %dma_wait3A_49 = tpu.memref_slice %arg7[%dma_wait3A] : memref<10240xf32, #tpu.memory_space<vmem_shared>> -> memref<10240xf32, #tpu.memory_space<vmem_shared>>
        tpu.wait_indirect_dma semaphore(%run_scoped3A : memref<!tpu.dma_semaphore, #tpu.memory_space<semaphore_mem>>) src(%arg6 : memref<80xf32, #tpu.memory_space<vmem>>) dst(%dma_wait3A_49 : memref<10240xf32, #tpu.memory_space<vmem_shared>>)
        tpu.yield
      }) : () -> ()
    }
    %scan3A_36 = arith.constant 125 : i32
    %barrier3A_37 = arith.constant 0 : index
    tpu.barrier barrier_id(%barrier3A_37)
    %mul3A_38 = arith.constant 640 : i32
    %mul3A_39 = arith.muli %arg1, %mul3A_38 : i32
    "tpu.region"() ({
      %run_scoped3A = tpu.sem_alloc : memref<!tpu.dma_semaphore, #tpu.memory_space<semaphore_mem>>
      %dma_start3A = tpu.memref_slice %arg4[%arg0, %mul3A_39] : memref<2x10240xf32, #tpu.memory_space<hbm>> -> memref<1x640xf32, #tpu.memory_space<hbm>>
      %dma_start3A_40 = tpu.memref_squeeze %dma_start3A : memref<1x640xf32, #tpu.memory_space<hbm>> -> memref<640xf32, #tpu.memory_space<hbm>>
      %dma_start3A_41 = tpu.memref_slice %arg7[%mul3A_39] : memref<10240xf32, #tpu.memory_space<vmem_shared>> -> memref<640xf32, #tpu.memory_space<vmem_shared>>
      tpu.enqueue_dma source(%dma_start3A_41 : memref<640xf32, #tpu.memory_space<vmem_shared>>) target(%dma_start3A_40 : memref<640xf32, #tpu.memory_space<hbm>>) target_semaphore(%run_scoped3A : memref<!tpu.dma_semaphore, #tpu.memory_space<semaphore_mem>>)
      %dma_wait3A = tpu.memref_slice %arg4[%arg0, %mul3A_39] : memref<2x10240xf32, #tpu.memory_space<hbm>> -> memref<1x640xf32, #tpu.memory_space<hbm>>
      %dma_wait3A_42 = tpu.memref_squeeze %dma_wait3A : memref<1x640xf32, #tpu.memory_space<hbm>> -> memref<640xf32, #tpu.memory_space<hbm>>
      %dma_wait3A_43 = tpu.memref_slice %arg7[%mul3A_39] : memref<10240xf32, #tpu.memory_space<vmem_shared>> -> memref<640xf32, #tpu.memory_space<vmem_shared>>
      tpu.wait_dma2 semaphore(%run_scoped3A : memref<!tpu.dma_semaphore, #tpu.memory_space<semaphore_mem>>) src(%dma_wait3A_43 : memref<640xf32, #tpu.memory_space<vmem_shared>>) dst(%dma_wait3A_42 : memref<640xf32, #tpu.memory_space<hbm>>)
      tpu.yield
    }) : () -> ()
    return
  }
}

#map = affine_map<(d0, d1) -> (0, 0)>
#map1 = affine_map<(d0, d1) -> (0)>
#map2 = affine_map<(d0, d1) -> (0, 0, 0)>
module attributes {stable_mosaic.version = 14 : i64} {
  func.func @_segsum_body(%arg0: i32, %arg1: i32, %arg2: memref<10000x128xf32, #tpu.memory_space<hbm>>, %arg3: memref<320000xi32, #tpu.memory_space<hbm>>, %arg4: memref<320000xi32, #tpu.memory_space<hbm>>, %arg5: memref<10240x128xf32, #tpu.memory_space<hbm>>, %arg6: memref<2x10240x128xf32, #tpu.memory_space<hbm>>, %arg7: memref<40xi32, #tpu.memory_space<vmem>>, %arg8: memref<40xi32, #tpu.memory_space<vmem>>, %arg9: memref<40xi32, #tpu.memory_space<vmem>>, %arg10: memref<40xi32, #tpu.memory_space<vmem>>, %arg11: memref<40xi32, #tpu.memory_space<vmem>>, %arg12: memref<40xi32, #tpu.memory_space<vmem>>, %arg13: memref<40xi32, #tpu.memory_space<vmem>>, %arg14: memref<40xi32, #tpu.memory_space<vmem>>, %arg15: memref<40xi32, #tpu.memory_space<vmem>>, %arg16: memref<40xi32, #tpu.memory_space<vmem>>, %arg17: memref<40x128xf32, #tpu.memory_space<vmem>>, %arg18: memref<40x128xf32, #tpu.memory_space<vmem>>, %arg19: memref<40x128xf32, #tpu.memory_space<vmem>>, %arg20: memref<40x128xf32, #tpu.memory_space<vmem>>, %arg21: memref<40x128xf32, #tpu.memory_space<vmem>>, %arg22: memref<10240x128xf32, #tpu.memory_space<vmem_shared>>, %arg23: memref<!tpu.dma_semaphore, #tpu.memory_space<semaphore_mem>>, %arg24: memref<!tpu.dma_semaphore, #tpu.memory_space<semaphore_mem>>, %arg25: memref<!tpu.dma_semaphore, #tpu.memory_space<semaphore_mem>>, %arg26: memref<!tpu.dma_semaphore, #tpu.memory_space<semaphore_mem>>, %arg27: memref<!tpu.dma_semaphore, #tpu.memory_space<semaphore_mem>>, %arg28: memref<!tpu.dma_semaphore, #tpu.memory_space<semaphore_mem>>, %arg29: memref<!tpu.dma_semaphore, #tpu.memory_space<semaphore_mem>>, %arg30: memref<!tpu.dma_semaphore, #tpu.memory_space<semaphore_mem>>, %arg31: memref<!tpu.dma_semaphore, #tpu.memory_space<semaphore_mem>>, %arg32: memref<!tpu.dma_semaphore, #tpu.memory_space<semaphore_mem>>) attributes {dimension_semantics = [#tpu.dimension_semantics<core_parallel>, #tpu.dimension_semantics<subcore_parallel>], iteration_bounds = array<i64: 2, 16>, scalar_prefetch = 0 : i64, scratch_operands = 26 : i64, tpu.core_type = #tpu.core_type<sc_vector_subcore>, window_params = [{transform_indices = #map}, {transform_indices = #map1}, {transform_indices = #map1}, {transform_indices = #map}, {transform_indices = #map2}]} {
    %mul3A = arith.constant 2 : i32
    %mul3A_0 = arith.muli %arg1, %mul3A : i32
    %add3A = arith.addi %mul3A_0, %arg0 : i32
    %eq3A = arith.constant 0 : i32
    %eq3A_1 = arith.cmpi eq, %arg1, %eq3A : i32
    %convert_element_type3A = arith.extui %eq3A_1 : i1 to i32
    %cond3A = arith.constant 0 : i32
    %cond3A_2 = arith.cmpi ne, %convert_element_type3A, %cond3A : i32
    scf.if %cond3A_2 {
      "tpu.region"() ({
        %run_scoped3A = tpu.sem_alloc : memref<!tpu.dma_semaphore, #tpu.memory_space<semaphore_mem>>
        tpu.enqueue_dma source(%arg5 : memref<10240x128xf32, #tpu.memory_space<hbm>>) target(%arg22 : memref<10240x128xf32, #tpu.memory_space<vmem_shared>>) target_semaphore(%run_scoped3A : memref<!tpu.dma_semaphore, #tpu.memory_space<semaphore_mem>>)
        tpu.wait_dma2 semaphore(%run_scoped3A : memref<!tpu.dma_semaphore, #tpu.memory_space<semaphore_mem>>) src(%arg5 : memref<10240x128xf32, #tpu.memory_space<hbm>>) dst(%arg22 : memref<10240x128xf32, #tpu.memory_space<vmem_shared>>)
        tpu.yield
      }) : () -> ()
    } else {
    }
    %barrier3A = arith.constant 0 : index
    tpu.barrier barrier_id(%barrier3A)
    %mul3A_3 = arith.constant 10000 : i32
    %mul3A_4 = arith.muli %add3A, %mul3A_3 : i32
    %add3A_5 = arith.constant 0 : i32
    %add3A_6 = arith.addi %mul3A_4, %add3A_5 : i32
    %multiple_of3A = tpu.assume_multiple %add3A_6, 8 : i32
    "tpu.region"() ({
      %run_scoped3A = tpu.sem_alloc : memref<!tpu.dma_semaphore, #tpu.memory_space<semaphore_mem>>
      %dma_start3A_40 = tpu.memref_slice %arg3[%multiple_of3A] : memref<320000xi32, #tpu.memory_space<hbm>> -> memref<40xi32, #tpu.memory_space<hbm>>
      %dma_start3A_41 = tpu.memref_slice %arg3[%multiple_of3A] : memref<320000xi32, #tpu.memory_space<hbm>> -> memref<40xi32, #tpu.memory_space<hbm>>
      tpu.enqueue_dma source(%dma_start3A_41 : memref<40xi32, #tpu.memory_space<hbm>>) target(%arg7 : memref<40xi32, #tpu.memory_space<vmem>>) target_semaphore(%run_scoped3A : memref<!tpu.dma_semaphore, #tpu.memory_space<semaphore_mem>>)
      %dma_wait3A = tpu.memref_slice %arg3[%multiple_of3A] : memref<320000xi32, #tpu.memory_space<hbm>> -> memref<40xi32, #tpu.memory_space<hbm>>
      %dma_wait3A_42 = tpu.memref_slice %arg3[%multiple_of3A] : memref<320000xi32, #tpu.memory_space<hbm>> -> memref<40xi32, #tpu.memory_space<hbm>>
      tpu.wait_dma2 semaphore(%run_scoped3A : memref<!tpu.dma_semaphore, #tpu.memory_space<semaphore_mem>>) src(%dma_wait3A_42 : memref<40xi32, #tpu.memory_space<hbm>>) dst(%arg7 : memref<40xi32, #tpu.memory_space<vmem>>)
      tpu.yield
    }) : () -> ()
    "tpu.region"() ({
      %run_scoped3A = tpu.sem_alloc : memref<!tpu.dma_semaphore, #tpu.memory_space<semaphore_mem>>
      %dma_start3A_40 = tpu.memref_slice %arg4[%multiple_of3A] : memref<320000xi32, #tpu.memory_space<hbm>> -> memref<40xi32, #tpu.memory_space<hbm>>
      %dma_start3A_41 = tpu.memref_slice %arg4[%multiple_of3A] : memref<320000xi32, #tpu.memory_space<hbm>> -> memref<40xi32, #tpu.memory_space<hbm>>
      tpu.enqueue_dma source(%dma_start3A_41 : memref<40xi32, #tpu.memory_space<hbm>>) target(%arg12 : memref<40xi32, #tpu.memory_space<vmem>>) target_semaphore(%run_scoped3A : memref<!tpu.dma_semaphore, #tpu.memory_space<semaphore_mem>>)
      %dma_wait3A = tpu.memref_slice %arg4[%multiple_of3A] : memref<320000xi32, #tpu.memory_space<hbm>> -> memref<40xi32, #tpu.memory_space<hbm>>
      %dma_wait3A_42 = tpu.memref_slice %arg4[%multiple_of3A] : memref<320000xi32, #tpu.memory_space<hbm>> -> memref<40xi32, #tpu.memory_space<hbm>>
      tpu.wait_dma2 semaphore(%run_scoped3A : memref<!tpu.dma_semaphore, #tpu.memory_space<semaphore_mem>>) src(%dma_wait3A_42 : memref<40xi32, #tpu.memory_space<hbm>>) dst(%arg12 : memref<40xi32, #tpu.memory_space<vmem>>)
      tpu.yield
    }) : () -> ()
    %dma_start3A = arith.constant 0 : i32
    %dma_start3A_7 = arith.constant 0 : i32
    %dma_start3A_8 = tpu.memref_slice %arg2[%dma_start3A, %dma_start3A_7] : memref<10000x128xf32, #tpu.memory_space<hbm>> -> memref<10000x128xf32, #tpu.memory_space<hbm>>
    tpu.enqueue_indirect_dma source(%dma_start3A_8 : memref<10000x128xf32, #tpu.memory_space<hbm>>) target(%arg17 : memref<40x128xf32, #tpu.memory_space<vmem>>) offsets(%arg7 : memref<40xi32, #tpu.memory_space<vmem>>) semaphore(%arg23 : memref<!tpu.dma_semaphore, #tpu.memory_space<semaphore_mem>>)
    %add3A_9 = arith.constant 40 : i32
    %add3A_10 = arith.addi %mul3A_4, %add3A_9 : i32
    %multiple_of3A_11 = tpu.assume_multiple %add3A_10, 8 : i32
    "tpu.region"() ({
      %run_scoped3A = tpu.sem_alloc : memref<!tpu.dma_semaphore, #tpu.memory_space<semaphore_mem>>
      %dma_start3A_40 = tpu.memref_slice %arg3[%multiple_of3A_11] : memref<320000xi32, #tpu.memory_space<hbm>> -> memref<40xi32, #tpu.memory_space<hbm>>
      %dma_start3A_41 = tpu.memref_slice %arg3[%multiple_of3A_11] : memref<320000xi32, #tpu.memory_space<hbm>> -> memref<40xi32, #tpu.memory_space<hbm>>
      tpu.enqueue_dma source(%dma_start3A_41 : memref<40xi32, #tpu.memory_space<hbm>>) target(%arg8 : memref<40xi32, #tpu.memory_space<vmem>>) target_semaphore(%run_scoped3A : memref<!tpu.dma_semaphore, #tpu.memory_space<semaphore_mem>>)
      %dma_wait3A = tpu.memref_slice %arg3[%multiple_of3A_11] : memref<320000xi32, #tpu.memory_space<hbm>> -> memref<40xi32, #tpu.memory_space<hbm>>
      %dma_wait3A_42 = tpu.memref_slice %arg3[%multiple_of3A_11] : memref<320000xi32, #tpu.memory_space<hbm>> -> memref<40xi32, #tpu.memory_space<hbm>>
      tpu.wait_dma2 semaphore(%run_scoped3A : memref<!tpu.dma_semaphore, #tpu.memory_space<semaphore_mem>>) src(%dma_wait3A_42 : memref<40xi32, #tpu.memory_space<hbm>>) dst(%arg8 : memref<40xi32, #tpu.memory_space<vmem>>)
      tpu.yield
    }) : () -> ()
    "tpu.region"() ({
      %run_scoped3A = tpu.sem_alloc : memref<!tpu.dma_semaphore, #tpu.memory_space<semaphore_mem>>
      %dma_start3A_40 = tpu.memref_slice %arg4[%multiple_of3A_11] : memref<320000xi32, #tpu.memory_space<hbm>> -> memref<40xi32, #tpu.memory_space<hbm>>
      %dma_start3A_41 = tpu.memref_slice %arg4[%multiple_of3A_11] : memref<320000xi32, #tpu.memory_space<hbm>> -> memref<40xi32, #tpu.memory_space<hbm>>
      tpu.enqueue_dma source(%dma_start3A_41 : memref<40xi32, #tpu.memory_space<hbm>>) target(%arg13 : memref<40xi32, #tpu.memory_space<vmem>>) target_semaphore(%run_scoped3A : memref<!tpu.dma_semaphore, #tpu.memory_space<semaphore_mem>>)
      %dma_wait3A = tpu.memref_slice %arg4[%multiple_of3A_11] : memref<320000xi32, #tpu.memory_space<hbm>> -> memref<40xi32, #tpu.memory_space<hbm>>
      %dma_wait3A_42 = tpu.memref_slice %arg4[%multiple_of3A_11] : memref<320000xi32, #tpu.memory_space<hbm>> -> memref<40xi32, #tpu.memory_space<hbm>>
      tpu.wait_dma2 semaphore(%run_scoped3A : memref<!tpu.dma_semaphore, #tpu.memory_space<semaphore_mem>>) src(%dma_wait3A_42 : memref<40xi32, #tpu.memory_space<hbm>>) dst(%arg13 : memref<40xi32, #tpu.memory_space<vmem>>)
      tpu.yield
    }) : () -> ()
    %dma_start3A_12 = arith.constant 0 : i32
    %dma_start3A_13 = arith.constant 0 : i32
    %dma_start3A_14 = tpu.memref_slice %arg2[%dma_start3A_12, %dma_start3A_13] : memref<10000x128xf32, #tpu.memory_space<hbm>> -> memref<10000x128xf32, #tpu.memory_space<hbm>>
    tpu.enqueue_indirect_dma source(%dma_start3A_14 : memref<10000x128xf32, #tpu.memory_space<hbm>>) target(%arg18 : memref<40x128xf32, #tpu.memory_space<vmem>>) offsets(%arg8 : memref<40xi32, #tpu.memory_space<vmem>>) semaphore(%arg24 : memref<!tpu.dma_semaphore, #tpu.memory_space<semaphore_mem>>)
    %add3A_15 = arith.constant 80 : i32
    %add3A_16 = arith.addi %mul3A_4, %add3A_15 : i32
    %multiple_of3A_17 = tpu.assume_multiple %add3A_16, 8 : i32
    "tpu.region"() ({
      %run_scoped3A = tpu.sem_alloc : memref<!tpu.dma_semaphore, #tpu.memory_space<semaphore_mem>>
      %dma_start3A_40 = tpu.memref_slice %arg3[%multiple_of3A_17] : memref<320000xi32, #tpu.memory_space<hbm>> -> memref<40xi32, #tpu.memory_space<hbm>>
      %dma_start3A_41 = tpu.memref_slice %arg3[%multiple_of3A_17] : memref<320000xi32, #tpu.memory_space<hbm>> -> memref<40xi32, #tpu.memory_space<hbm>>
      tpu.enqueue_dma source(%dma_start3A_41 : memref<40xi32, #tpu.memory_space<hbm>>) target(%arg9 : memref<40xi32, #tpu.memory_space<vmem>>) target_semaphore(%run_scoped3A : memref<!tpu.dma_semaphore, #tpu.memory_space<semaphore_mem>>)
      %dma_wait3A = tpu.memref_slice %arg3[%multiple_of3A_17] : memref<320000xi32, #tpu.memory_space<hbm>> -> memref<40xi32, #tpu.memory_space<hbm>>
      %dma_wait3A_42 = tpu.memref_slice %arg3[%multiple_of3A_17] : memref<320000xi32, #tpu.memory_space<hbm>> -> memref<40xi32, #tpu.memory_space<hbm>>
      tpu.wait_dma2 semaphore(%run_scoped3A : memref<!tpu.dma_semaphore, #tpu.memory_space<semaphore_mem>>) src(%dma_wait3A_42 : memref<40xi32, #tpu.memory_space<hbm>>) dst(%arg9 : memref<40xi32, #tpu.memory_space<vmem>>)
      tpu.yield
    }) : () -> ()
    "tpu.region"() ({
      %run_scoped3A = tpu.sem_alloc : memref<!tpu.dma_semaphore, #tpu.memory_space<semaphore_mem>>
      %dma_start3A_40 = tpu.memref_slice %arg4[%multiple_of3A_17] : memref<320000xi32, #tpu.memory_space<hbm>> -> memref<40xi32, #tpu.memory_space<hbm>>
      %dma_start3A_41 = tpu.memref_slice %arg4[%multiple_of3A_17] : memref<320000xi32, #tpu.memory_space<hbm>> -> memref<40xi32, #tpu.memory_space<hbm>>
      tpu.enqueue_dma source(%dma_start3A_41 : memref<40xi32, #tpu.memory_space<hbm>>) target(%arg14 : memref<40xi32, #tpu.memory_space<vmem>>) target_semaphore(%run_scoped3A : memref<!tpu.dma_semaphore, #tpu.memory_space<semaphore_mem>>)
      %dma_wait3A = tpu.memref_slice %arg4[%multiple_of3A_17] : memref<320000xi32, #tpu.memory_space<hbm>> -> memref<40xi32, #tpu.memory_space<hbm>>
      %dma_wait3A_42 = tpu.memref_slice %arg4[%multiple_of3A_17] : memref<320000xi32, #tpu.memory_space<hbm>> -> memref<40xi32, #tpu.memory_space<hbm>>
      tpu.wait_dma2 semaphore(%run_scoped3A : memref<!tpu.dma_semaphore, #tpu.memory_space<semaphore_mem>>) src(%dma_wait3A_42 : memref<40xi32, #tpu.memory_space<hbm>>) dst(%arg14 : memref<40xi32, #tpu.memory_space<vmem>>)
      tpu.yield
    }) : () -> ()
    %dma_start3A_18 = arith.constant 0 : i32
    %dma_start3A_19 = arith.constant 0 : i32
    %dma_start3A_20 = tpu.memref_slice %arg2[%dma_start3A_18, %dma_start3A_19] : memref<10000x128xf32, #tpu.memory_space<hbm>> -> memref<10000x128xf32, #tpu.memory_space<hbm>>
    tpu.enqueue_indirect_dma source(%dma_start3A_20 : memref<10000x128xf32, #tpu.memory_space<hbm>>) target(%arg19 : memref<40x128xf32, #tpu.memory_space<vmem>>) offsets(%arg9 : memref<40xi32, #tpu.memory_space<vmem>>) semaphore(%arg25 : memref<!tpu.dma_semaphore, #tpu.memory_space<semaphore_mem>>)
    %add3A_21 = arith.constant 120 : i32
    %add3A_22 = arith.addi %mul3A_4, %add3A_21 : i32
    %multiple_of3A_23 = tpu.assume_multiple %add3A_22, 8 : i32
    "tpu.region"() ({
      %run_scoped3A = tpu.sem_alloc : memref<!tpu.dma_semaphore, #tpu.memory_space<semaphore_mem>>
      %dma_start3A_40 = tpu.memref_slice %arg3[%multiple_of3A_23] : memref<320000xi32, #tpu.memory_space<hbm>> -> memref<40xi32, #tpu.memory_space<hbm>>
      %dma_start3A_41 = tpu.memref_slice %arg3[%multiple_of3A_23] : memref<320000xi32, #tpu.memory_space<hbm>> -> memref<40xi32, #tpu.memory_space<hbm>>
      tpu.enqueue_dma source(%dma_start3A_41 : memref<40xi32, #tpu.memory_space<hbm>>) target(%arg10 : memref<40xi32, #tpu.memory_space<vmem>>) target_semaphore(%run_scoped3A : memref<!tpu.dma_semaphore, #tpu.memory_space<semaphore_mem>>)
      %dma_wait3A = tpu.memref_slice %arg3[%multiple_of3A_23] : memref<320000xi32, #tpu.memory_space<hbm>> -> memref<40xi32, #tpu.memory_space<hbm>>
      %dma_wait3A_42 = tpu.memref_slice %arg3[%multiple_of3A_23] : memref<320000xi32, #tpu.memory_space<hbm>> -> memref<40xi32, #tpu.memory_space<hbm>>
      tpu.wait_dma2 semaphore(%run_scoped3A : memref<!tpu.dma_semaphore, #tpu.memory_space<semaphore_mem>>) src(%dma_wait3A_42 : memref<40xi32, #tpu.memory_space<hbm>>) dst(%arg10 : memref<40xi32, #tpu.memory_space<vmem>>)
      tpu.yield
    }) : () -> ()
    "tpu.region"() ({
      %run_scoped3A = tpu.sem_alloc : memref<!tpu.dma_semaphore, #tpu.memory_space<semaphore_mem>>
      %dma_start3A_40 = tpu.memref_slice %arg4[%multiple_of3A_23] : memref<320000xi32, #tpu.memory_space<hbm>> -> memref<40xi32, #tpu.memory_space<hbm>>
      %dma_start3A_41 = tpu.memref_slice %arg4[%multiple_of3A_23] : memref<320000xi32, #tpu.memory_space<hbm>> -> memref<40xi32, #tpu.memory_space<hbm>>
      tpu.enqueue_dma source(%dma_start3A_41 : memref<40xi32, #tpu.memory_space<hbm>>) target(%arg15 : memref<40xi32, #tpu.memory_space<vmem>>) target_semaphore(%run_scoped3A : memref<!tpu.dma_semaphore, #tpu.memory_space<semaphore_mem>>)
      %dma_wait3A = tpu.memref_slice %arg4[%multiple_of3A_23] : memref<320000xi32, #tpu.memory_space<hbm>> -> memref<40xi32, #tpu.memory_space<hbm>>
      %dma_wait3A_42 = tpu.memref_slice %arg4[%multiple_of3A_23] : memref<320000xi32, #tpu.memory_space<hbm>> -> memref<40xi32, #tpu.memory_space<hbm>>
      tpu.wait_dma2 semaphore(%run_scoped3A : memref<!tpu.dma_semaphore, #tpu.memory_space<semaphore_mem>>) src(%dma_wait3A_42 : memref<40xi32, #tpu.memory_space<hbm>>) dst(%arg15 : memref<40xi32, #tpu.memory_space<vmem>>)
      tpu.yield
    }) : () -> ()
    %dma_start3A_24 = arith.constant 0 : i32
    %dma_start3A_25 = arith.constant 0 : i32
    %dma_start3A_26 = tpu.memref_slice %arg2[%dma_start3A_24, %dma_start3A_25] : memref<10000x128xf32, #tpu.memory_space<hbm>> -> memref<10000x128xf32, #tpu.memory_space<hbm>>
    tpu.enqueue_indirect_dma source(%dma_start3A_26 : memref<10000x128xf32, #tpu.memory_space<hbm>>) target(%arg20 : memref<40x128xf32, #tpu.memory_space<vmem>>) offsets(%arg10 : memref<40xi32, #tpu.memory_space<vmem>>) semaphore(%arg26 : memref<!tpu.dma_semaphore, #tpu.memory_space<semaphore_mem>>)
    %add3A_27 = arith.constant 160 : i32
    %add3A_28 = arith.addi %mul3A_4, %add3A_27 : i32
    %multiple_of3A_29 = tpu.assume_multiple %add3A_28, 8 : i32
    "tpu.region"() ({
      %run_scoped3A = tpu.sem_alloc : memref<!tpu.dma_semaphore, #tpu.memory_space<semaphore_mem>>
      %dma_start3A_40 = tpu.memref_slice %arg3[%multiple_of3A_29] : memref<320000xi32, #tpu.memory_space<hbm>> -> memref<40xi32, #tpu.memory_space<hbm>>
      %dma_start3A_41 = tpu.memref_slice %arg3[%multiple_of3A_29] : memref<320000xi32, #tpu.memory_space<hbm>> -> memref<40xi32, #tpu.memory_space<hbm>>
      tpu.enqueue_dma source(%dma_start3A_41 : memref<40xi32, #tpu.memory_space<hbm>>) target(%arg11 : memref<40xi32, #tpu.memory_space<vmem>>) target_semaphore(%run_scoped3A : memref<!tpu.dma_semaphore, #tpu.memory_space<semaphore_mem>>)
      %dma_wait3A = tpu.memref_slice %arg3[%multiple_of3A_29] : memref<320000xi32, #tpu.memory_space<hbm>> -> memref<40xi32, #tpu.memory_space<hbm>>
      %dma_wait3A_42 = tpu.memref_slice %arg3[%multiple_of3A_29] : memref<320000xi32, #tpu.memory_space<hbm>> -> memref<40xi32, #tpu.memory_space<hbm>>
      tpu.wait_dma2 semaphore(%run_scoped3A : memref<!tpu.dma_semaphore, #tpu.memory_space<semaphore_mem>>) src(%dma_wait3A_42 : memref<40xi32, #tpu.memory_space<hbm>>) dst(%arg11 : memref<40xi32, #tpu.memory_space<vmem>>)
      tpu.yield
    }) : () -> ()
    "tpu.region"() ({
      %run_scoped3A = tpu.sem_alloc : memref<!tpu.dma_semaphore, #tpu.memory_space<semaphore_mem>>
      %dma_start3A_40 = tpu.memref_slice %arg4[%multiple_of3A_29] : memref<320000xi32, #tpu.memory_space<hbm>> -> memref<40xi32, #tpu.memory_space<hbm>>
      %dma_start3A_41 = tpu.memref_slice %arg4[%multiple_of3A_29] : memref<320000xi32, #tpu.memory_space<hbm>> -> memref<40xi32, #tpu.memory_space<hbm>>
      tpu.enqueue_dma source(%dma_start3A_41 : memref<40xi32, #tpu.memory_space<hbm>>) target(%arg16 : memref<40xi32, #tpu.memory_space<vmem>>) target_semaphore(%run_scoped3A : memref<!tpu.dma_semaphore, #tpu.memory_space<semaphore_mem>>)
      %dma_wait3A = tpu.memref_slice %arg4[%multiple_of3A_29] : memref<320000xi32, #tpu.memory_space<hbm>> -> memref<40xi32, #tpu.memory_space<hbm>>
      %dma_wait3A_42 = tpu.memref_slice %arg4[%multiple_of3A_29] : memref<320000xi32, #tpu.memory_space<hbm>> -> memref<40xi32, #tpu.memory_space<hbm>>
      tpu.wait_dma2 semaphore(%run_scoped3A : memref<!tpu.dma_semaphore, #tpu.memory_space<semaphore_mem>>) src(%dma_wait3A_42 : memref<40xi32, #tpu.memory_space<hbm>>) dst(%arg16 : memref<40xi32, #tpu.memory_space<vmem>>)
      tpu.yield
    }) : () -> ()
    %dma_start3A_30 = arith.constant 0 : i32
    %dma_start3A_31 = arith.constant 0 : i32
    %dma_start3A_32 = tpu.memref_slice %arg2[%dma_start3A_30, %dma_start3A_31] : memref<10000x128xf32, #tpu.memory_space<hbm>> -> memref<10000x128xf32, #tpu.memory_space<hbm>>
    tpu.enqueue_indirect_dma source(%dma_start3A_32 : memref<10000x128xf32, #tpu.memory_space<hbm>>) target(%arg21 : memref<40x128xf32, #tpu.memory_space<vmem>>) offsets(%arg11 : memref<40xi32, #tpu.memory_space<vmem>>) semaphore(%arg27 : memref<!tpu.dma_semaphore, #tpu.memory_space<semaphore_mem>>)
    %scan3A = arith.constant 0 : i32
    %scan3A_33 = arith.constant 50 : i32
    %scan3A_34 = arith.addi %scan3A, %scan3A_33 : i32
    %scan3A_35 = arith.constant 1 : i32
    scf.for %scan3A_40 = %scan3A to %scan3A_34 step %scan3A_35  : i32 {
      %mul3A_41 = arith.constant 1 : i32
      %mul3A_42 = arith.muli %scan3A_40, %mul3A_41 : i32
      %add3A_43 = arith.constant 0 : i32
      %add3A_44 = arith.addi %add3A_43, %mul3A_42 : i32
      %dma_wait3A = arith.constant 0 : i32
      %dma_wait3A_45 = arith.constant 0 : i32
      %dma_wait3A_46 = tpu.memref_slice %arg2[%dma_wait3A, %dma_wait3A_45] : memref<10000x128xf32, #tpu.memory_space<hbm>> -> memref<10000x128xf32, #tpu.memory_space<hbm>>
      tpu.wait_indirect_dma semaphore(%arg23 : memref<!tpu.dma_semaphore, #tpu.memory_space<semaphore_mem>>) src(%dma_wait3A_46 : memref<10000x128xf32, #tpu.memory_space<hbm>>) dst(%arg17 : memref<40x128xf32, #tpu.memory_space<vmem>>)
      %dma_start3A_47 = arith.constant 0 : i32
      %dma_start3A_48 = arith.constant 0 : i32
      %dma_start3A_49 = tpu.memref_slice %arg22[%dma_start3A_47, %dma_start3A_48] : memref<10240x128xf32, #tpu.memory_space<vmem_shared>> -> memref<10240x128xf32, #tpu.memory_space<vmem_shared>>
      tpu.enqueue_indirect_dma source(%arg17 : memref<40x128xf32, #tpu.memory_space<vmem>>) target(%dma_start3A_49 : memref<10240x128xf32, #tpu.memory_space<vmem_shared>>) offsets(%arg12 : memref<40xi32, #tpu.memory_space<vmem>>) semaphore(%arg28 : memref<!tpu.dma_semaphore, #tpu.memory_space<semaphore_mem>>) {add = true}
      %dma_wait3A_50 = arith.constant 0 : i32
      %dma_wait3A_51 = arith.constant 0 : i32
      %dma_wait3A_52 = tpu.memref_slice %arg2[%dma_wait3A_50, %dma_wait3A_51] : memref<10000x128xf32, #tpu.memory_space<hbm>> -> memref<10000x128xf32, #tpu.memory_space<hbm>>
      tpu.wait_indirect_dma semaphore(%arg24 : memref<!tpu.dma_semaphore, #tpu.memory_space<semaphore_mem>>) src(%dma_wait3A_52 : memref<10000x128xf32, #tpu.memory_space<hbm>>) dst(%arg18 : memref<40x128xf32, #tpu.memory_space<vmem>>)
      %dma_start3A_53 = arith.constant 0 : i32
      %dma_start3A_54 = arith.constant 0 : i32
      %dma_start3A_55 = tpu.memref_slice %arg22[%dma_start3A_53, %dma_start3A_54] : memref<10240x128xf32, #tpu.memory_space<vmem_shared>> -> memref<10240x128xf32, #tpu.memory_space<vmem_shared>>
      tpu.enqueue_indirect_dma source(%arg18 : memref<40x128xf32, #tpu.memory_space<vmem>>) target(%dma_start3A_55 : memref<10240x128xf32, #tpu.memory_space<vmem_shared>>) offsets(%arg13 : memref<40xi32, #tpu.memory_space<vmem>>) semaphore(%arg29 : memref<!tpu.dma_semaphore, #tpu.memory_space<semaphore_mem>>) {add = true}
      %dma_wait3A_56 = arith.constant 0 : i32
      %dma_wait3A_57 = arith.constant 0 : i32
      %dma_wait3A_58 = tpu.memref_slice %arg2[%dma_wait3A_56, %dma_wait3A_57] : memref<10000x128xf32, #tpu.memory_space<hbm>> -> memref<10000x128xf32, #tpu.memory_space<hbm>>
      tpu.wait_indirect_dma semaphore(%arg25 : memref<!tpu.dma_semaphore, #tpu.memory_space<semaphore_mem>>) src(%dma_wait3A_58 : memref<10000x128xf32, #tpu.memory_space<hbm>>) dst(%arg19 : memref<40x128xf32, #tpu.memory_space<vmem>>)
      %dma_start3A_59 = arith.constant 0 : i32
      %dma_start3A_60 = arith.constant 0 : i32
      %dma_start3A_61 = tpu.memref_slice %arg22[%dma_start3A_59, %dma_start3A_60] : memref<10240x128xf32, #tpu.memory_space<vmem_shared>> -> memref<10240x128xf32, #tpu.memory_space<vmem_shared>>
      tpu.enqueue_indirect_dma source(%arg19 : memref<40x128xf32, #tpu.memory_space<vmem>>) target(%dma_start3A_61 : memref<10240x128xf32, #tpu.memory_space<vmem_shared>>) offsets(%arg14 : memref<40xi32, #tpu.memory_space<vmem>>) semaphore(%arg30 : memref<!tpu.dma_semaphore, #tpu.memory_space<semaphore_mem>>) {add = true}
      %dma_wait3A_62 = arith.constant 0 : i32
      %dma_wait3A_63 = arith.constant 0 : i32
      %dma_wait3A_64 = tpu.memref_slice %arg2[%dma_wait3A_62, %dma_wait3A_63] : memref<10000x128xf32, #tpu.memory_space<hbm>> -> memref<10000x128xf32, #tpu.memory_space<hbm>>
      tpu.wait_indirect_dma semaphore(%arg26 : memref<!tpu.dma_semaphore, #tpu.memory_space<semaphore_mem>>) src(%dma_wait3A_64 : memref<10000x128xf32, #tpu.memory_space<hbm>>) dst(%arg20 : memref<40x128xf32, #tpu.memory_space<vmem>>)
      %dma_start3A_65 = arith.constant 0 : i32
      %dma_start3A_66 = arith.constant 0 : i32
      %dma_start3A_67 = tpu.memref_slice %arg22[%dma_start3A_65, %dma_start3A_66] : memref<10240x128xf32, #tpu.memory_space<vmem_shared>> -> memref<10240x128xf32, #tpu.memory_space<vmem_shared>>
      tpu.enqueue_indirect_dma source(%arg20 : memref<40x128xf32, #tpu.memory_space<vmem>>) target(%dma_start3A_67 : memref<10240x128xf32, #tpu.memory_space<vmem_shared>>) offsets(%arg15 : memref<40xi32, #tpu.memory_space<vmem>>) semaphore(%arg31 : memref<!tpu.dma_semaphore, #tpu.memory_space<semaphore_mem>>) {add = true}
      %dma_wait3A_68 = arith.constant 0 : i32
      %dma_wait3A_69 = arith.constant 0 : i32
      %dma_wait3A_70 = tpu.memref_slice %arg2[%dma_wait3A_68, %dma_wait3A_69] : memref<10000x128xf32, #tpu.memory_space<hbm>> -> memref<10000x128xf32, #tpu.memory_space<hbm>>
      tpu.wait_indirect_dma semaphore(%arg27 : memref<!tpu.dma_semaphore, #tpu.memory_space<semaphore_mem>>) src(%dma_wait3A_70 : memref<10000x128xf32, #tpu.memory_space<hbm>>) dst(%arg21 : memref<40x128xf32, #tpu.memory_space<vmem>>)
      %dma_start3A_71 = arith.constant 0 : i32
      %dma_start3A_72 = arith.constant 0 : i32
      %dma_start3A_73 = tpu.memref_slice %arg22[%dma_start3A_71, %dma_start3A_72] : memref<10240x128xf32, #tpu.memory_space<vmem_shared>> -> memref<10240x128xf32, #tpu.memory_space<vmem_shared>>
      tpu.enqueue_indirect_dma source(%arg21 : memref<40x128xf32, #tpu.memory_space<vmem>>) target(%dma_start3A_73 : memref<10240x128xf32, #tpu.memory_space<vmem_shared>>) offsets(%arg16 : memref<40xi32, #tpu.memory_space<vmem>>) semaphore(%arg32 : memref<!tpu.dma_semaphore, #tpu.memory_space<semaphore_mem>>) {add = true}
      %dma_wait3A_74 = arith.constant 0 : i32
      %dma_wait3A_75 = arith.constant 0 : i32
      %dma_wait3A_76 = tpu.memref_slice %arg22[%dma_wait3A_74, %dma_wait3A_75] : memref<10240x128xf32, #tpu.memory_space<vmem_shared>> -> memref<10240x128xf32, #tpu.memory_space<vmem_shared>>
      tpu.wait_indirect_dma semaphore(%arg28 : memref<!tpu.dma_semaphore, #tpu.memory_space<semaphore_mem>>) src(%arg17 : memref<40x128xf32, #tpu.memory_space<vmem>>) dst(%dma_wait3A_76 : memref<10240x128xf32, #tpu.memory_space<vmem_shared>>)
      %lt3A = arith.constant 49 : i32
      %lt3A_77 = arith.cmpi slt, %add3A_44, %lt3A : i32
      %convert_element_type3A_78 = arith.extui %lt3A_77 : i1 to i32
      %cond3A_79 = arith.constant 0 : i32
      %cond3A_80 = arith.cmpi ne, %convert_element_type3A_78, %cond3A_79 : i32
      scf.if %cond3A_80 {
        %add3A_113 = arith.constant 1 : i32
        %add3A_114 = arith.addi %add3A_44, %add3A_113 : i32
        %mul3A_115 = arith.constant 5 : i32
        %mul3A_116 = arith.muli %add3A_114, %mul3A_115 : i32
        %add3A_117 = arith.constant 0 : i32
        %add3A_118 = arith.addi %mul3A_116, %add3A_117 : i32
        %mul3A_119 = arith.constant 40 : i32
        %mul3A_120 = arith.muli %add3A_118, %mul3A_119 : i32
        %add3A_121 = arith.addi %mul3A_4, %mul3A_120 : i32
        %multiple_of3A_122 = tpu.assume_multiple %add3A_121, 8 : i32
        "tpu.region"() ({
          %run_scoped3A = tpu.sem_alloc : memref<!tpu.dma_semaphore, #tpu.memory_space<semaphore_mem>>
          %dma_start3A_126 = tpu.memref_slice %arg3[%multiple_of3A_122] : memref<320000xi32, #tpu.memory_space<hbm>> -> memref<40xi32, #tpu.memory_space<hbm>>
          %dma_start3A_127 = tpu.memref_slice %arg3[%multiple_of3A_122] : memref<320000xi32, #tpu.memory_space<hbm>> -> memref<40xi32, #tpu.memory_space<hbm>>
          tpu.enqueue_dma source(%dma_start3A_127 : memref<40xi32, #tpu.memory_space<hbm>>) target(%arg7 : memref<40xi32, #tpu.memory_space<vmem>>) target_semaphore(%run_scoped3A : memref<!tpu.dma_semaphore, #tpu.memory_space<semaphore_mem>>)
          %dma_wait3A_128 = tpu.memref_slice %arg3[%multiple_of3A_122] : memref<320000xi32, #tpu.memory_space<hbm>> -> memref<40xi32, #tpu.memory_space<hbm>>
          %dma_wait3A_129 = tpu.memref_slice %arg3[%multiple_of3A_122] : memref<320000xi32, #tpu.memory_space<hbm>> -> memref<40xi32, #tpu.memory_space<hbm>>
          tpu.wait_dma2 semaphore(%run_scoped3A : memref<!tpu.dma_semaphore, #tpu.memory_space<semaphore_mem>>) src(%dma_wait3A_129 : memref<40xi32, #tpu.memory_space<hbm>>) dst(%arg7 : memref<40xi32, #tpu.memory_space<vmem>>)
          tpu.yield
        }) : () -> ()
        "tpu.region"() ({
          %run_scoped3A = tpu.sem_alloc : memref<!tpu.dma_semaphore, #tpu.memory_space<semaphore_mem>>
          %dma_start3A_126 = tpu.memref_slice %arg4[%multiple_of3A_122] : memref<320000xi32, #tpu.memory_space<hbm>> -> memref<40xi32, #tpu.memory_space<hbm>>
          %dma_start3A_127 = tpu.memref_slice %arg4[%multiple_of3A_122] : memref<320000xi32, #tpu.memory_space<hbm>> -> memref<40xi32, #tpu.memory_space<hbm>>
          tpu.enqueue_dma source(%dma_start3A_127 : memref<40xi32, #tpu.memory_space<hbm>>) target(%arg12 : memref<40xi32, #tpu.memory_space<vmem>>) target_semaphore(%run_scoped3A : memref<!tpu.dma_semaphore, #tpu.memory_space<semaphore_mem>>)
          %dma_wait3A_128 = tpu.memref_slice %arg4[%multiple_of3A_122] : memref<320000xi32, #tpu.memory_space<hbm>> -> memref<40xi32, #tpu.memory_space<hbm>>
          %dma_wait3A_129 = tpu.memref_slice %arg4[%multiple_of3A_122] : memref<320000xi32, #tpu.memory_space<hbm>> -> memref<40xi32, #tpu.memory_space<hbm>>
          tpu.wait_dma2 semaphore(%run_scoped3A : memref<!tpu.dma_semaphore, #tpu.memory_space<semaphore_mem>>) src(%dma_wait3A_129 : memref<40xi32, #tpu.memory_space<hbm>>) dst(%arg12 : memref<40xi32, #tpu.memory_space<vmem>>)
          tpu.yield
        }) : () -> ()
        %dma_start3A_123 = arith.constant 0 : i32
        %dma_start3A_124 = arith.constant 0 : i32
        %dma_start3A_125 = tpu.memref_slice %arg2[%dma_start3A_123, %dma_start3A_124] : memref<10000x128xf32, #tpu.memory_space<hbm>> -> memref<10000x128xf32, #tpu.memory_space<hbm>>
        tpu.enqueue_indirect_dma source(%dma_start3A_125 : memref<10000x128xf32, #tpu.memory_space<hbm>>) target(%arg17 : memref<40x128xf32, #tpu.memory_space<vmem>>) offsets(%arg7 : memref<40xi32, #tpu.memory_space<vmem>>) semaphore(%arg23 : memref<!tpu.dma_semaphore, #tpu.memory_space<semaphore_mem>>)
      } else {
      }
      %dma_wait3A_81 = arith.constant 0 : i32
      %dma_wait3A_82 = arith.constant 0 : i32
      %dma_wait3A_83 = tpu.memref_slice %arg22[%dma_wait3A_81, %dma_wait3A_82] : memref<10240x128xf32, #tpu.memory_space<vmem_shared>> -> memref<10240x128xf32, #tpu.memory_space<vmem_shared>>
      tpu.wait_indirect_dma semaphore(%arg29 : memref<!tpu.dma_semaphore, #tpu.memory_space<semaphore_mem>>) src(%arg18 : memref<40x128xf32, #tpu.memory_space<vmem>>) dst(%dma_wait3A_83 : memref<10240x128xf32, #tpu.memory_space<vmem_shared>>)
      %lt3A_84 = arith.constant 49 : i32
      %lt3A_85 = arith.cmpi slt, %add3A_44, %lt3A_84 : i32
      %convert_element_type3A_86 = arith.extui %lt3A_85 : i1 to i32
      %cond3A_87 = arith.constant 0 : i32
      %cond3A_88 = arith.cmpi ne, %convert_element_type3A_86, %cond3A_87 : i32
      scf.if %cond3A_88 {
        %add3A_113 = arith.constant 1 : i32
        %add3A_114 = arith.addi %add3A_44, %add3A_113 : i32
        %mul3A_115 = arith.constant 5 : i32
        %mul3A_116 = arith.muli %add3A_114, %mul3A_115 : i32
        %add3A_117 = arith.constant 1 : i32
        %add3A_118 = arith.addi %mul3A_116, %add3A_117 : i32
        %mul3A_119 = arith.constant 40 : i32
        %mul3A_120 = arith.muli %add3A_118, %mul3A_119 : i32
        %add3A_121 = arith.addi %mul3A_4, %mul3A_120 : i32
        %multiple_of3A_122 = tpu.assume_multiple %add3A_121, 8 : i32
        "tpu.region"() ({
          %run_scoped3A = tpu.sem_alloc : memref<!tpu.dma_semaphore, #tpu.memory_space<semaphore_mem>>
          %dma_start3A_126 = tpu.memref_slice %arg3[%multiple_of3A_122] : memref<320000xi32, #tpu.memory_space<hbm>> -> memref<40xi32, #tpu.memory_space<hbm>>
          %dma_start3A_127 = tpu.memref_slice %arg3[%multiple_of3A_122] : memref<320000xi32, #tpu.memory_space<hbm>> -> memref<40xi32, #tpu.memory_space<hbm>>
          tpu.enqueue_dma source(%dma_start3A_127 : memref<40xi32, #tpu.memory_space<hbm>>) target(%arg8 : memref<40xi32, #tpu.memory_space<vmem>>) target_semaphore(%run_scoped3A : memref<!tpu.dma_semaphore, #tpu.memory_space<semaphore_mem>>)
          %dma_wait3A_128 = tpu.memref_slice %arg3[%multiple_of3A_122] : memref<320000xi32, #tpu.memory_space<hbm>> -> memref<40xi32, #tpu.memory_space<hbm>>
          %dma_wait3A_129 = tpu.memref_slice %arg3[%multiple_of3A_122] : memref<320000xi32, #tpu.memory_space<hbm>> -> memref<40xi32, #tpu.memory_space<hbm>>
          tpu.wait_dma2 semaphore(%run_scoped3A : memref<!tpu.dma_semaphore, #tpu.memory_space<semaphore_mem>>) src(%dma_wait3A_129 : memref<40xi32, #tpu.memory_space<hbm>>) dst(%arg8 : memref<40xi32, #tpu.memory_space<vmem>>)
          tpu.yield
        }) : () -> ()
        "tpu.region"() ({
          %run_scoped3A = tpu.sem_alloc : memref<!tpu.dma_semaphore, #tpu.memory_space<semaphore_mem>>
          %dma_start3A_126 = tpu.memref_slice %arg4[%multiple_of3A_122] : memref<320000xi32, #tpu.memory_space<hbm>> -> memref<40xi32, #tpu.memory_space<hbm>>
          %dma_start3A_127 = tpu.memref_slice %arg4[%multiple_of3A_122] : memref<320000xi32, #tpu.memory_space<hbm>> -> memref<40xi32, #tpu.memory_space<hbm>>
          tpu.enqueue_dma source(%dma_start3A_127 : memref<40xi32, #tpu.memory_space<hbm>>) target(%arg13 : memref<40xi32, #tpu.memory_space<vmem>>) target_semaphore(%run_scoped3A : memref<!tpu.dma_semaphore, #tpu.memory_space<semaphore_mem>>)
          %dma_wait3A_128 = tpu.memref_slice %arg4[%multiple_of3A_122] : memref<320000xi32, #tpu.memory_space<hbm>> -> memref<40xi32, #tpu.memory_space<hbm>>
          %dma_wait3A_129 = tpu.memref_slice %arg4[%multiple_of3A_122] : memref<320000xi32, #tpu.memory_space<hbm>> -> memref<40xi32, #tpu.memory_space<hbm>>
          tpu.wait_dma2 semaphore(%run_scoped3A : memref<!tpu.dma_semaphore, #tpu.memory_space<semaphore_mem>>) src(%dma_wait3A_129 : memref<40xi32, #tpu.memory_space<hbm>>) dst(%arg13 : memref<40xi32, #tpu.memory_space<vmem>>)
          tpu.yield
        }) : () -> ()
        %dma_start3A_123 = arith.constant 0 : i32
        %dma_start3A_124 = arith.constant 0 : i32
        %dma_start3A_125 = tpu.memref_slice %arg2[%dma_start3A_123, %dma_start3A_124] : memref<10000x128xf32, #tpu.memory_space<hbm>> -> memref<10000x128xf32, #tpu.memory_space<hbm>>
        tpu.enqueue_indirect_dma source(%dma_start3A_125 : memref<10000x128xf32, #tpu.memory_space<hbm>>) target(%arg18 : memref<40x128xf32, #tpu.memory_space<vmem>>) offsets(%arg8 : memref<40xi32, #tpu.memory_space<vmem>>) semaphore(%arg24 : memref<!tpu.dma_semaphore, #tpu.memory_space<semaphore_mem>>)
      } else {
      }
      %dma_wait3A_89 = arith.constant 0 : i32
      %dma_wait3A_90 = arith.constant 0 : i32
      %dma_wait3A_91 = tpu.memref_slice %arg22[%dma_wait3A_89, %dma_wait3A_90] : memref<10240x128xf32, #tpu.memory_space<vmem_shared>> -> memref<10240x128xf32, #tpu.memory_space<vmem_shared>>
      tpu.wait_indirect_dma semaphore(%arg30 : memref<!tpu.dma_semaphore, #tpu.memory_space<semaphore_mem>>) src(%arg19 : memref<40x128xf32, #tpu.memory_space<vmem>>) dst(%dma_wait3A_91 : memref<10240x128xf32, #tpu.memory_space<vmem_shared>>)
      %lt3A_92 = arith.constant 49 : i32
      %lt3A_93 = arith.cmpi slt, %add3A_44, %lt3A_92 : i32
      %convert_element_type3A_94 = arith.extui %lt3A_93 : i1 to i32
      %cond3A_95 = arith.constant 0 : i32
      %cond3A_96 = arith.cmpi ne, %convert_element_type3A_94, %cond3A_95 : i32
      scf.if %cond3A_96 {
        %add3A_113 = arith.constant 1 : i32
        %add3A_114 = arith.addi %add3A_44, %add3A_113 : i32
        %mul3A_115 = arith.constant 5 : i32
        %mul3A_116 = arith.muli %add3A_114, %mul3A_115 : i32
        %add3A_117 = arith.constant 2 : i32
        %add3A_118 = arith.addi %mul3A_116, %add3A_117 : i32
        %mul3A_119 = arith.constant 40 : i32
        %mul3A_120 = arith.muli %add3A_118, %mul3A_119 : i32
        %add3A_121 = arith.addi %mul3A_4, %mul3A_120 : i32
        %multiple_of3A_122 = tpu.assume_multiple %add3A_121, 8 : i32
        "tpu.region"() ({
          %run_scoped3A = tpu.sem_alloc : memref<!tpu.dma_semaphore, #tpu.memory_space<semaphore_mem>>
          %dma_start3A_126 = tpu.memref_slice %arg3[%multiple_of3A_122] : memref<320000xi32, #tpu.memory_space<hbm>> -> memref<40xi32, #tpu.memory_space<hbm>>
          %dma_start3A_127 = tpu.memref_slice %arg3[%multiple_of3A_122] : memref<320000xi32, #tpu.memory_space<hbm>> -> memref<40xi32, #tpu.memory_space<hbm>>
          tpu.enqueue_dma source(%dma_start3A_127 : memref<40xi32, #tpu.memory_space<hbm>>) target(%arg9 : memref<40xi32, #tpu.memory_space<vmem>>) target_semaphore(%run_scoped3A : memref<!tpu.dma_semaphore, #tpu.memory_space<semaphore_mem>>)
          %dma_wait3A_128 = tpu.memref_slice %arg3[%multiple_of3A_122] : memref<320000xi32, #tpu.memory_space<hbm>> -> memref<40xi32, #tpu.memory_space<hbm>>
          %dma_wait3A_129 = tpu.memref_slice %arg3[%multiple_of3A_122] : memref<320000xi32, #tpu.memory_space<hbm>> -> memref<40xi32, #tpu.memory_space<hbm>>
          tpu.wait_dma2 semaphore(%run_scoped3A : memref<!tpu.dma_semaphore, #tpu.memory_space<semaphore_mem>>) src(%dma_wait3A_129 : memref<40xi32, #tpu.memory_space<hbm>>) dst(%arg9 : memref<40xi32, #tpu.memory_space<vmem>>)
          tpu.yield
        }) : () -> ()
        "tpu.region"() ({
          %run_scoped3A = tpu.sem_alloc : memref<!tpu.dma_semaphore, #tpu.memory_space<semaphore_mem>>
          %dma_start3A_126 = tpu.memref_slice %arg4[%multiple_of3A_122] : memref<320000xi32, #tpu.memory_space<hbm>> -> memref<40xi32, #tpu.memory_space<hbm>>
          %dma_start3A_127 = tpu.memref_slice %arg4[%multiple_of3A_122] : memref<320000xi32, #tpu.memory_space<hbm>> -> memref<40xi32, #tpu.memory_space<hbm>>
          tpu.enqueue_dma source(%dma_start3A_127 : memref<40xi32, #tpu.memory_space<hbm>>) target(%arg14 : memref<40xi32, #tpu.memory_space<vmem>>) target_semaphore(%run_scoped3A : memref<!tpu.dma_semaphore, #tpu.memory_space<semaphore_mem>>)
          %dma_wait3A_128 = tpu.memref_slice %arg4[%multiple_of3A_122] : memref<320000xi32, #tpu.memory_space<hbm>> -> memref<40xi32, #tpu.memory_space<hbm>>
          %dma_wait3A_129 = tpu.memref_slice %arg4[%multiple_of3A_122] : memref<320000xi32, #tpu.memory_space<hbm>> -> memref<40xi32, #tpu.memory_space<hbm>>
          tpu.wait_dma2 semaphore(%run_scoped3A : memref<!tpu.dma_semaphore, #tpu.memory_space<semaphore_mem>>) src(%dma_wait3A_129 : memref<40xi32, #tpu.memory_space<hbm>>) dst(%arg14 : memref<40xi32, #tpu.memory_space<vmem>>)
          tpu.yield
        }) : () -> ()
        %dma_start3A_123 = arith.constant 0 : i32
        %dma_start3A_124 = arith.constant 0 : i32
        %dma_start3A_125 = tpu.memref_slice %arg2[%dma_start3A_123, %dma_start3A_124] : memref<10000x128xf32, #tpu.memory_space<hbm>> -> memref<10000x128xf32, #tpu.memory_space<hbm>>
        tpu.enqueue_indirect_dma source(%dma_start3A_125 : memref<10000x128xf32, #tpu.memory_space<hbm>>) target(%arg19 : memref<40x128xf32, #tpu.memory_space<vmem>>) offsets(%arg9 : memref<40xi32, #tpu.memory_space<vmem>>) semaphore(%arg25 : memref<!tpu.dma_semaphore, #tpu.memory_space<semaphore_mem>>)
      } else {
      }
      %dma_wait3A_97 = arith.constant 0 : i32
      %dma_wait3A_98 = arith.constant 0 : i32
      %dma_wait3A_99 = tpu.memref_slice %arg22[%dma_wait3A_97, %dma_wait3A_98] : memref<10240x128xf32, #tpu.memory_space<vmem_shared>> -> memref<10240x128xf32, #tpu.memory_space<vmem_shared>>
      tpu.wait_indirect_dma semaphore(%arg31 : memref<!tpu.dma_semaphore, #tpu.memory_space<semaphore_mem>>) src(%arg20 : memref<40x128xf32, #tpu.memory_space<vmem>>) dst(%dma_wait3A_99 : memref<10240x128xf32, #tpu.memory_space<vmem_shared>>)
      %lt3A_100 = arith.constant 49 : i32
      %lt3A_101 = arith.cmpi slt, %add3A_44, %lt3A_100 : i32
      %convert_element_type3A_102 = arith.extui %lt3A_101 : i1 to i32
      %cond3A_103 = arith.constant 0 : i32
      %cond3A_104 = arith.cmpi ne, %convert_element_type3A_102, %cond3A_103 : i32
      scf.if %cond3A_104 {
        %add3A_113 = arith.constant 1 : i32
        %add3A_114 = arith.addi %add3A_44, %add3A_113 : i32
        %mul3A_115 = arith.constant 5 : i32
        %mul3A_116 = arith.muli %add3A_114, %mul3A_115 : i32
        %add3A_117 = arith.constant 3 : i32
        %add3A_118 = arith.addi %mul3A_116, %add3A_117 : i32
        %mul3A_119 = arith.constant 40 : i32
        %mul3A_120 = arith.muli %add3A_118, %mul3A_119 : i32
        %add3A_121 = arith.addi %mul3A_4, %mul3A_120 : i32
        %multiple_of3A_122 = tpu.assume_multiple %add3A_121, 8 : i32
        "tpu.region"() ({
          %run_scoped3A = tpu.sem_alloc : memref<!tpu.dma_semaphore, #tpu.memory_space<semaphore_mem>>
          %dma_start3A_126 = tpu.memref_slice %arg3[%multiple_of3A_122] : memref<320000xi32, #tpu.memory_space<hbm>> -> memref<40xi32, #tpu.memory_space<hbm>>
          %dma_start3A_127 = tpu.memref_slice %arg3[%multiple_of3A_122] : memref<320000xi32, #tpu.memory_space<hbm>> -> memref<40xi32, #tpu.memory_space<hbm>>
          tpu.enqueue_dma source(%dma_start3A_127 : memref<40xi32, #tpu.memory_space<hbm>>) target(%arg10 : memref<40xi32, #tpu.memory_space<vmem>>) target_semaphore(%run_scoped3A : memref<!tpu.dma_semaphore, #tpu.memory_space<semaphore_mem>>)
          %dma_wait3A_128 = tpu.memref_slice %arg3[%multiple_of3A_122] : memref<320000xi32, #tpu.memory_space<hbm>> -> memref<40xi32, #tpu.memory_space<hbm>>
          %dma_wait3A_129 = tpu.memref_slice %arg3[%multiple_of3A_122] : memref<320000xi32, #tpu.memory_space<hbm>> -> memref<40xi32, #tpu.memory_space<hbm>>
          tpu.wait_dma2 semaphore(%run_scoped3A : memref<!tpu.dma_semaphore, #tpu.memory_space<semaphore_mem>>) src(%dma_wait3A_129 : memref<40xi32, #tpu.memory_space<hbm>>) dst(%arg10 : memref<40xi32, #tpu.memory_space<vmem>>)
          tpu.yield
        }) : () -> ()
        "tpu.region"() ({
          %run_scoped3A = tpu.sem_alloc : memref<!tpu.dma_semaphore, #tpu.memory_space<semaphore_mem>>
          %dma_start3A_126 = tpu.memref_slice %arg4[%multiple_of3A_122] : memref<320000xi32, #tpu.memory_space<hbm>> -> memref<40xi32, #tpu.memory_space<hbm>>
          %dma_start3A_127 = tpu.memref_slice %arg4[%multiple_of3A_122] : memref<320000xi32, #tpu.memory_space<hbm>> -> memref<40xi32, #tpu.memory_space<hbm>>
          tpu.enqueue_dma source(%dma_start3A_127 : memref<40xi32, #tpu.memory_space<hbm>>) target(%arg15 : memref<40xi32, #tpu.memory_space<vmem>>) target_semaphore(%run_scoped3A : memref<!tpu.dma_semaphore, #tpu.memory_space<semaphore_mem>>)
          %dma_wait3A_128 = tpu.memref_slice %arg4[%multiple_of3A_122] : memref<320000xi32, #tpu.memory_space<hbm>> -> memref<40xi32, #tpu.memory_space<hbm>>
          %dma_wait3A_129 = tpu.memref_slice %arg4[%multiple_of3A_122] : memref<320000xi32, #tpu.memory_space<hbm>> -> memref<40xi32, #tpu.memory_space<hbm>>
          tpu.wait_dma2 semaphore(%run_scoped3A : memref<!tpu.dma_semaphore, #tpu.memory_space<semaphore_mem>>) src(%dma_wait3A_129 : memref<40xi32, #tpu.memory_space<hbm>>) dst(%arg15 : memref<40xi32, #tpu.memory_space<vmem>>)
          tpu.yield
        }) : () -> ()
        %dma_start3A_123 = arith.constant 0 : i32
        %dma_start3A_124 = arith.constant 0 : i32
        %dma_start3A_125 = tpu.memref_slice %arg2[%dma_start3A_123, %dma_start3A_124] : memref<10000x128xf32, #tpu.memory_space<hbm>> -> memref<10000x128xf32, #tpu.memory_space<hbm>>
        tpu.enqueue_indirect_dma source(%dma_start3A_125 : memref<10000x128xf32, #tpu.memory_space<hbm>>) target(%arg20 : memref<40x128xf32, #tpu.memory_space<vmem>>) offsets(%arg10 : memref<40xi32, #tpu.memory_space<vmem>>) semaphore(%arg26 : memref<!tpu.dma_semaphore, #tpu.memory_space<semaphore_mem>>)
      } else {
      }
      %dma_wait3A_105 = arith.constant 0 : i32
      %dma_wait3A_106 = arith.constant 0 : i32
      %dma_wait3A_107 = tpu.memref_slice %arg22[%dma_wait3A_105, %dma_wait3A_106] : memref<10240x128xf32, #tpu.memory_space<vmem_shared>> -> memref<10240x128xf32, #tpu.memory_space<vmem_shared>>
      tpu.wait_indirect_dma semaphore(%arg32 : memref<!tpu.dma_semaphore, #tpu.memory_space<semaphore_mem>>) src(%arg21 : memref<40x128xf32, #tpu.memory_space<vmem>>) dst(%dma_wait3A_107 : memref<10240x128xf32, #tpu.memory_space<vmem_shared>>)
      %lt3A_108 = arith.constant 49 : i32
      %lt3A_109 = arith.cmpi slt, %add3A_44, %lt3A_108 : i32
      %convert_element_type3A_110 = arith.extui %lt3A_109 : i1 to i32
      %cond3A_111 = arith.constant 0 : i32
      %cond3A_112 = arith.cmpi ne, %convert_element_type3A_110, %cond3A_111 : i32
      scf.if %cond3A_112 {
        %add3A_113 = arith.constant 1 : i32
        %add3A_114 = arith.addi %add3A_44, %add3A_113 : i32
        %mul3A_115 = arith.constant 5 : i32
        %mul3A_116 = arith.muli %add3A_114, %mul3A_115 : i32
        %add3A_117 = arith.constant 4 : i32
        %add3A_118 = arith.addi %mul3A_116, %add3A_117 : i32
        %mul3A_119 = arith.constant 40 : i32
        %mul3A_120 = arith.muli %add3A_118, %mul3A_119 : i32
        %add3A_121 = arith.addi %mul3A_4, %mul3A_120 : i32
        %multiple_of3A_122 = tpu.assume_multiple %add3A_121, 8 : i32
        "tpu.region"() ({
          %run_scoped3A = tpu.sem_alloc : memref<!tpu.dma_semaphore, #tpu.memory_space<semaphore_mem>>
          %dma_start3A_126 = tpu.memref_slice %arg3[%multiple_of3A_122] : memref<320000xi32, #tpu.memory_space<hbm>> -> memref<40xi32, #tpu.memory_space<hbm>>
          %dma_start3A_127 = tpu.memref_slice %arg3[%multiple_of3A_122] : memref<320000xi32, #tpu.memory_space<hbm>> -> memref<40xi32, #tpu.memory_space<hbm>>
          tpu.enqueue_dma source(%dma_start3A_127 : memref<40xi32, #tpu.memory_space<hbm>>) target(%arg11 : memref<40xi32, #tpu.memory_space<vmem>>) target_semaphore(%run_scoped3A : memref<!tpu.dma_semaphore, #tpu.memory_space<semaphore_mem>>)
          %dma_wait3A_128 = tpu.memref_slice %arg3[%multiple_of3A_122] : memref<320000xi32, #tpu.memory_space<hbm>> -> memref<40xi32, #tpu.memory_space<hbm>>
          %dma_wait3A_129 = tpu.memref_slice %arg3[%multiple_of3A_122] : memref<320000xi32, #tpu.memory_space<hbm>> -> memref<40xi32, #tpu.memory_space<hbm>>
          tpu.wait_dma2 semaphore(%run_scoped3A : memref<!tpu.dma_semaphore, #tpu.memory_space<semaphore_mem>>) src(%dma_wait3A_129 : memref<40xi32, #tpu.memory_space<hbm>>) dst(%arg11 : memref<40xi32, #tpu.memory_space<vmem>>)
          tpu.yield
        }) : () -> ()
        "tpu.region"() ({
          %run_scoped3A = tpu.sem_alloc : memref<!tpu.dma_semaphore, #tpu.memory_space<semaphore_mem>>
          %dma_start3A_126 = tpu.memref_slice %arg4[%multiple_of3A_122] : memref<320000xi32, #tpu.memory_space<hbm>> -> memref<40xi32, #tpu.memory_space<hbm>>
          %dma_start3A_127 = tpu.memref_slice %arg4[%multiple_of3A_122] : memref<320000xi32, #tpu.memory_space<hbm>> -> memref<40xi32, #tpu.memory_space<hbm>>
          tpu.enqueue_dma source(%dma_start3A_127 : memref<40xi32, #tpu.memory_space<hbm>>) target(%arg16 : memref<40xi32, #tpu.memory_space<vmem>>) target_semaphore(%run_scoped3A : memref<!tpu.dma_semaphore, #tpu.memory_space<semaphore_mem>>)
          %dma_wait3A_128 = tpu.memref_slice %arg4[%multiple_of3A_122] : memref<320000xi32, #tpu.memory_space<hbm>> -> memref<40xi32, #tpu.memory_space<hbm>>
          %dma_wait3A_129 = tpu.memref_slice %arg4[%multiple_of3A_122] : memref<320000xi32, #tpu.memory_space<hbm>> -> memref<40xi32, #tpu.memory_space<hbm>>
          tpu.wait_dma2 semaphore(%run_scoped3A : memref<!tpu.dma_semaphore, #tpu.memory_space<semaphore_mem>>) src(%dma_wait3A_129 : memref<40xi32, #tpu.memory_space<hbm>>) dst(%arg16 : memref<40xi32, #tpu.memory_space<vmem>>)
          tpu.yield
        }) : () -> ()
        %dma_start3A_123 = arith.constant 0 : i32
        %dma_start3A_124 = arith.constant 0 : i32
        %dma_start3A_125 = tpu.memref_slice %arg2[%dma_start3A_123, %dma_start3A_124] : memref<10000x128xf32, #tpu.memory_space<hbm>> -> memref<10000x128xf32, #tpu.memory_space<hbm>>
        tpu.enqueue_indirect_dma source(%dma_start3A_125 : memref<10000x128xf32, #tpu.memory_space<hbm>>) target(%arg21 : memref<40x128xf32, #tpu.memory_space<vmem>>) offsets(%arg11 : memref<40xi32, #tpu.memory_space<vmem>>) semaphore(%arg27 : memref<!tpu.dma_semaphore, #tpu.memory_space<semaphore_mem>>)
      } else {
      }
    }
    %scan3A_36 = arith.constant 50 : i32
    %barrier3A_37 = arith.constant 0 : index
    tpu.barrier barrier_id(%barrier3A_37)
    %mul3A_38 = arith.constant 640 : i32
    %mul3A_39 = arith.muli %arg1, %mul3A_38 : i32
    "tpu.region"() ({
      %run_scoped3A = tpu.sem_alloc : memref<!tpu.dma_semaphore, #tpu.memory_space<semaphore_mem>>
      %dma_start3A_40 = arith.constant 0 : i32
      %dma_start3A_41 = tpu.memref_slice %arg6[%arg0, %mul3A_39, %dma_start3A_40] : memref<2x10240x128xf32, #tpu.memory_space<hbm>> -> memref<1x640x128xf32, #tpu.memory_space<hbm>>
      %dma_start3A_42 = tpu.memref_squeeze %dma_start3A_41 : memref<1x640x128xf32, #tpu.memory_space<hbm>> -> memref<640x128xf32, #tpu.memory_space<hbm>>
      %dma_start3A_43 = arith.constant 0 : i32
      %dma_start3A_44 = tpu.memref_slice %arg22[%mul3A_39, %dma_start3A_43] : memref<10240x128xf32, #tpu.memory_space<vmem_shared>> -> memref<640x128xf32, #tpu.memory_space<vmem_shared>>
      tpu.enqueue_dma source(%dma_start3A_44 : memref<640x128xf32, #tpu.memory_space<vmem_shared>>) target(%dma_start3A_42 : memref<640x128xf32, #tpu.memory_space<hbm>>) target_semaphore(%run_scoped3A : memref<!tpu.dma_semaphore, #tpu.memory_space<semaphore_mem>>)
      %dma_wait3A = arith.constant 0 : i32
      %dma_wait3A_45 = tpu.memref_slice %arg6[%arg0, %mul3A_39, %dma_wait3A] : memref<2x10240x128xf32, #tpu.memory_space<hbm>> -> memref<1x640x128xf32, #tpu.memory_space<hbm>>
      %dma_wait3A_46 = tpu.memref_squeeze %dma_wait3A_45 : memref<1x640x128xf32, #tpu.memory_space<hbm>> -> memref<640x128xf32, #tpu.memory_space<hbm>>
      %dma_wait3A_47 = arith.constant 0 : i32
      %dma_wait3A_48 = tpu.memref_slice %arg22[%mul3A_39, %dma_wait3A_47] : memref<10240x128xf32, #tpu.memory_space<vmem_shared>> -> memref<640x128xf32, #tpu.memory_space<vmem_shared>>
      tpu.wait_dma2 semaphore(%run_scoped3A : memref<!tpu.dma_semaphore, #tpu.memory_space<semaphore_mem>>) src(%dma_wait3A_48 : memref<640x128xf32, #tpu.memory_space<vmem_shared>>) dst(%dma_wait3A_46 : memref<640x128xf32, #tpu.memory_space<hbm>>)
      tpu.yield
    }) : () -> ()
    return
  }
}

#map = affine_map<(d0, d1) -> (0, 0)>
#map1 = affine_map<(d0, d1) -> (0)>
#map2 = affine_map<(d0, d1) -> (0, 0, 0)>
module attributes {stable_mosaic.version = 14 : i64} {
  func.func @_segsum_body(%arg0: i32, %arg1: i32, %arg2: memref<10000x128xf32, #tpu.memory_space<hbm>>, %arg3: memref<320000xi32, #tpu.memory_space<hbm>>, %arg4: memref<320000xi32, #tpu.memory_space<hbm>>, %arg5: memref<10240x128xf32, #tpu.memory_space<hbm>>, %arg6: memref<2x10240x128xf32, #tpu.memory_space<hbm>>, %arg7: memref<40xi32, #tpu.memory_space<vmem>>, %arg8: memref<40xi32, #tpu.memory_space<vmem>>, %arg9: memref<40xi32, #tpu.memory_space<vmem>>, %arg10: memref<40xi32, #tpu.memory_space<vmem>>, %arg11: memref<40xi32, #tpu.memory_space<vmem>>, %arg12: memref<40xi32, #tpu.memory_space<vmem>>, %arg13: memref<40xi32, #tpu.memory_space<vmem>>, %arg14: memref<40xi32, #tpu.memory_space<vmem>>, %arg15: memref<40xi32, #tpu.memory_space<vmem>>, %arg16: memref<40xi32, #tpu.memory_space<vmem>>, %arg17: memref<40x128xf32, #tpu.memory_space<vmem>>, %arg18: memref<40x128xf32, #tpu.memory_space<vmem>>, %arg19: memref<40x128xf32, #tpu.memory_space<vmem>>, %arg20: memref<40x128xf32, #tpu.memory_space<vmem>>, %arg21: memref<40x128xf32, #tpu.memory_space<vmem>>, %arg22: memref<10240x128xf32, #tpu.memory_space<vmem_shared>>, %arg23: memref<!tpu.dma_semaphore, #tpu.memory_space<semaphore_mem>>, %arg24: memref<!tpu.dma_semaphore, #tpu.memory_space<semaphore_mem>>, %arg25: memref<!tpu.dma_semaphore, #tpu.memory_space<semaphore_mem>>, %arg26: memref<!tpu.dma_semaphore, #tpu.memory_space<semaphore_mem>>, %arg27: memref<!tpu.dma_semaphore, #tpu.memory_space<semaphore_mem>>, %arg28: memref<!tpu.dma_semaphore, #tpu.memory_space<semaphore_mem>>, %arg29: memref<!tpu.dma_semaphore, #tpu.memory_space<semaphore_mem>>, %arg30: memref<!tpu.dma_semaphore, #tpu.memory_space<semaphore_mem>>, %arg31: memref<!tpu.dma_semaphore, #tpu.memory_space<semaphore_mem>>, %arg32: memref<!tpu.dma_semaphore, #tpu.memory_space<semaphore_mem>>) attributes {dimension_semantics = [#tpu.dimension_semantics<core_parallel>, #tpu.dimension_semantics<subcore_parallel>], iteration_bounds = array<i64: 2, 16>, scalar_prefetch = 0 : i64, scratch_operands = 26 : i64, tpu.core_type = #tpu.core_type<sc_vector_subcore>, window_params = [{transform_indices = #map}, {transform_indices = #map1}, {transform_indices = #map1}, {transform_indices = #map}, {transform_indices = #map2}]} {
    %mul3A = arith.constant 2 : i32
    %mul3A_0 = arith.muli %arg1, %mul3A : i32
    %add3A = arith.addi %mul3A_0, %arg0 : i32
    %eq3A = arith.constant 0 : i32
    %eq3A_1 = arith.cmpi eq, %arg1, %eq3A : i32
    %convert_element_type3A = arith.extui %eq3A_1 : i1 to i32
    %cond3A = arith.constant 0 : i32
    %cond3A_2 = arith.cmpi ne, %convert_element_type3A, %cond3A : i32
    scf.if %cond3A_2 {
      "tpu.region"() ({
        %run_scoped3A = tpu.sem_alloc : memref<!tpu.dma_semaphore, #tpu.memory_space<semaphore_mem>>
        tpu.enqueue_dma source(%arg5 : memref<10240x128xf32, #tpu.memory_space<hbm>>) target(%arg22 : memref<10240x128xf32, #tpu.memory_space<vmem_shared>>) target_semaphore(%run_scoped3A : memref<!tpu.dma_semaphore, #tpu.memory_space<semaphore_mem>>)
        tpu.wait_dma2 semaphore(%run_scoped3A : memref<!tpu.dma_semaphore, #tpu.memory_space<semaphore_mem>>) src(%arg5 : memref<10240x128xf32, #tpu.memory_space<hbm>>) dst(%arg22 : memref<10240x128xf32, #tpu.memory_space<vmem_shared>>)
        tpu.yield
      }) : () -> ()
    } else {
    }
    %barrier3A = arith.constant 0 : index
    tpu.barrier barrier_id(%barrier3A)
    %mul3A_3 = arith.constant 10000 : i32
    %mul3A_4 = arith.muli %add3A, %mul3A_3 : i32
    %add3A_5 = arith.constant 0 : i32
    %add3A_6 = arith.addi %mul3A_4, %add3A_5 : i32
    %multiple_of3A = tpu.assume_multiple %add3A_6, 8 : i32
    "tpu.region"() ({
      %run_scoped3A = tpu.sem_alloc : memref<!tpu.dma_semaphore, #tpu.memory_space<semaphore_mem>>
      %dma_start3A_40 = tpu.memref_slice %arg3[%multiple_of3A] : memref<320000xi32, #tpu.memory_space<hbm>> -> memref<40xi32, #tpu.memory_space<hbm>>
      %dma_start3A_41 = tpu.memref_slice %arg3[%multiple_of3A] : memref<320000xi32, #tpu.memory_space<hbm>> -> memref<40xi32, #tpu.memory_space<hbm>>
      tpu.enqueue_dma source(%dma_start3A_41 : memref<40xi32, #tpu.memory_space<hbm>>) target(%arg7 : memref<40xi32, #tpu.memory_space<vmem>>) target_semaphore(%run_scoped3A : memref<!tpu.dma_semaphore, #tpu.memory_space<semaphore_mem>>)
      %dma_wait3A = tpu.memref_slice %arg3[%multiple_of3A] : memref<320000xi32, #tpu.memory_space<hbm>> -> memref<40xi32, #tpu.memory_space<hbm>>
      %dma_wait3A_42 = tpu.memref_slice %arg3[%multiple_of3A] : memref<320000xi32, #tpu.memory_space<hbm>> -> memref<40xi32, #tpu.memory_space<hbm>>
      tpu.wait_dma2 semaphore(%run_scoped3A : memref<!tpu.dma_semaphore, #tpu.memory_space<semaphore_mem>>) src(%dma_wait3A_42 : memref<40xi32, #tpu.memory_space<hbm>>) dst(%arg7 : memref<40xi32, #tpu.memory_space<vmem>>)
      tpu.yield
    }) : () -> ()
    "tpu.region"() ({
      %run_scoped3A = tpu.sem_alloc : memref<!tpu.dma_semaphore, #tpu.memory_space<semaphore_mem>>
      %dma_start3A_40 = tpu.memref_slice %arg4[%multiple_of3A] : memref<320000xi32, #tpu.memory_space<hbm>> -> memref<40xi32, #tpu.memory_space<hbm>>
      %dma_start3A_41 = tpu.memref_slice %arg4[%multiple_of3A] : memref<320000xi32, #tpu.memory_space<hbm>> -> memref<40xi32, #tpu.memory_space<hbm>>
      tpu.enqueue_dma source(%dma_start3A_41 : memref<40xi32, #tpu.memory_space<hbm>>) target(%arg12 : memref<40xi32, #tpu.memory_space<vmem>>) target_semaphore(%run_scoped3A : memref<!tpu.dma_semaphore, #tpu.memory_space<semaphore_mem>>)
      %dma_wait3A = tpu.memref_slice %arg4[%multiple_of3A] : memref<320000xi32, #tpu.memory_space<hbm>> -> memref<40xi32, #tpu.memory_space<hbm>>
      %dma_wait3A_42 = tpu.memref_slice %arg4[%multiple_of3A] : memref<320000xi32, #tpu.memory_space<hbm>> -> memref<40xi32, #tpu.memory_space<hbm>>
      tpu.wait_dma2 semaphore(%run_scoped3A : memref<!tpu.dma_semaphore, #tpu.memory_space<semaphore_mem>>) src(%dma_wait3A_42 : memref<40xi32, #tpu.memory_space<hbm>>) dst(%arg12 : memref<40xi32, #tpu.memory_space<vmem>>)
      tpu.yield
    }) : () -> ()
    %dma_start3A = arith.constant 0 : i32
    %dma_start3A_7 = arith.constant 0 : i32
    %dma_start3A_8 = tpu.memref_slice %arg2[%dma_start3A, %dma_start3A_7] : memref<10000x128xf32, #tpu.memory_space<hbm>> -> memref<10000x128xf32, #tpu.memory_space<hbm>>
    tpu.enqueue_indirect_dma source(%dma_start3A_8 : memref<10000x128xf32, #tpu.memory_space<hbm>>) target(%arg17 : memref<40x128xf32, #tpu.memory_space<vmem>>) offsets(%arg7 : memref<40xi32, #tpu.memory_space<vmem>>) semaphore(%arg23 : memref<!tpu.dma_semaphore, #tpu.memory_space<semaphore_mem>>)
    %add3A_9 = arith.constant 40 : i32
    %add3A_10 = arith.addi %mul3A_4, %add3A_9 : i32
    %multiple_of3A_11 = tpu.assume_multiple %add3A_10, 8 : i32
    "tpu.region"() ({
      %run_scoped3A = tpu.sem_alloc : memref<!tpu.dma_semaphore, #tpu.memory_space<semaphore_mem>>
      %dma_start3A_40 = tpu.memref_slice %arg3[%multiple_of3A_11] : memref<320000xi32, #tpu.memory_space<hbm>> -> memref<40xi32, #tpu.memory_space<hbm>>
      %dma_start3A_41 = tpu.memref_slice %arg3[%multiple_of3A_11] : memref<320000xi32, #tpu.memory_space<hbm>> -> memref<40xi32, #tpu.memory_space<hbm>>
      tpu.enqueue_dma source(%dma_start3A_41 : memref<40xi32, #tpu.memory_space<hbm>>) target(%arg8 : memref<40xi32, #tpu.memory_space<vmem>>) target_semaphore(%run_scoped3A : memref<!tpu.dma_semaphore, #tpu.memory_space<semaphore_mem>>)
      %dma_wait3A = tpu.memref_slice %arg3[%multiple_of3A_11] : memref<320000xi32, #tpu.memory_space<hbm>> -> memref<40xi32, #tpu.memory_space<hbm>>
      %dma_wait3A_42 = tpu.memref_slice %arg3[%multiple_of3A_11] : memref<320000xi32, #tpu.memory_space<hbm>> -> memref<40xi32, #tpu.memory_space<hbm>>
      tpu.wait_dma2 semaphore(%run_scoped3A : memref<!tpu.dma_semaphore, #tpu.memory_space<semaphore_mem>>) src(%dma_wait3A_42 : memref<40xi32, #tpu.memory_space<hbm>>) dst(%arg8 : memref<40xi32, #tpu.memory_space<vmem>>)
      tpu.yield
    }) : () -> ()
    "tpu.region"() ({
      %run_scoped3A = tpu.sem_alloc : memref<!tpu.dma_semaphore, #tpu.memory_space<semaphore_mem>>
      %dma_start3A_40 = tpu.memref_slice %arg4[%multiple_of3A_11] : memref<320000xi32, #tpu.memory_space<hbm>> -> memref<40xi32, #tpu.memory_space<hbm>>
      %dma_start3A_41 = tpu.memref_slice %arg4[%multiple_of3A_11] : memref<320000xi32, #tpu.memory_space<hbm>> -> memref<40xi32, #tpu.memory_space<hbm>>
      tpu.enqueue_dma source(%dma_start3A_41 : memref<40xi32, #tpu.memory_space<hbm>>) target(%arg13 : memref<40xi32, #tpu.memory_space<vmem>>) target_semaphore(%run_scoped3A : memref<!tpu.dma_semaphore, #tpu.memory_space<semaphore_mem>>)
      %dma_wait3A = tpu.memref_slice %arg4[%multiple_of3A_11] : memref<320000xi32, #tpu.memory_space<hbm>> -> memref<40xi32, #tpu.memory_space<hbm>>
      %dma_wait3A_42 = tpu.memref_slice %arg4[%multiple_of3A_11] : memref<320000xi32, #tpu.memory_space<hbm>> -> memref<40xi32, #tpu.memory_space<hbm>>
      tpu.wait_dma2 semaphore(%run_scoped3A : memref<!tpu.dma_semaphore, #tpu.memory_space<semaphore_mem>>) src(%dma_wait3A_42 : memref<40xi32, #tpu.memory_space<hbm>>) dst(%arg13 : memref<40xi32, #tpu.memory_space<vmem>>)
      tpu.yield
    }) : () -> ()
    %dma_start3A_12 = arith.constant 0 : i32
    %dma_start3A_13 = arith.constant 0 : i32
    %dma_start3A_14 = tpu.memref_slice %arg2[%dma_start3A_12, %dma_start3A_13] : memref<10000x128xf32, #tpu.memory_space<hbm>> -> memref<10000x128xf32, #tpu.memory_space<hbm>>
    tpu.enqueue_indirect_dma source(%dma_start3A_14 : memref<10000x128xf32, #tpu.memory_space<hbm>>) target(%arg18 : memref<40x128xf32, #tpu.memory_space<vmem>>) offsets(%arg8 : memref<40xi32, #tpu.memory_space<vmem>>) semaphore(%arg24 : memref<!tpu.dma_semaphore, #tpu.memory_space<semaphore_mem>>)
    %add3A_15 = arith.constant 80 : i32
    %add3A_16 = arith.addi %mul3A_4, %add3A_15 : i32
    %multiple_of3A_17 = tpu.assume_multiple %add3A_16, 8 : i32
    "tpu.region"() ({
      %run_scoped3A = tpu.sem_alloc : memref<!tpu.dma_semaphore, #tpu.memory_space<semaphore_mem>>
      %dma_start3A_40 = tpu.memref_slice %arg3[%multiple_of3A_17] : memref<320000xi32, #tpu.memory_space<hbm>> -> memref<40xi32, #tpu.memory_space<hbm>>
      %dma_start3A_41 = tpu.memref_slice %arg3[%multiple_of3A_17] : memref<320000xi32, #tpu.memory_space<hbm>> -> memref<40xi32, #tpu.memory_space<hbm>>
      tpu.enqueue_dma source(%dma_start3A_41 : memref<40xi32, #tpu.memory_space<hbm>>) target(%arg9 : memref<40xi32, #tpu.memory_space<vmem>>) target_semaphore(%run_scoped3A : memref<!tpu.dma_semaphore, #tpu.memory_space<semaphore_mem>>)
      %dma_wait3A = tpu.memref_slice %arg3[%multiple_of3A_17] : memref<320000xi32, #tpu.memory_space<hbm>> -> memref<40xi32, #tpu.memory_space<hbm>>
      %dma_wait3A_42 = tpu.memref_slice %arg3[%multiple_of3A_17] : memref<320000xi32, #tpu.memory_space<hbm>> -> memref<40xi32, #tpu.memory_space<hbm>>
      tpu.wait_dma2 semaphore(%run_scoped3A : memref<!tpu.dma_semaphore, #tpu.memory_space<semaphore_mem>>) src(%dma_wait3A_42 : memref<40xi32, #tpu.memory_space<hbm>>) dst(%arg9 : memref<40xi32, #tpu.memory_space<vmem>>)
      tpu.yield
    }) : () -> ()
    "tpu.region"() ({
      %run_scoped3A = tpu.sem_alloc : memref<!tpu.dma_semaphore, #tpu.memory_space<semaphore_mem>>
      %dma_start3A_40 = tpu.memref_slice %arg4[%multiple_of3A_17] : memref<320000xi32, #tpu.memory_space<hbm>> -> memref<40xi32, #tpu.memory_space<hbm>>
      %dma_start3A_41 = tpu.memref_slice %arg4[%multiple_of3A_17] : memref<320000xi32, #tpu.memory_space<hbm>> -> memref<40xi32, #tpu.memory_space<hbm>>
      tpu.enqueue_dma source(%dma_start3A_41 : memref<40xi32, #tpu.memory_space<hbm>>) target(%arg14 : memref<40xi32, #tpu.memory_space<vmem>>) target_semaphore(%run_scoped3A : memref<!tpu.dma_semaphore, #tpu.memory_space<semaphore_mem>>)
      %dma_wait3A = tpu.memref_slice %arg4[%multiple_of3A_17] : memref<320000xi32, #tpu.memory_space<hbm>> -> memref<40xi32, #tpu.memory_space<hbm>>
      %dma_wait3A_42 = tpu.memref_slice %arg4[%multiple_of3A_17] : memref<320000xi32, #tpu.memory_space<hbm>> -> memref<40xi32, #tpu.memory_space<hbm>>
      tpu.wait_dma2 semaphore(%run_scoped3A : memref<!tpu.dma_semaphore, #tpu.memory_space<semaphore_mem>>) src(%dma_wait3A_42 : memref<40xi32, #tpu.memory_space<hbm>>) dst(%arg14 : memref<40xi32, #tpu.memory_space<vmem>>)
      tpu.yield
    }) : () -> ()
    %dma_start3A_18 = arith.constant 0 : i32
    %dma_start3A_19 = arith.constant 0 : i32
    %dma_start3A_20 = tpu.memref_slice %arg2[%dma_start3A_18, %dma_start3A_19] : memref<10000x128xf32, #tpu.memory_space<hbm>> -> memref<10000x128xf32, #tpu.memory_space<hbm>>
    tpu.enqueue_indirect_dma source(%dma_start3A_20 : memref<10000x128xf32, #tpu.memory_space<hbm>>) target(%arg19 : memref<40x128xf32, #tpu.memory_space<vmem>>) offsets(%arg9 : memref<40xi32, #tpu.memory_space<vmem>>) semaphore(%arg25 : memref<!tpu.dma_semaphore, #tpu.memory_space<semaphore_mem>>)
    %add3A_21 = arith.constant 120 : i32
    %add3A_22 = arith.addi %mul3A_4, %add3A_21 : i32
    %multiple_of3A_23 = tpu.assume_multiple %add3A_22, 8 : i32
    "tpu.region"() ({
      %run_scoped3A = tpu.sem_alloc : memref<!tpu.dma_semaphore, #tpu.memory_space<semaphore_mem>>
      %dma_start3A_40 = tpu.memref_slice %arg3[%multiple_of3A_23] : memref<320000xi32, #tpu.memory_space<hbm>> -> memref<40xi32, #tpu.memory_space<hbm>>
      %dma_start3A_41 = tpu.memref_slice %arg3[%multiple_of3A_23] : memref<320000xi32, #tpu.memory_space<hbm>> -> memref<40xi32, #tpu.memory_space<hbm>>
      tpu.enqueue_dma source(%dma_start3A_41 : memref<40xi32, #tpu.memory_space<hbm>>) target(%arg10 : memref<40xi32, #tpu.memory_space<vmem>>) target_semaphore(%run_scoped3A : memref<!tpu.dma_semaphore, #tpu.memory_space<semaphore_mem>>)
      %dma_wait3A = tpu.memref_slice %arg3[%multiple_of3A_23] : memref<320000xi32, #tpu.memory_space<hbm>> -> memref<40xi32, #tpu.memory_space<hbm>>
      %dma_wait3A_42 = tpu.memref_slice %arg3[%multiple_of3A_23] : memref<320000xi32, #tpu.memory_space<hbm>> -> memref<40xi32, #tpu.memory_space<hbm>>
      tpu.wait_dma2 semaphore(%run_scoped3A : memref<!tpu.dma_semaphore, #tpu.memory_space<semaphore_mem>>) src(%dma_wait3A_42 : memref<40xi32, #tpu.memory_space<hbm>>) dst(%arg10 : memref<40xi32, #tpu.memory_space<vmem>>)
      tpu.yield
    }) : () -> ()
    "tpu.region"() ({
      %run_scoped3A = tpu.sem_alloc : memref<!tpu.dma_semaphore, #tpu.memory_space<semaphore_mem>>
      %dma_start3A_40 = tpu.memref_slice %arg4[%multiple_of3A_23] : memref<320000xi32, #tpu.memory_space<hbm>> -> memref<40xi32, #tpu.memory_space<hbm>>
      %dma_start3A_41 = tpu.memref_slice %arg4[%multiple_of3A_23] : memref<320000xi32, #tpu.memory_space<hbm>> -> memref<40xi32, #tpu.memory_space<hbm>>
      tpu.enqueue_dma source(%dma_start3A_41 : memref<40xi32, #tpu.memory_space<hbm>>) target(%arg15 : memref<40xi32, #tpu.memory_space<vmem>>) target_semaphore(%run_scoped3A : memref<!tpu.dma_semaphore, #tpu.memory_space<semaphore_mem>>)
      %dma_wait3A = tpu.memref_slice %arg4[%multiple_of3A_23] : memref<320000xi32, #tpu.memory_space<hbm>> -> memref<40xi32, #tpu.memory_space<hbm>>
      %dma_wait3A_42 = tpu.memref_slice %arg4[%multiple_of3A_23] : memref<320000xi32, #tpu.memory_space<hbm>> -> memref<40xi32, #tpu.memory_space<hbm>>
      tpu.wait_dma2 semaphore(%run_scoped3A : memref<!tpu.dma_semaphore, #tpu.memory_space<semaphore_mem>>) src(%dma_wait3A_42 : memref<40xi32, #tpu.memory_space<hbm>>) dst(%arg15 : memref<40xi32, #tpu.memory_space<vmem>>)
      tpu.yield
    }) : () -> ()
    %dma_start3A_24 = arith.constant 0 : i32
    %dma_start3A_25 = arith.constant 0 : i32
    %dma_start3A_26 = tpu.memref_slice %arg2[%dma_start3A_24, %dma_start3A_25] : memref<10000x128xf32, #tpu.memory_space<hbm>> -> memref<10000x128xf32, #tpu.memory_space<hbm>>
    tpu.enqueue_indirect_dma source(%dma_start3A_26 : memref<10000x128xf32, #tpu.memory_space<hbm>>) target(%arg20 : memref<40x128xf32, #tpu.memory_space<vmem>>) offsets(%arg10 : memref<40xi32, #tpu.memory_space<vmem>>) semaphore(%arg26 : memref<!tpu.dma_semaphore, #tpu.memory_space<semaphore_mem>>)
    %add3A_27 = arith.constant 160 : i32
    %add3A_28 = arith.addi %mul3A_4, %add3A_27 : i32
    %multiple_of3A_29 = tpu.assume_multiple %add3A_28, 8 : i32
    "tpu.region"() ({
      %run_scoped3A = tpu.sem_alloc : memref<!tpu.dma_semaphore, #tpu.memory_space<semaphore_mem>>
      %dma_start3A_40 = tpu.memref_slice %arg3[%multiple_of3A_29] : memref<320000xi32, #tpu.memory_space<hbm>> -> memref<40xi32, #tpu.memory_space<hbm>>
      %dma_start3A_41 = tpu.memref_slice %arg3[%multiple_of3A_29] : memref<320000xi32, #tpu.memory_space<hbm>> -> memref<40xi32, #tpu.memory_space<hbm>>
      tpu.enqueue_dma source(%dma_start3A_41 : memref<40xi32, #tpu.memory_space<hbm>>) target(%arg11 : memref<40xi32, #tpu.memory_space<vmem>>) target_semaphore(%run_scoped3A : memref<!tpu.dma_semaphore, #tpu.memory_space<semaphore_mem>>)
      %dma_wait3A = tpu.memref_slice %arg3[%multiple_of3A_29] : memref<320000xi32, #tpu.memory_space<hbm>> -> memref<40xi32, #tpu.memory_space<hbm>>
      %dma_wait3A_42 = tpu.memref_slice %arg3[%multiple_of3A_29] : memref<320000xi32, #tpu.memory_space<hbm>> -> memref<40xi32, #tpu.memory_space<hbm>>
      tpu.wait_dma2 semaphore(%run_scoped3A : memref<!tpu.dma_semaphore, #tpu.memory_space<semaphore_mem>>) src(%dma_wait3A_42 : memref<40xi32, #tpu.memory_space<hbm>>) dst(%arg11 : memref<40xi32, #tpu.memory_space<vmem>>)
      tpu.yield
    }) : () -> ()
    "tpu.region"() ({
      %run_scoped3A = tpu.sem_alloc : memref<!tpu.dma_semaphore, #tpu.memory_space<semaphore_mem>>
      %dma_start3A_40 = tpu.memref_slice %arg4[%multiple_of3A_29] : memref<320000xi32, #tpu.memory_space<hbm>> -> memref<40xi32, #tpu.memory_space<hbm>>
      %dma_start3A_41 = tpu.memref_slice %arg4[%multiple_of3A_29] : memref<320000xi32, #tpu.memory_space<hbm>> -> memref<40xi32, #tpu.memory_space<hbm>>
      tpu.enqueue_dma source(%dma_start3A_41 : memref<40xi32, #tpu.memory_space<hbm>>) target(%arg16 : memref<40xi32, #tpu.memory_space<vmem>>) target_semaphore(%run_scoped3A : memref<!tpu.dma_semaphore, #tpu.memory_space<semaphore_mem>>)
      %dma_wait3A = tpu.memref_slice %arg4[%multiple_of3A_29] : memref<320000xi32, #tpu.memory_space<hbm>> -> memref<40xi32, #tpu.memory_space<hbm>>
      %dma_wait3A_42 = tpu.memref_slice %arg4[%multiple_of3A_29] : memref<320000xi32, #tpu.memory_space<hbm>> -> memref<40xi32, #tpu.memory_space<hbm>>
      tpu.wait_dma2 semaphore(%run_scoped3A : memref<!tpu.dma_semaphore, #tpu.memory_space<semaphore_mem>>) src(%dma_wait3A_42 : memref<40xi32, #tpu.memory_space<hbm>>) dst(%arg16 : memref<40xi32, #tpu.memory_space<vmem>>)
      tpu.yield
    }) : () -> ()
    %dma_start3A_30 = arith.constant 0 : i32
    %dma_start3A_31 = arith.constant 0 : i32
    %dma_start3A_32 = tpu.memref_slice %arg2[%dma_start3A_30, %dma_start3A_31] : memref<10000x128xf32, #tpu.memory_space<hbm>> -> memref<10000x128xf32, #tpu.memory_space<hbm>>
    tpu.enqueue_indirect_dma source(%dma_start3A_32 : memref<10000x128xf32, #tpu.memory_space<hbm>>) target(%arg21 : memref<40x128xf32, #tpu.memory_space<vmem>>) offsets(%arg11 : memref<40xi32, #tpu.memory_space<vmem>>) semaphore(%arg27 : memref<!tpu.dma_semaphore, #tpu.memory_space<semaphore_mem>>)
    %scan3A = arith.constant 0 : i32
    %scan3A_33 = arith.constant 50 : i32
    %scan3A_34 = arith.addi %scan3A, %scan3A_33 : i32
    %scan3A_35 = arith.constant 1 : i32
    scf.for %scan3A_40 = %scan3A to %scan3A_34 step %scan3A_35  : i32 {
      %mul3A_41 = arith.constant 1 : i32
      %mul3A_42 = arith.muli %scan3A_40, %mul3A_41 : i32
      %add3A_43 = arith.constant 0 : i32
      %add3A_44 = arith.addi %add3A_43, %mul3A_42 : i32
      %dma_wait3A = arith.constant 0 : i32
      %dma_wait3A_45 = arith.constant 0 : i32
      %dma_wait3A_46 = tpu.memref_slice %arg2[%dma_wait3A, %dma_wait3A_45] : memref<10000x128xf32, #tpu.memory_space<hbm>> -> memref<10000x128xf32, #tpu.memory_space<hbm>>
      tpu.wait_indirect_dma semaphore(%arg23 : memref<!tpu.dma_semaphore, #tpu.memory_space<semaphore_mem>>) src(%dma_wait3A_46 : memref<10000x128xf32, #tpu.memory_space<hbm>>) dst(%arg17 : memref<40x128xf32, #tpu.memory_space<vmem>>)
      %dma_start3A_47 = arith.constant 0 : i32
      %dma_start3A_48 = arith.constant 0 : i32
      %dma_start3A_49 = tpu.memref_slice %arg22[%dma_start3A_47, %dma_start3A_48] : memref<10240x128xf32, #tpu.memory_space<vmem_shared>> -> memref<10240x128xf32, #tpu.memory_space<vmem_shared>>
      tpu.enqueue_indirect_dma source(%arg17 : memref<40x128xf32, #tpu.memory_space<vmem>>) target(%dma_start3A_49 : memref<10240x128xf32, #tpu.memory_space<vmem_shared>>) offsets(%arg12 : memref<40xi32, #tpu.memory_space<vmem>>) semaphore(%arg28 : memref<!tpu.dma_semaphore, #tpu.memory_space<semaphore_mem>>) {add = true}
      %dma_wait3A_50 = arith.constant 0 : i32
      %dma_wait3A_51 = arith.constant 0 : i32
      %dma_wait3A_52 = tpu.memref_slice %arg2[%dma_wait3A_50, %dma_wait3A_51] : memref<10000x128xf32, #tpu.memory_space<hbm>> -> memref<10000x128xf32, #tpu.memory_space<hbm>>
      tpu.wait_indirect_dma semaphore(%arg24 : memref<!tpu.dma_semaphore, #tpu.memory_space<semaphore_mem>>) src(%dma_wait3A_52 : memref<10000x128xf32, #tpu.memory_space<hbm>>) dst(%arg18 : memref<40x128xf32, #tpu.memory_space<vmem>>)
      %dma_start3A_53 = arith.constant 0 : i32
      %dma_start3A_54 = arith.constant 0 : i32
      %dma_start3A_55 = tpu.memref_slice %arg22[%dma_start3A_53, %dma_start3A_54] : memref<10240x128xf32, #tpu.memory_space<vmem_shared>> -> memref<10240x128xf32, #tpu.memory_space<vmem_shared>>
      tpu.enqueue_indirect_dma source(%arg18 : memref<40x128xf32, #tpu.memory_space<vmem>>) target(%dma_start3A_55 : memref<10240x128xf32, #tpu.memory_space<vmem_shared>>) offsets(%arg13 : memref<40xi32, #tpu.memory_space<vmem>>) semaphore(%arg29 : memref<!tpu.dma_semaphore, #tpu.memory_space<semaphore_mem>>) {add = true}
      %dma_wait3A_56 = arith.constant 0 : i32
      %dma_wait3A_57 = arith.constant 0 : i32
      %dma_wait3A_58 = tpu.memref_slice %arg2[%dma_wait3A_56, %dma_wait3A_57] : memref<10000x128xf32, #tpu.memory_space<hbm>> -> memref<10000x128xf32, #tpu.memory_space<hbm>>
      tpu.wait_indirect_dma semaphore(%arg25 : memref<!tpu.dma_semaphore, #tpu.memory_space<semaphore_mem>>) src(%dma_wait3A_58 : memref<10000x128xf32, #tpu.memory_space<hbm>>) dst(%arg19 : memref<40x128xf32, #tpu.memory_space<vmem>>)
      %dma_start3A_59 = arith.constant 0 : i32
      %dma_start3A_60 = arith.constant 0 : i32
      %dma_start3A_61 = tpu.memref_slice %arg22[%dma_start3A_59, %dma_start3A_60] : memref<10240x128xf32, #tpu.memory_space<vmem_shared>> -> memref<10240x128xf32, #tpu.memory_space<vmem_shared>>
      tpu.enqueue_indirect_dma source(%arg19 : memref<40x128xf32, #tpu.memory_space<vmem>>) target(%dma_start3A_61 : memref<10240x128xf32, #tpu.memory_space<vmem_shared>>) offsets(%arg14 : memref<40xi32, #tpu.memory_space<vmem>>) semaphore(%arg30 : memref<!tpu.dma_semaphore, #tpu.memory_space<semaphore_mem>>) {add = true}
      %dma_wait3A_62 = arith.constant 0 : i32
      %dma_wait3A_63 = arith.constant 0 : i32
      %dma_wait3A_64 = tpu.memref_slice %arg2[%dma_wait3A_62, %dma_wait3A_63] : memref<10000x128xf32, #tpu.memory_space<hbm>> -> memref<10000x128xf32, #tpu.memory_space<hbm>>
      tpu.wait_indirect_dma semaphore(%arg26 : memref<!tpu.dma_semaphore, #tpu.memory_space<semaphore_mem>>) src(%dma_wait3A_64 : memref<10000x128xf32, #tpu.memory_space<hbm>>) dst(%arg20 : memref<40x128xf32, #tpu.memory_space<vmem>>)
      %dma_start3A_65 = arith.constant 0 : i32
      %dma_start3A_66 = arith.constant 0 : i32
      %dma_start3A_67 = tpu.memref_slice %arg22[%dma_start3A_65, %dma_start3A_66] : memref<10240x128xf32, #tpu.memory_space<vmem_shared>> -> memref<10240x128xf32, #tpu.memory_space<vmem_shared>>
      tpu.enqueue_indirect_dma source(%arg20 : memref<40x128xf32, #tpu.memory_space<vmem>>) target(%dma_start3A_67 : memref<10240x128xf32, #tpu.memory_space<vmem_shared>>) offsets(%arg15 : memref<40xi32, #tpu.memory_space<vmem>>) semaphore(%arg31 : memref<!tpu.dma_semaphore, #tpu.memory_space<semaphore_mem>>) {add = true}
      %dma_wait3A_68 = arith.constant 0 : i32
      %dma_wait3A_69 = arith.constant 0 : i32
      %dma_wait3A_70 = tpu.memref_slice %arg2[%dma_wait3A_68, %dma_wait3A_69] : memref<10000x128xf32, #tpu.memory_space<hbm>> -> memref<10000x128xf32, #tpu.memory_space<hbm>>
      tpu.wait_indirect_dma semaphore(%arg27 : memref<!tpu.dma_semaphore, #tpu.memory_space<semaphore_mem>>) src(%dma_wait3A_70 : memref<10000x128xf32, #tpu.memory_space<hbm>>) dst(%arg21 : memref<40x128xf32, #tpu.memory_space<vmem>>)
      %dma_start3A_71 = arith.constant 0 : i32
      %dma_start3A_72 = arith.constant 0 : i32
      %dma_start3A_73 = tpu.memref_slice %arg22[%dma_start3A_71, %dma_start3A_72] : memref<10240x128xf32, #tpu.memory_space<vmem_shared>> -> memref<10240x128xf32, #tpu.memory_space<vmem_shared>>
      tpu.enqueue_indirect_dma source(%arg21 : memref<40x128xf32, #tpu.memory_space<vmem>>) target(%dma_start3A_73 : memref<10240x128xf32, #tpu.memory_space<vmem_shared>>) offsets(%arg16 : memref<40xi32, #tpu.memory_space<vmem>>) semaphore(%arg32 : memref<!tpu.dma_semaphore, #tpu.memory_space<semaphore_mem>>) {add = true}
      %dma_wait3A_74 = arith.constant 0 : i32
      %dma_wait3A_75 = arith.constant 0 : i32
      %dma_wait3A_76 = tpu.memref_slice %arg22[%dma_wait3A_74, %dma_wait3A_75] : memref<10240x128xf32, #tpu.memory_space<vmem_shared>> -> memref<10240x128xf32, #tpu.memory_space<vmem_shared>>
      tpu.wait_indirect_dma semaphore(%arg28 : memref<!tpu.dma_semaphore, #tpu.memory_space<semaphore_mem>>) src(%arg17 : memref<40x128xf32, #tpu.memory_space<vmem>>) dst(%dma_wait3A_76 : memref<10240x128xf32, #tpu.memory_space<vmem_shared>>)
      %lt3A = arith.constant 49 : i32
      %lt3A_77 = arith.cmpi slt, %add3A_44, %lt3A : i32
      %convert_element_type3A_78 = arith.extui %lt3A_77 : i1 to i32
      %cond3A_79 = arith.constant 0 : i32
      %cond3A_80 = arith.cmpi ne, %convert_element_type3A_78, %cond3A_79 : i32
      scf.if %cond3A_80 {
        %add3A_113 = arith.constant 1 : i32
        %add3A_114 = arith.addi %add3A_44, %add3A_113 : i32
        %mul3A_115 = arith.constant 5 : i32
        %mul3A_116 = arith.muli %add3A_114, %mul3A_115 : i32
        %add3A_117 = arith.constant 0 : i32
        %add3A_118 = arith.addi %mul3A_116, %add3A_117 : i32
        %mul3A_119 = arith.constant 40 : i32
        %mul3A_120 = arith.muli %add3A_118, %mul3A_119 : i32
        %add3A_121 = arith.addi %mul3A_4, %mul3A_120 : i32
        %multiple_of3A_122 = tpu.assume_multiple %add3A_121, 8 : i32
        "tpu.region"() ({
          %run_scoped3A = tpu.sem_alloc : memref<!tpu.dma_semaphore, #tpu.memory_space<semaphore_mem>>
          %dma_start3A_126 = tpu.memref_slice %arg3[%multiple_of3A_122] : memref<320000xi32, #tpu.memory_space<hbm>> -> memref<40xi32, #tpu.memory_space<hbm>>
          %dma_start3A_127 = tpu.memref_slice %arg3[%multiple_of3A_122] : memref<320000xi32, #tpu.memory_space<hbm>> -> memref<40xi32, #tpu.memory_space<hbm>>
          tpu.enqueue_dma source(%dma_start3A_127 : memref<40xi32, #tpu.memory_space<hbm>>) target(%arg7 : memref<40xi32, #tpu.memory_space<vmem>>) target_semaphore(%run_scoped3A : memref<!tpu.dma_semaphore, #tpu.memory_space<semaphore_mem>>)
          %dma_wait3A_128 = tpu.memref_slice %arg3[%multiple_of3A_122] : memref<320000xi32, #tpu.memory_space<hbm>> -> memref<40xi32, #tpu.memory_space<hbm>>
          %dma_wait3A_129 = tpu.memref_slice %arg3[%multiple_of3A_122] : memref<320000xi32, #tpu.memory_space<hbm>> -> memref<40xi32, #tpu.memory_space<hbm>>
          tpu.wait_dma2 semaphore(%run_scoped3A : memref<!tpu.dma_semaphore, #tpu.memory_space<semaphore_mem>>) src(%dma_wait3A_129 : memref<40xi32, #tpu.memory_space<hbm>>) dst(%arg7 : memref<40xi32, #tpu.memory_space<vmem>>)
          tpu.yield
        }) : () -> ()
        "tpu.region"() ({
          %run_scoped3A = tpu.sem_alloc : memref<!tpu.dma_semaphore, #tpu.memory_space<semaphore_mem>>
          %dma_start3A_126 = tpu.memref_slice %arg4[%multiple_of3A_122] : memref<320000xi32, #tpu.memory_space<hbm>> -> memref<40xi32, #tpu.memory_space<hbm>>
          %dma_start3A_127 = tpu.memref_slice %arg4[%multiple_of3A_122] : memref<320000xi32, #tpu.memory_space<hbm>> -> memref<40xi32, #tpu.memory_space<hbm>>
          tpu.enqueue_dma source(%dma_start3A_127 : memref<40xi32, #tpu.memory_space<hbm>>) target(%arg12 : memref<40xi32, #tpu.memory_space<vmem>>) target_semaphore(%run_scoped3A : memref<!tpu.dma_semaphore, #tpu.memory_space<semaphore_mem>>)
          %dma_wait3A_128 = tpu.memref_slice %arg4[%multiple_of3A_122] : memref<320000xi32, #tpu.memory_space<hbm>> -> memref<40xi32, #tpu.memory_space<hbm>>
          %dma_wait3A_129 = tpu.memref_slice %arg4[%multiple_of3A_122] : memref<320000xi32, #tpu.memory_space<hbm>> -> memref<40xi32, #tpu.memory_space<hbm>>
          tpu.wait_dma2 semaphore(%run_scoped3A : memref<!tpu.dma_semaphore, #tpu.memory_space<semaphore_mem>>) src(%dma_wait3A_129 : memref<40xi32, #tpu.memory_space<hbm>>) dst(%arg12 : memref<40xi32, #tpu.memory_space<vmem>>)
          tpu.yield
        }) : () -> ()
        %dma_start3A_123 = arith.constant 0 : i32
        %dma_start3A_124 = arith.constant 0 : i32
        %dma_start3A_125 = tpu.memref_slice %arg2[%dma_start3A_123, %dma_start3A_124] : memref<10000x128xf32, #tpu.memory_space<hbm>> -> memref<10000x128xf32, #tpu.memory_space<hbm>>
        tpu.enqueue_indirect_dma source(%dma_start3A_125 : memref<10000x128xf32, #tpu.memory_space<hbm>>) target(%arg17 : memref<40x128xf32, #tpu.memory_space<vmem>>) offsets(%arg7 : memref<40xi32, #tpu.memory_space<vmem>>) semaphore(%arg23 : memref<!tpu.dma_semaphore, #tpu.memory_space<semaphore_mem>>)
      } else {
      }
      %dma_wait3A_81 = arith.constant 0 : i32
      %dma_wait3A_82 = arith.constant 0 : i32
      %dma_wait3A_83 = tpu.memref_slice %arg22[%dma_wait3A_81, %dma_wait3A_82] : memref<10240x128xf32, #tpu.memory_space<vmem_shared>> -> memref<10240x128xf32, #tpu.memory_space<vmem_shared>>
      tpu.wait_indirect_dma semaphore(%arg29 : memref<!tpu.dma_semaphore, #tpu.memory_space<semaphore_mem>>) src(%arg18 : memref<40x128xf32, #tpu.memory_space<vmem>>) dst(%dma_wait3A_83 : memref<10240x128xf32, #tpu.memory_space<vmem_shared>>)
      %lt3A_84 = arith.constant 49 : i32
      %lt3A_85 = arith.cmpi slt, %add3A_44, %lt3A_84 : i32
      %convert_element_type3A_86 = arith.extui %lt3A_85 : i1 to i32
      %cond3A_87 = arith.constant 0 : i32
      %cond3A_88 = arith.cmpi ne, %convert_element_type3A_86, %cond3A_87 : i32
      scf.if %cond3A_88 {
        %add3A_113 = arith.constant 1 : i32
        %add3A_114 = arith.addi %add3A_44, %add3A_113 : i32
        %mul3A_115 = arith.constant 5 : i32
        %mul3A_116 = arith.muli %add3A_114, %mul3A_115 : i32
        %add3A_117 = arith.constant 1 : i32
        %add3A_118 = arith.addi %mul3A_116, %add3A_117 : i32
        %mul3A_119 = arith.constant 40 : i32
        %mul3A_120 = arith.muli %add3A_118, %mul3A_119 : i32
        %add3A_121 = arith.addi %mul3A_4, %mul3A_120 : i32
        %multiple_of3A_122 = tpu.assume_multiple %add3A_121, 8 : i32
        "tpu.region"() ({
          %run_scoped3A = tpu.sem_alloc : memref<!tpu.dma_semaphore, #tpu.memory_space<semaphore_mem>>
          %dma_start3A_126 = tpu.memref_slice %arg3[%multiple_of3A_122] : memref<320000xi32, #tpu.memory_space<hbm>> -> memref<40xi32, #tpu.memory_space<hbm>>
          %dma_start3A_127 = tpu.memref_slice %arg3[%multiple_of3A_122] : memref<320000xi32, #tpu.memory_space<hbm>> -> memref<40xi32, #tpu.memory_space<hbm>>
          tpu.enqueue_dma source(%dma_start3A_127 : memref<40xi32, #tpu.memory_space<hbm>>) target(%arg8 : memref<40xi32, #tpu.memory_space<vmem>>) target_semaphore(%run_scoped3A : memref<!tpu.dma_semaphore, #tpu.memory_space<semaphore_mem>>)
          %dma_wait3A_128 = tpu.memref_slice %arg3[%multiple_of3A_122] : memref<320000xi32, #tpu.memory_space<hbm>> -> memref<40xi32, #tpu.memory_space<hbm>>
          %dma_wait3A_129 = tpu.memref_slice %arg3[%multiple_of3A_122] : memref<320000xi32, #tpu.memory_space<hbm>> -> memref<40xi32, #tpu.memory_space<hbm>>
          tpu.wait_dma2 semaphore(%run_scoped3A : memref<!tpu.dma_semaphore, #tpu.memory_space<semaphore_mem>>) src(%dma_wait3A_129 : memref<40xi32, #tpu.memory_space<hbm>>) dst(%arg8 : memref<40xi32, #tpu.memory_space<vmem>>)
          tpu.yield
        }) : () -> ()
        "tpu.region"() ({
          %run_scoped3A = tpu.sem_alloc : memref<!tpu.dma_semaphore, #tpu.memory_space<semaphore_mem>>
          %dma_start3A_126 = tpu.memref_slice %arg4[%multiple_of3A_122] : memref<320000xi32, #tpu.memory_space<hbm>> -> memref<40xi32, #tpu.memory_space<hbm>>
          %dma_start3A_127 = tpu.memref_slice %arg4[%multiple_of3A_122] : memref<320000xi32, #tpu.memory_space<hbm>> -> memref<40xi32, #tpu.memory_space<hbm>>
          tpu.enqueue_dma source(%dma_start3A_127 : memref<40xi32, #tpu.memory_space<hbm>>) target(%arg13 : memref<40xi32, #tpu.memory_space<vmem>>) target_semaphore(%run_scoped3A : memref<!tpu.dma_semaphore, #tpu.memory_space<semaphore_mem>>)
          %dma_wait3A_128 = tpu.memref_slice %arg4[%multiple_of3A_122] : memref<320000xi32, #tpu.memory_space<hbm>> -> memref<40xi32, #tpu.memory_space<hbm>>
          %dma_wait3A_129 = tpu.memref_slice %arg4[%multiple_of3A_122] : memref<320000xi32, #tpu.memory_space<hbm>> -> memref<40xi32, #tpu.memory_space<hbm>>
          tpu.wait_dma2 semaphore(%run_scoped3A : memref<!tpu.dma_semaphore, #tpu.memory_space<semaphore_mem>>) src(%dma_wait3A_129 : memref<40xi32, #tpu.memory_space<hbm>>) dst(%arg13 : memref<40xi32, #tpu.memory_space<vmem>>)
          tpu.yield
        }) : () -> ()
        %dma_start3A_123 = arith.constant 0 : i32
        %dma_start3A_124 = arith.constant 0 : i32
        %dma_start3A_125 = tpu.memref_slice %arg2[%dma_start3A_123, %dma_start3A_124] : memref<10000x128xf32, #tpu.memory_space<hbm>> -> memref<10000x128xf32, #tpu.memory_space<hbm>>
        tpu.enqueue_indirect_dma source(%dma_start3A_125 : memref<10000x128xf32, #tpu.memory_space<hbm>>) target(%arg18 : memref<40x128xf32, #tpu.memory_space<vmem>>) offsets(%arg8 : memref<40xi32, #tpu.memory_space<vmem>>) semaphore(%arg24 : memref<!tpu.dma_semaphore, #tpu.memory_space<semaphore_mem>>)
      } else {
      }
      %dma_wait3A_89 = arith.constant 0 : i32
      %dma_wait3A_90 = arith.constant 0 : i32
      %dma_wait3A_91 = tpu.memref_slice %arg22[%dma_wait3A_89, %dma_wait3A_90] : memref<10240x128xf32, #tpu.memory_space<vmem_shared>> -> memref<10240x128xf32, #tpu.memory_space<vmem_shared>>
      tpu.wait_indirect_dma semaphore(%arg30 : memref<!tpu.dma_semaphore, #tpu.memory_space<semaphore_mem>>) src(%arg19 : memref<40x128xf32, #tpu.memory_space<vmem>>) dst(%dma_wait3A_91 : memref<10240x128xf32, #tpu.memory_space<vmem_shared>>)
      %lt3A_92 = arith.constant 49 : i32
      %lt3A_93 = arith.cmpi slt, %add3A_44, %lt3A_92 : i32
      %convert_element_type3A_94 = arith.extui %lt3A_93 : i1 to i32
      %cond3A_95 = arith.constant 0 : i32
      %cond3A_96 = arith.cmpi ne, %convert_element_type3A_94, %cond3A_95 : i32
      scf.if %cond3A_96 {
        %add3A_113 = arith.constant 1 : i32
        %add3A_114 = arith.addi %add3A_44, %add3A_113 : i32
        %mul3A_115 = arith.constant 5 : i32
        %mul3A_116 = arith.muli %add3A_114, %mul3A_115 : i32
        %add3A_117 = arith.constant 2 : i32
        %add3A_118 = arith.addi %mul3A_116, %add3A_117 : i32
        %mul3A_119 = arith.constant 40 : i32
        %mul3A_120 = arith.muli %add3A_118, %mul3A_119 : i32
        %add3A_121 = arith.addi %mul3A_4, %mul3A_120 : i32
        %multiple_of3A_122 = tpu.assume_multiple %add3A_121, 8 : i32
        "tpu.region"() ({
          %run_scoped3A = tpu.sem_alloc : memref<!tpu.dma_semaphore, #tpu.memory_space<semaphore_mem>>
          %dma_start3A_126 = tpu.memref_slice %arg3[%multiple_of3A_122] : memref<320000xi32, #tpu.memory_space<hbm>> -> memref<40xi32, #tpu.memory_space<hbm>>
          %dma_start3A_127 = tpu.memref_slice %arg3[%multiple_of3A_122] : memref<320000xi32, #tpu.memory_space<hbm>> -> memref<40xi32, #tpu.memory_space<hbm>>
          tpu.enqueue_dma source(%dma_start3A_127 : memref<40xi32, #tpu.memory_space<hbm>>) target(%arg9 : memref<40xi32, #tpu.memory_space<vmem>>) target_semaphore(%run_scoped3A : memref<!tpu.dma_semaphore, #tpu.memory_space<semaphore_mem>>)
          %dma_wait3A_128 = tpu.memref_slice %arg3[%multiple_of3A_122] : memref<320000xi32, #tpu.memory_space<hbm>> -> memref<40xi32, #tpu.memory_space<hbm>>
          %dma_wait3A_129 = tpu.memref_slice %arg3[%multiple_of3A_122] : memref<320000xi32, #tpu.memory_space<hbm>> -> memref<40xi32, #tpu.memory_space<hbm>>
          tpu.wait_dma2 semaphore(%run_scoped3A : memref<!tpu.dma_semaphore, #tpu.memory_space<semaphore_mem>>) src(%dma_wait3A_129 : memref<40xi32, #tpu.memory_space<hbm>>) dst(%arg9 : memref<40xi32, #tpu.memory_space<vmem>>)
          tpu.yield
        }) : () -> ()
        "tpu.region"() ({
          %run_scoped3A = tpu.sem_alloc : memref<!tpu.dma_semaphore, #tpu.memory_space<semaphore_mem>>
          %dma_start3A_126 = tpu.memref_slice %arg4[%multiple_of3A_122] : memref<320000xi32, #tpu.memory_space<hbm>> -> memref<40xi32, #tpu.memory_space<hbm>>
          %dma_start3A_127 = tpu.memref_slice %arg4[%multiple_of3A_122] : memref<320000xi32, #tpu.memory_space<hbm>> -> memref<40xi32, #tpu.memory_space<hbm>>
          tpu.enqueue_dma source(%dma_start3A_127 : memref<40xi32, #tpu.memory_space<hbm>>) target(%arg14 : memref<40xi32, #tpu.memory_space<vmem>>) target_semaphore(%run_scoped3A : memref<!tpu.dma_semaphore, #tpu.memory_space<semaphore_mem>>)
          %dma_wait3A_128 = tpu.memref_slice %arg4[%multiple_of3A_122] : memref<320000xi32, #tpu.memory_space<hbm>> -> memref<40xi32, #tpu.memory_space<hbm>>
          %dma_wait3A_129 = tpu.memref_slice %arg4[%multiple_of3A_122] : memref<320000xi32, #tpu.memory_space<hbm>> -> memref<40xi32, #tpu.memory_space<hbm>>
          tpu.wait_dma2 semaphore(%run_scoped3A : memref<!tpu.dma_semaphore, #tpu.memory_space<semaphore_mem>>) src(%dma_wait3A_129 : memref<40xi32, #tpu.memory_space<hbm>>) dst(%arg14 : memref<40xi32, #tpu.memory_space<vmem>>)
          tpu.yield
        }) : () -> ()
        %dma_start3A_123 = arith.constant 0 : i32
        %dma_start3A_124 = arith.constant 0 : i32
        %dma_start3A_125 = tpu.memref_slice %arg2[%dma_start3A_123, %dma_start3A_124] : memref<10000x128xf32, #tpu.memory_space<hbm>> -> memref<10000x128xf32, #tpu.memory_space<hbm>>
        tpu.enqueue_indirect_dma source(%dma_start3A_125 : memref<10000x128xf32, #tpu.memory_space<hbm>>) target(%arg19 : memref<40x128xf32, #tpu.memory_space<vmem>>) offsets(%arg9 : memref<40xi32, #tpu.memory_space<vmem>>) semaphore(%arg25 : memref<!tpu.dma_semaphore, #tpu.memory_space<semaphore_mem>>)
      } else {
      }
      %dma_wait3A_97 = arith.constant 0 : i32
      %dma_wait3A_98 = arith.constant 0 : i32
      %dma_wait3A_99 = tpu.memref_slice %arg22[%dma_wait3A_97, %dma_wait3A_98] : memref<10240x128xf32, #tpu.memory_space<vmem_shared>> -> memref<10240x128xf32, #tpu.memory_space<vmem_shared>>
      tpu.wait_indirect_dma semaphore(%arg31 : memref<!tpu.dma_semaphore, #tpu.memory_space<semaphore_mem>>) src(%arg20 : memref<40x128xf32, #tpu.memory_space<vmem>>) dst(%dma_wait3A_99 : memref<10240x128xf32, #tpu.memory_space<vmem_shared>>)
      %lt3A_100 = arith.constant 49 : i32
      %lt3A_101 = arith.cmpi slt, %add3A_44, %lt3A_100 : i32
      %convert_element_type3A_102 = arith.extui %lt3A_101 : i1 to i32
      %cond3A_103 = arith.constant 0 : i32
      %cond3A_104 = arith.cmpi ne, %convert_element_type3A_102, %cond3A_103 : i32
      scf.if %cond3A_104 {
        %add3A_113 = arith.constant 1 : i32
        %add3A_114 = arith.addi %add3A_44, %add3A_113 : i32
        %mul3A_115 = arith.constant 5 : i32
        %mul3A_116 = arith.muli %add3A_114, %mul3A_115 : i32
        %add3A_117 = arith.constant 3 : i32
        %add3A_118 = arith.addi %mul3A_116, %add3A_117 : i32
        %mul3A_119 = arith.constant 40 : i32
        %mul3A_120 = arith.muli %add3A_118, %mul3A_119 : i32
        %add3A_121 = arith.addi %mul3A_4, %mul3A_120 : i32
        %multiple_of3A_122 = tpu.assume_multiple %add3A_121, 8 : i32
        "tpu.region"() ({
          %run_scoped3A = tpu.sem_alloc : memref<!tpu.dma_semaphore, #tpu.memory_space<semaphore_mem>>
          %dma_start3A_126 = tpu.memref_slice %arg3[%multiple_of3A_122] : memref<320000xi32, #tpu.memory_space<hbm>> -> memref<40xi32, #tpu.memory_space<hbm>>
          %dma_start3A_127 = tpu.memref_slice %arg3[%multiple_of3A_122] : memref<320000xi32, #tpu.memory_space<hbm>> -> memref<40xi32, #tpu.memory_space<hbm>>
          tpu.enqueue_dma source(%dma_start3A_127 : memref<40xi32, #tpu.memory_space<hbm>>) target(%arg10 : memref<40xi32, #tpu.memory_space<vmem>>) target_semaphore(%run_scoped3A : memref<!tpu.dma_semaphore, #tpu.memory_space<semaphore_mem>>)
          %dma_wait3A_128 = tpu.memref_slice %arg3[%multiple_of3A_122] : memref<320000xi32, #tpu.memory_space<hbm>> -> memref<40xi32, #tpu.memory_space<hbm>>
          %dma_wait3A_129 = tpu.memref_slice %arg3[%multiple_of3A_122] : memref<320000xi32, #tpu.memory_space<hbm>> -> memref<40xi32, #tpu.memory_space<hbm>>
          tpu.wait_dma2 semaphore(%run_scoped3A : memref<!tpu.dma_semaphore, #tpu.memory_space<semaphore_mem>>) src(%dma_wait3A_129 : memref<40xi32, #tpu.memory_space<hbm>>) dst(%arg10 : memref<40xi32, #tpu.memory_space<vmem>>)
          tpu.yield
        }) : () -> ()
        "tpu.region"() ({
          %run_scoped3A = tpu.sem_alloc : memref<!tpu.dma_semaphore, #tpu.memory_space<semaphore_mem>>
          %dma_start3A_126 = tpu.memref_slice %arg4[%multiple_of3A_122] : memref<320000xi32, #tpu.memory_space<hbm>> -> memref<40xi32, #tpu.memory_space<hbm>>
          %dma_start3A_127 = tpu.memref_slice %arg4[%multiple_of3A_122] : memref<320000xi32, #tpu.memory_space<hbm>> -> memref<40xi32, #tpu.memory_space<hbm>>
          tpu.enqueue_dma source(%dma_start3A_127 : memref<40xi32, #tpu.memory_space<hbm>>) target(%arg15 : memref<40xi32, #tpu.memory_space<vmem>>) target_semaphore(%run_scoped3A : memref<!tpu.dma_semaphore, #tpu.memory_space<semaphore_mem>>)
          %dma_wait3A_128 = tpu.memref_slice %arg4[%multiple_of3A_122] : memref<320000xi32, #tpu.memory_space<hbm>> -> memref<40xi32, #tpu.memory_space<hbm>>
          %dma_wait3A_129 = tpu.memref_slice %arg4[%multiple_of3A_122] : memref<320000xi32, #tpu.memory_space<hbm>> -> memref<40xi32, #tpu.memory_space<hbm>>
          tpu.wait_dma2 semaphore(%run_scoped3A : memref<!tpu.dma_semaphore, #tpu.memory_space<semaphore_mem>>) src(%dma_wait3A_129 : memref<40xi32, #tpu.memory_space<hbm>>) dst(%arg15 : memref<40xi32, #tpu.memory_space<vmem>>)
          tpu.yield
        }) : () -> ()
        %dma_start3A_123 = arith.constant 0 : i32
        %dma_start3A_124 = arith.constant 0 : i32
        %dma_start3A_125 = tpu.memref_slice %arg2[%dma_start3A_123, %dma_start3A_124] : memref<10000x128xf32, #tpu.memory_space<hbm>> -> memref<10000x128xf32, #tpu.memory_space<hbm>>
        tpu.enqueue_indirect_dma source(%dma_start3A_125 : memref<10000x128xf32, #tpu.memory_space<hbm>>) target(%arg20 : memref<40x128xf32, #tpu.memory_space<vmem>>) offsets(%arg10 : memref<40xi32, #tpu.memory_space<vmem>>) semaphore(%arg26 : memref<!tpu.dma_semaphore, #tpu.memory_space<semaphore_mem>>)
      } else {
      }
      %dma_wait3A_105 = arith.constant 0 : i32
      %dma_wait3A_106 = arith.constant 0 : i32
      %dma_wait3A_107 = tpu.memref_slice %arg22[%dma_wait3A_105, %dma_wait3A_106] : memref<10240x128xf32, #tpu.memory_space<vmem_shared>> -> memref<10240x128xf32, #tpu.memory_space<vmem_shared>>
      tpu.wait_indirect_dma semaphore(%arg32 : memref<!tpu.dma_semaphore, #tpu.memory_space<semaphore_mem>>) src(%arg21 : memref<40x128xf32, #tpu.memory_space<vmem>>) dst(%dma_wait3A_107 : memref<10240x128xf32, #tpu.memory_space<vmem_shared>>)
      %lt3A_108 = arith.constant 49 : i32
      %lt3A_109 = arith.cmpi slt, %add3A_44, %lt3A_108 : i32
      %convert_element_type3A_110 = arith.extui %lt3A_109 : i1 to i32
      %cond3A_111 = arith.constant 0 : i32
      %cond3A_112 = arith.cmpi ne, %convert_element_type3A_110, %cond3A_111 : i32
      scf.if %cond3A_112 {
        %add3A_113 = arith.constant 1 : i32
        %add3A_114 = arith.addi %add3A_44, %add3A_113 : i32
        %mul3A_115 = arith.constant 5 : i32
        %mul3A_116 = arith.muli %add3A_114, %mul3A_115 : i32
        %add3A_117 = arith.constant 4 : i32
        %add3A_118 = arith.addi %mul3A_116, %add3A_117 : i32
        %mul3A_119 = arith.constant 40 : i32
        %mul3A_120 = arith.muli %add3A_118, %mul3A_119 : i32
        %add3A_121 = arith.addi %mul3A_4, %mul3A_120 : i32
        %multiple_of3A_122 = tpu.assume_multiple %add3A_121, 8 : i32
        "tpu.region"() ({
          %run_scoped3A = tpu.sem_alloc : memref<!tpu.dma_semaphore, #tpu.memory_space<semaphore_mem>>
          %dma_start3A_126 = tpu.memref_slice %arg3[%multiple_of3A_122] : memref<320000xi32, #tpu.memory_space<hbm>> -> memref<40xi32, #tpu.memory_space<hbm>>
          %dma_start3A_127 = tpu.memref_slice %arg3[%multiple_of3A_122] : memref<320000xi32, #tpu.memory_space<hbm>> -> memref<40xi32, #tpu.memory_space<hbm>>
          tpu.enqueue_dma source(%dma_start3A_127 : memref<40xi32, #tpu.memory_space<hbm>>) target(%arg11 : memref<40xi32, #tpu.memory_space<vmem>>) target_semaphore(%run_scoped3A : memref<!tpu.dma_semaphore, #tpu.memory_space<semaphore_mem>>)
          %dma_wait3A_128 = tpu.memref_slice %arg3[%multiple_of3A_122] : memref<320000xi32, #tpu.memory_space<hbm>> -> memref<40xi32, #tpu.memory_space<hbm>>
          %dma_wait3A_129 = tpu.memref_slice %arg3[%multiple_of3A_122] : memref<320000xi32, #tpu.memory_space<hbm>> -> memref<40xi32, #tpu.memory_space<hbm>>
          tpu.wait_dma2 semaphore(%run_scoped3A : memref<!tpu.dma_semaphore, #tpu.memory_space<semaphore_mem>>) src(%dma_wait3A_129 : memref<40xi32, #tpu.memory_space<hbm>>) dst(%arg11 : memref<40xi32, #tpu.memory_space<vmem>>)
          tpu.yield
        }) : () -> ()
        "tpu.region"() ({
          %run_scoped3A = tpu.sem_alloc : memref<!tpu.dma_semaphore, #tpu.memory_space<semaphore_mem>>
          %dma_start3A_126 = tpu.memref_slice %arg4[%multiple_of3A_122] : memref<320000xi32, #tpu.memory_space<hbm>> -> memref<40xi32, #tpu.memory_space<hbm>>
          %dma_start3A_127 = tpu.memref_slice %arg4[%multiple_of3A_122] : memref<320000xi32, #tpu.memory_space<hbm>> -> memref<40xi32, #tpu.memory_space<hbm>>
          tpu.enqueue_dma source(%dma_start3A_127 : memref<40xi32, #tpu.memory_space<hbm>>) target(%arg16 : memref<40xi32, #tpu.memory_space<vmem>>) target_semaphore(%run_scoped3A : memref<!tpu.dma_semaphore, #tpu.memory_space<semaphore_mem>>)
          %dma_wait3A_128 = tpu.memref_slice %arg4[%multiple_of3A_122] : memref<320000xi32, #tpu.memory_space<hbm>> -> memref<40xi32, #tpu.memory_space<hbm>>
          %dma_wait3A_129 = tpu.memref_slice %arg4[%multiple_of3A_122] : memref<320000xi32, #tpu.memory_space<hbm>> -> memref<40xi32, #tpu.memory_space<hbm>>
          tpu.wait_dma2 semaphore(%run_scoped3A : memref<!tpu.dma_semaphore, #tpu.memory_space<semaphore_mem>>) src(%dma_wait3A_129 : memref<40xi32, #tpu.memory_space<hbm>>) dst(%arg16 : memref<40xi32, #tpu.memory_space<vmem>>)
          tpu.yield
        }) : () -> ()
        %dma_start3A_123 = arith.constant 0 : i32
        %dma_start3A_124 = arith.constant 0 : i32
        %dma_start3A_125 = tpu.memref_slice %arg2[%dma_start3A_123, %dma_start3A_124] : memref<10000x128xf32, #tpu.memory_space<hbm>> -> memref<10000x128xf32, #tpu.memory_space<hbm>>
        tpu.enqueue_indirect_dma source(%dma_start3A_125 : memref<10000x128xf32, #tpu.memory_space<hbm>>) target(%arg21 : memref<40x128xf32, #tpu.memory_space<vmem>>) offsets(%arg11 : memref<40xi32, #tpu.memory_space<vmem>>) semaphore(%arg27 : memref<!tpu.dma_semaphore, #tpu.memory_space<semaphore_mem>>)
      } else {
      }
    }
    %scan3A_36 = arith.constant 50 : i32
    %barrier3A_37 = arith.constant 0 : index
    tpu.barrier barrier_id(%barrier3A_37)
    %mul3A_38 = arith.constant 640 : i32
    %mul3A_39 = arith.muli %arg1, %mul3A_38 : i32
    "tpu.region"() ({
      %run_scoped3A = tpu.sem_alloc : memref<!tpu.dma_semaphore, #tpu.memory_space<semaphore_mem>>
      %dma_start3A_40 = arith.constant 0 : i32
      %dma_start3A_41 = tpu.memref_slice %arg6[%arg0, %mul3A_39, %dma_start3A_40] : memref<2x10240x128xf32, #tpu.memory_space<hbm>> -> memref<1x640x128xf32, #tpu.memory_space<hbm>>
      %dma_start3A_42 = tpu.memref_squeeze %dma_start3A_41 : memref<1x640x128xf32, #tpu.memory_space<hbm>> -> memref<640x128xf32, #tpu.memory_space<hbm>>
      %dma_start3A_43 = arith.constant 0 : i32
      %dma_start3A_44 = tpu.memref_slice %arg22[%mul3A_39, %dma_start3A_43] : memref<10240x128xf32, #tpu.memory_space<vmem_shared>> -> memref<640x128xf32, #tpu.memory_space<vmem_shared>>
      tpu.enqueue_dma source(%dma_start3A_44 : memref<640x128xf32, #tpu.memory_space<vmem_shared>>) target(%dma_start3A_42 : memref<640x128xf32, #tpu.memory_space<hbm>>) target_semaphore(%run_scoped3A : memref<!tpu.dma_semaphore, #tpu.memory_space<semaphore_mem>>)
      %dma_wait3A = arith.constant 0 : i32
      %dma_wait3A_45 = tpu.memref_slice %arg6[%arg0, %mul3A_39, %dma_wait3A] : memref<2x10240x128xf32, #tpu.memory_space<hbm>> -> memref<1x640x128xf32, #tpu.memory_space<hbm>>
      %dma_wait3A_46 = tpu.memref_squeeze %dma_wait3A_45 : memref<1x640x128xf32, #tpu.memory_space<hbm>> -> memref<640x128xf32, #tpu.memory_space<hbm>>
      %dma_wait3A_47 = arith.constant 0 : i32
      %dma_wait3A_48 = tpu.memref_slice %arg22[%mul3A_39, %dma_wait3A_47] : memref<10240x128xf32, #tpu.memory_space<vmem_shared>> -> memref<640x128xf32, #tpu.memory_space<vmem_shared>>
      tpu.wait_dma2 semaphore(%run_scoped3A : memref<!tpu.dma_semaphore, #tpu.memory_space<semaphore_mem>>) src(%dma_wait3A_48 : memref<640x128xf32, #tpu.memory_space<vmem_shared>>) dst(%dma_wait3A_46 : memref<640x128xf32, #tpu.memory_space<hbm>>)
      tpu.yield
    }) : () -> ()
    return
  }
}

module attributes {stable_mosaic.version = 14 : i64} {
  func.func @_tc1_body(%arg0: memref<2x10240x1xf32, #tpu.memory_space<vmem>>, %arg1: memref<10000x128xf32, #tpu.memory_space<vmem>>, %arg2: memref<128x64xf32, #tpu.memory_space<vmem>>, %arg3: memref<1x64xf32, #tpu.memory_space<vmem>>, %arg4: memref<64x128xf32, #tpu.memory_space<vmem>>, %arg5: memref<64x64xf32, #tpu.memory_space<vmem>>, %arg6: memref<1x64xf32, #tpu.memory_space<vmem>>, %arg7: memref<10000x1xf32, #tpu.memory_space<vmem>>, %arg8: memref<10000x128xf32, #tpu.memory_space<vmem>>, %arg9: memref<10000x64xf32, #tpu.memory_space<vmem>>) attributes {dimension_semantics = [], scalar_prefetch = 0 : i64, scratch_operands = 0 : i64, tpu.core_type = #tpu.core_type<tc>} {
    %get3A = arith.constant 0 : index
    %get3A_0 = arith.constant 0 : index
    %get3A_1 = arith.constant 0 : index
    %get3A_2 = vector.load %arg0[%get3A, %get3A_0, %get3A_1] : memref<2x10240x1xf32, #tpu.memory_space<vmem>>, vector<1x10000x1xf32>
    %get3A_3 = vector.shape_cast %get3A_2 : vector<1x10000x1xf32> to vector<10000x1xf32>
    %get3A_4 = arith.constant 1 : index
    %get3A_5 = arith.constant 0 : index
    %get3A_6 = arith.constant 0 : index
    %get3A_7 = vector.load %arg0[%get3A_4, %get3A_5, %get3A_6] : memref<2x10240x1xf32, #tpu.memory_space<vmem>>, vector<1x10000x1xf32>
    %get3A_8 = vector.shape_cast %get3A_7 : vector<1x10000x1xf32> to vector<10000x1xf32>
    %add3A = arith.addf %get3A_3, %get3A_8 : vector<10000x1xf32>
    %gt3A = arith.constant 0.000000e+00 : f32
    %gt3A_9 = vector.broadcast %gt3A : f32 to vector<10000x1xf32>
    %gt3A_10 = arith.cmpf ogt, %add3A, %gt3A_9 : vector<10000x1xf32>
    %max3A = arith.constant 1.000000e+00 : f32
    %max3A_11 = vector.broadcast %max3A : f32 to vector<10000x1xf32>
    %max3A_12 = arith.maximumf %add3A, %max3A_11 : vector<10000x1xf32>
    %rsqrt3A = math.rsqrt %max3A_12 : vector<10000x1xf32>
    %jit3A = arith.constant 0.000000e+00 : f32
    %broadcast_in_dim3A = vector.broadcast %jit3A : f32 to vector<10000x1xf32>
    %select_n3A = arith.select %gt3A_10, %rsqrt3A, %broadcast_in_dim3A : vector<10000x1xi1>, vector<10000x1xf32>
    %swap3A = arith.constant 0 : index
    %swap3A_13 = arith.constant 0 : index
    %swap3A_14 = vector.load %arg7[%swap3A, %swap3A_13] : memref<10000x1xf32, #tpu.memory_space<vmem>>, vector<10000x1xf32>
    tpu.vector_store %arg7[%swap3A, %swap3A_13], %select_n3A {strides = array<i32>} : memref<10000x1xf32, #tpu.memory_space<vmem>>, vector<10000x1xf32>,
    %get3A_15 = arith.constant 0 : index
    %get3A_16 = arith.constant 0 : index
    %get3A_17 = vector.load %arg1[%get3A_15, %get3A_16] : memref<10000x128xf32, #tpu.memory_space<vmem>>, vector<10000x128xf32>
    %get3A_18 = arith.constant 0 : index
    %get3A_19 = arith.constant 0 : index
    %get3A_20 = vector.load %arg2[%get3A_18, %get3A_19] : memref<128x64xf32, #tpu.memory_space<vmem>>, vector<128x64xf32>
    %dot_general3A = arith.constant dense<0.000000e+00> : vector<10000x64xf32>
    %dot_general3A_21 = tpu.matmul %get3A_17, %get3A_20, %dot_general3A {dimension_numbers = #tpu.dot_dimension_numbers<[1], [0], [0], [1], [0, 0, 1, 1], [], []>, transpose_lhs_hint = false} : vector<10000x128xf32>, vector<128x64xf32>, vector<10000x64xf32> -> vector<10000x64xf32>
    %get3A_22 = arith.constant 0 : index
    %get3A_23 = arith.constant 0 : index
    %get3A_24 = vector.load %arg3[%get3A_22, %get3A_23] : memref<1x64xf32, #tpu.memory_space<vmem>>, vector<1x64xf32>
    %add3A_25 = vector.broadcast %get3A_24 : vector<1x64xf32> to vector<10000x64xf32>
    %add3A_26 = arith.addf %dot_general3A_21, %add3A_25 : vector<10000x64xf32>
    %max3A_27 = arith.constant 0.000000e+00 : f32
    %max3A_28 = vector.broadcast %max3A_27 : f32 to vector<10000x64xf32>
    %max3A_29 = arith.maximumf %add3A_26, %max3A_28 : vector<10000x64xf32>
    %get3A_30 = arith.constant 0 : index
    %get3A_31 = arith.constant 0 : index
    %get3A_32 = vector.load %arg4[%get3A_30, %get3A_31] : memref<64x128xf32, #tpu.memory_space<vmem>>, vector<64x128xf32>
    %dot_general3A_33 = arith.constant dense<0.000000e+00> : vector<10000x128xf32>
    %dot_general3A_34 = tpu.matmul %max3A_29, %get3A_32, %dot_general3A_33 {dimension_numbers = #tpu.dot_dimension_numbers<[1], [0], [0], [1], [0, 0, 1, 1], [], []>, transpose_lhs_hint = false} : vector<10000x64xf32>, vector<64x128xf32>, vector<10000x128xf32> -> vector<10000x128xf32>
    %mul3A = vector.broadcast %select_n3A : vector<10000x1xf32> to vector<10000x128xf32>
    %mul3A_35 = arith.mulf %mul3A, %dot_general3A_34 : vector<10000x128xf32>
    %swap3A_36 = arith.constant 0 : index
    %swap3A_37 = arith.constant 0 : index
    %swap3A_38 = vector.load %arg8[%swap3A_36, %swap3A_37] : memref<10000x128xf32, #tpu.memory_space<vmem>>, vector<10000x128xf32>
    tpu.vector_store %arg8[%swap3A_36, %swap3A_37], %mul3A_35 {strides = array<i32>} : memref<10000x128xf32, #tpu.memory_space<vmem>>, vector<10000x128xf32>,
    %get3A_39 = arith.constant 0 : index
    %get3A_40 = arith.constant 0 : index
    %get3A_41 = vector.load %arg5[%get3A_39, %get3A_40] : memref<64x64xf32, #tpu.memory_space<vmem>>, vector<64x64xf32>
    %dot_general3A_42 = arith.constant dense<0.000000e+00> : vector<10000x64xf32>
    %dot_general3A_43 = tpu.matmul %max3A_29, %get3A_41, %dot_general3A_42 {dimension_numbers = #tpu.dot_dimension_numbers<[1], [0], [0], [1], [0, 0, 1, 1], [], []>, transpose_lhs_hint = false} : vector<10000x64xf32>, vector<64x64xf32>, vector<10000x64xf32> -> vector<10000x64xf32>
    %get3A_44 = arith.constant 0 : index
    %get3A_45 = arith.constant 0 : index
    %get3A_46 = vector.load %arg6[%get3A_44, %get3A_45] : memref<1x64xf32, #tpu.memory_space<vmem>>, vector<1x64xf32>
    %add3A_47 = vector.broadcast %get3A_46 : vector<1x64xf32> to vector<10000x64xf32>
    %add3A_48 = arith.addf %dot_general3A_43, %add3A_47 : vector<10000x64xf32>
    %swap3A_49 = arith.constant 0 : index
    %swap3A_50 = arith.constant 0 : index
    %swap3A_51 = vector.load %arg9[%swap3A_49, %swap3A_50] : memref<10000x64xf32, #tpu.memory_space<vmem>>, vector<10000x64xf32>
    tpu.vector_store %arg9[%swap3A_49, %swap3A_50], %add3A_48 {strides = array<i32>} : memref<10000x64xf32, #tpu.memory_space<vmem>>, vector<10000x64xf32>,
    return
  }
}

module attributes {stable_mosaic.version = 14 : i64} {
  func.func @_tc2_body(%arg0: memref<2x10240x128xf32, #tpu.memory_space<vmem>>, %arg1: memref<10000x64xf32, #tpu.memory_space<vmem>>, %arg2: memref<10000x1xf32, #tpu.memory_space<vmem>>, %arg3: memref<1x64xf32, #tpu.memory_space<vmem>>, %arg4: memref<1x64xf32, #tpu.memory_space<vmem>>, %arg5: memref<64x128xf32, #tpu.memory_space<vmem>>, %arg6: memref<64x64xf32, #tpu.memory_space<vmem>>, %arg7: memref<1x64xf32, #tpu.memory_space<vmem>>, %arg8: memref<10000x128xf32, #tpu.memory_space<vmem>>, %arg9: memref<10000x64xf32, #tpu.memory_space<vmem>>) attributes {dimension_semantics = [], scalar_prefetch = 0 : i64, scratch_operands = 0 : i64, tpu.core_type = #tpu.core_type<tc>} {
    %get3A = arith.constant 0 : index
    %get3A_0 = arith.constant 0 : index
    %get3A_1 = vector.load %arg2[%get3A, %get3A_0] : memref<10000x1xf32, #tpu.memory_space<vmem>>, vector<10000x1xf32>
    %get3A_2 = arith.constant 0 : index
    %get3A_3 = arith.constant 0 : index
    %get3A_4 = arith.constant 0 : index
    %get3A_5 = vector.load %arg0[%get3A_2, %get3A_3, %get3A_4] : memref<2x10240x128xf32, #tpu.memory_space<vmem>>, vector<1x10000x64xf32>
    %get3A_6 = vector.shape_cast %get3A_5 : vector<1x10000x64xf32> to vector<10000x64xf32>
    %get3A_7 = arith.constant 1 : index
    %get3A_8 = arith.constant 0 : index
    %get3A_9 = arith.constant 0 : index
    %get3A_10 = vector.load %arg0[%get3A_7, %get3A_8, %get3A_9] : memref<2x10240x128xf32, #tpu.memory_space<vmem>>, vector<1x10000x64xf32>
    %get3A_11 = vector.shape_cast %get3A_10 : vector<1x10000x64xf32> to vector<10000x64xf32>
    %add3A = arith.addf %get3A_6, %get3A_11 : vector<10000x64xf32>
    %mul3A = vector.broadcast %get3A_1 : vector<10000x1xf32> to vector<10000x64xf32>
    %mul3A_12 = arith.mulf %mul3A, %add3A : vector<10000x64xf32>
    %get3A_13 = arith.constant 0 : index
    %get3A_14 = arith.constant 0 : index
    %get3A_15 = vector.load %arg1[%get3A_13, %get3A_14] : memref<10000x64xf32, #tpu.memory_space<vmem>>, vector<10000x64xf32>
    %add3A_16 = arith.addf %mul3A_12, %get3A_15 : vector<10000x64xf32>
    %max3A = arith.constant 0.000000e+00 : f32
    %max3A_17 = vector.broadcast %max3A : f32 to vector<10000x64xf32>
    %max3A_18 = arith.maximumf %add3A_16, %max3A_17 : vector<10000x64xf32>
    %get3A_19 = arith.constant 0 : index
    %get3A_20 = arith.constant 0 : index
    %get3A_21 = vector.load %arg3[%get3A_19, %get3A_20] : memref<1x64xf32, #tpu.memory_space<vmem>>, vector<1x64xf32>
    %get3A_22 = arith.constant 0 : index
    %get3A_23 = arith.constant 0 : index
    %get3A_24 = vector.load %arg4[%get3A_22, %get3A_23] : memref<1x64xf32, #tpu.memory_space<vmem>>, vector<1x64xf32>
    %reduce_sum3A = arith.constant dense<0.000000e+00> : vector<64xf32>
    %reduce_sum3A_25 = vector.multi_reduction <add>, %max3A_18, %reduce_sum3A [0] : vector<10000x64xf32> to vector<64xf32>
    %broadcast_in_dim3A = vector.shape_cast %reduce_sum3A_25 : vector<64xf32> to vector<1x64xf32>
    %div3A = arith.constant 1.000000e+04 : f32
    %div3A_26 = vector.broadcast %div3A : f32 to vector<1x64xf32>
    %div3A_27 = arith.divf %broadcast_in_dim3A, %div3A_26 : vector<1x64xf32>
    %sub3A = vector.broadcast %div3A_27 : vector<1x64xf32> to vector<10000x64xf32>
    %sub3A_28 = arith.subf %max3A_18, %sub3A : vector<10000x64xf32>
    %integer_pow3A = arith.mulf %sub3A_28, %sub3A_28 : vector<10000x64xf32>
    %reduce_sum3A_29 = arith.constant dense<0.000000e+00> : vector<64xf32>
    %reduce_sum3A_30 = vector.multi_reduction <add>, %integer_pow3A, %reduce_sum3A_29 [0] : vector<10000x64xf32> to vector<64xf32>
    %broadcast_in_dim3A_31 = vector.shape_cast %reduce_sum3A_30 : vector<64xf32> to vector<1x64xf32>
    %div3A_32 = arith.constant 1.000000e+04 : f32
    %div3A_33 = vector.broadcast %div3A_32 : f32 to vector<1x64xf32>
    %div3A_34 = arith.divf %broadcast_in_dim3A_31, %div3A_33 : vector<1x64xf32>
    %sub3A_35 = vector.broadcast %div3A_27 : vector<1x64xf32> to vector<10000x64xf32>
    %sub3A_36 = arith.subf %max3A_18, %sub3A_35 : vector<10000x64xf32>
    %add3A_37 = arith.constant 9.99999974E-6 : f32
    %add3A_38 = vector.broadcast %add3A_37 : f32 to vector<1x64xf32>
    %add3A_39 = arith.addf %div3A_34, %add3A_38 : vector<1x64xf32>
    %rsqrt3A = math.rsqrt %add3A_39 : vector<1x64xf32>
    %mul3A_40 = vector.broadcast %rsqrt3A : vector<1x64xf32> to vector<10000x64xf32>
    %mul3A_41 = arith.mulf %sub3A_36, %mul3A_40 : vector<10000x64xf32>
    %mul3A_42 = vector.broadcast %get3A_21 : vector<1x64xf32> to vector<10000x64xf32>
    %mul3A_43 = arith.mulf %mul3A_41, %mul3A_42 : vector<10000x64xf32>
    %add3A_44 = vector.broadcast %get3A_24 : vector<1x64xf32> to vector<10000x64xf32>
    %add3A_45 = arith.addf %mul3A_43, %add3A_44 : vector<10000x64xf32>
    %get3A_46 = arith.constant 0 : index
    %get3A_47 = arith.constant 0 : index
    %get3A_48 = vector.load %arg5[%get3A_46, %get3A_47] : memref<64x128xf32, #tpu.memory_space<vmem>>, vector<64x128xf32>
    %dot_general3A = arith.constant dense<0.000000e+00> : vector<10000x128xf32>
    %dot_general3A_49 = tpu.matmul %add3A_45, %get3A_48, %dot_general3A {dimension_numbers = #tpu.dot_dimension_numbers<[1], [0], [0], [1], [0, 0, 1, 1], [], []>, transpose_lhs_hint = false} : vector<10000x64xf32>, vector<64x128xf32>, vector<10000x128xf32> -> vector<10000x128xf32>
    %mul3A_50 = vector.broadcast %get3A_1 : vector<10000x1xf32> to vector<10000x128xf32>
    %mul3A_51 = arith.mulf %mul3A_50, %dot_general3A_49 : vector<10000x128xf32>
    %swap3A = arith.constant 0 : index
    %swap3A_52 = arith.constant 0 : index
    %swap3A_53 = vector.load %arg8[%swap3A, %swap3A_52] : memref<10000x128xf32, #tpu.memory_space<vmem>>, vector<10000x128xf32>
    tpu.vector_store %arg8[%swap3A, %swap3A_52], %mul3A_51 {strides = array<i32>} : memref<10000x128xf32, #tpu.memory_space<vmem>>, vector<10000x128xf32>,
    %get3A_54 = arith.constant 0 : index
    %get3A_55 = arith.constant 0 : index
    %get3A_56 = vector.load %arg6[%get3A_54, %get3A_55] : memref<64x64xf32, #tpu.memory_space<vmem>>, vector<64x64xf32>
    %dot_general3A_57 = arith.constant dense<0.000000e+00> : vector<10000x64xf32>
    %dot_general3A_58 = tpu.matmul %add3A_45, %get3A_56, %dot_general3A_57 {dimension_numbers = #tpu.dot_dimension_numbers<[1], [0], [0], [1], [0, 0, 1, 1], [], []>, transpose_lhs_hint = false} : vector<10000x64xf32>, vector<64x64xf32>, vector<10000x64xf32> -> vector<10000x64xf32>
    %get3A_59 = arith.constant 0 : index
    %get3A_60 = arith.constant 0 : index
    %get3A_61 = vector.load %arg7[%get3A_59, %get3A_60] : memref<1x64xf32, #tpu.memory_space<vmem>>, vector<1x64xf32>
    %add3A_62 = vector.broadcast %get3A_61 : vector<1x64xf32> to vector<10000x64xf32>
    %add3A_63 = arith.addf %dot_general3A_58, %add3A_62 : vector<10000x64xf32>
    %swap3A_64 = arith.constant 0 : index
    %swap3A_65 = arith.constant 0 : index
    %swap3A_66 = vector.load %arg9[%swap3A_64, %swap3A_65] : memref<10000x64xf32, #tpu.memory_space<vmem>>, vector<10000x64xf32>
    tpu.vector_store %arg9[%swap3A_64, %swap3A_65], %add3A_63 {strides = array<i32>} : memref<10000x64xf32, #tpu.memory_space<vmem>>, vector<10000x64xf32>,
    return
  }
}

module attributes {stable_mosaic.version = 14 : i64} {
  func.func @_tc3_body(%arg0: memref<2x10240x128xf32, #tpu.memory_space<vmem>>, %arg1: memref<10000x64xf32, #tpu.memory_space<vmem>>, %arg2: memref<10000x1xf32, #tpu.memory_space<vmem>>, %arg3: memref<1x64xf32, #tpu.memory_space<vmem>>, %arg4: memref<1x64xf32, #tpu.memory_space<vmem>>, %arg5: memref<64x128xf32, #tpu.memory_space<vmem>>, %arg6: memref<64x128xf32, #tpu.memory_space<vmem>>, %arg7: memref<10000x128xf32, #tpu.memory_space<vmem>>, %arg8: memref<10000x128xf32, #tpu.memory_space<vmem>>) attributes {dimension_semantics = [], scalar_prefetch = 0 : i64, scratch_operands = 0 : i64, tpu.core_type = #tpu.core_type<tc>} {
    %get3A = arith.constant 0 : index
    %get3A_0 = arith.constant 0 : index
    %get3A_1 = vector.load %arg2[%get3A, %get3A_0] : memref<10000x1xf32, #tpu.memory_space<vmem>>, vector<10000x1xf32>
    %get3A_2 = arith.constant 0 : index
    %get3A_3 = arith.constant 0 : index
    %get3A_4 = arith.constant 0 : index
    %get3A_5 = vector.load %arg0[%get3A_2, %get3A_3, %get3A_4] : memref<2x10240x128xf32, #tpu.memory_space<vmem>>, vector<1x10000x64xf32>
    %get3A_6 = vector.shape_cast %get3A_5 : vector<1x10000x64xf32> to vector<10000x64xf32>
    %get3A_7 = arith.constant 1 : index
    %get3A_8 = arith.constant 0 : index
    %get3A_9 = arith.constant 0 : index
    %get3A_10 = vector.load %arg0[%get3A_7, %get3A_8, %get3A_9] : memref<2x10240x128xf32, #tpu.memory_space<vmem>>, vector<1x10000x64xf32>
    %get3A_11 = vector.shape_cast %get3A_10 : vector<1x10000x64xf32> to vector<10000x64xf32>
    %add3A = arith.addf %get3A_6, %get3A_11 : vector<10000x64xf32>
    %mul3A = vector.broadcast %get3A_1 : vector<10000x1xf32> to vector<10000x64xf32>
    %mul3A_12 = arith.mulf %mul3A, %add3A : vector<10000x64xf32>
    %get3A_13 = arith.constant 0 : index
    %get3A_14 = arith.constant 0 : index
    %get3A_15 = vector.load %arg1[%get3A_13, %get3A_14] : memref<10000x64xf32, #tpu.memory_space<vmem>>, vector<10000x64xf32>
    %add3A_16 = arith.addf %mul3A_12, %get3A_15 : vector<10000x64xf32>
    %max3A = arith.constant 0.000000e+00 : f32
    %max3A_17 = vector.broadcast %max3A : f32 to vector<10000x64xf32>
    %max3A_18 = arith.maximumf %add3A_16, %max3A_17 : vector<10000x64xf32>
    %get3A_19 = arith.constant 0 : index
    %get3A_20 = arith.constant 0 : index
    %get3A_21 = vector.load %arg3[%get3A_19, %get3A_20] : memref<1x64xf32, #tpu.memory_space<vmem>>, vector<1x64xf32>
    %get3A_22 = arith.constant 0 : index
    %get3A_23 = arith.constant 0 : index
    %get3A_24 = vector.load %arg4[%get3A_22, %get3A_23] : memref<1x64xf32, #tpu.memory_space<vmem>>, vector<1x64xf32>
    %reduce_sum3A = arith.constant dense<0.000000e+00> : vector<64xf32>
    %reduce_sum3A_25 = vector.multi_reduction <add>, %max3A_18, %reduce_sum3A [0] : vector<10000x64xf32> to vector<64xf32>
    %broadcast_in_dim3A = vector.shape_cast %reduce_sum3A_25 : vector<64xf32> to vector<1x64xf32>
    %div3A = arith.constant 1.000000e+04 : f32
    %div3A_26 = vector.broadcast %div3A : f32 to vector<1x64xf32>
    %div3A_27 = arith.divf %broadcast_in_dim3A, %div3A_26 : vector<1x64xf32>
    %sub3A = vector.broadcast %div3A_27 : vector<1x64xf32> to vector<10000x64xf32>
    %sub3A_28 = arith.subf %max3A_18, %sub3A : vector<10000x64xf32>
    %integer_pow3A = arith.mulf %sub3A_28, %sub3A_28 : vector<10000x64xf32>
    %reduce_sum3A_29 = arith.constant dense<0.000000e+00> : vector<64xf32>
    %reduce_sum3A_30 = vector.multi_reduction <add>, %integer_pow3A, %reduce_sum3A_29 [0] : vector<10000x64xf32> to vector<64xf32>
    %broadcast_in_dim3A_31 = vector.shape_cast %reduce_sum3A_30 : vector<64xf32> to vector<1x64xf32>
    %div3A_32 = arith.constant 1.000000e+04 : f32
    %div3A_33 = vector.broadcast %div3A_32 : f32 to vector<1x64xf32>
    %div3A_34 = arith.divf %broadcast_in_dim3A_31, %div3A_33 : vector<1x64xf32>
    %sub3A_35 = vector.broadcast %div3A_27 : vector<1x64xf32> to vector<10000x64xf32>
    %sub3A_36 = arith.subf %max3A_18, %sub3A_35 : vector<10000x64xf32>
    %add3A_37 = arith.constant 9.99999974E-6 : f32
    %add3A_38 = vector.broadcast %add3A_37 : f32 to vector<1x64xf32>
    %add3A_39 = arith.addf %div3A_34, %add3A_38 : vector<1x64xf32>
    %rsqrt3A = math.rsqrt %add3A_39 : vector<1x64xf32>
    %mul3A_40 = vector.broadcast %rsqrt3A : vector<1x64xf32> to vector<10000x64xf32>
    %mul3A_41 = arith.mulf %sub3A_36, %mul3A_40 : vector<10000x64xf32>
    %mul3A_42 = vector.broadcast %get3A_21 : vector<1x64xf32> to vector<10000x64xf32>
    %mul3A_43 = arith.mulf %mul3A_41, %mul3A_42 : vector<10000x64xf32>
    %add3A_44 = vector.broadcast %get3A_24 : vector<1x64xf32> to vector<10000x64xf32>
    %add3A_45 = arith.addf %mul3A_43, %add3A_44 : vector<10000x64xf32>
    %get3A_46 = arith.constant 0 : index
    %get3A_47 = arith.constant 0 : index
    %get3A_48 = vector.load %arg5[%get3A_46, %get3A_47] : memref<64x128xf32, #tpu.memory_space<vmem>>, vector<64x128xf32>
    %dot_general3A = arith.constant dense<0.000000e+00> : vector<10000x128xf32>
    %dot_general3A_49 = tpu.matmul %add3A_45, %get3A_48, %dot_general3A {dimension_numbers = #tpu.dot_dimension_numbers<[1], [0], [0], [1], [0, 0, 1, 1], [], []>, transpose_lhs_hint = false} : vector<10000x64xf32>, vector<64x128xf32>, vector<10000x128xf32> -> vector<10000x128xf32>
    %swap3A = arith.constant 0 : index
    %swap3A_50 = arith.constant 0 : index
    %swap3A_51 = vector.load %arg7[%swap3A, %swap3A_50] : memref<10000x128xf32, #tpu.memory_space<vmem>>, vector<10000x128xf32>
    tpu.vector_store %arg7[%swap3A, %swap3A_50], %dot_general3A_49 {strides = array<i32>} : memref<10000x128xf32, #tpu.memory_space<vmem>>, vector<10000x128xf32>,
    %get3A_52 = arith.constant 0 : index
    %get3A_53 = arith.constant 0 : index
    %get3A_54 = vector.load %arg6[%get3A_52, %get3A_53] : memref<64x128xf32, #tpu.memory_space<vmem>>, vector<64x128xf32>
    %dot_general3A_55 = arith.constant dense<0.000000e+00> : vector<10000x128xf32>
    %dot_general3A_56 = tpu.matmul %add3A_45, %get3A_54, %dot_general3A_55 {dimension_numbers = #tpu.dot_dimension_numbers<[1], [0], [0], [1], [0, 0, 1, 1], [], []>, transpose_lhs_hint = false} : vector<10000x64xf32>, vector<64x128xf32>, vector<10000x128xf32> -> vector<10000x128xf32>
    %swap3A_57 = arith.constant 0 : index
    %swap3A_58 = arith.constant 0 : index
    %swap3A_59 = vector.load %arg8[%swap3A_57, %swap3A_58] : memref<10000x128xf32, #tpu.memory_space<vmem>>, vector<10000x128xf32>
    tpu.vector_store %arg8[%swap3A_57, %swap3A_58], %dot_general3A_56 {strides = array<i32>} : memref<10000x128xf32, #tpu.memory_space<vmem>>, vector<10000x128xf32>,
    return
  }
}

module attributes {stable_mosaic.version = 14 : i64} {
  func.func @_tc_final_body(%arg0: i32, %arg1: memref<8000x64xf32, #tpu.memory_space<vmem>>, %arg2: memref<8000x16xf32, #tpu.memory_space<vmem>>, %arg3: memref<16x64xf32, #tpu.memory_space<vmem>>, %arg4: memref<1x64xf32, #tpu.memory_space<vmem>>, %arg5: memref<1x64xf32, #tpu.memory_space<vmem>>, %arg6: memref<1x1xf32, #tpu.memory_space<vmem>>, %arg7: memref<8000x1xf32, #tpu.memory_space<vmem>>) attributes {dimension_semantics = [#tpu.dimension_semantics<arbitrary>], iteration_bounds = array<i64: 40>, scalar_prefetch = 0 : i64, scratch_operands = 0 : i64, tpu.core_type = #tpu.core_type<tc>, window_params = [{transform_indices = @transform_0, window_bounds = array<i64: 8000, 64>}, {transform_indices = @transform_1, window_bounds = array<i64: 8000, 16>}, {pipeline_mode = #tpu.pipeline_mode<synchronous>, transform_indices = @transform_2, window_bounds = array<i64: 16, 64>}, {pipeline_mode = #tpu.pipeline_mode<synchronous>, transform_indices = @transform_3, window_bounds = array<i64: 1, 64>}, {pipeline_mode = #tpu.pipeline_mode<synchronous>, transform_indices = @transform_4, window_bounds = array<i64: 1, 64>}, {pipeline_mode = #tpu.pipeline_mode<synchronous>, transform_indices = @transform_5, window_bounds = array<i64: 1, 1>}, {transform_indices = @transform_6, window_bounds = array<i64: 8000, 1>}]} {
    %get3A = arith.constant 0 : index
    %get3A_0 = arith.constant 0 : index
    %get3A_1 = vector.load %arg2[%get3A, %get3A_0] : memref<8000x16xf32, #tpu.memory_space<vmem>>, vector<8000x16xf32>
    %get3A_2 = arith.constant 0 : index
    %get3A_3 = arith.constant 0 : index
    %get3A_4 = vector.load %arg3[%get3A_2, %get3A_3] : memref<16x64xf32, #tpu.memory_space<vmem>>, vector<16x64xf32>
    %dot_general3A = arith.constant dense<0.000000e+00> : vector<8000x64xf32>
    %dot_general3A_5 = tpu.matmul %get3A_1, %get3A_4, %dot_general3A {dimension_numbers = #tpu.dot_dimension_numbers<[1], [0], [0], [1], [0, 0, 1, 1], [], []>, transpose_lhs_hint = false} : vector<8000x16xf32>, vector<16x64xf32>, vector<8000x64xf32> -> vector<8000x64xf32>
    %get3A_6 = arith.constant 0 : index
    %get3A_7 = arith.constant 0 : index
    %get3A_8 = vector.load %arg4[%get3A_6, %get3A_7] : memref<1x64xf32, #tpu.memory_space<vmem>>, vector<1x64xf32>
    %add3A = vector.broadcast %get3A_8 : vector<1x64xf32> to vector<8000x64xf32>
    %add3A_9 = arith.addf %dot_general3A_5, %add3A : vector<8000x64xf32>
    %get3A_10 = arith.constant 0 : index
    %get3A_11 = arith.constant 0 : index
    %get3A_12 = vector.load %arg1[%get3A_10, %get3A_11] : memref<8000x64xf32, #tpu.memory_space<vmem>>, vector<8000x64xf32>
    %add3A_13 = arith.addf %get3A_12, %add3A_9 : vector<8000x64xf32>
    %tanh3A = math.tanh %add3A_13 : vector<8000x64xf32>
    %get3A_14 = arith.constant 0 : index
    %get3A_15 = arith.constant 0 : index
    %get3A_16 = vector.load %arg5[%get3A_14, %get3A_15] : memref<1x64xf32, #tpu.memory_space<vmem>>, vector<1x64xf32>
    %mul3A = vector.broadcast %get3A_16 : vector<1x64xf32> to vector<8000x64xf32>
    %mul3A_17 = arith.mulf %tanh3A, %mul3A : vector<8000x64xf32>
    %reduce_sum3A = arith.constant dense<0.000000e+00> : vector<8000xf32>
    %reduce_sum3A_18 = vector.multi_reduction <add>, %mul3A_17, %reduce_sum3A [1] : vector<8000x64xf32> to vector<8000xf32>
    %broadcast_in_dim3A = vector.shape_cast %reduce_sum3A_18 : vector<8000xf32> to vector<8000x1xf32>
    %get3A_19 = arith.constant 0 : index
    %get3A_20 = arith.constant 0 : index
    %get3A_21 = vector.load %arg6[%get3A_19, %get3A_20] : memref<1x1xf32, #tpu.memory_space<vmem>>, vector<1x1xf32>
    %get3A_22 = vector.extract %get3A_21[0, 0] : f32 from vector<1x1xf32>
    %add3A_23 = vector.broadcast %get3A_22 : f32 to vector<8000x1xf32>
    %add3A_24 = arith.addf %broadcast_in_dim3A, %add3A_23 : vector<8000x1xf32>
    %neg3A = arith.constant 0.000000e+00 : f32
    %neg3A_25 = vector.broadcast %neg3A : f32 to vector<8000x1xf32>
    %neg3A_26 = arith.subf %neg3A_25, %add3A_24 : vector<8000x1xf32>
    %exp3A = math.exp %neg3A_26 : vector<8000x1xf32>
    %add3A_27 = arith.constant 1.000000e+00 : f32
    %add3A_28 = vector.broadcast %add3A_27 : f32 to vector<8000x1xf32>
    %add3A_29 = arith.addf %add3A_28, %exp3A : vector<8000x1xf32>
    %div3A = arith.constant 1.000000e+00 : f32
    %div3A_30 = vector.broadcast %div3A : f32 to vector<8000x1xf32>
    %div3A_31 = arith.divf %div3A_30, %add3A_29 : vector<8000x1xf32>
    %swap3A = arith.constant 0 : index
    %swap3A_32 = arith.constant 0 : index
    %swap3A_33 = vector.load %arg7[%swap3A, %swap3A_32] : memref<8000x1xf32, #tpu.memory_space<vmem>>, vector<8000x1xf32>
    tpu.vector_store %arg7[%swap3A, %swap3A_32], %div3A_31 {strides = array<i32>} : memref<8000x1xf32, #tpu.memory_space<vmem>>, vector<8000x1xf32>,
    return
  }
  func.func @transform_0(%arg0: i32) -> (i32, i32) {
    %c0_i32 = arith.constant 0 : i32
    %c0_i32_0 = arith.constant 0 : i32
    return %arg0, %c0_i32 : i32, i32
  }
  func.func @transform_1(%arg0: i32) -> (i32, i32) {
    %c0_i32 = arith.constant 0 : i32
    %c0_i32_0 = arith.constant 0 : i32
    return %arg0, %c0_i32 : i32, i32
  }
  func.func @transform_2(%arg0: i32) -> (i32, i32) {
    %c0_i32 = arith.constant 0 : i32
    %c0_i32_0 = arith.constant 0 : i32
    %c0_i32_1 = arith.constant 0 : i32
    return %c0_i32, %c0_i32_0 : i32, i32
  }
  func.func @transform_3(%arg0: i32) -> (i32, i32) {
    %c0_i32 = arith.constant 0 : i32
    %c0_i32_0 = arith.constant 0 : i32
    %c0_i32_1 = arith.constant 0 : i32
    return %c0_i32, %c0_i32_0 : i32, i32
  }
  func.func @transform_4(%arg0: i32) -> (i32, i32) {
    %c0_i32 = arith.constant 0 : i32
    %c0_i32_0 = arith.constant 0 : i32
    %c0_i32_1 = arith.constant 0 : i32
    return %c0_i32, %c0_i32_0 : i32, i32
  }
  func.func @transform_5(%arg0: i32) -> (i32, i32) {
    %c0_i32 = arith.constant 0 : i32
    %c0_i32_0 = arith.constant 0 : i32
    %c0_i32_1 = arith.constant 0 : i32
    return %c0_i32, %c0_i32_0 : i32, i32
  }
  func.func @transform_6(%arg0: i32) -> (i32, i32) {
    %c0_i32 = arith.constant 0 : i32
    %c0_i32_0 = arith.constant 0 : i32
    return %arg0, %c0_i32 : i32, i32
  }
}

</mosaic_0001>

<sc_bundles>
// kernel: kernel.10.cloned.1.call-start
scs
__scs_entry_jumppad:
0x0: {  	(pc) =	sbr.rel $0x88, $3  }
0x1: {  	(tag) =	ssettag $0x0;
	lr =	simm.s32 $0x1  }
0x2: {  	[smem:$0x3F8A] =	sst lr;
	_ =	strace $0xD0000000  }
0x3: {  	_ = 	snop  }
0x4: {  	_ = 	snop  }
0x5: {  	_ = 	snop  }
0x6: {  	_ = 	snop  }
0x7: {  	_ = 	snop  }
__scs_overlays_trampoline_lowered:
0x8: {  	[smem:$0x3F99] =	sst s0  }
0x9: {  	[smem:$0x3F9A] =	sst s1  }
0xa: {  	[smem:$0x3F9B] =	sst s2  }
0xb: {  	[smem:$0x3F9C] =	sst s3  }
0xc: {  	[smem:$0x3F9D] =	sst s4  }
0xd: {  	[smem:$0x3F9E] =	sst s5  }
0xe: {  	[smem:$0x3F9F] =	sst s6  }
0xf: {  	[smem:$0x3FA0] =	sst s7  }
0x10: {  	[smem:$0x3FA1] =	sst s8  }
0x11: {  	[smem:$0x3FA2] =	sst s9;
	s0 =	simm.s32 @!p0 $0x0  }
0x12: {  	s1 =	sld [smem:$0x3F88];
	s0 =	simm.s32 @p0 $0x1  }
0x13: {  	[smem:$0x3FA3] =	sst s0;
	s0 =	simm.s32 @!p1 $0x0  }
0x14: {  	s2 =	sld [smem:$0x3F87];
	s0 =	simm.s32 @p1 $0x1  }
0x15: {  	[smem:$0x3FA4] =	sst s0;
	s0 =	simm.s32 @!p2 $0x0  }
0x16: {  	s3 =	sld [smem:$0x3FDB];
	s0 =	simm.s32 @p2 $0x1  }
0x17: {  	s4 =	simm.s32 $0x1BF5;
	[smem:$0x3FA6] =	sst s0  }
0x18: {  	s0 =	sld [smem:$0x3F89];
	_ =	swait.ge [sflag:s4], $0x0  }
0x19: {  	s7 =	sld [smem:$0x3F8A]  }
0x1a: {  	s8 =	sadd.s32 $0xFFFFE003, lr  }
0x1b: {  	s9 =	sadd.s32 $0xFFFFFEF7, lr;
	s5 =	simm.s32 $0xFFFFFFFF;
	p2 =	slt.u32 s8, $0xFFFFF086  }
0x1c: {  	p1 =	slt.u32 s9, $0xF7A;
	s5 =	simm.s32 @!p2 $0x0  }
0x1d: {  	s5 =	simm.s32 @p1 $0x1;
	p0 =	seq.s32 s7, s2  }
0x1e: {  	s7 =	smul.u32 @!p0 $0xF7A, s2;
	p2 =	seq.s32 @!p0 s5, $0x0  }
0x1f: {  	s9 =	smul.u32 $0xF7A, s1;
	s8 =	simm.s32 @!p0 $0x1BF5;
	p2 =	por !p2, p0  }
0x20: {  	[sflag:s8] =	ssyncset.s32 @!p0 $0xFFFFF086;
	s6 =	sadd.s32 @!p0 s3, s7;
	s7 =	simm.s32 @!p0 $0x108  }
0x21: {  	s3 =	sadd.s32 s3, s9;
	s6 =	sadd.s32 @!p0 $0x88, s6;
	s7 =	simm.s32 @p2 $0x1082  }
0x22: {  	[simem:s7], [sflag:s8] =	dma.local @!p0 [hbm:s6], $0xF7A  }
0x23: {  	s9 =	sor.u32 $0xD0000000, s2;
	s6 =	simm.s32 $0x108;
	_ =	swait.ge @!p0 [sflag:s8], $0x0  }
0x24: {  	s3 =	sadd.s32 $0x88, s3;
	s6 =	simm.s32 @!p1 $0x1082;
	[sflag:s4] =	ssyncset.s32 $0xFFFFF086  }
0x25: {  	[simem:s6], [sflag:s4] =	dma.local [hbm:s3], $0xF7A  }
0x26: {  	[smem:$0x3F8A] =	sst s1;
	(tag) =	ssettag s2;
	_ =	strace s9  }
0x27: {  	s1 =	sld [smem:$0x3F9A]  }
0x28: {  	s2 =	sld [smem:$0x3F9B]  }
0x29: {  	s4 =	sld [smem:$0x3F9D]  }
0x2a: {  	p0 =	seq.s32 s5, $0x0;
	s5 =	sld [smem:$0x3F9E]  }
0x2b: {  	s6 =	sld [smem:$0x3F9F]  }
0x2c: {  	s7 =	sld [smem:$0x3FA0]  }
0x2d: {  	s3 =	simm.s32 $0x108;
	s8 =	sld [smem:$0x3FA1]  }
0x2e: {  	s3 =	simm.s32 @!p0 $0x1082;
	s9 =	sld [smem:$0x3FA2]  }
0x2f: {  	lr =	sadd.s32 s0, s3;
	s0 =	sld [smem:$0x3F99]  }
0x30: {  	s3 =	sld [smem:$0x3F9C]  }
0x31: {  	[smem:$0x3FA5] =	sst s10  }
0x32: {  	s10 =	sld [smem:$0x3FA3];
	_ =	sdelay $0x3  }
0x33: {  	p0 =	seq.s32 s10, $0x1;
	s10 =	sld [smem:$0x3FA5];
	_ =	sdelay $0x3  }
0x34: {  	[smem:$0x3FA5] =	sst s10  }
0x35: {  	s10 =	sld [smem:$0x3FA4];
	_ =	sdelay $0x3  }
0x36: {  	p1 =	seq.s32 s10, $0x1;
	s10 =	sld [smem:$0x3FA5];
	_ =	sdelay $0x3  }
0x37: {  	[smem:$0x3FA5] =	sst s10  }
0x38: {  	s10 =	sld [smem:$0x3FA6]  }
0x39: {  	_ = 	snop;
	(pc) =	sbr.ind lr, $3  }
0x3a: {  	_ = 	snop  }
0x3b: {  	_ = 	snop  }
0x3c: {  	p2 =	seq.s32 s10, $0x1;
	s10 =	sld [smem:$0x3FA5]  }
0x3d: {  	_ =	shalt  }
0x3e: {  	_ =	shalt  }
0x3f: {  	_ =	shalt  }
0x40: {  	_ =	shalt  }
0x41: {  	_ =	shalt  }
0x42: {  	_ =	shalt  }
0x43: {  	_ =	shalt  }
0x44: {  	_ =	shalt  }
0x45: {  	_ =	shalt  }
0x46: {  	_ =	shalt  }
0x47: {  	_ =	shalt  }
0x48: {  	_ =	shalt  }
0x49: {  	_ =	shalt  }
0x4a: {  	_ =	shalt  }
0x4b: {  	_ =	shalt  }
0x4c: {  	_ =	shalt  }
0x4d: {  	_ =	shalt  }
0x4e: {  	_ =	shalt  }
0x4f: {  	_ =	shalt  }
0x50: {  	_ =	shalt  }
0x51: {  	_ =	shalt  }
0x52: {  	_ =	shalt  }
0x53: {  	_ =	shalt  }
0x54: {  	_ =	shalt  }
0x55: {  	_ =	shalt  }
0x56: {  	_ =	shalt  }
0x57: {  	_ =	shalt  }
0x58: {  	_ =	shalt  }
0x59: {  	_ =	shalt  }
0x5a: {  	_ =	shalt  }
0x5b: {  	_ =	shalt  }
0x5c: {  	_ =	shalt  }
0x5d: {  	_ =	shalt  }
0x5e: {  	_ =	shalt  }
0x5f: {  	_ =	shalt  }
0x60: {  	_ =	shalt  }
0x61: {  	_ =	shalt  }
0x62: {  	_ =	shalt  }
0x63: {  	_ =	shalt  }
0x64: {  	_ =	shalt  }
0x65: {  	_ =	shalt  }
0x66: {  	_ =	shalt  }
0x67: {  	_ =	shalt  }
0x68: {  	_ =	shalt  }
0x69: {  	_ =	shalt  }
0x6a: {  	_ =	shalt  }
0x6b: {  	_ =	shalt  }
0x6c: {  	_ =	shalt  }
0x6d: {  	_ =	shalt  }
0x6e: {  	_ =	shalt  }
0x6f: {  	_ =	shalt  }
0x70: {  	_ =	shalt  }
0x71: {  	_ =	shalt  }
0x72: {  	_ =	shalt  }
0x73: {  	_ =	shalt  }
0x74: {  	_ =	shalt  }
0x75: {  	_ =	shalt  }
0x76: {  	_ =	shalt  }
0x77: {  	_ =	shalt  }
0x78: {  	_ =	shalt  }
0x79: {  	_ =	shalt  }
0x7a: {  	_ =	shalt  }
0x7b: {  	_ =	shalt  }
0x7c: {  	_ =	shalt  }
0x7d: {  	_ =	shalt  }
0x7e: {  	_ =	shalt  }
0x7f: {  	_ =	shalt  }
0x80: {  	_ =	shalt  }
0x81: {  	_ =	shalt  }
0x82: {  	_ =	shalt  }
0x83: {  	_ =	shalt  }
0x84: {  	_ =	shalt  }
0x85: {  	_ =	shalt  }
0x86: {  	_ =	shalt  }
0x87: {  	_ =	shalt  }
.Lfunc_end0:
.L_simem_size_0:
called_computation_lowered:
.L_overlay_start_0:
0x88: {  	s2 =	sld [smem:$0x3FD9]  }
0x89: {  	s3 =	sld [smem:$0x3FFE];
	_ =	sdelay $0x1  }
0x8a: {  	s1 =	srdreg.scid  }
0x8b: {  	s0 =	sand.u32 $0x1, s1  }
0x8c: {  	s16 =	sshll.u32 s0, $0xA;
	s2 =	sadd.s32 s3, s2  }
0x8d: {  	s2 =	sadd.s32 s2, s16  }
0x8e: {  	[smem:$0x3FB1] =	sst s2  }
0x8f: {  	_ = 	snop  }
0x90: {  	(tm) =	ssettm $0x1  }
0x91: {  	s17 =	sld [smem:$0x3FFB];
	_ =	sdelay $0x3  }
0x92: {  	_ =	strace s17  }
0x93: {  	s2 =	sld [smem:$0x3FFC];
	_ =	sdelay $0x3  }
0x94: {  	_ =	strace s2  }
0x95: {  	s2 =	sld [smem:$0x3FFD];
	_ =	sdelay $0x3  }
0x96: {  	_ =	strace s2  }
0x97: {  	_ =	strace $0x8FFFFFFF  }
0x98: {  	s18 =	sld [smem:$0x3FDB];
	_ =	sdelay $0x1  }
0x99: {  	s19 =	simm.s32 $_scs_section_size  }
0x9a: {  	s4 =	simm.s32 $_size__tile_overlayer_lowered;
	s5 =	simm.s32 $_tile_overlayer_lowered  }
0x9b: {  	s22 =	simm.s32 $0x1BFF;
	s21 =	sshll.u32 s5, $0x1;
	s2 =	sadd.s32 s19, s18  }
0x9c: {  	s6 =	simm.s32 $0x0;
	s20 =	sshll.u32 s4, $0x1;
	s4 =	sadd.s32 s21, s2  }
0x9d: {  	[timem:s6], [sflag:s22] =	dma.local [hbm:s4], s20  }
0x9e: {  	_ =	swait.ge [sflag:s22], s20  }
0x9f: {  	s3 =	ssub.s32 $0x0, s20;
	[sflag:s22] =	ssyncset.done $0x0  }
0xa0: {  	[sflag:s22] =	ssyncadd.s32 s3;
	_ =	sdelay $0x1  }
0xa1: {  	s23 =	simm.s32 $0x1B8B  }
0xa2: {  	_ =	swait.ge [sflag:s23], $0x1  }
0xa3: {  	[sflag:s23] =	ssyncset.done $0x0  }
0xa4: {  	s25 =	simm.s32 $0x1B8E;
	s24 =	sld [smem:$0x3FFE];
	[sflag:s23] =	ssyncadd.s32 $0xFFFFFFFF  }
0xa5: {  	s26 =	simm.s32 $execute0_lowered;
	[smem:$0x3FD2] =	sst s25  }
0xa6: {  	s4 =	sshll.u32 s26, $0x1;
	_ =	strace $0x80000046;
	[dreg:$0x1] =	wrdreg $0xFFFFFFFF  }
0xa7: {  	s28 =	simm.s32 $_size_execute0_lowered;
	s2 =	sadd.s32 s2, s4;
	[dreg:$0x0] =	wrdreg $0x0  }
0xa8: {  	s4 =	sshll.u32 s28, $0x1;
	[dreg:$0x2] =	wrdreg s2  }
0xa9: {  	[dreg:$0x3] =	wrdreg s4  }
0xaa: {  	[dreg:$0x4] =	wrdreg $0xC0  }
0xab: {  	_ =	task [dreg:s6], $0x5FFFF  }
0xac: {  	[dreg:$0x1] =	wrdreg $0xFFFFFFFF  }
0xad: {  	[dreg:$0x0] =	wrdreg $0x60  }
0xae: {  	[dreg:$0x2] =	wrdreg s24  }
0xaf: {  	[dreg:$0x3] =	wrdreg $0x1000  }
0xb0: {  	[dreg:$0x4] =	wrdreg $0x9  }
0xb1: {  	_ =	task.clear_ibuf [dreg:s6], $0x5FFFF;
	_ =	strace $0x90000046  }
0xb2: {  	s29 =	simm.s32 $0x9;
	_ =	strace $0x80000048  }
0xb3: {  	_ =	swait.ge [sflag:s29], $0x1  }
0xb4: {  	[sflag:s29] =	ssyncadd.s32 $0xFFFFFFFF  }
0xb5: {  	_ =	strace $0x90000048  }
0xb6: {  	_ =	sfence  }
0xb7: {  	s30 =	sld [smem:$0x0];
	_ =	sdelay $0x2  }
0xb8: {  	s31 =	sshll.u32 s1, $0xD;
	s1 =	sshrl.u32 s1, $0x2  }
0xb9: {  	s3 =	sand.u32 $0x4000, s31;
	s1 =	sadd.s32 s1, s30  }
0xba: {  	s0 =	sor.u32 s3, s0;
	s1 =	sshll.u32 s1, $0x11  }
0xbb: {  	s0 =	sor.u32 s1, s0  }
0xbc: {  	s0 =	sadd.s32 $0x8F2B, s0  }
0xbd: {  	[sflag:s0] =	ssyncadd.remote.s32 $0x1  }
0xbe: {  	_ =	sfence.sel $0xFFFF  }
0xbf: {  	[dreg:$0x0] =	wrdreg $0xFFFFFFFF;
	(pc) =	sbr.abs _section_cstart, $3  }
0xc0: {  	[dreg:$0x1] =	wrdreg $0xFFFFFFFF  }
0xc1: {  	_ =	task.clear_ibuf [dreg:s6], $0x2FFFF;
	_ =	strace $0x9FFFFFFF  }
0xc2: {  	(tm) =	ssettm $0x7FFFFFFF  }
0xc3: {  	_ =	shalt  }
tec
execute0_lowered:
.L_overlay_start_1:
0x0: {  	(tag) =	ssettag $0x1  }
0x1: {  	s0 =	srdreg.scid;
	s5 =	rddreg [dreg:$0x0]  }
0x2: {  	s10 =	stileid.u32;
	s1 =	rddreg [dreg:$0x1]  }
0x3: {  	s2 =	simm.s32 $0x0;
	s13 =	simm.s32 $0x20;
	s14 =	simm.s32 $0x10  }
0x4: {  	s3 =	sand.u32 $0x1, s0;
	s4 =	smul.u32 $0x4E20, s10;
	s0 =	rddreg [dreg:$0x2]  }
0x5: {  	s15 =	simm.s32 $0x0;
	[smem:$0x7FF] =	sst s2;
	s26 =	smul.u32 $0x500, s10  }
0x6: {  	s8 =	smul.u32 $0xA00, s10;
	p0 =	sne.s32 s10, $0x0;
	s11 =	sshll.u32 s10, $0x6  }
0x7: {  	s10 =	simm.s32 $0x80;
	s6 =	smul.u32 $0x2710, s3;
	_ =	strace $0x80000047  }
0x8: {  	s28 =	sshll.u32 s3, $0x7;
	s29 =	ssub.s32 $0x2, s3;
	s3 =	sadd.s32 $0xE000, s5  }
0x9: {  	s11 =	sor.u32 $0x1C01, s11;
	s9 =	sshrl.u32 s29, $0x1;
	s4 =	sadd.s32 s6, s4  }
0xa: {  	s31 =	sshrl.u32 s8, $0x2;
	s8 =	simm.s32 $0x1;
	s4 =	sshrl.u32 s4, $0x3  }
0xb: {  	s30 =	ssub.s32 s29, s9;
	s7 =	sadd.s32 s4, s5;
	s4 =	sor.u32 s28, s26  }
0xc: {  	s12 =	sadd.s32 s31, s1;
	s9 =	simm.s32 $0x50;
	s4 =	sshrl.u32 s4, $0x3  }
0xd: {  	s12 =	sshrl.u32 s12, $0x3;
	s6 =	sadd.s32 $0x4200, s7;
	s4 =	sadd.s32 s4, s5  }
0xe: {  	v0 =	vimm.f32 $1.000000000e+00;
	s7 =	sshrl.u32 @!p0 s1, $0x3;
	s5 =	smax.u32 s30, $0x1;
	s4 =	sadd.s32 $0xE600, s4  }
.LBB2_1:
0xf: {  	[tilespmem:$0x80] =	vst v0  }
0x10: {  	[tilespmem:$0x90] =	vst v0  }
0x11: {  	[tilespmem:$0xA0] =	vst v0  }
0x12: {  	[tilespmem:$0xB0] =	vst v0  }
0x13: {  	[tilespmem:$0xC0] =	vst v0;
	s16 =	simm.s32 @!p0 $0x1C01  }
0x14: {  	[spmem:s7], [sflag:s16] =	dma.local @!p0 [hbm:s3], $0x500  }
0x15: {  	s16 =	simm.s32 @!p0 $0x1  }
0x16: {  	_ =	swait.ge @!p0 [sflag:s16], $0x500  }
0x17: {  	[sflag:s16] =	ssyncset.done @!p0 $0x0  }
0x18: {  	[sflag:s16] =	ssyncadd.s32 @!p0 $0xFFFFFB00  }
0x19: {  	s31 =	sadd.s32 $0x0, s6;
	[bflag:$0x0] =	sbarrier.arrive $0xFFFF  }
0x1a: {  	[tilespmem:s2], [sflag:$0x1] =	stream.linear.gather [hbm4b:s31+s2], $0x50, $0x38;
	[tilespmem:$0x380] =	vst v63  }
0x1b: {  	_ =	swait.ge [sflag:s8], $0x50  }
0x1c: {  	[sflag:s8] =	ssyncset.done $0x0  }
0x1d: {  	[sflag:s8] =	ssyncadd.s32 $0xFFFFFFB0  }
0x1e: {  	[spmem:s1] =	stream.indirect.scatter.add.f32 [tilespmem:s10], [sflag:$0x1], $0x1, s2, s9, $0xb8;
	[tilespmem:$0x380] =	vst v63  }
0x1f: {  	_ =	swait.ge [sflag:s8], $0x50  }
0x20: {  	s17 =	simm.s32 $0x14;
	s16 =	simm.s32 $0xA;
	[sflag:s8] =	ssyncset.done $0x0  }
.LBB2_2:
0x21: {  	s18 =	sadd.s32 s16, s6  }
0x22: {  	[sflag:s8] =	ssyncadd.s32 $0xFFFFFFB0;
	s16 =	smov.u32 s17;
	s19 =	sadd.s32 $0xA, s17  }
0x23: {  	[tilespmem:s2], [sflag:$0x1] =	stream.linear.gather [hbm4b:s18+s2], $0x50, $0x38;
	[tilespmem:$0x380] =	vst v63  }
0x24: {  	p1 =	sne.s32 s17, $0x4D8;
	_ =	swait.ge [sflag:s8], $0x50  }
.Ltmp0:
0x25: {  	[sflag:s8] =	ssyncset.done $0x0;
	(pc) =	sbr.rel @p1 .LBB2_2-.Ltmp0, $4  }
0x26: {  	[sflag:s8] =	ssyncadd.s32 $0xFFFFFFB0  }
0x27: {  	[spmem:s1] =	stream.indirect.scatter.add.f32 [tilespmem:s10], [sflag:$0x1], $0x1, s2, s9, $0xb8;
	[tilespmem:$0x380] =	vst v63  }
0x28: {  	_ =	swait.ge [sflag:s8], $0x50  }
0x29: {  	s17 =	smov.u32 s19;
	[sflag:s8] =	ssyncset.done $0x0  }
0x2a: {  	s16 =	sadd.s32 s16, s6;
	[sflag:s8] =	ssyncadd.s32 $0xFFFFFFB0  }
0x2b: {  	[tilespmem:s2], [sflag:$0x1] =	stream.linear.gather [hbm4b:s16+s2], $0x50, $0x38;
	[tilespmem:$0x380] =	vst v63  }
0x2c: {  	_ =	swait.ge [sflag:s8], $0x50  }
0x2d: {  	[sflag:s8] =	ssyncset.done $0x0  }
0x2e: {  	[sflag:s8] =	ssyncadd.s32 $0xFFFFFFB0  }
0x2f: {  	[spmem:s1] =	stream.indirect.scatter.add.f32 [tilespmem:s10], [sflag:$0x1], $0x1, s2, s9, $0xb8;
	[tilespmem:$0x380] =	vst v63  }
0x30: {  	_ =	swait.ge [sflag:s8], $0x50  }
0x31: {  	s15 =	sadd.s32 $0x1, s15;
	[sflag:s8] =	ssyncset.done $0x0  }
0x32: {  	p1 =	sne.s32 s15, s5;
	[sflag:s8] =	ssyncadd.s32 $0xFFFFFFB0  }
.Ltmp1:
0x33: {  	[bflag:$0x0] =	sbarrier.arrive $0xFFFF;
	(pc) =	sbr.rel @p1 .LBB2_1-.Ltmp1, $4  }
0x34: {  	[hbm:s4@s13], [sflag:s11] =	dma.strided [spmem:s12@s14], $0x50, s8, $0x10   }
0x35: {  	_ =	swait.ge [sflag:s8], $0x50  }
0x36: {  	[sflag:s8] =	ssyncset.done $0x0  }
0x37: {  	[sflag:s8] =	ssyncadd.s32 $0xFFFFFFB0  }
0x38: {  	_ =	sfence.sel $0x180000  }
0x39: {  	[bflag:$0x0] =	sbarrier.arrive $0xFFFF  }
0x3a: {  	_ =	strace $0x90000047  }
0x3b: {  	s0 =	sadd.s32 @!p0 $0x100000, s0;
	[bflag:$0x2] =	sbarrier.arrive $0xFFFF  }
0x3c: {  	[sflag:s0] =	ssyncadd.tile.s32 @!p0 $0x1;
	_ =	shalt  }
.Lfunc_end2:
_tile_overlayer_lowered:
.L_overlay_start_2:
0x3d: {  	(tag) =	ssettag $0x2  }
0x3e: {  	s0 =	rddreg [dreg:$0x0];
	s2 =	stileid.u32  }
0x3f: {  	s1 =	rddreg [dreg:$0x1];
	p0 =	sne.s32 s2, $0x0  }
0x40: {  	s3 =	rddreg [dreg:$0x2];
	[bflag:$0x3] =	sbarrier.arrive $0xFFFF;
	s2 =	simm.s32 @!p0 $0x1C01  }
0x41: {  	[timem:s3], [sflag:s2] =	dma.local @!p0 [hbm:s0], s1  }
0x42: {  	s0 =	simm.s32 @!p0 $0x1  }
0x43: {  	_ =	swait.ge @!p0 [sflag:s0], s1  }
0x44: {  	s1 =	ssub.s32 @!p0 $0x0, s1;
	[sflag:s0] =	ssyncset.done @!p0 $0x0  }
0x45: {  	[sflag:s0] =	ssyncadd.s32 @!p0 s1  }
0x46: {  	[bflag:$0x3] =	sbarrier.arrive $0xFFFF  }
0x47: {  	_ =	shalt  }

// kernel: kernel.13.cloned.1.call-start
scs
__scs_entry_jumppad:
0x0: {  	(pc) =	sbr.rel $0x88, $3  }
0x1: {  	(tag) =	ssettag $0x0;
	lr =	simm.s32 $0x1  }
0x2: {  	[smem:$0x3F8A] =	sst lr;
	_ =	strace $0xD0000000  }
0x3: {  	_ = 	snop  }
0x4: {  	_ = 	snop  }
0x5: {  	_ = 	snop  }
0x6: {  	_ = 	snop  }
0x7: {  	_ = 	snop  }
__scs_overlays_trampoline_lowered:
0x8: {  	[smem:$0x3F99] =	sst s0  }
0x9: {  	[smem:$0x3F9A] =	sst s1  }
0xa: {  	[smem:$0x3F9B] =	sst s2  }
0xb: {  	[smem:$0x3F9C] =	sst s3  }
0xc: {  	[smem:$0x3F9D] =	sst s4  }
0xd: {  	[smem:$0x3F9E] =	sst s5  }
0xe: {  	[smem:$0x3F9F] =	sst s6  }
0xf: {  	[smem:$0x3FA0] =	sst s7  }
0x10: {  	[smem:$0x3FA1] =	sst s8  }
0x11: {  	[smem:$0x3FA2] =	sst s9;
	s0 =	simm.s32 @!p0 $0x0  }
0x12: {  	s1 =	sld [smem:$0x3F88];
	s0 =	simm.s32 @p0 $0x1  }
0x13: {  	[smem:$0x3FA3] =	sst s0;
	s0 =	simm.s32 @!p1 $0x0  }
0x14: {  	s2 =	sld [smem:$0x3F87];
	s0 =	simm.s32 @p1 $0x1  }
0x15: {  	[smem:$0x3FA4] =	sst s0;
	s0 =	simm.s32 @!p2 $0x0  }
0x16: {  	s3 =	sld [smem:$0x3FDB];
	s0 =	simm.s32 @p2 $0x1  }
0x17: {  	s4 =	simm.s32 $0x1BF5;
	[smem:$0x3FA6] =	sst s0  }
0x18: {  	s0 =	sld [smem:$0x3F89];
	_ =	swait.ge [sflag:s4], $0x0  }
0x19: {  	s7 =	sld [smem:$0x3F8A]  }
0x1a: {  	s8 =	sadd.s32 $0xFFFFE003, lr  }
0x1b: {  	s9 =	sadd.s32 $0xFFFFFEF7, lr;
	s5 =	simm.s32 $0xFFFFFFFF;
	p2 =	slt.u32 s8, $0xFFFFF086  }
0x1c: {  	p1 =	slt.u32 s9, $0xF7A;
	s5 =	simm.s32 @!p2 $0x0  }
0x1d: {  	s5 =	simm.s32 @p1 $0x1;
	p0 =	seq.s32 s7, s2  }
0x1e: {  	s7 =	smul.u32 @!p0 $0xF7A, s2;
	p2 =	seq.s32 @!p0 s5, $0x0  }
0x1f: {  	s9 =	smul.u32 $0xF7A, s1;
	s8 =	simm.s32 @!p0 $0x1BF5;
	p2 =	por !p2, p0  }
0x20: {  	[sflag:s8] =	ssyncset.s32 @!p0 $0xFFFFF086;
	s6 =	sadd.s32 @!p0 s3, s7;
	s7 =	simm.s32 @!p0 $0x108  }
0x21: {  	s3 =	sadd.s32 s3, s9;
	s6 =	sadd.s32 @!p0 $0x88, s6;
	s7 =	simm.s32 @p2 $0x1082  }
0x22: {  	[simem:s7], [sflag:s8] =	dma.local @!p0 [hbm:s6], $0xF7A  }
0x23: {  	s9 =	sor.u32 $0xD0000000, s2;
	s6 =	simm.s32 $0x108;
	_ =	swait.ge @!p0 [sflag:s8], $0x0  }
0x24: {  	s3 =	sadd.s32 $0x88, s3;
	s6 =	simm.s32 @!p1 $0x1082;
	[sflag:s4] =	ssyncset.s32 $0xFFFFF086  }
0x25: {  	[simem:s6], [sflag:s4] =	dma.local [hbm:s3], $0xF7A  }
0x26: {  	[smem:$0x3F8A] =	sst s1;
	(tag) =	ssettag s2;
	_ =	strace s9  }
0x27: {  	s1 =	sld [smem:$0x3F9A]  }
0x28: {  	s2 =	sld [smem:$0x3F9B]  }
0x29: {  	s4 =	sld [smem:$0x3F9D]  }
0x2a: {  	p0 =	seq.s32 s5, $0x0;
	s5 =	sld [smem:$0x3F9E]  }
0x2b: {  	s6 =	sld [smem:$0x3F9F]  }
0x2c: {  	s7 =	sld [smem:$0x3FA0]  }
0x2d: {  	s3 =	simm.s32 $0x108;
	s8 =	sld [smem:$0x3FA1]  }
0x2e: {  	s3 =	simm.s32 @!p0 $0x1082;
	s9 =	sld [smem:$0x3FA2]  }
0x2f: {  	lr =	sadd.s32 s0, s3;
	s0 =	sld [smem:$0x3F99]  }
0x30: {  	s3 =	sld [smem:$0x3F9C]  }
0x31: {  	[smem:$0x3FA5] =	sst s10  }
0x32: {  	s10 =	sld [smem:$0x3FA3];
	_ =	sdelay $0x3  }
0x33: {  	p0 =	seq.s32 s10, $0x1;
	s10 =	sld [smem:$0x3FA5];
	_ =	sdelay $0x3  }
0x34: {  	[smem:$0x3FA5] =	sst s10  }
0x35: {  	s10 =	sld [smem:$0x3FA4];
	_ =	sdelay $0x3  }
0x36: {  	p1 =	seq.s32 s10, $0x1;
	s10 =	sld [smem:$0x3FA5];
	_ =	sdelay $0x3  }
0x37: {  	[smem:$0x3FA5] =	sst s10  }
0x38: {  	s10 =	sld [smem:$0x3FA6]  }
0x39: {  	_ = 	snop;
	(pc) =	sbr.ind lr, $3  }
0x3a: {  	_ = 	snop  }
0x3b: {  	_ = 	snop  }
0x3c: {  	p2 =	seq.s32 s10, $0x1;
	s10 =	sld [smem:$0x3FA5]  }
0x3d: {  	_ =	shalt  }
0x3e: {  	_ =	shalt  }
0x3f: {  	_ =	shalt  }
0x40: {  	_ =	shalt  }
0x41: {  	_ =	shalt  }
0x42: {  	_ =	shalt  }
0x43: {  	_ =	shalt  }
0x44: {  	_ =	shalt  }
0x45: {  	_ =	shalt  }
0x46: {  	_ =	shalt  }
0x47: {  	_ =	shalt  }
0x48: {  	_ =	shalt  }
0x49: {  	_ =	shalt  }
0x4a: {  	_ =	shalt  }
0x4b: {  	_ =	shalt  }
0x4c: {  	_ =	shalt  }
0x4d: {  	_ =	shalt  }
0x4e: {  	_ =	shalt  }
0x4f: {  	_ =	shalt  }
0x50: {  	_ =	shalt  }
0x51: {  	_ =	shalt  }
0x52: {  	_ =	shalt  }
0x53: {  	_ =	shalt  }
0x54: {  	_ =	shalt  }
0x55: {  	_ =	shalt  }
0x56: {  	_ =	shalt  }
0x57: {  	_ =	shalt  }
0x58: {  	_ =	shalt  }
0x59: {  	_ =	shalt  }
0x5a: {  	_ =	shalt  }
0x5b: {  	_ =	shalt  }
0x5c: {  	_ =	shalt  }
0x5d: {  	_ =	shalt  }
0x5e: {  	_ =	shalt  }
0x5f: {  	_ =	shalt  }
0x60: {  	_ =	shalt  }
0x61: {  	_ =	shalt  }
0x62: {  	_ =	shalt  }
0x63: {  	_ =	shalt  }
0x64: {  	_ =	shalt  }
0x65: {  	_ =	shalt  }
0x66: {  	_ =	shalt  }
0x67: {  	_ =	shalt  }
0x68: {  	_ =	shalt  }
0x69: {  	_ =	shalt  }
0x6a: {  	_ =	shalt  }
0x6b: {  	_ =	shalt  }
0x6c: {  	_ =	shalt  }
0x6d: {  	_ =	shalt  }
0x6e: {  	_ =	shalt  }
0x6f: {  	_ =	shalt  }
0x70: {  	_ =	shalt  }
0x71: {  	_ =	shalt  }
0x72: {  	_ =	shalt  }
0x73: {  	_ =	shalt  }
0x74: {  	_ =	shalt  }
0x75: {  	_ =	shalt  }
0x76: {  	_ =	shalt  }
0x77: {  	_ =	shalt  }
0x78: {  	_ =	shalt  }
0x79: {  	_ =	shalt  }
0x7a: {  	_ =	shalt  }
0x7b: {  	_ =	shalt  }
0x7c: {  	_ =	shalt  }
0x7d: {  	_ =	shalt  }
0x7e: {  	_ =	shalt  }
0x7f: {  	_ =	shalt  }
0x80: {  	_ =	shalt  }
0x81: {  	_ =	shalt  }
0x82: {  	_ =	shalt  }
0x83: {  	_ =	shalt  }
0x84: {  	_ =	shalt  }
0x85: {  	_ =	shalt  }
0x86: {  	_ =	shalt  }
0x87: {  	_ =	shalt  }
.Lfunc_end0:
.L_simem_size_0:
called_computation.1_lowered:
.L_overlay_start_0:
0x88: {  	s2 =	sld [smem:$0x3FD9]  }
0x89: {  	s3 =	sld [smem:$0x3FFE];
	_ =	sdelay $0x1  }
0x8a: {  	s1 =	srdreg.scid  }
0x8b: {  	s0 =	sand.u32 $0x1, s1  }
0x8c: {  	s17 =	sshll.u32 s0, $0xA;
	s2 =	sadd.s32 s3, s2  }
0x8d: {  	s2 =	sadd.s32 s2, s17  }
0x8e: {  	[smem:$0x3FB1] =	sst s2  }
0x8f: {  	_ = 	snop  }
0x90: {  	s2 =	sld [smem:$0x3FD0];
	(tm) =	ssettm $0x1  }
0x91: {  	s18 =	sld [smem:$0x3FFB];
	_ =	sdelay $0x3  }
0x92: {  	_ =	strace s18  }
0x93: {  	s3 =	sld [smem:$0x3FFC];
	_ =	sdelay $0x3  }
0x94: {  	_ =	strace s3  }
0x95: {  	s3 =	sld [smem:$0x3FFD];
	_ =	sdelay $0x3  }
0x96: {  	_ =	strace s3  }
0x97: {  	_ =	strace $0x8FFFFFFF  }
0x98: {  	s19 =	sld [smem:$0x3FDB];
	_ =	sdelay $0x1  }
0x99: {  	s4 =	simm.s32 $_scs_section_size  }
0x9a: {  	s5 =	simm.s32 $_size__tile_overlayer_lowered;
	s6 =	simm.s32 $_tile_overlayer_lowered  }
0x9b: {  	s22 =	simm.s32 $0x1BFF;
	s21 =	sshll.u32 s6, $0x1;
	s3 =	sadd.s32 s4, s19  }
0x9c: {  	s7 =	simm.s32 $0x0;
	s20 =	sshll.u32 s5, $0x1;
	s5 =	sadd.s32 s21, s3  }
0x9d: {  	[timem:s7], [sflag:s22] =	dma.local [hbm:s5], s20  }
0x9e: {  	_ =	swait.ge [sflag:s22], s20  }
0x9f: {  	s4 =	ssub.s32 $0x0, s20;
	[sflag:s22] =	ssyncset.done $0x0  }
0xa0: {  	[sflag:s22] =	ssyncadd.s32 s4;
	_ =	sdelay $0x1  }
0xa1: {  	s23 =	simm.s32 $0x1B8B  }
0xa2: {  	_ =	swait.ge [sflag:s23], $0x1  }
0xa3: {  	[sflag:s23] =	ssyncset.done $0x0  }
0xa4: {  	s25 =	simm.s32 $0x1B8E;
	s24 =	sld [smem:$0x3FFE];
	[sflag:s23] =	ssyncadd.s32 $0xFFFFFFFF  }
0xa5: {  	s26 =	simm.s32 $execute0_lowered;
	[smem:$0x3FD2] =	sst s25  }
0xa6: {  	s5 =	sshll.u32 s26, $0x1;
	_ =	strace $0x80000049;
	[dreg:$0x1] =	wrdreg $0xFFFFFFFF  }
0xa7: {  	s28 =	simm.s32 $_size_execute0_lowered;
	s3 =	sadd.s32 s3, s5;
	[dreg:$0x0] =	wrdreg $0x0  }
0xa8: {  	s5 =	sshll.u32 s28, $0x1;
	[dreg:$0x2] =	wrdreg s3  }
0xa9: {  	[dreg:$0x3] =	wrdreg s5  }
0xaa: {  	[dreg:$0x4] =	wrdreg $0xC0  }
0xab: {  	_ =	task [dreg:s7], $0x5FFFF  }
0xac: {  	[dreg:$0x1] =	wrdreg $0xFFFFFFFF  }
0xad: {  	[dreg:$0x0] =	wrdreg $0x60  }
0xae: {  	[dreg:$0x2] =	wrdreg s24  }
0xaf: {  	[dreg:$0x3] =	wrdreg s2  }
0xb0: {  	[dreg:$0x4] =	wrdreg $0x69000  }
0xb1: {  	[dreg:$0x5] =	wrdreg $0x9  }
0xb2: {  	_ =	task.clear_ibuf [dreg:s7], $0x6FFFF;
	_ =	strace $0x90000049  }
0xb3: {  	s29 =	simm.s32 $0x9;
	_ =	strace $0x8000004B  }
0xb4: {  	_ =	swait.ge [sflag:s29], $0x1  }
0xb5: {  	[sflag:s29] =	ssyncadd.s32 $0xFFFFFFFF  }
0xb6: {  	_ =	strace $0x9000004B  }
0xb7: {  	_ =	sfence  }
0xb8: {  	s30 =	sld [smem:$0x0];
	_ =	sdelay $0x2  }
0xb9: {  	s31 =	sshll.u32 s1, $0xD;
	s1 =	sshrl.u32 s1, $0x2  }
0xba: {  	s3 =	sand.u32 $0x4000, s31;
	s1 =	sadd.s32 s1, s30  }
0xbb: {  	s0 =	sor.u32 s3, s0;
	s1 =	sshll.u32 s1, $0x11  }
0xbc: {  	s0 =	sor.u32 s1, s0  }
0xbd: {  	s0 =	sadd.s32 $0x8F2B, s0  }
0xbe: {  	[sflag:s0] =	ssyncadd.remote.s32 $0x1  }
0xbf: {  	_ =	sfence.sel $0xFFFF  }
0xc0: {  	[dreg:$0x0] =	wrdreg $0xFFFFFFFF;
	(pc) =	sbr.abs _section_cstart, $3  }
0xc1: {  	[dreg:$0x1] =	wrdreg $0xFFFFFFFF  }
0xc2: {  	_ =	task.clear_ibuf [dreg:s7], $0x2FFFF;
	_ =	strace $0x9FFFFFFF  }
0xc3: {  	(tm) =	ssettm $0x7FFFFFFF  }
tec
execute0_lowered:
.L_overlay_start_1:
0x0: {  	(tag) =	ssettag $0x1  }
0x1: {  	s0 =	rddreg [dreg:$0x0]  }
0x2: {  	s10 =	rddreg [dreg:$0x1]  }
0x3: {  	s2 =	rddreg [dreg:$0x2];
	s1 =	srdreg.scid  }
0x4: {  	s3 =	simm.s32 $0x0;
	s11 =	stileid.u32;
	s31 =	simm.s32 $0xB  }
0x5: {  	s30 =	simm.s32 $0x1;
	s29 =	simm.s32 $0x2;
	s1 =	sand.u32 $0x1, s1  }
0x6: {  	[smem:$0x7FF] =	sst s3;
	s6 =	smul.u32 $0x14000, s11;
	s5 =	sadd.s32 $0xF200, s0  }
0x7: {  	s7 =	sshll.u32 s11, $0x1;
	s12 =	sadd.s32 $0x4200, s0;
	s26 =	smul.u32 $0x4E20, s11  }
0x8: {  	s8 =	sadd.s32 $0x36400, s0;
	s13 =	smul.u32 $0x50000, s11;
	p0 =	sne.s32 s11, $0x0  }
0x9: {  	s4 =	smul.u32 $0x140000, s1;
	_ =	strace $0x8000004A;
	s17 =	sor.u32 s1, s7  }
0xa: {  	s18 =	ssub.s32 $0x2, s1;
	[dreg:$0x5] =	wrdreg s8;
	s1 =	smul.u32 $0x2710, s1  }
0xb: {  	[dreg:$0x4] =	wrdreg s12;
	s19 =	sshrl.u32 s18, $0x1;
	s16 =	sshrl.u32 s13, $0x2  }
0xc: {  	s4 =	sadd.s32 s6, s4;
	s6 =	smul.u32 $0x2710, s17;
	s1 =	sadd.s32 s1, s26  }
0xd: {  	s13 =	simm.s32 $0x2D00;
	s4 =	sshrl.u32 s4, $0x3;
	s17 =	sadd.s32 $0x168, s1  }
0xe: {  	s0 =	sadd.s32 s4, s0;
	s4 =	ssub.s32 s18, s19;
	s20 =	sshrl.u32 s6, $0x3  }
0xf: {  	s21 =	sadd.s32 $0x28, s6;
	s6 =	sadd.s32 $0x78, s6;
	s18 =	sadd.s32 s16, s2  }
0x10: {  	s19 =	sshrl.u32 s17, $0x3;
	s16 =	simm.s32 $0x4100;
	s9 =	sadd.s32 s10, s20  }
0x11: {  	s17 =	simm.s32 $0x200;
	s22 =	sadd.s32 s12, s20;
	[dreg:$0x6] =	wrdreg s9  }
0x12: {  	s8 =	sshrl.u32 s21, $0x3;
	s0 =	sadd.s32 $0x5E400, s0;
	[dreg:$0x7] =	wrdreg s22  }
0x13: {  	s24 =	sadd.s32 $0xA, s20;
	s4 =	smax.u32 s4, $0x1;
	[dreg:$0x10] =	wrdreg s0  }
0x14: {  	s7 =	sadd.s32 $0x14, s20;
	s20 =	sadd.s32 s19, s12;
	[dreg:$0x11] =	wrdreg s4  }
0x15: {  	s6 =	sshrl.u32 s6, $0x3;
	s23 =	sadd.s32 s10, s8;
	[dreg:$0x12] =	wrdreg s20  }
0x16: {  	s21 =	sadd.s32 $0x118, s1;
	s8 =	sadd.s32 s12, s8;
	[dreg:$0x8] =	wrdreg s23  }
0x17: {  	s25 =	sadd.s32 s10, s24;
	s28 =	sadd.s32 s10, s6;
	[dreg:$0x9] =	wrdreg s8  }
0x18: {  	s6 =	sadd.s32 s12, s6;
	s14 =	sadd.s32 s10, s7;
	[dreg:$0xa] =	wrdreg s25  }
0x19: {  	s15 =	sadd.s32 s12, s7;
	s4 =	sshrl.u32 s21, $0x3;
	[dreg:$0xc] =	wrdreg s28  }
0x1a: {  	s22 =	sadd.s32 $0x140, s1;
	s0 =	sshrl.u32 s18, $0x3;
	[dreg:$0xd] =	wrdreg s6  }
0x1b: {  	s7 =	simm.s32 $0x280;
	s18 =	simm.s32 $0x480;
	[dreg:$0xe] =	wrdreg s14  }
0x1c: {  	s20 =	simm.s32 $0x5;
	s21 =	simm.s32 $0x6;
	[dreg:$0xf] =	wrdreg s15  }
0x1d: {  	s9 =	simm.s32 $0x0;
	s8 =	sadd.s32 s12, s24;
	[dreg:$0x1b] =	wrdreg s0  }
0x1e: {  	s6 =	sadd.s32 s19, s10;
	s23 =	sadd.s32 s4, s12;
	[dreg:$0xb] =	wrdreg s8  }
0x1f: {  	s24 =	sadd.s32 $0xF0, s1;
	s4 =	sadd.s32 s4, s10;
	[dreg:$0x13] =	wrdreg s6  }
0x20: {  	s1 =	sadd.s32 $0xC8, s1;
	s14 =	simm.s32 $0x180;
	[dreg:$0x14] =	wrdreg s23  }
0x21: {  	s15 =	simm.s32 $0x400;
	s19 =	simm.s32 $0x5500;
	[dreg:$0x15] =	wrdreg s4  }
0x22: {  	s6 =	sshrl.u32 s22, $0x3;
	s25 =	sshrl.u32 s24, $0x3;
	[dreg:$0x1a] =	wrdreg s1  }
0x23: {  	s8 =	simm.s32 $0x500;
	s1 =	simm.s32 $0x3;
	s22 =	simm.s32 $0x7  }
.Ltmp0:
0x24: {  	s23 =	simm.s32 $0x8;
	s26 =	sadd.s32 s6, s12;
	(pc) =	sbr.rel .LBB2_1-.Ltmp0, $4  }
0x25: {  	s24 =	simm.s32 $0x9;
	s6 =	sadd.s32 s6, s10;
	[dreg:$0x16] =	wrdreg s26  }
0x26: {  	s28 =	sadd.s32 s25, s12;
	s4 =	sadd.s32 s25, s10;
	[dreg:$0x17] =	wrdreg s6  }
0x27: {  	s12 =	simm.s32 $0x380;
	s25 =	simm.s32 $0xA;
	[dreg:$0x18] =	wrdreg s28  }
0x28: {  	[dreg:$0x19] =	wrdreg s4;
	s4 =	simm.s32 $0x28;
	s6 =	simm.s32 $0x4  }
.LBB2_4:
0x29: {  	_ =	swait.ge [sflag:s22], $0x1400  }
0x2a: {  	[sflag:s22] =	ssyncset.done $0x0  }
0x2b: {  	[sflag:s22] =	ssyncadd.s32 $0xFFFFEC00  }
0x2c: {  	_ =	swait.ge [sflag:s23], $0x1400  }
0x2d: {  	[sflag:s23] =	ssyncset.done $0x0  }
0x2e: {  	[sflag:s23] =	ssyncadd.s32 $0xFFFFEC00  }
0x2f: {  	_ =	swait.ge [sflag:s24], $0x1400  }
0x30: {  	[sflag:s24] =	ssyncset.done $0x0  }
0x31: {  	[sflag:s24] =	ssyncadd.s32 $0xFFFFEC00  }
0x32: {  	_ =	swait.ge [sflag:s25], $0x1400  }
0x33: {  	[sflag:s25] =	ssyncset.done $0x0  }
0x34: {  	[sflag:s25] =	ssyncadd.s32 $0xFFFFEC00  }
0x35: {  	s0 =	stileid.u32;
	[bflag:$0x0] =	sbarrier.arrive $0xFFFF  }
0x36: {  	s0 =	sshll.u32 s0, $0x6;
	s7 =	rddreg [dreg:$0x10]  }
0x37: {  	s0 =	sor.u32 $0x1C0B, s0;
	s26 =	rddreg [dreg:$0x1b]  }
0x38: {  	[hbm:s7], [sflag:s0] =	dma.local [spmem:s26], $0x2800  }
0x39: {  	_ =	swait.ge [sflag:s31], $0x2800  }
0x3a: {  	s9 =	rddreg [dreg:$0x1c]  }
0x3b: {  	s28 =	rddreg [dreg:$0x11];
	s9 =	sadd.s32 $0x1, s9  }
0x3c: {  	p1 =	sne.s32 s9, s28  }
.Ltmp1:
0x3d: {  	_ = 	snop;
	(pc) =	sbr.rel @!p1 .LBB2_5-.Ltmp1, $3  }
0x3e: {  	_ =	sdelay $0x1  }
0x3f: {  	[sflag:s31] =	ssyncset.done $0x0  }
0x40: {  	s8 =	simm.s32 $0x500;
	s7 =	simm.s32 $0x280;
	[sflag:s31] =	ssyncadd.s32 $0xFFFFD800  }
.LBB2_1:
0x41: {  	[dreg:$0x1c] =	wrdreg s9  }
0x42: {  	s26 =	sshrl.u32 @!p0 s2, $0x3;
	s28 =	simm.s32 @!p0 $0x1C0B;
	s0 =	rddreg [dreg:$0x5]  }
0x43: {  	[spmem:s26], [sflag:s28] =	dma.local @!p0 [hbm:s0], $0x28000  }
0x44: {  	s26 =	simm.s32 @!p0 $0xB  }
0x45: {  	_ =	swait.ge @!p0 [sflag:s26], $0x28000  }
0x46: {  	[sflag:s26] =	ssyncset.done @!p0 $0x0  }
0x47: {  	[sflag:s26] =	ssyncadd.s32 @!p0 $0xFFFD8000  }
0x48: {  	[bflag:$0x0] =	sbarrier.arrive $0xFFFF  }
0x49: {  	s9 =	rddreg [dreg:$0x6]  }
0x4a: {  	[tilespmem:s3], [sflag:$0xB] =	stream.linear.gather [hbm4b:s9+s3], $0x28, $0x38;
	[tilespmem:$0x1A900] =	vst v63  }
0x4b: {  	_ =	swait.ge [sflag:s31], $0x28  }
0x4c: {  	[sflag:s31] =	ssyncset.done $0x0  }
0x4d: {  	s10 =	rddreg [dreg:$0x7];
	[sflag:s31] =	ssyncadd.s32 $0xFFFFFFD8  }
0x4e: {  	[tilespmem:s7], [sflag:$0xB] =	stream.linear.gather [hbm4b:s10+s3], $0x28, $0x38;
	[tilespmem:$0x1A900] =	vst v63  }
0x4f: {  	_ =	swait.ge [sflag:s31], $0x28  }
0x50: {  	[sflag:s31] =	ssyncset.done $0x0  }
0x51: {  	[sflag:s31] =	ssyncadd.s32 $0xFFFFFFD8  }
0x52: {  	[tilespmem:s8], [sflag:$0x1] =	stream.indirect.gather [hbm4b:s5+s4], $0x80, s3, s4, $0xb8;
	[tilespmem:$0x1A900] =	vst v63  }
0x53: {  	s26 =	simm.s32 $0x80;
	s11 =	rddreg [dreg:$0x8]  }
0x54: {  	[tilespmem:s26], [sflag:$0xB] =	stream.linear.gather [hbm4b:s11+s3], $0x28, $0x38;
	[tilespmem:$0x1A900] =	vst v63  }
0x55: {  	_ =	swait.ge [sflag:s31], $0x28  }
0x56: {  	[sflag:s31] =	ssyncset.done $0x0  }
0x57: {  	s10 =	simm.s32 $0x300;
	s11 =	rddreg [dreg:$0x9];
	[sflag:s31] =	ssyncadd.s32 $0xFFFFFFD8  }
0x58: {  	[tilespmem:s10], [sflag:$0xB] =	stream.linear.gather [hbm4b:s11+s3], $0x28, $0x38;
	[tilespmem:$0x1A900] =	vst v63  }
0x59: {  	_ =	swait.ge [sflag:s31], $0x28  }
0x5a: {  	[sflag:s31] =	ssyncset.done $0x0  }
0x5b: {  	s10 =	simm.s32 $0x1900;
	[sflag:s31] =	ssyncadd.s32 $0xFFFFFFD8  }
0x5c: {  	[tilespmem:s10], [sflag:$0x2] =	stream.indirect.gather [hbm4b:s5+s4], $0x80, s26, s4, $0xb8;
	[tilespmem:$0x1A900] =	vst v63  }
0x5d: {  	s11 =	simm.s32 $0x100;
	s26 =	rddreg [dreg:$0xa]  }
0x5e: {  	[tilespmem:s11], [sflag:$0xB] =	stream.linear.gather [hbm4b:s26+s3], $0x28, $0x38;
	[tilespmem:$0x1A900] =	vst v63  }
0x5f: {  	_ =	swait.ge [sflag:s31], $0x28  }
0x60: {  	[sflag:s31] =	ssyncset.done $0x0  }
0x61: {  	s26 =	rddreg [dreg:$0xb];
	[sflag:s31] =	ssyncadd.s32 $0xFFFFFFD8  }
0x62: {  	[tilespmem:s12], [sflag:$0xB] =	stream.linear.gather [hbm4b:s26+s3], $0x28, $0x38;
	[tilespmem:$0x1A900] =	vst v63  }
0x63: {  	_ =	swait.ge [sflag:s31], $0x28  }
0x64: {  	[sflag:s31] =	ssyncset.done $0x0  }
0x65: {  	[sflag:s31] =	ssyncadd.s32 $0xFFFFFFD8  }
0x66: {  	[tilespmem:s13], [sflag:$0x3] =	stream.indirect.gather [hbm4b:s5+s4], $0x80, s11, s4, $0xb8;
	[tilespmem:$0x1A900] =	vst v63  }
0x67: {  	s11 =	rddreg [dreg:$0xc]  }
0x68: {  	[tilespmem:s14], [sflag:$0xB] =	stream.linear.gather [hbm4b:s11+s3], $0x28, $0x38;
	[tilespmem:$0x1A900] =	vst v63  }
0x69: {  	_ =	swait.ge [sflag:s31], $0x28  }
0x6a: {  	[sflag:s31] =	ssyncset.done $0x0  }
0x6b: {  	s26 =	rddreg [dreg:$0xd];
	[sflag:s31] =	ssyncadd.s32 $0xFFFFFFD8  }
0x6c: {  	[tilespmem:s15], [sflag:$0xB] =	stream.linear.gather [hbm4b:s26+s3], $0x28, $0x38;
	[tilespmem:$0x1A900] =	vst v63  }
0x6d: {  	_ =	swait.ge [sflag:s31], $0x28  }
0x6e: {  	[sflag:s31] =	ssyncset.done $0x0  }
0x6f: {  	[sflag:s31] =	ssyncadd.s32 $0xFFFFFFD8  }
0x70: {  	[tilespmem:s16], [sflag:$0x4] =	stream.indirect.gather [hbm4b:s5+s4], $0x80, s14, s4, $0xb8;
	[tilespmem:$0x1A900] =	vst v63  }
0x71: {  	s11 =	rddreg [dreg:$0xe]  }
0x72: {  	[tilespmem:s17], [sflag:$0xB] =	stream.linear.gather [hbm4b:s11+s3], $0x28, $0x38;
	[tilespmem:$0x1A900] =	vst v63  }
0x73: {  	_ =	swait.ge [sflag:s31], $0x28  }
0x74: {  	[sflag:s31] =	ssyncset.done $0x0  }
0x75: {  	s26 =	rddreg [dreg:$0xf];
	[sflag:s31] =	ssyncadd.s32 $0xFFFFFFD8  }
0x76: {  	[tilespmem:s18], [sflag:$0xB] =	stream.linear.gather [hbm4b:s26+s3], $0x28, $0x38;
	[tilespmem:$0x1A900] =	vst v63  }
0x77: {  	_ =	swait.ge [sflag:s31], $0x28  }
0x78: {  	s28 =	simm.s32 $0x0;
	[sflag:s31] =	ssyncset.done $0x0  }
0x79: {  	s9 =	simm.s32 $0x300;
	s26 =	rddreg [dreg:$0x1a];
	[sflag:s31] =	ssyncadd.s32 $0xFFFFFFD8  }
0x7a: {  	[tilespmem:s19], [sflag:$0x5] =	stream.indirect.gather [hbm4b:s5+s4], $0x80, s17, s4, $0xb8;
	[tilespmem:$0x1A900] =	vst v63  }
.LBB2_2:
0x7b: {  	_ =	swait.ge [sflag:s30], $0x1400  }
0x7c: {  	[sflag:s30] =	ssyncset.done $0x0  }
0x7d: {  	[sflag:s30] =	ssyncadd.s32 $0xFFFFEC00  }
0x7e: {  	[spmem:s2] =	stream.indirect.scatter.add.f32 [tilespmem:s8], [sflag:$0x6], $0x80, s7, s4, $0xb8;
	[tilespmem:$0x1A900] =	vst v63  }
0x7f: {  	_ =	swait.ge [sflag:s29], $0x1400  }
0x80: {  	[sflag:s29] =	ssyncset.done $0x0  }
0x81: {  	[sflag:s29] =	ssyncadd.s32 $0xFFFFEC00  }
0x82: {  	[spmem:s2] =	stream.indirect.scatter.add.f32 [tilespmem:s10], [sflag:$0x7], $0x80, s9, s4, $0xb8;
	[tilespmem:$0x1A900] =	vst v63  }
0x83: {  	_ =	swait.ge [sflag:s1], $0x1400  }
0x84: {  	[sflag:s1] =	ssyncset.done $0x0  }
0x85: {  	[sflag:s1] =	ssyncadd.s32 $0xFFFFEC00  }
0x86: {  	[spmem:s2] =	stream.indirect.scatter.add.f32 [tilespmem:s13], [sflag:$0x8], $0x80, s12, s4, $0xb8;
	[tilespmem:$0x1A900] =	vst v63  }
0x87: {  	_ =	swait.ge [sflag:s6], $0x1400  }
0x88: {  	[sflag:s6] =	ssyncset.done $0x0  }
0x89: {  	[sflag:s6] =	ssyncadd.s32 $0xFFFFEC00  }
0x8a: {  	[spmem:s2] =	stream.indirect.scatter.add.f32 [tilespmem:s16], [sflag:$0x9], $0x80, s15, s4, $0xb8;
	[tilespmem:$0x1A900] =	vst v63  }
0x8b: {  	_ =	swait.ge [sflag:s20], $0x1400  }
0x8c: {  	p1 =	seq.s32 s28, $0x4C9;
	[sflag:s20] =	ssyncset.done $0x0  }
.Ltmp2:
0x8d: {  	[sflag:s20] =	ssyncadd.s32 $0xFFFFEC00;
	(pc) =	sbr.rel @p1 .LBB2_4-.Ltmp2, $4  }
0x8e: {  	[spmem:s2] =	stream.indirect.scatter.add.f32 [tilespmem:s19], [sflag:$0xA], $0x80, s18, s4, $0xb8;
	[tilespmem:$0x1A900] =	vst v63  }
0x8f: {  	_ =	swait.ge [sflag:s21], $0x1400  }
0x90: {  	s11 =	simm.s32 $0x1900;
	s8 =	simm.s32 $0x280;
	[sflag:s21] =	ssyncset.done $0x0  }
0x91: {  	s10 =	simm.s32 $0x300;
	s9 =	simm.s32 $0x500;
	[sflag:s21] =	ssyncadd.s32 $0xFFFFEC00  }
0x92: {  	s0 =	sshrl.u32 s26, $0x3;
	s7 =	rddreg [dreg:$0x1]  }
0x93: {  	s7 =	sadd.s32 s7, s0  }
0x94: {  	[tilespmem:s3], [sflag:$0xB] =	stream.linear.gather [hbm4b:s7+s3], $0x28, $0x38;
	[tilespmem:$0x1A900] =	vst v63  }
0x95: {  	_ =	swait.ge [sflag:s31], $0x28  }
0x96: {  	[sflag:s31] =	ssyncset.done $0x0;
	s7 =	rddreg [dreg:$0x4]  }
0x97: {  	[sflag:s31] =	ssyncadd.s32 $0xFFFFFFD8;
	s0 =	sadd.s32 s7, s0  }
0x98: {  	[tilespmem:s8], [sflag:$0xB] =	stream.linear.gather [hbm4b:s0+s3], $0x28, $0x38;
	[tilespmem:$0x1A900] =	vst v63  }
0x99: {  	_ =	swait.ge [sflag:s31], $0x28  }
0x9a: {  	[sflag:s31] =	ssyncset.done $0x0  }
0x9b: {  	[sflag:s31] =	ssyncadd.s32 $0xFFFFFFD8  }
0x9c: {  	[tilespmem:s9], [sflag:$0x1] =	stream.indirect.gather [hbm4b:s5+s4], $0x80, s3, s4, $0xb8;
	[tilespmem:$0x1A900] =	vst v63  }
0x9d: {  	_ =	swait.ge [sflag:s22], $0x1400  }
0x9e: {  	[sflag:s22] =	ssyncset.done $0x0;
	s8 =	rddreg [dreg:$0x19]  }
0x9f: {  	s9 =	simm.s32 $0x80;
	[sflag:s22] =	ssyncadd.s32 $0xFFFFEC00;
	s0 =	sadd.s32 s28, s8  }
0xa0: {  	[tilespmem:s9], [sflag:$0xB] =	stream.linear.gather [hbm4b:s0+s3], $0x28, $0x38;
	[tilespmem:$0x1A900] =	vst v63  }
0xa1: {  	_ =	swait.ge [sflag:s31], $0x28  }
0xa2: {  	[sflag:s31] =	ssyncset.done $0x0;
	s8 =	rddreg [dreg:$0x18]  }
0xa3: {  	[sflag:s31] =	ssyncadd.s32 $0xFFFFFFD8;
	s0 =	sadd.s32 s28, s8  }
0xa4: {  	[tilespmem:s10], [sflag:$0xB] =	stream.linear.gather [hbm4b:s0+s3], $0x28, $0x38;
	[tilespmem:$0x1A900] =	vst v63  }
0xa5: {  	_ =	swait.ge [sflag:s31], $0x28  }
0xa6: {  	[sflag:s31] =	ssyncset.done $0x0  }
0xa7: {  	[sflag:s31] =	ssyncadd.s32 $0xFFFFFFD8  }
0xa8: {  	[tilespmem:s11], [sflag:$0x2] =	stream.indirect.gather [hbm4b:s5+s4], $0x80, s9, s4, $0xb8;
	[tilespmem:$0x1A900] =	vst v63  }
0xa9: {  	_ =	swait.ge [sflag:s23], $0x1400  }
0xaa: {  	[sflag:s23] =	ssyncset.done $0x0;
	s9 =	rddreg [dreg:$0x15]  }
0xab: {  	s10 =	simm.s32 $0x100;
	[sflag:s23] =	ssyncadd.s32 $0xFFFFEC00;
	s0 =	sadd.s32 s28, s9  }
0xac: {  	[tilespmem:s10], [sflag:$0xB] =	stream.linear.gather [hbm4b:s0+s3], $0x28, $0x38;
	[tilespmem:$0x1A900] =	vst v63  }
0xad: {  	_ =	swait.ge [sflag:s31], $0x28  }
0xae: {  	[sflag:s31] =	ssyncset.done $0x0;
	s11 =	rddreg [dreg:$0x14]  }
0xaf: {  	[sflag:s31] =	ssyncadd.s32 $0xFFFFFFD8;
	s0 =	sadd.s32 s28, s11  }
0xb0: {  	[tilespmem:s12], [sflag:$0xB] =	stream.linear.gather [hbm4b:s0+s3], $0x28, $0x38;
	[tilespmem:$0x1A900] =	vst v63  }
0xb1: {  	_ =	swait.ge [sflag:s31], $0x28  }
0xb2: {  	[sflag:s31] =	ssyncset.done $0x0  }
0xb3: {  	[sflag:s31] =	ssyncadd.s32 $0xFFFFFFD8  }
0xb4: {  	[tilespmem:s13], [sflag:$0x3] =	stream.indirect.gather [hbm4b:s5+s4], $0x80, s10, s4, $0xb8;
	[tilespmem:$0x1A900] =	vst v63  }
0xb5: {  	_ =	swait.ge [sflag:s24], $0x1400  }
0xb6: {  	[sflag:s24] =	ssyncset.done $0x0;
	s8 =	rddreg [dreg:$0x17]  }
0xb7: {  	[sflag:s24] =	ssyncadd.s32 $0xFFFFEC00;
	s0 =	sadd.s32 s28, s8  }
0xb8: {  	[tilespmem:s14], [sflag:$0xB] =	stream.linear.gather [hbm4b:s0+s3], $0x28, $0x38;
	[tilespmem:$0x1A900] =	vst v63  }
0xb9: {  	_ =	swait.ge [sflag:s31], $0x28  }
0xba: {  	[sflag:s31] =	ssyncset.done $0x0;
	s9 =	rddreg [dreg:$0x16]  }
0xbb: {  	[sflag:s31] =	ssyncadd.s32 $0xFFFFFFD8;
	s0 =	sadd.s32 s28, s9  }
0xbc: {  	[tilespmem:s15], [sflag:$0xB] =	stream.linear.gather [hbm4b:s0+s3], $0x28, $0x38;
	[tilespmem:$0x1A900] =	vst v63  }
0xbd: {  	_ =	swait.ge [sflag:s31], $0x28  }
0xbe: {  	[sflag:s31] =	ssyncset.done $0x0  }
0xbf: {  	[sflag:s31] =	ssyncadd.s32 $0xFFFFFFD8  }
0xc0: {  	[tilespmem:s16], [sflag:$0x4] =	stream.indirect.gather [hbm4b:s5+s4], $0x80, s14, s4, $0xb8;
	[tilespmem:$0x1A900] =	vst v63  }
0xc1: {  	_ =	swait.ge [sflag:s25], $0x1400  }
0xc2: {  	[sflag:s25] =	ssyncset.done $0x0;
	s10 =	rddreg [dreg:$0x13]  }
0xc3: {  	[sflag:s25] =	ssyncadd.s32 $0xFFFFEC00;
	s0 =	sadd.s32 s28, s10  }
0xc4: {  	[tilespmem:s17], [sflag:$0xB] =	stream.linear.gather [hbm4b:s0+s3], $0x28, $0x38;
	[tilespmem:$0x1A900] =	vst v63  }
0xc5: {  	_ =	swait.ge [sflag:s31], $0x28  }
0xc6: {  	[sflag:s31] =	ssyncset.done $0x0;
	s11 =	rddreg [dreg:$0x12]  }
0xc7: {  	[sflag:s31] =	ssyncadd.s32 $0xFFFFFFD8;
	s0 =	sadd.s32 s28, s11  }
0xc8: {  	[tilespmem:s18], [sflag:$0xB] =	stream.linear.gather [hbm4b:s0+s3], $0x28, $0x38;
	[tilespmem:$0x1A900] =	vst v63  }
.Ltmp3:
0xc9: {  	_ = 	snop;
	(pc) =	sbr.rel .LBB2_2-.Ltmp3, $4  }
0xca: {  	s26 =	sadd.s32 $0xC8, s26;
	s7 =	simm.s32 $0x280;
	_ =	swait.ge [sflag:s31], $0x28  }
0xcb: {  	s8 =	simm.s32 $0x500;
	s9 =	simm.s32 $0x300;
	[sflag:s31] =	ssyncset.done $0x0  }
0xcc: {  	s10 =	simm.s32 $0x1900;
	s28 =	sadd.s32 $0x19, s28;
	[sflag:s31] =	ssyncadd.s32 $0xFFFFFFD8  }
0xcd: {  	[tilespmem:s19], [sflag:$0x5] =	stream.indirect.gather [hbm4b:s5+s4], $0x80, s17, s4, $0xb8;
	[tilespmem:$0x1A900] =	vst v63  }
.LBB2_5:
0xce: {  	_ =	sfence.sel $0x180000  }
0xcf: {  	[bflag:$0x0] =	sbarrier.arrive $0xFFFF  }
0xd0: {  	_ =	strace $0x9000004A  }
0xd1: {  	[bflag:$0x2] =	sbarrier.arrive $0xFFFF  }
0xd2: {  	s0 =	rddreg [dreg:$0x3]  }
0xd3: {  	s0 =	sadd.s32 @!p0 $0x100000, s0  }
0xd4: {  	[sflag:s0] =	ssyncadd.tile.s32 @!p0 $0x1;
	_ =	shalt  }
.Lfunc_end2:
_tile_overlayer_lowered:
.L_overlay_start_2:
0xd5: {  	(tag) =	ssettag $0x2  }
0xd6: {  	s0 =	rddreg [dreg:$0x0];
	s2 =	stileid.u32  }
0xd7: {  	s1 =	rddreg [dreg:$0x1];
	p0 =	sne.s32 s2, $0x0  }
0xd8: {  	s3 =	rddreg [dreg:$0x2];
	[bflag:$0x3] =	sbarrier.arrive $0xFFFF;
	s2 =	simm.s32 @!p0 $0x1C0B  }
0xd9: {  	[timem:s3], [sflag:s2] =	dma.local @!p0 [hbm:s0], s1  }
0xda: {  	s0 =	simm.s32 @!p0 $0xB  }
0xdb: {  	_ =	swait.ge @!p0 [sflag:s0], s1  }
0xdc: {  	s1 =	ssub.s32 @!p0 $0x0, s1;
	[sflag:s0] =	ssyncset.done @!p0 $0x0  }
0xdd: {  	[sflag:s0] =	ssyncadd.s32 @!p0 s1  }
0xde: {  	[bflag:$0x3] =	sbarrier.arrive $0xFFFF  }
0xdf: {  	_ =	shalt  }

// kernel: kernel.16.cloned.1.call-start
scs
__scs_entry_jumppad:
0x0: {  	(pc) =	sbr.rel $0x88, $3  }
0x1: {  	(tag) =	ssettag $0x0;
	lr =	simm.s32 $0x1  }
0x2: {  	[smem:$0x3F8A] =	sst lr;
	_ =	strace $0xD0000000  }
0x3: {  	_ = 	snop  }
0x4: {  	_ = 	snop  }
0x5: {  	_ = 	snop  }
0x6: {  	_ = 	snop  }
0x7: {  	_ = 	snop  }
__scs_overlays_trampoline_lowered:
0x8: {  	[smem:$0x3F99] =	sst s0  }
0x9: {  	[smem:$0x3F9A] =	sst s1  }
0xa: {  	[smem:$0x3F9B] =	sst s2  }
0xb: {  	[smem:$0x3F9C] =	sst s3  }
0xc: {  	[smem:$0x3F9D] =	sst s4  }
0xd: {  	[smem:$0x3F9E] =	sst s5  }
0xe: {  	[smem:$0x3F9F] =	sst s6  }
0xf: {  	[smem:$0x3FA0] =	sst s7  }
0x10: {  	[smem:$0x3FA1] =	sst s8  }
0x11: {  	[smem:$0x3FA2] =	sst s9;
	s0 =	simm.s32 @!p0 $0x0  }
0x12: {  	s1 =	sld [smem:$0x3F88];
	s0 =	simm.s32 @p0 $0x1  }
0x13: {  	[smem:$0x3FA3] =	sst s0;
	s0 =	simm.s32 @!p1 $0x0  }
0x14: {  	s2 =	sld [smem:$0x3F87];
	s0 =	simm.s32 @p1 $0x1  }
0x15: {  	[smem:$0x3FA4] =	sst s0;
	s0 =	simm.s32 @!p2 $0x0  }
0x16: {  	s3 =	sld [smem:$0x3FDB];
	s0 =	simm.s32 @p2 $0x1  }
0x17: {  	s4 =	simm.s32 $0x1BF5;
	[smem:$0x3FA6] =	sst s0  }
0x18: {  	s0 =	sld [smem:$0x3F89];
	_ =	swait.ge [sflag:s4], $0x0  }
0x19: {  	s7 =	sld [smem:$0x3F8A]  }
0x1a: {  	s8 =	sadd.s32 $0xFFFFE003, lr  }
0x1b: {  	s9 =	sadd.s32 $0xFFFFFEF7, lr;
	s5 =	simm.s32 $0xFFFFFFFF;
	p2 =	slt.u32 s8, $0xFFFFF086  }
0x1c: {  	p1 =	slt.u32 s9, $0xF7A;
	s5 =	simm.s32 @!p2 $0x0  }
0x1d: {  	s5 =	simm.s32 @p1 $0x1;
	p0 =	seq.s32 s7, s2  }
0x1e: {  	s7 =	smul.u32 @!p0 $0xF7A, s2;
	p2 =	seq.s32 @!p0 s5, $0x0  }
0x1f: {  	s9 =	smul.u32 $0xF7A, s1;
	s8 =	simm.s32 @!p0 $0x1BF5;
	p2 =	por !p2, p0  }
0x20: {  	[sflag:s8] =	ssyncset.s32 @!p0 $0xFFFFF086;
	s6 =	sadd.s32 @!p0 s3, s7;
	s7 =	simm.s32 @!p0 $0x108  }
0x21: {  	s3 =	sadd.s32 s3, s9;
	s6 =	sadd.s32 @!p0 $0x88, s6;
	s7 =	simm.s32 @p2 $0x1082  }
0x22: {  	[simem:s7], [sflag:s8] =	dma.local @!p0 [hbm:s6], $0xF7A  }
0x23: {  	s9 =	sor.u32 $0xD0000000, s2;
	s6 =	simm.s32 $0x108;
	_ =	swait.ge @!p0 [sflag:s8], $0x0  }
0x24: {  	s3 =	sadd.s32 $0x88, s3;
	s6 =	simm.s32 @!p1 $0x1082;
	[sflag:s4] =	ssyncset.s32 $0xFFFFF086  }
0x25: {  	[simem:s6], [sflag:s4] =	dma.local [hbm:s3], $0xF7A  }
0x26: {  	[smem:$0x3F8A] =	sst s1;
	(tag) =	ssettag s2;
	_ =	strace s9  }
0x27: {  	s1 =	sld [smem:$0x3F9A]  }
0x28: {  	s2 =	sld [smem:$0x3F9B]  }
0x29: {  	s4 =	sld [smem:$0x3F9D]  }
0x2a: {  	p0 =	seq.s32 s5, $0x0;
	s5 =	sld [smem:$0x3F9E]  }
0x2b: {  	s6 =	sld [smem:$0x3F9F]  }
0x2c: {  	s7 =	sld [smem:$0x3FA0]  }
0x2d: {  	s3 =	simm.s32 $0x108;
	s8 =	sld [smem:$0x3FA1]  }
0x2e: {  	s3 =	simm.s32 @!p0 $0x1082;
	s9 =	sld [smem:$0x3FA2]  }
0x2f: {  	lr =	sadd.s32 s0, s3;
	s0 =	sld [smem:$0x3F99]  }
0x30: {  	s3 =	sld [smem:$0x3F9C]  }
0x31: {  	[smem:$0x3FA5] =	sst s10  }
0x32: {  	s10 =	sld [smem:$0x3FA3];
	_ =	sdelay $0x3  }
0x33: {  	p0 =	seq.s32 s10, $0x1;
	s10 =	sld [smem:$0x3FA5];
	_ =	sdelay $0x3  }
0x34: {  	[smem:$0x3FA5] =	sst s10  }
0x35: {  	s10 =	sld [smem:$0x3FA4];
	_ =	sdelay $0x3  }
0x36: {  	p1 =	seq.s32 s10, $0x1;
	s10 =	sld [smem:$0x3FA5];
	_ =	sdelay $0x3  }
0x37: {  	[smem:$0x3FA5] =	sst s10  }
0x38: {  	s10 =	sld [smem:$0x3FA6]  }
0x39: {  	_ = 	snop;
	(pc) =	sbr.ind lr, $3  }
0x3a: {  	_ = 	snop  }
0x3b: {  	_ = 	snop  }
0x3c: {  	p2 =	seq.s32 s10, $0x1;
	s10 =	sld [smem:$0x3FA5]  }
0x3d: {  	_ =	shalt  }
0x3e: {  	_ =	shalt  }
0x3f: {  	_ =	shalt  }
0x40: {  	_ =	shalt  }
0x41: {  	_ =	shalt  }
0x42: {  	_ =	shalt  }
0x43: {  	_ =	shalt  }
0x44: {  	_ =	shalt  }
0x45: {  	_ =	shalt  }
0x46: {  	_ =	shalt  }
0x47: {  	_ =	shalt  }
0x48: {  	_ =	shalt  }
0x49: {  	_ =	shalt  }
0x4a: {  	_ =	shalt  }
0x4b: {  	_ =	shalt  }
0x4c: {  	_ =	shalt  }
0x4d: {  	_ =	shalt  }
0x4e: {  	_ =	shalt  }
0x4f: {  	_ =	shalt  }
0x50: {  	_ =	shalt  }
0x51: {  	_ =	shalt  }
0x52: {  	_ =	shalt  }
0x53: {  	_ =	shalt  }
0x54: {  	_ =	shalt  }
0x55: {  	_ =	shalt  }
0x56: {  	_ =	shalt  }
0x57: {  	_ =	shalt  }
0x58: {  	_ =	shalt  }
0x59: {  	_ =	shalt  }
0x5a: {  	_ =	shalt  }
0x5b: {  	_ =	shalt  }
0x5c: {  	_ =	shalt  }
0x5d: {  	_ =	shalt  }
0x5e: {  	_ =	shalt  }
0x5f: {  	_ =	shalt  }
0x60: {  	_ =	shalt  }
0x61: {  	_ =	shalt  }
0x62: {  	_ =	shalt  }
0x63: {  	_ =	shalt  }
0x64: {  	_ =	shalt  }
0x65: {  	_ =	shalt  }
0x66: {  	_ =	shalt  }
0x67: {  	_ =	shalt  }
0x68: {  	_ =	shalt  }
0x69: {  	_ =	shalt  }
0x6a: {  	_ =	shalt  }
0x6b: {  	_ =	shalt  }
0x6c: {  	_ =	shalt  }
0x6d: {  	_ =	shalt  }
0x6e: {  	_ =	shalt  }
0x6f: {  	_ =	shalt  }
0x70: {  	_ =	shalt  }
0x71: {  	_ =	shalt  }
0x72: {  	_ =	shalt  }
0x73: {  	_ =	shalt  }
0x74: {  	_ =	shalt  }
0x75: {  	_ =	shalt  }
0x76: {  	_ =	shalt  }
0x77: {  	_ =	shalt  }
0x78: {  	_ =	shalt  }
0x79: {  	_ =	shalt  }
0x7a: {  	_ =	shalt  }
0x7b: {  	_ =	shalt  }
0x7c: {  	_ =	shalt  }
0x7d: {  	_ =	shalt  }
0x7e: {  	_ =	shalt  }
0x7f: {  	_ =	shalt  }
0x80: {  	_ =	shalt  }
0x81: {  	_ =	shalt  }
0x82: {  	_ =	shalt  }
0x83: {  	_ =	shalt  }
0x84: {  	_ =	shalt  }
0x85: {  	_ =	shalt  }
0x86: {  	_ =	shalt  }
0x87: {  	_ =	shalt  }
.Lfunc_end0:
.L_simem_size_0:
called_computation.2_lowered:
.L_overlay_start_0:
0x88: {  	s2 =	sld [smem:$0x3FD9]  }
0x89: {  	s3 =	sld [smem:$0x3FFE];
	_ =	sdelay $0x1  }
0x8a: {  	s1 =	srdreg.scid  }
0x8b: {  	s0 =	sand.u32 $0x1, s1  }
0x8c: {  	s17 =	sshll.u32 s0, $0xA;
	s2 =	sadd.s32 s3, s2  }
0x8d: {  	s2 =	sadd.s32 s2, s17  }
0x8e: {  	[smem:$0x3FB1] =	sst s2  }
0x8f: {  	_ = 	snop  }
0x90: {  	s2 =	sld [smem:$0x3FD0];
	(tm) =	ssettm $0x1  }
0x91: {  	s18 =	sld [smem:$0x3FFB];
	_ =	sdelay $0x3  }
0x92: {  	_ =	strace s18  }
0x93: {  	s3 =	sld [smem:$0x3FFC];
	_ =	sdelay $0x3  }
0x94: {  	_ =	strace s3  }
0x95: {  	s3 =	sld [smem:$0x3FFD];
	_ =	sdelay $0x3  }
0x96: {  	_ =	strace s3  }
0x97: {  	_ =	strace $0x8FFFFFFF  }
0x98: {  	s19 =	sld [smem:$0x3FDB];
	_ =	sdelay $0x1  }
0x99: {  	s4 =	simm.s32 $_scs_section_size  }
0x9a: {  	s5 =	simm.s32 $_size__tile_overlayer_lowered;
	s6 =	simm.s32 $_tile_overlayer_lowered  }
0x9b: {  	s22 =	simm.s32 $0x1BFF;
	s21 =	sshll.u32 s6, $0x1;
	s3 =	sadd.s32 s4, s19  }
0x9c: {  	s7 =	simm.s32 $0x0;
	s20 =	sshll.u32 s5, $0x1;
	s5 =	sadd.s32 s21, s3  }
0x9d: {  	[timem:s7], [sflag:s22] =	dma.local [hbm:s5], s20  }
0x9e: {  	_ =	swait.ge [sflag:s22], s20  }
0x9f: {  	s4 =	ssub.s32 $0x0, s20;
	[sflag:s22] =	ssyncset.done $0x0  }
0xa0: {  	[sflag:s22] =	ssyncadd.s32 s4;
	_ =	sdelay $0x1  }
0xa1: {  	s23 =	simm.s32 $0x1B8B  }
0xa2: {  	_ =	swait.ge [sflag:s23], $0x1  }
0xa3: {  	[sflag:s23] =	ssyncset.done $0x0  }
0xa4: {  	s25 =	simm.s32 $0x1B8E;
	s24 =	sld [smem:$0x3FFE];
	[sflag:s23] =	ssyncadd.s32 $0xFFFFFFFF  }
0xa5: {  	s26 =	simm.s32 $execute0_lowered;
	[smem:$0x3FD2] =	sst s25  }
0xa6: {  	s5 =	sshll.u32 s26, $0x1;
	_ =	strace $0x8000004C;
	[dreg:$0x1] =	wrdreg $0xFFFFFFFF  }
0xa7: {  	s28 =	simm.s32 $_size_execute0_lowered;
	s3 =	sadd.s32 s3, s5;
	[dreg:$0x0] =	wrdreg $0x0  }
0xa8: {  	s5 =	sshll.u32 s28, $0x1;
	[dreg:$0x2] =	wrdreg s3  }
0xa9: {  	[dreg:$0x3] =	wrdreg s5  }
0xaa: {  	[dreg:$0x4] =	wrdreg $0xC0  }
0xab: {  	_ =	task [dreg:s7], $0x5FFFF  }
0xac: {  	[dreg:$0x1] =	wrdreg $0xFFFFFFFF  }
0xad: {  	[dreg:$0x0] =	wrdreg $0x60  }
0xae: {  	[dreg:$0x2] =	wrdreg s24  }
0xaf: {  	[dreg:$0x3] =	wrdreg s2  }
0xb0: {  	[dreg:$0x4] =	wrdreg $0x69000  }
0xb1: {  	[dreg:$0x5] =	wrdreg $0x9  }
0xb2: {  	_ =	task.clear_ibuf [dreg:s7], $0x6FFFF;
	_ =	strace $0x9000004C  }
0xb3: {  	s29 =	simm.s32 $0x9;
	_ =	strace $0x8000004E  }
0xb4: {  	_ =	swait.ge [sflag:s29], $0x1  }
0xb5: {  	[sflag:s29] =	ssyncadd.s32 $0xFFFFFFFF  }
0xb6: {  	_ =	strace $0x9000004E  }
0xb7: {  	_ =	sfence  }
0xb8: {  	s30 =	sld [smem:$0x0];
	_ =	sdelay $0x2  }
0xb9: {  	s31 =	sshll.u32 s1, $0xD;
	s1 =	sshrl.u32 s1, $0x2  }
0xba: {  	s3 =	sand.u32 $0x4000, s31;
	s1 =	sadd.s32 s1, s30  }
0xbb: {  	s0 =	sor.u32 s3, s0;
	s1 =	sshll.u32 s1, $0x11  }
0xbc: {  	s0 =	sor.u32 s1, s0  }
0xbd: {  	s0 =	sadd.s32 $0x8F2B, s0  }
0xbe: {  	[sflag:s0] =	ssyncadd.remote.s32 $0x1  }
0xbf: {  	_ =	sfence.sel $0xFFFF  }
0xc0: {  	[dreg:$0x0] =	wrdreg $0xFFFFFFFF;
	(pc) =	sbr.abs _section_cstart, $3  }
0xc1: {  	[dreg:$0x1] =	wrdreg $0xFFFFFFFF  }
0xc2: {  	_ =	task.clear_ibuf [dreg:s7], $0x2FFFF;
	_ =	strace $0x9FFFFFFF  }
0xc3: {  	(tm) =	ssettm $0x7FFFFFFF  }
tec
execute0_lowered:
.L_overlay_start_1:
0x0: {  	(tag) =	ssettag $0x1  }
0x1: {  	s0 =	rddreg [dreg:$0x0]  }
0x2: {  	s10 =	rddreg [dreg:$0x1]  }
0x3: {  	s2 =	rddreg [dreg:$0x2];
	s1 =	srdreg.scid  }
0x4: {  	s3 =	simm.s32 $0x0;
	s11 =	stileid.u32;
	s31 =	simm.s32 $0xB  }
0x5: {  	s30 =	simm.s32 $0x1;
	s29 =	simm.s32 $0x2;
	s1 =	sand.u32 $0x1, s1  }
0x6: {  	[smem:$0x7FF] =	sst s3;
	s6 =	smul.u32 $0x14000, s11;
	s5 =	sadd.s32 $0xF200, s0  }
0x7: {  	s7 =	sshll.u32 s11, $0x1;
	s12 =	sadd.s32 $0x4200, s0;
	s26 =	smul.u32 $0x4E20, s11  }
0x8: {  	s8 =	sadd.s32 $0x36400, s0;
	s13 =	smul.u32 $0x50000, s11;
	p0 =	sne.s32 s11, $0x0  }
0x9: {  	s4 =	smul.u32 $0x140000, s1;
	_ =	strace $0x8000004D;
	s17 =	sor.u32 s1, s7  }
0xa: {  	s18 =	ssub.s32 $0x2, s1;
	[dreg:$0x5] =	wrdreg s8;
	s1 =	smul.u32 $0x2710, s1  }
0xb: {  	[dreg:$0x4] =	wrdreg s12;
	s19 =	sshrl.u32 s18, $0x1;
	s16 =	sshrl.u32 s13, $0x2  }
0xc: {  	s4 =	sadd.s32 s6, s4;
	s6 =	smul.u32 $0x2710, s17;
	s1 =	sadd.s32 s1, s26  }
0xd: {  	s13 =	simm.s32 $0x2D00;
	s4 =	sshrl.u32 s4, $0x3;
	s17 =	sadd.s32 $0x168, s1  }
0xe: {  	s0 =	sadd.s32 s4, s0;
	s4 =	ssub.s32 s18, s19;
	s20 =	sshrl.u32 s6, $0x3  }
0xf: {  	s21 =	sadd.s32 $0x28, s6;
	s6 =	sadd.s32 $0x78, s6;
	s18 =	sadd.s32 s16, s2  }
0x10: {  	s19 =	sshrl.u32 s17, $0x3;
	s16 =	simm.s32 $0x4100;
	s9 =	sadd.s32 s10, s20  }
0x11: {  	s17 =	simm.s32 $0x200;
	s22 =	sadd.s32 s12, s20;
	[dreg:$0x6] =	wrdreg s9  }
0x12: {  	s8 =	sshrl.u32 s21, $0x3;
	s0 =	sadd.s32 $0x5E400, s0;
	[dreg:$0x7] =	wrdreg s22  }
0x13: {  	s24 =	sadd.s32 $0xA, s20;
	s4 =	smax.u32 s4, $0x1;
	[dreg:$0x10] =	wrdreg s0  }
0x14: {  	s7 =	sadd.s32 $0x14, s20;
	s20 =	sadd.s32 s19, s12;
	[dreg:$0x11] =	wrdreg s4  }
0x15: {  	s6 =	sshrl.u32 s6, $0x3;
	s23 =	sadd.s32 s10, s8;
	[dreg:$0x12] =	wrdreg s20  }
0x16: {  	s21 =	sadd.s32 $0x118, s1;
	s8 =	sadd.s32 s12, s8;
	[dreg:$0x8] =	wrdreg s23  }
0x17: {  	s25 =	sadd.s32 s10, s24;
	s28 =	sadd.s32 s10, s6;
	[dreg:$0x9] =	wrdreg s8  }
0x18: {  	s6 =	sadd.s32 s12, s6;
	s14 =	sadd.s32 s10, s7;
	[dreg:$0xa] =	wrdreg s25  }
0x19: {  	s15 =	sadd.s32 s12, s7;
	s4 =	sshrl.u32 s21, $0x3;
	[dreg:$0xc] =	wrdreg s28  }
0x1a: {  	s22 =	sadd.s32 $0x140, s1;
	s0 =	sshrl.u32 s18, $0x3;
	[dreg:$0xd] =	wrdreg s6  }
0x1b: {  	s7 =	simm.s32 $0x280;
	s18 =	simm.s32 $0x480;
	[dreg:$0xe] =	wrdreg s14  }
0x1c: {  	s20 =	simm.s32 $0x5;
	s21 =	simm.s32 $0x6;
	[dreg:$0xf] =	wrdreg s15  }
0x1d: {  	s9 =	simm.s32 $0x0;
	s8 =	sadd.s32 s12, s24;
	[dreg:$0x1b] =	wrdreg s0  }
0x1e: {  	s6 =	sadd.s32 s19, s10;
	s23 =	sadd.s32 s4, s12;
	[dreg:$0xb] =	wrdreg s8  }
0x1f: {  	s24 =	sadd.s32 $0xF0, s1;
	s4 =	sadd.s32 s4, s10;
	[dreg:$0x13] =	wrdreg s6  }
0x20: {  	s1 =	sadd.s32 $0xC8, s1;
	s14 =	simm.s32 $0x180;
	[dreg:$0x14] =	wrdreg s23  }
0x21: {  	s15 =	simm.s32 $0x400;
	s19 =	simm.s32 $0x5500;
	[dreg:$0x15] =	wrdreg s4  }
0x22: {  	s6 =	sshrl.u32 s22, $0x3;
	s25 =	sshrl.u32 s24, $0x3;
	[dreg:$0x1a] =	wrdreg s1  }
0x23: {  	s8 =	simm.s32 $0x500;
	s1 =	simm.s32 $0x3;
	s22 =	simm.s32 $0x7  }
.Ltmp0:
0x24: {  	s23 =	simm.s32 $0x8;
	s26 =	sadd.s32 s6, s12;
	(pc) =	sbr.rel .LBB2_1-.Ltmp0, $4  }
0x25: {  	s24 =	simm.s32 $0x9;
	s6 =	sadd.s32 s6, s10;
	[dreg:$0x16] =	wrdreg s26  }
0x26: {  	s28 =	sadd.s32 s25, s12;
	s4 =	sadd.s32 s25, s10;
	[dreg:$0x17] =	wrdreg s6  }
0x27: {  	s12 =	simm.s32 $0x380;
	s25 =	simm.s32 $0xA;
	[dreg:$0x18] =	wrdreg s28  }
0x28: {  	[dreg:$0x19] =	wrdreg s4;
	s4 =	simm.s32 $0x28;
	s6 =	simm.s32 $0x4  }
.LBB2_4:
0x29: {  	_ =	swait.ge [sflag:s22], $0x1400  }
0x2a: {  	[sflag:s22] =	ssyncset.done $0x0  }
0x2b: {  	[sflag:s22] =	ssyncadd.s32 $0xFFFFEC00  }
0x2c: {  	_ =	swait.ge [sflag:s23], $0x1400  }
0x2d: {  	[sflag:s23] =	ssyncset.done $0x0  }
0x2e: {  	[sflag:s23] =	ssyncadd.s32 $0xFFFFEC00  }
0x2f: {  	_ =	swait.ge [sflag:s24], $0x1400  }
0x30: {  	[sflag:s24] =	ssyncset.done $0x0  }
0x31: {  	[sflag:s24] =	ssyncadd.s32 $0xFFFFEC00  }
0x32: {  	_ =	swait.ge [sflag:s25], $0x1400  }
0x33: {  	[sflag:s25] =	ssyncset.done $0x0  }
0x34: {  	[sflag:s25] =	ssyncadd.s32 $0xFFFFEC00  }
0x35: {  	s0 =	stileid.u32;
	[bflag:$0x0] =	sbarrier.arrive $0xFFFF  }
0x36: {  	s0 =	sshll.u32 s0, $0x6;
	s7 =	rddreg [dreg:$0x10]  }
0x37: {  	s0 =	sor.u32 $0x1C0B, s0;
	s26 =	rddreg [dreg:$0x1b]  }
0x38: {  	[hbm:s7], [sflag:s0] =	dma.local [spmem:s26], $0x2800  }
0x39: {  	_ =	swait.ge [sflag:s31], $0x2800  }
0x3a: {  	s9 =	rddreg [dreg:$0x1c]  }
0x3b: {  	s28 =	rddreg [dreg:$0x11];
	s9 =	sadd.s32 $0x1, s9  }
0x3c: {  	p1 =	sne.s32 s9, s28  }
.Ltmp1:
0x3d: {  	_ = 	snop;
	(pc) =	sbr.rel @!p1 .LBB2_5-.Ltmp1, $3  }
0x3e: {  	_ =	sdelay $0x1  }
0x3f: {  	[sflag:s31] =	ssyncset.done $0x0  }
0x40: {  	s8 =	simm.s32 $0x500;
	s7 =	simm.s32 $0x280;
	[sflag:s31] =	ssyncadd.s32 $0xFFFFD800  }
.LBB2_1:
0x41: {  	[dreg:$0x1c] =	wrdreg s9  }
0x42: {  	s26 =	sshrl.u32 @!p0 s2, $0x3;
	s28 =	simm.s32 @!p0 $0x1C0B;
	s0 =	rddreg [dreg:$0x5]  }
0x43: {  	[spmem:s26], [sflag:s28] =	dma.local @!p0 [hbm:s0], $0x28000  }
0x44: {  	s26 =	simm.s32 @!p0 $0xB  }
0x45: {  	_ =	swait.ge @!p0 [sflag:s26], $0x28000  }
0x46: {  	[sflag:s26] =	ssyncset.done @!p0 $0x0  }
0x47: {  	[sflag:s26] =	ssyncadd.s32 @!p0 $0xFFFD8000  }
0x48: {  	[bflag:$0x0] =	sbarrier.arrive $0xFFFF  }
0x49: {  	s9 =	rddreg [dreg:$0x6]  }
0x4a: {  	[tilespmem:s3], [sflag:$0xB] =	stream.linear.gather [hbm4b:s9+s3], $0x28, $0x38;
	[tilespmem:$0x1A900] =	vst v63  }
0x4b: {  	_ =	swait.ge [sflag:s31], $0x28  }
0x4c: {  	[sflag:s31] =	ssyncset.done $0x0  }
0x4d: {  	s10 =	rddreg [dreg:$0x7];
	[sflag:s31] =	ssyncadd.s32 $0xFFFFFFD8  }
0x4e: {  	[tilespmem:s7], [sflag:$0xB] =	stream.linear.gather [hbm4b:s10+s3], $0x28, $0x38;
	[tilespmem:$0x1A900] =	vst v63  }
0x4f: {  	_ =	swait.ge [sflag:s31], $0x28  }
0x50: {  	[sflag:s31] =	ssyncset.done $0x0  }
0x51: {  	[sflag:s31] =	ssyncadd.s32 $0xFFFFFFD8  }
0x52: {  	[tilespmem:s8], [sflag:$0x1] =	stream.indirect.gather [hbm4b:s5+s4], $0x80, s3, s4, $0xb8;
	[tilespmem:$0x1A900] =	vst v63  }
0x53: {  	s26 =	simm.s32 $0x80;
	s11 =	rddreg [dreg:$0x8]  }
0x54: {  	[tilespmem:s26], [sflag:$0xB] =	stream.linear.gather [hbm4b:s11+s3], $0x28, $0x38;
	[tilespmem:$0x1A900] =	vst v63  }
0x55: {  	_ =	swait.ge [sflag:s31], $0x28  }
0x56: {  	[sflag:s31] =	ssyncset.done $0x0  }
0x57: {  	s10 =	simm.s32 $0x300;
	s11 =	rddreg [dreg:$0x9];
	[sflag:s31] =	ssyncadd.s32 $0xFFFFFFD8  }
0x58: {  	[tilespmem:s10], [sflag:$0xB] =	stream.linear.gather [hbm4b:s11+s3], $0x28, $0x38;
	[tilespmem:$0x1A900] =	vst v63  }
0x59: {  	_ =	swait.ge [sflag:s31], $0x28  }
0x5a: {  	[sflag:s31] =	ssyncset.done $0x0  }
0x5b: {  	s10 =	simm.s32 $0x1900;
	[sflag:s31] =	ssyncadd.s32 $0xFFFFFFD8  }
0x5c: {  	[tilespmem:s10], [sflag:$0x2] =	stream.indirect.gather [hbm4b:s5+s4], $0x80, s26, s4, $0xb8;
	[tilespmem:$0x1A900] =	vst v63  }
0x5d: {  	s11 =	simm.s32 $0x100;
	s26 =	rddreg [dreg:$0xa]  }
0x5e: {  	[tilespmem:s11], [sflag:$0xB] =	stream.linear.gather [hbm4b:s26+s3], $0x28, $0x38;
	[tilespmem:$0x1A900] =	vst v63  }
0x5f: {  	_ =	swait.ge [sflag:s31], $0x28  }
0x60: {  	[sflag:s31] =	ssyncset.done $0x0  }
0x61: {  	s26 =	rddreg [dreg:$0xb];
	[sflag:s31] =	ssyncadd.s32 $0xFFFFFFD8  }
0x62: {  	[tilespmem:s12], [sflag:$0xB] =	stream.linear.gather [hbm4b:s26+s3], $0x28, $0x38;
	[tilespmem:$0x1A900] =	vst v63  }
0x63: {  	_ =	swait.ge [sflag:s31], $0x28  }
0x64: {  	[sflag:s31] =	ssyncset.done $0x0  }
0x65: {  	[sflag:s31] =	ssyncadd.s32 $0xFFFFFFD8  }
0x66: {  	[tilespmem:s13], [sflag:$0x3] =	stream.indirect.gather [hbm4b:s5+s4], $0x80, s11, s4, $0xb8;
	[tilespmem:$0x1A900] =	vst v63  }
0x67: {  	s11 =	rddreg [dreg:$0xc]  }
0x68: {  	[tilespmem:s14], [sflag:$0xB] =	stream.linear.gather [hbm4b:s11+s3], $0x28, $0x38;
	[tilespmem:$0x1A900] =	vst v63  }
0x69: {  	_ =	swait.ge [sflag:s31], $0x28  }
0x6a: {  	[sflag:s31] =	ssyncset.done $0x0  }
0x6b: {  	s26 =	rddreg [dreg:$0xd];
	[sflag:s31] =	ssyncadd.s32 $0xFFFFFFD8  }
0x6c: {  	[tilespmem:s15], [sflag:$0xB] =	stream.linear.gather [hbm4b:s26+s3], $0x28, $0x38;
	[tilespmem:$0x1A900] =	vst v63  }
0x6d: {  	_ =	swait.ge [sflag:s31], $0x28  }
0x6e: {  	[sflag:s31] =	ssyncset.done $0x0  }
0x6f: {  	[sflag:s31] =	ssyncadd.s32 $0xFFFFFFD8  }
0x70: {  	[tilespmem:s16], [sflag:$0x4] =	stream.indirect.gather [hbm4b:s5+s4], $0x80, s14, s4, $0xb8;
	[tilespmem:$0x1A900] =	vst v63  }
0x71: {  	s11 =	rddreg [dreg:$0xe]  }
0x72: {  	[tilespmem:s17], [sflag:$0xB] =	stream.linear.gather [hbm4b:s11+s3], $0x28, $0x38;
	[tilespmem:$0x1A900] =	vst v63  }
0x73: {  	_ =	swait.ge [sflag:s31], $0x28  }
0x74: {  	[sflag:s31] =	ssyncset.done $0x0  }
0x75: {  	s26 =	rddreg [dreg:$0xf];
	[sflag:s31] =	ssyncadd.s32 $0xFFFFFFD8  }
0x76: {  	[tilespmem:s18], [sflag:$0xB] =	stream.linear.gather [hbm4b:s26+s3], $0x28, $0x38;
	[tilespmem:$0x1A900] =	vst v63  }
0x77: {  	_ =	swait.ge [sflag:s31], $0x28  }
0x78: {  	s28 =	simm.s32 $0x0;
	[sflag:s31] =	ssyncset.done $0x0  }
0x79: {  	s9 =	simm.s32 $0x300;
	s26 =	rddreg [dreg:$0x1a];
	[sflag:s31] =	ssyncadd.s32 $0xFFFFFFD8  }
0x7a: {  	[tilespmem:s19], [sflag:$0x5] =	stream.indirect.gather [hbm4b:s5+s4], $0x80, s17, s4, $0xb8;
	[tilespmem:$0x1A900] =	vst v63  }
.LBB2_2:
0x7b: {  	_ =	swait.ge [sflag:s30], $0x1400  }
0x7c: {  	[sflag:s30] =	ssyncset.done $0x0  }
0x7d: {  	[sflag:s30] =	ssyncadd.s32 $0xFFFFEC00  }
0x7e: {  	[spmem:s2] =	stream.indirect.scatter.add.f32 [tilespmem:s8], [sflag:$0x6], $0x80, s7, s4, $0xb8;
	[tilespmem:$0x1A900] =	vst v63  }
0x7f: {  	_ =	swait.ge [sflag:s29], $0x1400  }
0x80: {  	[sflag:s29] =	ssyncset.done $0x0  }
0x81: {  	[sflag:s29] =	ssyncadd.s32 $0xFFFFEC00  }
0x82: {  	[spmem:s2] =	stream.indirect.scatter.add.f32 [tilespmem:s10], [sflag:$0x7], $0x80, s9, s4, $0xb8;
	[tilespmem:$0x1A900] =	vst v63  }
0x83: {  	_ =	swait.ge [sflag:s1], $0x1400  }
0x84: {  	[sflag:s1] =	ssyncset.done $0x0  }
0x85: {  	[sflag:s1] =	ssyncadd.s32 $0xFFFFEC00  }
0x86: {  	[spmem:s2] =	stream.indirect.scatter.add.f32 [tilespmem:s13], [sflag:$0x8], $0x80, s12, s4, $0xb8;
	[tilespmem:$0x1A900] =	vst v63  }
0x87: {  	_ =	swait.ge [sflag:s6], $0x1400  }
0x88: {  	[sflag:s6] =	ssyncset.done $0x0  }
0x89: {  	[sflag:s6] =	ssyncadd.s32 $0xFFFFEC00  }
0x8a: {  	[spmem:s2] =	stream.indirect.scatter.add.f32 [tilespmem:s16], [sflag:$0x9], $0x80, s15, s4, $0xb8;
	[tilespmem:$0x1A900] =	vst v63  }
0x8b: {  	_ =	swait.ge [sflag:s20], $0x1400  }
0x8c: {  	p1 =	seq.s32 s28, $0x4C9;
	[sflag:s20] =	ssyncset.done $0x0  }
.Ltmp2:
0x8d: {  	[sflag:s20] =	ssyncadd.s32 $0xFFFFEC00;
	(pc) =	sbr.rel @p1 .LBB2_4-.Ltmp2, $4  }
0x8e: {  	[spmem:s2] =	stream.indirect.scatter.add.f32 [tilespmem:s19], [sflag:$0xA], $0x80, s18, s4, $0xb8;
	[tilespmem:$0x1A900] =	vst v63  }
0x8f: {  	_ =	swait.ge [sflag:s21], $0x1400  }
0x90: {  	s11 =	simm.s32 $0x1900;
	s8 =	simm.s32 $0x280;
	[sflag:s21] =	ssyncset.done $0x0  }
0x91: {  	s10 =	simm.s32 $0x300;
	s9 =	simm.s32 $0x500;
	[sflag:s21] =	ssyncadd.s32 $0xFFFFEC00  }
0x92: {  	s0 =	sshrl.u32 s26, $0x3;
	s7 =	rddreg [dreg:$0x1]  }
0x93: {  	s7 =	sadd.s32 s7, s0  }
0x94: {  	[tilespmem:s3], [sflag:$0xB] =	stream.linear.gather [hbm4b:s7+s3], $0x28, $0x38;
	[tilespmem:$0x1A900] =	vst v63  }
0x95: {  	_ =	swait.ge [sflag:s31], $0x28  }
0x96: {  	[sflag:s31] =	ssyncset.done $0x0;
	s7 =	rddreg [dreg:$0x4]  }
0x97: {  	[sflag:s31] =	ssyncadd.s32 $0xFFFFFFD8;
	s0 =	sadd.s32 s7, s0  }
0x98: {  	[tilespmem:s8], [sflag:$0xB] =	stream.linear.gather [hbm4b:s0+s3], $0x28, $0x38;
	[tilespmem:$0x1A900] =	vst v63  }
0x99: {  	_ =	swait.ge [sflag:s31], $0x28  }
0x9a: {  	[sflag:s31] =	ssyncset.done $0x0  }
0x9b: {  	[sflag:s31] =	ssyncadd.s32 $0xFFFFFFD8  }
0x9c: {  	[tilespmem:s9], [sflag:$0x1] =	stream.indirect.gather [hbm4b:s5+s4], $0x80, s3, s4, $0xb8;
	[tilespmem:$0x1A900] =	vst v63  }
0x9d: {  	_ =	swait.ge [sflag:s22], $0x1400  }
0x9e: {  	[sflag:s22] =	ssyncset.done $0x0;
	s8 =	rddreg [dreg:$0x19]  }
0x9f: {  	s9 =	simm.s32 $0x80;
	[sflag:s22] =	ssyncadd.s32 $0xFFFFEC00;
	s0 =	sadd.s32 s28, s8  }
0xa0: {  	[tilespmem:s9], [sflag:$0xB] =	stream.linear.gather [hbm4b:s0+s3], $0x28, $0x38;
	[tilespmem:$0x1A900] =	vst v63  }
0xa1: {  	_ =	swait.ge [sflag:s31], $0x28  }
0xa2: {  	[sflag:s31] =	ssyncset.done $0x0;
	s8 =	rddreg [dreg:$0x18]  }
0xa3: {  	[sflag:s31] =	ssyncadd.s32 $0xFFFFFFD8;
	s0 =	sadd.s32 s28, s8  }
0xa4: {  	[tilespmem:s10], [sflag:$0xB] =	stream.linear.gather [hbm4b:s0+s3], $0x28, $0x38;
	[tilespmem:$0x1A900] =	vst v63  }
0xa5: {  	_ =	swait.ge [sflag:s31], $0x28  }
0xa6: {  	[sflag:s31] =	ssyncset.done $0x0  }
0xa7: {  	[sflag:s31] =	ssyncadd.s32 $0xFFFFFFD8  }
0xa8: {  	[tilespmem:s11], [sflag:$0x2] =	stream.indirect.gather [hbm4b:s5+s4], $0x80, s9, s4, $0xb8;
	[tilespmem:$0x1A900] =	vst v63  }
0xa9: {  	_ =	swait.ge [sflag:s23], $0x1400  }
0xaa: {  	[sflag:s23] =	ssyncset.done $0x0;
	s9 =	rddreg [dreg:$0x15]  }
0xab: {  	s10 =	simm.s32 $0x100;
	[sflag:s23] =	ssyncadd.s32 $0xFFFFEC00;
	s0 =	sadd.s32 s28, s9  }
0xac: {  	[tilespmem:s10], [sflag:$0xB] =	stream.linear.gather [hbm4b:s0+s3], $0x28, $0x38;
	[tilespmem:$0x1A900] =	vst v63  }
0xad: {  	_ =	swait.ge [sflag:s31], $0x28  }
0xae: {  	[sflag:s31] =	ssyncset.done $0x0;
	s11 =	rddreg [dreg:$0x14]  }
0xaf: {  	[sflag:s31] =	ssyncadd.s32 $0xFFFFFFD8;
	s0 =	sadd.s32 s28, s11  }
0xb0: {  	[tilespmem:s12], [sflag:$0xB] =	stream.linear.gather [hbm4b:s0+s3], $0x28, $0x38;
	[tilespmem:$0x1A900] =	vst v63  }
0xb1: {  	_ =	swait.ge [sflag:s31], $0x28  }
0xb2: {  	[sflag:s31] =	ssyncset.done $0x0  }
0xb3: {  	[sflag:s31] =	ssyncadd.s32 $0xFFFFFFD8  }
0xb4: {  	[tilespmem:s13], [sflag:$0x3] =	stream.indirect.gather [hbm4b:s5+s4], $0x80, s10, s4, $0xb8;
	[tilespmem:$0x1A900] =	vst v63  }
0xb5: {  	_ =	swait.ge [sflag:s24], $0x1400  }
0xb6: {  	[sflag:s24] =	ssyncset.done $0x0;
	s8 =	rddreg [dreg:$0x17]  }
0xb7: {  	[sflag:s24] =	ssyncadd.s32 $0xFFFFEC00;
	s0 =	sadd.s32 s28, s8  }
0xb8: {  	[tilespmem:s14], [sflag:$0xB] =	stream.linear.gather [hbm4b:s0+s3], $0x28, $0x38;
	[tilespmem:$0x1A900] =	vst v63  }
0xb9: {  	_ =	swait.ge [sflag:s31], $0x28  }
0xba: {  	[sflag:s31] =	ssyncset.done $0x0;
	s9 =	rddreg [dreg:$0x16]  }
0xbb: {  	[sflag:s31] =	ssyncadd.s32 $0xFFFFFFD8;
	s0 =	sadd.s32 s28, s9  }
0xbc: {  	[tilespmem:s15], [sflag:$0xB] =	stream.linear.gather [hbm4b:s0+s3], $0x28, $0x38;
	[tilespmem:$0x1A900] =	vst v63  }
0xbd: {  	_ =	swait.ge [sflag:s31], $0x28  }
0xbe: {  	[sflag:s31] =	ssyncset.done $0x0  }
0xbf: {  	[sflag:s31] =	ssyncadd.s32 $0xFFFFFFD8  }
0xc0: {  	[tilespmem:s16], [sflag:$0x4] =	stream.indirect.gather [hbm4b:s5+s4], $0x80, s14, s4, $0xb8;
	[tilespmem:$0x1A900] =	vst v63  }
0xc1: {  	_ =	swait.ge [sflag:s25], $0x1400  }
0xc2: {  	[sflag:s25] =	ssyncset.done $0x0;
	s10 =	rddreg [dreg:$0x13]  }
0xc3: {  	[sflag:s25] =	ssyncadd.s32 $0xFFFFEC00;
	s0 =	sadd.s32 s28, s10  }
0xc4: {  	[tilespmem:s17], [sflag:$0xB] =	stream.linear.gather [hbm4b:s0+s3], $0x28, $0x38;
	[tilespmem:$0x1A900] =	vst v63  }
0xc5: {  	_ =	swait.ge [sflag:s31], $0x28  }
0xc6: {  	[sflag:s31] =	ssyncset.done $0x0;
	s11 =	rddreg [dreg:$0x12]  }
0xc7: {  	[sflag:s31] =	ssyncadd.s32 $0xFFFFFFD8;
	s0 =	sadd.s32 s28, s11  }
0xc8: {  	[tilespmem:s18], [sflag:$0xB] =	stream.linear.gather [hbm4b:s0+s3], $0x28, $0x38;
	[tilespmem:$0x1A900] =	vst v63  }
.Ltmp3:
0xc9: {  	_ = 	snop;
	(pc) =	sbr.rel .LBB2_2-.Ltmp3, $4  }
0xca: {  	s26 =	sadd.s32 $0xC8, s26;
	s7 =	simm.s32 $0x280;
	_ =	swait.ge [sflag:s31], $0x28  }
0xcb: {  	s8 =	simm.s32 $0x500;
	s9 =	simm.s32 $0x300;
	[sflag:s31] =	ssyncset.done $0x0  }
0xcc: {  	s10 =	simm.s32 $0x1900;
	s28 =	sadd.s32 $0x19, s28;
	[sflag:s31] =	ssyncadd.s32 $0xFFFFFFD8  }
0xcd: {  	[tilespmem:s19], [sflag:$0x5] =	stream.indirect.gather [hbm4b:s5+s4], $0x80, s17, s4, $0xb8;
	[tilespmem:$0x1A900] =	vst v63  }
.LBB2_5:
0xce: {  	_ =	sfence.sel $0x180000  }
0xcf: {  	[bflag:$0x0] =	sbarrier.arrive $0xFFFF  }
0xd0: {  	_ =	strace $0x9000004D  }
0xd1: {  	[bflag:$0x2] =	sbarrier.arrive $0xFFFF  }
0xd2: {  	s0 =	rddreg [dreg:$0x3]  }
0xd3: {  	s0 =	sadd.s32 @!p0 $0x100000, s0  }
0xd4: {  	[sflag:s0] =	ssyncadd.tile.s32 @!p0 $0x1;
	_ =	shalt  }
.Lfunc_end2:
_tile_overlayer_lowered:
.L_overlay_start_2:
0xd5: {  	(tag) =	ssettag $0x2  }
0xd6: {  	s0 =	rddreg [dreg:$0x0];
	s2 =	stileid.u32  }
0xd7: {  	s1 =	rddreg [dreg:$0x1];
	p0 =	sne.s32 s2, $0x0  }
0xd8: {  	s3 =	rddreg [dreg:$0x2];
	[bflag:$0x3] =	sbarrier.arrive $0xFFFF;
	s2 =	simm.s32 @!p0 $0x1C0B  }
0xd9: {  	[timem:s3], [sflag:s2] =	dma.local @!p0 [hbm:s0], s1  }
0xda: {  	s0 =	simm.s32 @!p0 $0xB  }
0xdb: {  	_ =	swait.ge @!p0 [sflag:s0], s1  }
0xdc: {  	s1 =	ssub.s32 @!p0 $0x0, s1;
	[sflag:s0] =	ssyncset.done @!p0 $0x0  }
0xdd: {  	[sflag:s0] =	ssyncadd.s32 @!p0 s1  }
0xde: {  	[bflag:$0x3] =	sbarrier.arrive $0xFFFF  }
0xdf: {  	_ =	shalt  }

// kernel: kernel.19.cloned.1.call-start
scs
__scs_entry_jumppad:
0x0: {  	(pc) =	sbr.rel $0x88, $3  }
0x1: {  	(tag) =	ssettag $0x0;
	lr =	simm.s32 $0x1  }
0x2: {  	[smem:$0x3F8A] =	sst lr;
	_ =	strace $0xD0000000  }
0x3: {  	_ = 	snop  }
0x4: {  	_ = 	snop  }
0x5: {  	_ = 	snop  }
0x6: {  	_ = 	snop  }
0x7: {  	_ = 	snop  }
__scs_overlays_trampoline_lowered:
0x8: {  	[smem:$0x3F99] =	sst s0  }
0x9: {  	[smem:$0x3F9A] =	sst s1  }
0xa: {  	[smem:$0x3F9B] =	sst s2  }
0xb: {  	[smem:$0x3F9C] =	sst s3  }
0xc: {  	[smem:$0x3F9D] =	sst s4  }
0xd: {  	[smem:$0x3F9E] =	sst s5  }
0xe: {  	[smem:$0x3F9F] =	sst s6  }
0xf: {  	[smem:$0x3FA0] =	sst s7  }
0x10: {  	[smem:$0x3FA1] =	sst s8  }
0x11: {  	[smem:$0x3FA2] =	sst s9;
	s0 =	simm.s32 @!p0 $0x0  }
0x12: {  	s1 =	sld [smem:$0x3F88];
	s0 =	simm.s32 @p0 $0x1  }
0x13: {  	[smem:$0x3FA3] =	sst s0;
	s0 =	simm.s32 @!p1 $0x0  }
0x14: {  	s2 =	sld [smem:$0x3F87];
	s0 =	simm.s32 @p1 $0x1  }
0x15: {  	[smem:$0x3FA4] =	sst s0;
	s0 =	simm.s32 @!p2 $0x0  }
0x16: {  	s3 =	sld [smem:$0x3FDB];
	s0 =	simm.s32 @p2 $0x1  }
0x17: {  	s4 =	simm.s32 $0x1BF5;
	[smem:$0x3FA6] =	sst s0  }
0x18: {  	s0 =	sld [smem:$0x3F89];
	_ =	swait.ge [sflag:s4], $0x0  }
0x19: {  	s7 =	sld [smem:$0x3F8A]  }
0x1a: {  	s8 =	sadd.s32 $0xFFFFE003, lr  }
0x1b: {  	s9 =	sadd.s32 $0xFFFFFEF7, lr;
	s5 =	simm.s32 $0xFFFFFFFF;
	p2 =	slt.u32 s8, $0xFFFFF086  }
0x1c: {  	p1 =	slt.u32 s9, $0xF7A;
	s5 =	simm.s32 @!p2 $0x0  }
0x1d: {  	s5 =	simm.s32 @p1 $0x1;
	p0 =	seq.s32 s7, s2  }
0x1e: {  	s7 =	smul.u32 @!p0 $0xF7A, s2;
	p2 =	seq.s32 @!p0 s5, $0x0  }
0x1f: {  	s9 =	smul.u32 $0xF7A, s1;
	s8 =	simm.s32 @!p0 $0x1BF5;
	p2 =	por !p2, p0  }
0x20: {  	[sflag:s8] =	ssyncset.s32 @!p0 $0xFFFFF086;
	s6 =	sadd.s32 @!p0 s3, s7;
	s7 =	simm.s32 @!p0 $0x108  }
0x21: {  	s3 =	sadd.s32 s3, s9;
	s6 =	sadd.s32 @!p0 $0x88, s6;
	s7 =	simm.s32 @p2 $0x1082  }
0x22: {  	[simem:s7], [sflag:s8] =	dma.local @!p0 [hbm:s6], $0xF7A  }
0x23: {  	s9 =	sor.u32 $0xD0000000, s2;
	s6 =	simm.s32 $0x108;
	_ =	swait.ge @!p0 [sflag:s8], $0x0  }
0x24: {  	s3 =	sadd.s32 $0x88, s3;
	s6 =	simm.s32 @!p1 $0x1082;
	[sflag:s4] =	ssyncset.s32 $0xFFFFF086  }
0x25: {  	[simem:s6], [sflag:s4] =	dma.local [hbm:s3], $0xF7A  }
0x26: {  	[smem:$0x3F8A] =	sst s1;
	(tag) =	ssettag s2;
	_ =	strace s9  }
0x27: {  	s1 =	sld [smem:$0x3F9A]  }
0x28: {  	s2 =	sld [smem:$0x3F9B]  }
0x29: {  	s4 =	sld [smem:$0x3F9D]  }
0x2a: {  	p0 =	seq.s32 s5, $0x0;
	s5 =	sld [smem:$0x3F9E]  }
0x2b: {  	s6 =	sld [smem:$0x3F9F]  }
0x2c: {  	s7 =	sld [smem:$0x3FA0]  }
0x2d: {  	s3 =	simm.s32 $0x108;
	s8 =	sld [smem:$0x3FA1]  }
0x2e: {  	s3 =	simm.s32 @!p0 $0x1082;
	s9 =	sld [smem:$0x3FA2]  }
0x2f: {  	lr =	sadd.s32 s0, s3;
	s0 =	sld [smem:$0x3F99]  }
0x30: {  	s3 =	sld [smem:$0x3F9C]  }
0x31: {  	[smem:$0x3FA5] =	sst s10  }
0x32: {  	s10 =	sld [smem:$0x3FA3];
	_ =	sdelay $0x3  }
0x33: {  	p0 =	seq.s32 s10, $0x1;
	s10 =	sld [smem:$0x3FA5];
	_ =	sdelay $0x3  }
0x34: {  	[smem:$0x3FA5] =	sst s10  }
0x35: {  	s10 =	sld [smem:$0x3FA4];
	_ =	sdelay $0x3  }
0x36: {  	p1 =	seq.s32 s10, $0x1;
	s10 =	sld [smem:$0x3FA5];
	_ =	sdelay $0x3  }
0x37: {  	[smem:$0x3FA5] =	sst s10  }
0x38: {  	s10 =	sld [smem:$0x3FA6]  }
0x39: {  	_ = 	snop;
	(pc) =	sbr.ind lr, $3  }
0x3a: {  	_ = 	snop  }
0x3b: {  	_ = 	snop  }
0x3c: {  	p2 =	seq.s32 s10, $0x1;
	s10 =	sld [smem:$0x3FA5]  }
0x3d: {  	_ =	shalt  }
0x3e: {  	_ =	shalt  }
0x3f: {  	_ =	shalt  }
0x40: {  	_ =	shalt  }
0x41: {  	_ =	shalt  }
0x42: {  	_ =	shalt  }
0x43: {  	_ =	shalt  }
0x44: {  	_ =	shalt  }
0x45: {  	_ =	shalt  }
0x46: {  	_ =	shalt  }
0x47: {  	_ =	shalt  }
0x48: {  	_ =	shalt  }
0x49: {  	_ =	shalt  }
0x4a: {  	_ =	shalt  }
0x4b: {  	_ =	shalt  }
0x4c: {  	_ =	shalt  }
0x4d: {  	_ =	shalt  }
0x4e: {  	_ =	shalt  }
0x4f: {  	_ =	shalt  }
0x50: {  	_ =	shalt  }
0x51: {  	_ =	shalt  }
0x52: {  	_ =	shalt  }
0x53: {  	_ =	shalt  }
0x54: {  	_ =	shalt  }
0x55: {  	_ =	shalt  }
0x56: {  	_ =	shalt  }
0x57: {  	_ =	shalt  }
0x58: {  	_ =	shalt  }
0x59: {  	_ =	shalt  }
0x5a: {  	_ =	shalt  }
0x5b: {  	_ =	shalt  }
0x5c: {  	_ =	shalt  }
0x5d: {  	_ =	shalt  }
0x5e: {  	_ =	shalt  }
0x5f: {  	_ =	shalt  }
0x60: {  	_ =	shalt  }
0x61: {  	_ =	shalt  }
0x62: {  	_ =	shalt  }
0x63: {  	_ =	shalt  }
0x64: {  	_ =	shalt  }
0x65: {  	_ =	shalt  }
0x66: {  	_ =	shalt  }
0x67: {  	_ =	shalt  }
0x68: {  	_ =	shalt  }
0x69: {  	_ =	shalt  }
0x6a: {  	_ =	shalt  }
0x6b: {  	_ =	shalt  }
0x6c: {  	_ =	shalt  }
0x6d: {  	_ =	shalt  }
0x6e: {  	_ =	shalt  }
0x6f: {  	_ =	shalt  }
0x70: {  	_ =	shalt  }
0x71: {  	_ =	shalt  }
0x72: {  	_ =	shalt  }
0x73: {  	_ =	shalt  }
0x74: {  	_ =	shalt  }
0x75: {  	_ =	shalt  }
0x76: {  	_ =	shalt  }
0x77: {  	_ =	shalt  }
0x78: {  	_ =	shalt  }
0x79: {  	_ =	shalt  }
0x7a: {  	_ =	shalt  }
0x7b: {  	_ =	shalt  }
0x7c: {  	_ =	shalt  }
0x7d: {  	_ =	shalt  }
0x7e: {  	_ =	shalt  }
0x7f: {  	_ =	shalt  }
0x80: {  	_ =	shalt  }
0x81: {  	_ =	shalt  }
0x82: {  	_ =	shalt  }
0x83: {  	_ =	shalt  }
0x84: {  	_ =	shalt  }
0x85: {  	_ =	shalt  }
0x86: {  	_ =	shalt  }
0x87: {  	_ =	shalt  }
.Lfunc_end0:
.L_simem_size_0:
called_computation.3_lowered:
.L_overlay_start_0:
0x88: {  	s2 =	sld [smem:$0x3FD9]  }
0x89: {  	s3 =	sld [smem:$0x3FFE];
	_ =	sdelay $0x1  }
0x8a: {  	s1 =	srdreg.scid  }
0x8b: {  	s0 =	sand.u32 $0x1, s1  }
0x8c: {  	s17 =	sshll.u32 s0, $0xA;
	s2 =	sadd.s32 s3, s2  }
0x8d: {  	s2 =	sadd.s32 s2, s17  }
0x8e: {  	[smem:$0x3FB1] =	sst s2  }
0x8f: {  	_ = 	snop  }
0x90: {  	s2 =	sld [smem:$0x3FD0];
	(tm) =	ssettm $0x1  }
0x91: {  	s18 =	sld [smem:$0x3FFB];
	_ =	sdelay $0x3  }
0x92: {  	_ =	strace s18  }
0x93: {  	s3 =	sld [smem:$0x3FFC];
	_ =	sdelay $0x3  }
0x94: {  	_ =	strace s3  }
0x95: {  	s3 =	sld [smem:$0x3FFD];
	_ =	sdelay $0x3  }
0x96: {  	_ =	strace s3  }
0x97: {  	_ =	strace $0x8FFFFFFF  }
0x98: {  	s19 =	sld [smem:$0x3FDB];
	_ =	sdelay $0x1  }
0x99: {  	s4 =	simm.s32 $_scs_section_size  }
0x9a: {  	s5 =	simm.s32 $_size__tile_overlayer_lowered;
	s6 =	simm.s32 $_tile_overlayer_lowered  }
0x9b: {  	s22 =	simm.s32 $0x1BFF;
	s21 =	sshll.u32 s6, $0x1;
	s3 =	sadd.s32 s4, s19  }
0x9c: {  	s7 =	simm.s32 $0x0;
	s20 =	sshll.u32 s5, $0x1;
	s5 =	sadd.s32 s21, s3  }
0x9d: {  	[timem:s7], [sflag:s22] =	dma.local [hbm:s5], s20  }
0x9e: {  	_ =	swait.ge [sflag:s22], s20  }
0x9f: {  	s4 =	ssub.s32 $0x0, s20;
	[sflag:s22] =	ssyncset.done $0x0  }
0xa0: {  	[sflag:s22] =	ssyncadd.s32 s4;
	_ =	sdelay $0x1  }
0xa1: {  	s23 =	simm.s32 $0x1B8B  }
0xa2: {  	_ =	swait.ge [sflag:s23], $0x1  }
0xa3: {  	[sflag:s23] =	ssyncset.done $0x0  }
0xa4: {  	s25 =	simm.s32 $0x1B8E;
	s24 =	sld [smem:$0x3FFE];
	[sflag:s23] =	ssyncadd.s32 $0xFFFFFFFF  }
0xa5: {  	s26 =	simm.s32 $execute0_lowered;
	[smem:$0x3FD2] =	sst s25  }
0xa6: {  	s5 =	sshll.u32 s26, $0x1;
	_ =	strace $0x8000004F;
	[dreg:$0x1] =	wrdreg $0xFFFFFFFF  }
0xa7: {  	s28 =	simm.s32 $_size_execute0_lowered;
	s3 =	sadd.s32 s3, s5;
	[dreg:$0x0] =	wrdreg $0x0  }
0xa8: {  	s5 =	sshll.u32 s28, $0x1;
	[dreg:$0x2] =	wrdreg s3  }
0xa9: {  	[dreg:$0x3] =	wrdreg s5  }
0xaa: {  	[dreg:$0x4] =	wrdreg $0xC0  }
0xab: {  	_ =	task [dreg:s7], $0x5FFFF  }
0xac: {  	[dreg:$0x1] =	wrdreg $0xFFFFFFFF  }
0xad: {  	[dreg:$0x0] =	wrdreg $0x60  }
0xae: {  	[dreg:$0x2] =	wrdreg s24  }
0xaf: {  	[dreg:$0x3] =	wrdreg s2  }
0xb0: {  	[dreg:$0x4] =	wrdreg $0x9  }
0xb1: {  	_ =	task.clear_ibuf [dreg:s7], $0x5FFFF;
	_ =	strace $0x9000004F  }
0xb2: {  	s29 =	simm.s32 $0x9;
	_ =	strace $0x80000051  }
0xb3: {  	_ =	swait.ge [sflag:s29], $0x1  }
0xb4: {  	[sflag:s29] =	ssyncadd.s32 $0xFFFFFFFF  }
0xb5: {  	_ =	strace $0x90000051  }
0xb6: {  	_ =	sfence  }
0xb7: {  	s30 =	sld [smem:$0x0];
	_ =	sdelay $0x2  }
0xb8: {  	s31 =	sshll.u32 s1, $0xD;
	s1 =	sshrl.u32 s1, $0x2  }
0xb9: {  	s3 =	sand.u32 $0x4000, s31;
	s1 =	sadd.s32 s1, s30  }
0xba: {  	s0 =	sor.u32 s3, s0;
	s1 =	sshll.u32 s1, $0x11  }
0xbb: {  	s0 =	sor.u32 s1, s0  }
0xbc: {  	s0 =	sadd.s32 $0x8F2B, s0  }
0xbd: {  	[sflag:s0] =	ssyncadd.remote.s32 $0x1  }
0xbe: {  	_ =	sfence.sel $0xFFFF  }
0xbf: {  	[dreg:$0x0] =	wrdreg $0xFFFFFFFF;
	(pc) =	sbr.abs _section_cstart, $3  }
0xc0: {  	[dreg:$0x1] =	wrdreg $0xFFFFFFFF  }
0xc1: {  	_ =	task.clear_ibuf [dreg:s7], $0x2FFFF;
	_ =	strace $0x9FFFFFFF  }
0xc2: {  	(tm) =	ssettm $0x7FFFFFFF  }
0xc3: {  	_ =	shalt  }
tec
execute0_lowered:
.L_overlay_start_1:
0x0: {  	(tag) =	ssettag $0x1  }
0x1: {  	s0 =	rddreg [dreg:$0x0]  }
0x2: {  	s2 =	rddreg [dreg:$0x1]  }
0x3: {  	s3 =	simm.s32 $0x0;
	s1 =	srdreg.scid;
	s4 =	stileid.u32  }
0x4: {  	s30 =	simm.s32 $0x10;
	s1 =	sand.u32 $0x1, s1;
	s4 =	sshll.u32 s4, $0x1  }
0x5: {  	s28 =	simm.s32 $0xA;
	s29 =	simm.s32 $0xB;
	s6 =	sor.u32 s1, s4  }
0x6: {  	s31 =	simm.s32 $0xF;
	[smem:$0x7FF] =	sst s3;
	s9 =	smul.u32 $0x2710, s6  }
0x7: {  	s5 =	sadd.s32 $0x36400, s0;
	s7 =	sadd.s32 $0x4200, s0;
	s8 =	sadd.s32 $0x5D600, s0  }
0x8: {  	_ =	strace $0x80000050;
	s10 =	sadd.s32 $0x28, s9;
	[dreg:$0x3] =	wrdreg s9  }
0x9: {  	s4 =	sadd.s32 $0xF200, s0;
	s14 =	sadd.s32 $0x50, s9;
	[dreg:$0x4] =	wrdreg s10  }
0xa: {  	s26 =	ssub.s32 $0x2, s1;
	s16 =	sadd.s32 $0x78, s9;
	[dreg:$0x8] =	wrdreg s14  }
0xb: {  	s1 =	sshrl.u32 s26, $0x1;
	s18 =	sadd.s32 $0xA0, s9;
	[dreg:$0xa] =	wrdreg s16  }
0xc: {  	s0 =	ssub.s32 s26, s1;
	s22 =	sadd.s32 $0xC8, s9;
	[dreg:$0xc] =	wrdreg s18  }
0xd: {  	s6 =	sshrl.u32 s9, $0x3;
	s23 =	sadd.s32 $0xF0, s9;
	[dreg:$0x12] =	wrdreg s22  }
0xe: {  	s0 =	smax.u32 s0, $0x1;
	s24 =	sadd.s32 $0x118, s9;
	[dreg:$0x13] =	wrdreg s23  }
0xf: {  	s25 =	sadd.s32 $0x140, s9;
	s26 =	sadd.s32 $0x168, s9;
	[dreg:$0x14] =	wrdreg s0  }
0x10: {  	s9 =	simm.s32 $0x9;
	s11 =	sadd.s32 s2, s6;
	[dreg:$0x15] =	wrdreg s24  }
0x11: {  	s12 =	sshrl.u32 s10, $0x3;
	s6 =	sadd.s32 s7, s6;
	[dreg:$0x16] =	wrdreg s25  }
0x12: {  	s15 =	sshrl.u32 s14, $0x3;
	s20 =	sshrl.u32 s18, $0x3;
	[dreg:$0x17] =	wrdreg s26  }
0x13: {  	s0 =	simm.s32 $0x28;
	s25 =	simm.s32 $0x400;
	s14 =	simm.s32 $0x200  }
0x14: {  	s10 =	simm.s32 $0x6;
	s23 =	simm.s32 $0x3;
	[dreg:$0x5] =	wrdreg s11  }
0x15: {  	s24 =	simm.s32 $0x8;
	s26 =	simm.s32 $0x5;
	[dreg:$0x6] =	wrdreg s6  }
0x16: {  	s13 =	sadd.s32 s2, s12;
	s1 =	sadd.s32 s7, s12;
	s17 =	sadd.s32 s2, s15  }
0x17: {  	s6 =	sshrl.u32 s16, $0x3;
	s21 =	sadd.s32 s2, s20;
	[dreg:$0x7] =	wrdreg s13  }
0x18: {  	s16 =	simm.s32 $0x480;
	s12 =	simm.s32 $0x0;
	[dreg:$0x9] =	wrdreg s1  }
0x19: {  	[dreg:$0xb] =	wrdreg s17;
	s1 =	sadd.s32 s7, s15;
	s19 =	sadd.s32 s2, s6  }
.Ltmp0:
0x1a: {  	s6 =	sadd.s32 s7, s6;
	[dreg:$0x10] =	wrdreg s21;
	(pc) =	sbr.rel .LBB2_1-.Ltmp0, $4  }
0x1b: {  	s21 =	simm.s32 $0x2;
	s13 =	simm.s32 $0xC;
	[dreg:$0xd] =	wrdreg s1  }
0x1c: {  	s15 =	simm.s32 $0xD;
	s17 =	simm.s32 $0xE;
	[dreg:$0xe] =	wrdreg s19  }
0x1d: {  	[dreg:$0xf] =	wrdreg s6;
	s1 =	sadd.s32 s7, s20;
	s20 =	simm.s32 $0x7  }
0x1e: {  	s6 =	simm.s32 $0x4;
	[dreg:$0x11] =	wrdreg s1;
	s1 =	simm.s32 $0x1  }
.LBB2_14:
0x1f: {  	_ =	swait.ge [sflag:s13], $0x1400  }
0x20: {  	[sflag:s13] =	ssyncset.done $0x0  }
0x21: {  	[sflag:s13] =	ssyncadd.s32 $0xFFFFEC00  }
0x22: {  	_ =	swait.ge [sflag:s15], $0x1400  }
0x23: {  	[sflag:s15] =	ssyncset.done $0x0  }
0x24: {  	[sflag:s15] =	ssyncadd.s32 $0xFFFFEC00  }
0x25: {  	_ =	swait.ge [sflag:s17], $0x1400  }
0x26: {  	[sflag:s17] =	ssyncset.done $0x0  }
0x27: {  	[sflag:s17] =	ssyncadd.s32 $0xFFFFEC00  }
0x28: {  	_ =	swait.ge [sflag:s31], $0x1400  }
0x29: {  	s12 =	rddreg [dreg:$0x18]  }
0x2a: {  	s11 =	rddreg [dreg:$0x14];
	s12 =	sadd.s32 $0x1, s12  }
0x2b: {  	p0 =	sne.s32 s12, s11  }
.Ltmp1:
0x2c: {  	_ = 	snop;
	(pc) =	sbr.rel @!p0 .LBB2_15-.Ltmp1, $3  }
0x2d: {  	_ =	sdelay $0x1  }
0x2e: {  	[sflag:s31] =	ssyncset.done $0x0  }
0x2f: {  	[sflag:s31] =	ssyncadd.s32 $0xFFFFEC00  }
.LBB2_1:
0x30: {  	[dreg:$0x18] =	wrdreg s12  }
0x31: {  	s11 =	rddreg [dreg:$0x5]  }
0x32: {  	[tilespmem:s3], [sflag:$0x10] =	stream.linear.gather [hbm4b:s11+s3], $0x28, $0x38;
	[tilespmem:$0x13100] =	vst v63  }
0x33: {  	_ =	swait.ge [sflag:s30], $0x28  }
0x34: {  	[sflag:s30] =	ssyncset.done $0x0  }
0x35: {  	s18 =	simm.s32 $0x280;
	s12 =	rddreg [dreg:$0x6];
	[sflag:s30] =	ssyncadd.s32 $0xFFFFFFD8  }
0x36: {  	[tilespmem:s18], [sflag:$0x10] =	stream.linear.gather [hbm4b:s12+s3], $0x28, $0x38;
	[tilespmem:$0x13100] =	vst v63  }
0x37: {  	_ =	swait.ge [sflag:s30], $0x28  }
0x38: {  	[sflag:s30] =	ssyncset.done $0x0  }
0x39: {  	s19 =	simm.s32 $0x500;
	[sflag:s30] =	ssyncadd.s32 $0xFFFFFFD8  }
0x3a: {  	[tilespmem:s19], [sflag:$0x1] =	stream.indirect.gather [hbm4b:s4+s0], $0x80, s3, s0, $0xb8;
	[tilespmem:$0x13100] =	vst v63  }
0x3b: {  	s22 =	simm.s32 $0x6900  }
0x3c: {  	[tilespmem:s22], [sflag:$0x6] =	stream.indirect.gather [hbm4b:s5+s0], $0x80, s18, s0, $0xb8;
	[tilespmem:$0x13100] =	vst v63  }
0x3d: {  	s12 =	simm.s32 $0x80;
	s18 =	rddreg [dreg:$0x7]  }
0x3e: {  	[tilespmem:s12], [sflag:$0x10] =	stream.linear.gather [hbm4b:s18+s3], $0x28, $0x38;
	[tilespmem:$0x13100] =	vst v63  }
0x3f: {  	_ =	swait.ge [sflag:s30], $0x28  }
0x40: {  	[sflag:s30] =	ssyncset.done $0x0  }
0x41: {  	s18 =	simm.s32 $0x300;
	s19 =	rddreg [dreg:$0x9];
	[sflag:s30] =	ssyncadd.s32 $0xFFFFFFD8  }
0x42: {  	[tilespmem:s18], [sflag:$0x10] =	stream.linear.gather [hbm4b:s19+s3], $0x28, $0x38;
	[tilespmem:$0x13100] =	vst v63  }
0x43: {  	_ =	swait.ge [sflag:s30], $0x28  }
0x44: {  	[sflag:s30] =	ssyncset.done $0x0  }
0x45: {  	s22 =	simm.s32 $0x1900;
	[sflag:s30] =	ssyncadd.s32 $0xFFFFFFD8  }
0x46: {  	[tilespmem:s22], [sflag:$0x2] =	stream.indirect.gather [hbm4b:s4+s0], $0x80, s12, s0, $0xb8;
	[tilespmem:$0x13100] =	vst v63  }
0x47: {  	s19 =	simm.s32 $0x7D00  }
0x48: {  	[tilespmem:s19], [sflag:$0x7] =	stream.indirect.gather [hbm4b:s5+s0], $0x80, s18, s0, $0xb8;
	[tilespmem:$0x13100] =	vst v63  }
0x49: {  	s22 =	rddreg [dreg:$0xb];
	s12 =	simm.s32 $0x100  }
0x4a: {  	[tilespmem:s12], [sflag:$0x10] =	stream.linear.gather [hbm4b:s22+s3], $0x28, $0x38;
	[tilespmem:$0x13100] =	vst v63  }
0x4b: {  	_ =	swait.ge [sflag:s30], $0x28  }
0x4c: {  	[sflag:s30] =	ssyncset.done $0x0  }
0x4d: {  	s19 =	simm.s32 $0x380;
	s18 =	rddreg [dreg:$0xd];
	[sflag:s30] =	ssyncadd.s32 $0xFFFFFFD8  }
0x4e: {  	[tilespmem:s19], [sflag:$0x10] =	stream.linear.gather [hbm4b:s18+s3], $0x28, $0x38;
	[tilespmem:$0x13100] =	vst v63  }
0x4f: {  	_ =	swait.ge [sflag:s30], $0x28  }
0x50: {  	[sflag:s30] =	ssyncset.done $0x0  }
0x51: {  	s22 =	simm.s32 $0x2D00;
	[sflag:s30] =	ssyncadd.s32 $0xFFFFFFD8  }
0x52: {  	[tilespmem:s22], [sflag:$0x3] =	stream.indirect.gather [hbm4b:s4+s0], $0x80, s12, s0, $0xb8;
	[tilespmem:$0x13100] =	vst v63  }
0x53: {  	s12 =	simm.s32 $0x9100  }
0x54: {  	[tilespmem:s12], [sflag:$0x8] =	stream.indirect.gather [hbm4b:s5+s0], $0x80, s19, s0, $0xb8;
	[tilespmem:$0x13100] =	vst v63  }
0x55: {  	s22 =	simm.s32 $0x180;
	s19 =	rddreg [dreg:$0xe]  }
0x56: {  	[tilespmem:s22], [sflag:$0x10] =	stream.linear.gather [hbm4b:s19+s3], $0x28, $0x38;
	[tilespmem:$0x13100] =	vst v63  }
0x57: {  	_ =	swait.ge [sflag:s30], $0x28  }
0x58: {  	[sflag:s30] =	ssyncset.done $0x0  }
0x59: {  	s18 =	rddreg [dreg:$0xf];
	[sflag:s30] =	ssyncadd.s32 $0xFFFFFFD8  }
0x5a: {  	[tilespmem:s25], [sflag:$0x10] =	stream.linear.gather [hbm4b:s18+s3], $0x28, $0x38;
	[tilespmem:$0x13100] =	vst v63  }
0x5b: {  	_ =	swait.ge [sflag:s30], $0x28  }
0x5c: {  	[sflag:s30] =	ssyncset.done $0x0  }
0x5d: {  	s19 =	simm.s32 $0x4100;
	[sflag:s30] =	ssyncadd.s32 $0xFFFFFFD8  }
0x5e: {  	[tilespmem:s19], [sflag:$0x4] =	stream.indirect.gather [hbm4b:s4+s0], $0x80, s22, s0, $0xb8;
	[tilespmem:$0x13100] =	vst v63  }
0x5f: {  	s22 =	simm.s32 $0xA500  }
0x60: {  	[tilespmem:s22], [sflag:$0x9] =	stream.indirect.gather [hbm4b:s5+s0], $0x80, s25, s0, $0xb8;
	[tilespmem:$0x13100] =	vst v63  }
0x61: {  	s12 =	rddreg [dreg:$0x10]  }
0x62: {  	[tilespmem:s14], [sflag:$0x10] =	stream.linear.gather [hbm4b:s12+s3], $0x28, $0x38;
	[tilespmem:$0x13100] =	vst v63  }
0x63: {  	_ =	swait.ge [sflag:s30], $0x28  }
0x64: {  	[sflag:s30] =	ssyncset.done $0x0  }
0x65: {  	s18 =	rddreg [dreg:$0x11];
	[sflag:s30] =	ssyncadd.s32 $0xFFFFFFD8  }
0x66: {  	[tilespmem:s16], [sflag:$0x10] =	stream.linear.gather [hbm4b:s18+s3], $0x28, $0x38;
	[tilespmem:$0x13100] =	vst v63  }
0x67: {  	_ =	swait.ge [sflag:s30], $0x28  }
0x68: {  	[sflag:s30] =	ssyncset.done $0x0  }
0x69: {  	s19 =	simm.s32 $0x5500;
	[sflag:s30] =	ssyncadd.s32 $0xFFFFFFD8  }
0x6a: {  	[tilespmem:s19], [sflag:$0x5] =	stream.indirect.gather [hbm4b:s4+s0], $0x80, s14, s0, $0xb8;
	[tilespmem:$0x13100] =	vst v63  }
0x6b: {  	s11 =	simm.s32 $0x0;
	s22 =	simm.s32 $0xB900  }
0x6c: {  	[tilespmem:s22], [sflag:$0xA] =	stream.indirect.gather [hbm4b:s5+s0], $0x80, s16, s0, $0xb8;
	[tilespmem:$0x13100] =	vst v63  }
.LBB2_2:
0x6d: {  	_ =	swait.ge [sflag:s1], $0x1400  }
0x6e: {  	[sflag:s1] =	ssyncset.done $0x0  }
0x6f: {  	[sflag:s1] =	ssyncadd.s32 $0xFFFFEC00  }
0x70: {  	_ =	swait.ge [sflag:s10], $0x1400  }
0x71: {  	[sflag:s10] =	ssyncset.done $0x0  }
0x72: {  	s12 =	simm.s32 $0x0;
	[sflag:s10] =	ssyncadd.s32 $0xFFFFEC00  }
0x73: {  	v2 =	vld [tilespmem:s12+$0x530]  }
0x74: {  	v4 =	vld [tilespmem:s12+$0x6930]  }
0x75: {  	v5 =	vld [tilespmem:s12+$0x500]  }
0x76: {  	v6 =	vld [tilespmem:s12+$0x6900]  }
0x77: {  	v1 =	vld [tilespmem:s12+$0x510]  }
0x78: {  	v3 =	vld [tilespmem:s12+$0x6910]  }
0x79: {  	v0 =	vld [tilespmem:s12+$0x520];
	v7 =	vadd.f32 v4, v2  }
0x7a: {  	s18 =	simm.s32 $0x80;
	v4 =	vld [tilespmem:s12+$0x6920]  }
0x7b: {  	s19 =	simm.s32 $0x400;
	v2 =	vld [tilespmem:s18+$0x530];
	v5 =	vadd.f32 v6, v5;
	[tilespmem:s12+$0xCD30] =	vst v7  }
.LBB2_3:
0x7c: {  	p0 =	sne.s32 s19, $0x4E00;
	v6 =	vld [tilespmem:s18+$0x6930]  }
0x7d: {  	v7 =	vld [tilespmem:s18+$0x500];
	[tilespmem:s12+$0xCD00] =	vst v5;
	v3 =	vadd.f32 v3, v1  }
0x7e: {  	v5 =	vld [tilespmem:s18+$0x6900]  }
.Ltmp2:
0x7f: {  	v1 =	vld [tilespmem:s18+$0x510];
	[tilespmem:s12+$0xCD10] =	vst v3;
	v4 =	vadd.f32 v4, v0;
	(pc) =	sbr.rel @p0 .LBB2_3-.Ltmp2, $4  }
0x80: {  	v3 =	vld [tilespmem:s18+$0x6910]  }
0x81: {  	v0 =	vld [tilespmem:s18+$0x520];
	v6 =	vadd.f32 v6, v2;
	[tilespmem:s12+$0xCD20] =	vst v4;
	s12 =	smov.u32 s18  }
0x82: {  	s18 =	sshra.s32 s19, $0x2;
	v4 =	vld [tilespmem:s12+$0x6920]  }
0x83: {  	s19 =	sadd.s32 $0x200, s19;
	v2 =	vld [tilespmem:s18+$0x530];
	v5 =	vadd.f32 v5, v7;
	[tilespmem:s12+$0xCD30] =	vst v6  }
0x84: {  	v6 =	vld [tilespmem:s18+$0x6930]  }
0x85: {  	v7 =	vld [tilespmem:s18+$0x500];
	[tilespmem:s12+$0xCD00] =	vst v5;
	v1 =	vadd.f32 v3, v1  }
0x86: {  	v3 =	vld [tilespmem:s18+$0x6900]  }
0x87: {  	v5 =	vld [tilespmem:s18+$0x510];
	[tilespmem:s12+$0xCD10] =	vst v1;
	v0 =	vadd.f32 v4, v0  }
0x88: {  	v1 =	vld [tilespmem:s18+$0x6910]  }
0x89: {  	v4 =	vld [tilespmem:s18+$0x520];
	[tilespmem:s12+$0xCD20] =	vst v0  }
0x8a: {  	v0 =	vld [tilespmem:s18+$0x6920];
	_ =	sdelay $0x1  }
0x8b: {  	v2 =	vadd.f32 v6, v2  }
0x8c: {  	s12 =	smul.u32 $0xC8, s11;
	v3 =	vadd.f32 v3, v7  }
0x8d: {  	s19 =	rddreg [dreg:$0x3];
	[tilespmem:s18+$0xCD30] =	vst v2;
	v1 =	vadd.f32 v1, v5  }
0x8e: {  	s19 =	sadd.s32 s19, s12;
	[tilespmem:s18+$0xCD00] =	vst v3;
	v0 =	vadd.f32 v0, v4  }
0x8f: {  	s19 =	sshll.u32 s19, $0x4;
	[tilespmem:s18+$0xCD10] =	vst v1  }
0x90: {  	s22 =	simm.s32 $0xCD00;
	[tilespmem:s18+$0xCD20] =	vst v0;
	s18 =	sadd.s32 s8, s19;
	s19 =	simm.s32 $0x0  }
0x91: {  	[hbm4b:s18+s19] =	stream.linear.scatter [tilespmem:s22], [sflag:$0xB], $0x1400, $0x38;
	[tilespmem:$0x13100] =	vst v63  }
0x92: {  	_ =	swait.ge [sflag:s21], $0x1400  }
0x93: {  	[sflag:s21] =	ssyncset.done $0x0  }
0x94: {  	[sflag:s21] =	ssyncadd.s32 $0xFFFFEC00  }
0x95: {  	_ =	swait.ge [sflag:s20], $0x1400  }
0x96: {  	[sflag:s20] =	ssyncset.done $0x0  }
0x97: {  	s19 =	simm.s32 $0x0;
	[sflag:s20] =	ssyncadd.s32 $0xFFFFEC00  }
0x98: {  	v2 =	vld [tilespmem:s19+$0x1930]  }
0x99: {  	v4 =	vld [tilespmem:s19+$0x7D30]  }
0x9a: {  	v5 =	vld [tilespmem:s19+$0x1900]  }
0x9b: {  	v6 =	vld [tilespmem:s19+$0x7D00]  }
0x9c: {  	v1 =	vld [tilespmem:s19+$0x1910]  }
0x9d: {  	v3 =	vld [tilespmem:s19+$0x7D10]  }
0x9e: {  	v0 =	vld [tilespmem:s19+$0x1920];
	v7 =	vadd.f32 v4, v2  }
0x9f: {  	s18 =	simm.s32 $0x80;
	v4 =	vld [tilespmem:s19+$0x7D20]  }
0xa0: {  	s22 =	simm.s32 $0x400;
	v2 =	vld [tilespmem:s18+$0x1930];
	v5 =	vadd.f32 v6, v5;
	[tilespmem:s19+$0xE130] =	vst v7  }
.LBB2_5:
0xa1: {  	p0 =	sne.s32 s22, $0x4E00;
	v6 =	vld [tilespmem:s18+$0x7D30]  }
0xa2: {  	v7 =	vld [tilespmem:s18+$0x1900];
	[tilespmem:s19+$0xE100] =	vst v5;
	v3 =	vadd.f32 v3, v1  }
0xa3: {  	v5 =	vld [tilespmem:s18+$0x7D00]  }
.Ltmp3:
0xa4: {  	v1 =	vld [tilespmem:s18+$0x1910];
	[tilespmem:s19+$0xE110] =	vst v3;
	v4 =	vadd.f32 v4, v0;
	(pc) =	sbr.rel @p0 .LBB2_5-.Ltmp3, $4  }
0xa5: {  	v3 =	vld [tilespmem:s18+$0x7D10]  }
0xa6: {  	v0 =	vld [tilespmem:s18+$0x1920];
	v6 =	vadd.f32 v6, v2;
	[tilespmem:s19+$0xE120] =	vst v4;
	s19 =	smov.u32 s18  }
0xa7: {  	s18 =	sshra.s32 s22, $0x2;
	v4 =	vld [tilespmem:s19+$0x7D20]  }
0xa8: {  	s22 =	sadd.s32 $0x200, s22;
	v2 =	vld [tilespmem:s18+$0x1930];
	v5 =	vadd.f32 v5, v7;
	[tilespmem:s19+$0xE130] =	vst v6  }
0xa9: {  	v6 =	vld [tilespmem:s18+$0x7D30]  }
0xaa: {  	v7 =	vld [tilespmem:s18+$0x1900];
	[tilespmem:s19+$0xE100] =	vst v5;
	v1 =	vadd.f32 v3, v1  }
0xab: {  	v3 =	vld [tilespmem:s18+$0x7D00]  }
0xac: {  	v5 =	vld [tilespmem:s18+$0x1910];
	[tilespmem:s19+$0xE110] =	vst v1;
	v0 =	vadd.f32 v4, v0  }
0xad: {  	v1 =	vld [tilespmem:s18+$0x7D10]  }
0xae: {  	v4 =	vld [tilespmem:s18+$0x1920];
	[tilespmem:s19+$0xE120] =	vst v0  }
0xaf: {  	v0 =	vld [tilespmem:s18+$0x7D20];
	_ =	sdelay $0x1  }
0xb0: {  	v2 =	vadd.f32 v6, v2  }
0xb1: {  	v3 =	vadd.f32 v3, v7  }
0xb2: {  	s22 =	rddreg [dreg:$0x4];
	[tilespmem:s18+$0xE130] =	vst v2;
	v1 =	vadd.f32 v1, v5  }
0xb3: {  	s19 =	sadd.s32 s12, s22;
	[tilespmem:s18+$0xE100] =	vst v3;
	v0 =	vadd.f32 v0, v4  }
0xb4: {  	s19 =	sshll.u32 s19, $0x4;
	[tilespmem:s18+$0xE110] =	vst v1  }
0xb5: {  	s22 =	simm.s32 $0xE100;
	[tilespmem:s18+$0xE120] =	vst v0;
	s18 =	sadd.s32 s8, s19;
	s19 =	simm.s32 $0x0  }
0xb6: {  	[hbm4b:s18+s19] =	stream.linear.scatter [tilespmem:s22], [sflag:$0xC], $0x1400, $0x38;
	[tilespmem:$0x13100] =	vst v63  }
0xb7: {  	_ =	swait.ge [sflag:s23], $0x1400  }
0xb8: {  	[sflag:s23] =	ssyncset.done $0x0  }
0xb9: {  	[sflag:s23] =	ssyncadd.s32 $0xFFFFEC00  }
0xba: {  	_ =	swait.ge [sflag:s24], $0x1400  }
0xbb: {  	[sflag:s24] =	ssyncset.done $0x0  }
0xbc: {  	s19 =	simm.s32 $0x0;
	[sflag:s24] =	ssyncadd.s32 $0xFFFFEC00  }
0xbd: {  	v2 =	vld [tilespmem:s19+$0x2D30]  }
0xbe: {  	v4 =	vld [tilespmem:s19+$0x9130]  }
0xbf: {  	v5 =	vld [tilespmem:s19+$0x2D00]  }
0xc0: {  	v6 =	vld [tilespmem:s19+$0x9100]  }
0xc1: {  	v1 =	vld [tilespmem:s19+$0x2D10]  }
0xc2: {  	v3 =	vld [tilespmem:s19+$0x9110]  }
0xc3: {  	v0 =	vld [tilespmem:s19+$0x2D20];
	v7 =	vadd.f32 v4, v2  }
0xc4: {  	s18 =	simm.s32 $0x80;
	v4 =	vld [tilespmem:s19+$0x9120]  }
0xc5: {  	s22 =	simm.s32 $0x400;
	v2 =	vld [tilespmem:s18+$0x2D30];
	v5 =	vadd.f32 v6, v5;
	[tilespmem:s19+$0xF530] =	vst v7  }
.LBB2_7:
0xc6: {  	p0 =	sne.s32 s22, $0x4E00;
	v6 =	vld [tilespmem:s18+$0x9130]  }
0xc7: {  	v7 =	vld [tilespmem:s18+$0x2D00];
	[tilespmem:s19+$0xF500] =	vst v5;
	v3 =	vadd.f32 v3, v1  }
0xc8: {  	v5 =	vld [tilespmem:s18+$0x9100]  }
.Ltmp4:
0xc9: {  	v1 =	vld [tilespmem:s18+$0x2D10];
	[tilespmem:s19+$0xF510] =	vst v3;
	v4 =	vadd.f32 v4, v0;
	(pc) =	sbr.rel @p0 .LBB2_7-.Ltmp4, $4  }
0xca: {  	v3 =	vld [tilespmem:s18+$0x9110]  }
0xcb: {  	v0 =	vld [tilespmem:s18+$0x2D20];
	v6 =	vadd.f32 v6, v2;
	[tilespmem:s19+$0xF520] =	vst v4;
	s19 =	smov.u32 s18  }
0xcc: {  	s18 =	sshra.s32 s22, $0x2;
	v4 =	vld [tilespmem:s19+$0x9120]  }
0xcd: {  	s22 =	sadd.s32 $0x200, s22;
	v2 =	vld [tilespmem:s18+$0x2D30];
	v5 =	vadd.f32 v5, v7;
	[tilespmem:s19+$0xF530] =	vst v6  }
0xce: {  	v6 =	vld [tilespmem:s18+$0x9130]  }
0xcf: {  	v7 =	vld [tilespmem:s18+$0x2D00];
	[tilespmem:s19+$0xF500] =	vst v5;
	v1 =	vadd.f32 v3, v1  }
0xd0: {  	v3 =	vld [tilespmem:s18+$0x9100]  }
0xd1: {  	v5 =	vld [tilespmem:s18+$0x2D10];
	[tilespmem:s19+$0xF510] =	vst v1;
	v0 =	vadd.f32 v4, v0  }
0xd2: {  	v1 =	vld [tilespmem:s18+$0x9110]  }
0xd3: {  	v4 =	vld [tilespmem:s18+$0x2D20];
	[tilespmem:s19+$0xF520] =	vst v0  }
0xd4: {  	v0 =	vld [tilespmem:s18+$0x9120];
	_ =	sdelay $0x1  }
0xd5: {  	v2 =	vadd.f32 v6, v2  }
0xd6: {  	v3 =	vadd.f32 v3, v7  }
0xd7: {  	s22 =	rddreg [dreg:$0x8];
	[tilespmem:s18+$0xF530] =	vst v2;
	v1 =	vadd.f32 v1, v5  }
0xd8: {  	s19 =	sadd.s32 s12, s22;
	[tilespmem:s18+$0xF500] =	vst v3;
	v0 =	vadd.f32 v0, v4  }
0xd9: {  	s19 =	sshll.u32 s19, $0x4;
	[tilespmem:s18+$0xF510] =	vst v1  }
0xda: {  	s22 =	simm.s32 $0xF500;
	[tilespmem:s18+$0xF520] =	vst v0;
	s18 =	sadd.s32 s8, s19;
	s19 =	simm.s32 $0x0  }
0xdb: {  	[hbm4b:s18+s19] =	stream.linear.scatter [tilespmem:s22], [sflag:$0xD], $0x1400, $0x38;
	[tilespmem:$0x13100] =	vst v63  }
0xdc: {  	_ =	swait.ge [sflag:s6], $0x1400  }
0xdd: {  	[sflag:s6] =	ssyncset.done $0x0  }
0xde: {  	[sflag:s6] =	ssyncadd.s32 $0xFFFFEC00  }
0xdf: {  	_ =	swait.ge [sflag:s9], $0x1400  }
0xe0: {  	[sflag:s9] =	ssyncset.done $0x0  }
0xe1: {  	s19 =	simm.s32 $0x0;
	[sflag:s9] =	ssyncadd.s32 $0xFFFFEC00  }
0xe2: {  	v2 =	vld [tilespmem:s19+$0x4130]  }
0xe3: {  	v4 =	vld [tilespmem:s19+$0xA530]  }
0xe4: {  	v5 =	vld [tilespmem:s19+$0x4100]  }
0xe5: {  	v6 =	vld [tilespmem:s19+$0xA500]  }
0xe6: {  	v1 =	vld [tilespmem:s19+$0x4110]  }
0xe7: {  	v3 =	vld [tilespmem:s19+$0xA510]  }
0xe8: {  	v0 =	vld [tilespmem:s19+$0x4120];
	v7 =	vadd.f32 v4, v2  }
0xe9: {  	s18 =	simm.s32 $0x80;
	v4 =	vld [tilespmem:s19+$0xA520]  }
0xea: {  	s22 =	simm.s32 $0x400;
	v2 =	vld [tilespmem:s18+$0x4130];
	v5 =	vadd.f32 v6, v5;
	[tilespmem:s19+$0x10930] =	vst v7  }
.LBB2_9:
0xeb: {  	p0 =	sne.s32 s22, $0x4E00;
	v6 =	vld [tilespmem:s18+$0xA530]  }
0xec: {  	v7 =	vld [tilespmem:s18+$0x4100];
	[tilespmem:s19+$0x10900] =	vst v5;
	v3 =	vadd.f32 v3, v1  }
0xed: {  	v5 =	vld [tilespmem:s18+$0xA500]  }
.Ltmp5:
0xee: {  	v1 =	vld [tilespmem:s18+$0x4110];
	[tilespmem:s19+$0x10910] =	vst v3;
	v4 =	vadd.f32 v4, v0;
	(pc) =	sbr.rel @p0 .LBB2_9-.Ltmp5, $4  }
0xef: {  	v3 =	vld [tilespmem:s18+$0xA510]  }
0xf0: {  	v0 =	vld [tilespmem:s18+$0x4120];
	v6 =	vadd.f32 v6, v2;
	[tilespmem:s19+$0x10920] =	vst v4;
	s19 =	smov.u32 s18  }
0xf1: {  	s18 =	sshra.s32 s22, $0x2;
	v4 =	vld [tilespmem:s19+$0xA520]  }
0xf2: {  	s22 =	sadd.s32 $0x200, s22;
	v2 =	vld [tilespmem:s18+$0x4130];
	v5 =	vadd.f32 v5, v7;
	[tilespmem:s19+$0x10930] =	vst v6  }
0xf3: {  	v6 =	vld [tilespmem:s18+$0xA530]  }
0xf4: {  	v7 =	vld [tilespmem:s18+$0x4100];
	[tilespmem:s19+$0x10900] =	vst v5;
	v1 =	vadd.f32 v3, v1  }
0xf5: {  	v3 =	vld [tilespmem:s18+$0xA500]  }
0xf6: {  	v5 =	vld [tilespmem:s18+$0x4110];
	[tilespmem:s19+$0x10910] =	vst v1;
	v0 =	vadd.f32 v4, v0  }
0xf7: {  	v1 =	vld [tilespmem:s18+$0xA510]  }
0xf8: {  	v4 =	vld [tilespmem:s18+$0x4120];
	[tilespmem:s19+$0x10920] =	vst v0  }
0xf9: {  	v0 =	vld [tilespmem:s18+$0xA520];
	_ =	sdelay $0x1  }
0xfa: {  	v2 =	vadd.f32 v6, v2  }
0xfb: {  	v3 =	vadd.f32 v3, v7  }
0xfc: {  	s22 =	rddreg [dreg:$0xa];
	[tilespmem:s18+$0x10930] =	vst v2;
	v1 =	vadd.f32 v1, v5  }
0xfd: {  	s19 =	sadd.s32 s12, s22;
	[tilespmem:s18+$0x10900] =	vst v3;
	v0 =	vadd.f32 v0, v4  }
0xfe: {  	s19 =	sshll.u32 s19, $0x4;
	[tilespmem:s18+$0x10910] =	vst v1  }
0xff: {  	s22 =	simm.s32 $0x10900;
	[tilespmem:s18+$0x10920] =	vst v0;
	s18 =	sadd.s32 s8, s19;
	s19 =	simm.s32 $0x0  }
0x100: {  	[hbm4b:s18+s19] =	stream.linear.scatter [tilespmem:s22], [sflag:$0xE], $0x1400, $0x38;
	[tilespmem:$0x13100] =	vst v63  }
0x101: {  	_ =	swait.ge [sflag:s26], $0x1400  }
0x102: {  	[sflag:s26] =	ssyncset.done $0x0  }
0x103: {  	[sflag:s26] =	ssyncadd.s32 $0xFFFFEC00  }
0x104: {  	_ =	swait.ge [sflag:s28], $0x1400  }
0x105: {  	[sflag:s28] =	ssyncset.done $0x0  }
0x106: {  	s19 =	simm.s32 $0x0;
	[sflag:s28] =	ssyncadd.s32 $0xFFFFEC00  }
0x107: {  	v2 =	vld [tilespmem:s19+$0x5530]  }
0x108: {  	v4 =	vld [tilespmem:s19+$0xB930]  }
0x109: {  	v5 =	vld [tilespmem:s19+$0x5500]  }
0x10a: {  	v6 =	vld [tilespmem:s19+$0xB900]  }
0x10b: {  	v1 =	vld [tilespmem:s19+$0x5510]  }
0x10c: {  	v3 =	vld [tilespmem:s19+$0xB910]  }
0x10d: {  	v0 =	vld [tilespmem:s19+$0x5520];
	v7 =	vadd.f32 v4, v2  }
0x10e: {  	s18 =	simm.s32 $0x80;
	v4 =	vld [tilespmem:s19+$0xB920]  }
0x10f: {  	s22 =	simm.s32 $0x400;
	v2 =	vld [tilespmem:s18+$0x5530];
	v5 =	vadd.f32 v6, v5;
	[tilespmem:s19+$0x11D30] =	vst v7  }
.LBB2_11:
0x110: {  	p0 =	sne.s32 s22, $0x4E00;
	v6 =	vld [tilespmem:s18+$0xB930]  }
0x111: {  	v7 =	vld [tilespmem:s18+$0x5500];
	[tilespmem:s19+$0x11D00] =	vst v5;
	v3 =	vadd.f32 v3, v1  }
0x112: {  	v5 =	vld [tilespmem:s18+$0xB900]  }
.Ltmp6:
0x113: {  	v1 =	vld [tilespmem:s18+$0x5510];
	[tilespmem:s19+$0x11D10] =	vst v3;
	v4 =	vadd.f32 v4, v0;
	(pc) =	sbr.rel @p0 .LBB2_11-.Ltmp6, $4  }
0x114: {  	v3 =	vld [tilespmem:s18+$0xB910]  }
0x115: {  	v0 =	vld [tilespmem:s18+$0x5520];
	v6 =	vadd.f32 v6, v2;
	[tilespmem:s19+$0x11D20] =	vst v4;
	s19 =	smov.u32 s18  }
0x116: {  	s18 =	sshra.s32 s22, $0x2;
	v4 =	vld [tilespmem:s19+$0xB920]  }
0x117: {  	s22 =	sadd.s32 $0x200, s22;
	v2 =	vld [tilespmem:s18+$0x5530];
	v5 =	vadd.f32 v5, v7;
	[tilespmem:s19+$0x11D30] =	vst v6  }
0x118: {  	v6 =	vld [tilespmem:s18+$0xB930]  }
0x119: {  	v7 =	vld [tilespmem:s18+$0x5500];
	[tilespmem:s19+$0x11D00] =	vst v5;
	v1 =	vadd.f32 v3, v1  }
0x11a: {  	v62 =	vld [tilespmem:s18+$0xB900]  }
0x11b: {  	v5 =	vld [tilespmem:s18+$0x5510];
	[tilespmem:s19+$0x11D10] =	vst v1;
	v0 =	vadd.f32 v4, v0  }
0x11c: {  	v1 =	vld [tilespmem:s18+$0xB910]  }
0x11d: {  	v63 =	vld [tilespmem:s18+$0x5520];
	[tilespmem:s19+$0x11D20] =	vst v0  }
0x11e: {  	v0 =	vld [tilespmem:s18+$0xB920];
	_ =	sdelay $0x1  }
0x11f: {  	v2 =	vadd.f32 v6, v2  }
0x120: {  	v3 =	vadd.f32 v62, v7  }
0x121: {  	s22 =	rddreg [dreg:$0xc];
	[tilespmem:s18+$0x11D30] =	vst v2;
	v1 =	vadd.f32 v1, v5  }
0x122: {  	s19 =	sadd.s32 s12, s22;
	[tilespmem:s18+$0x11D00] =	vst v3;
	v0 =	vadd.f32 v0, v63  }
0x123: {  	p0 =	seq.s32 s11, $0x31;
	s19 =	sshll.u32 s19, $0x4;
	[tilespmem:s18+$0x11D10] =	vst v1  }
.Ltmp7:
0x124: {  	s22 =	simm.s32 $0x11D00;
	s19 =	sadd.s32 s8, s19;
	[tilespmem:s18+$0x11D20] =	vst v0;
	(pc) =	sbr.rel @p0 .LBB2_14-.Ltmp7, $4  }
0x125: {  	[hbm4b:s19+s3] =	stream.linear.scatter [tilespmem:s22], [sflag:$0xF], $0x1400, $0x38;
	[tilespmem:$0x13100] =	vst v63  }
0x126: {  	_ =	swait.ge [sflag:s29], $0x1400  }
0x127: {  	[sflag:s29] =	ssyncset.done $0x0  }
0x128: {  	[sflag:s29] =	ssyncadd.s32 $0xFFFFEC00  }
0x129: {  	s18 =	rddreg [dreg:$0x12]  }
0x12a: {  	s18 =	sadd.s32 s12, s18  }
0x12b: {  	s18 =	sshrl.u32 s18, $0x3  }
0x12c: {  	s19 =	sadd.s32 s2, s18  }
0x12d: {  	[tilespmem:s3], [sflag:$0x10] =	stream.linear.gather [hbm4b:s19+s3], $0x28, $0x38;
	[tilespmem:$0x13100] =	vst v63  }
0x12e: {  	_ =	swait.ge [sflag:s30], $0x28  }
0x12f: {  	[sflag:s30] =	ssyncset.done $0x0  }
0x130: {  	s18 =	sadd.s32 s7, s18;
	s19 =	simm.s32 $0x280;
	[sflag:s30] =	ssyncadd.s32 $0xFFFFFFD8  }
0x131: {  	[tilespmem:s19], [sflag:$0x10] =	stream.linear.gather [hbm4b:s18+s3], $0x28, $0x38;
	[tilespmem:$0x13100] =	vst v63  }
0x132: {  	_ =	swait.ge [sflag:s30], $0x28  }
0x133: {  	[sflag:s30] =	ssyncset.done $0x0  }
0x134: {  	s22 =	simm.s32 $0x500;
	[sflag:s30] =	ssyncadd.s32 $0xFFFFFFD8  }
0x135: {  	[tilespmem:s22], [sflag:$0x1] =	stream.indirect.gather [hbm4b:s4+s0], $0x80, s3, s0, $0xb8;
	[tilespmem:$0x13100] =	vst v63  }
0x136: {  	s22 =	simm.s32 $0x6900  }
0x137: {  	[tilespmem:s22], [sflag:$0x6] =	stream.indirect.gather [hbm4b:s5+s0], $0x80, s19, s0, $0xb8;
	[tilespmem:$0x13100] =	vst v63  }
0x138: {  	_ =	swait.ge [sflag:s13], $0x1400  }
0x139: {  	s19 =	rddreg [dreg:$0x13]  }
0x13a: {  	s18 =	sadd.s32 s12, s19  }
0x13b: {  	[sflag:s13] =	ssyncset.done $0x0;
	s18 =	sshrl.u32 s18, $0x3  }
0x13c: {  	s22 =	simm.s32 $0x80;
	[sflag:s13] =	ssyncadd.s32 $0xFFFFEC00;
	s19 =	sadd.s32 s2, s18  }
0x13d: {  	[tilespmem:s22], [sflag:$0x10] =	stream.linear.gather [hbm4b:s19+s3], $0x28, $0x38;
	[tilespmem:$0x13100] =	vst v63  }
0x13e: {  	_ =	swait.ge [sflag:s30], $0x28  }
0x13f: {  	[sflag:s30] =	ssyncset.done $0x0  }
0x140: {  	s18 =	sadd.s32 s7, s18;
	s19 =	simm.s32 $0x300;
	[sflag:s30] =	ssyncadd.s32 $0xFFFFFFD8  }
0x141: {  	[tilespmem:s19], [sflag:$0x10] =	stream.linear.gather [hbm4b:s18+s3], $0x28, $0x38;
	[tilespmem:$0x13100] =	vst v63  }
0x142: {  	_ =	swait.ge [sflag:s30], $0x28  }
0x143: {  	[sflag:s30] =	ssyncset.done $0x0  }
0x144: {  	s18 =	simm.s32 $0x1900;
	[sflag:s30] =	ssyncadd.s32 $0xFFFFFFD8  }
0x145: {  	[tilespmem:s18], [sflag:$0x2] =	stream.indirect.gather [hbm4b:s4+s0], $0x80, s22, s0, $0xb8;
	[tilespmem:$0x13100] =	vst v63  }
0x146: {  	s22 =	simm.s32 $0x7D00  }
0x147: {  	[tilespmem:s22], [sflag:$0x7] =	stream.indirect.gather [hbm4b:s5+s0], $0x80, s19, s0, $0xb8;
	[tilespmem:$0x13100] =	vst v63  }
0x148: {  	_ =	swait.ge [sflag:s15], $0x1400  }
0x149: {  	s19 =	rddreg [dreg:$0x15]  }
0x14a: {  	s18 =	sadd.s32 s12, s19  }
0x14b: {  	[sflag:s15] =	ssyncset.done $0x0;
	s18 =	sshrl.u32 s18, $0x3  }
0x14c: {  	s22 =	simm.s32 $0x100;
	[sflag:s15] =	ssyncadd.s32 $0xFFFFEC00;
	s19 =	sadd.s32 s2, s18  }
0x14d: {  	[tilespmem:s22], [sflag:$0x10] =	stream.linear.gather [hbm4b:s19+s3], $0x28, $0x38;
	[tilespmem:$0x13100] =	vst v63  }
0x14e: {  	_ =	swait.ge [sflag:s30], $0x28  }
0x14f: {  	[sflag:s30] =	ssyncset.done $0x0  }
0x150: {  	s18 =	sadd.s32 s7, s18;
	s19 =	simm.s32 $0x380;
	[sflag:s30] =	ssyncadd.s32 $0xFFFFFFD8  }
0x151: {  	[tilespmem:s19], [sflag:$0x10] =	stream.linear.gather [hbm4b:s18+s3], $0x28, $0x38;
	[tilespmem:$0x13100] =	vst v63  }
0x152: {  	_ =	swait.ge [sflag:s30], $0x28  }
0x153: {  	[sflag:s30] =	ssyncset.done $0x0  }
0x154: {  	s18 =	simm.s32 $0x2D00;
	[sflag:s30] =	ssyncadd.s32 $0xFFFFFFD8  }
0x155: {  	[tilespmem:s18], [sflag:$0x3] =	stream.indirect.gather [hbm4b:s4+s0], $0x80, s22, s0, $0xb8;
	[tilespmem:$0x13100] =	vst v63  }
0x156: {  	s22 =	simm.s32 $0x9100  }
0x157: {  	[tilespmem:s22], [sflag:$0x8] =	stream.indirect.gather [hbm4b:s5+s0], $0x80, s19, s0, $0xb8;
	[tilespmem:$0x13100] =	vst v63  }
0x158: {  	_ =	swait.ge [sflag:s17], $0x1400  }
0x159: {  	s22 =	rddreg [dreg:$0x16]  }
0x15a: {  	s18 =	sadd.s32 s12, s22  }
0x15b: {  	[sflag:s17] =	ssyncset.done $0x0;
	s18 =	sshrl.u32 s18, $0x3  }
0x15c: {  	[sflag:s17] =	ssyncadd.s32 $0xFFFFEC00;
	s22 =	simm.s32 $0x180;
	s19 =	sadd.s32 s2, s18  }
0x15d: {  	[tilespmem:s22], [sflag:$0x10] =	stream.linear.gather [hbm4b:s19+s3], $0x28, $0x38;
	[tilespmem:$0x13100] =	vst v63  }
0x15e: {  	_ =	swait.ge [sflag:s30], $0x28  }
0x15f: {  	[sflag:s30] =	ssyncset.done $0x0  }
0x160: {  	s18 =	sadd.s32 s7, s18;
	[sflag:s30] =	ssyncadd.s32 $0xFFFFFFD8  }
0x161: {  	[tilespmem:s25], [sflag:$0x10] =	stream.linear.gather [hbm4b:s18+s3], $0x28, $0x38;
	[tilespmem:$0x13100] =	vst v63  }
0x162: {  	_ =	swait.ge [sflag:s30], $0x28  }
0x163: {  	[sflag:s30] =	ssyncset.done $0x0  }
0x164: {  	s19 =	simm.s32 $0x4100;
	[sflag:s30] =	ssyncadd.s32 $0xFFFFFFD8  }
0x165: {  	[tilespmem:s19], [sflag:$0x4] =	stream.indirect.gather [hbm4b:s4+s0], $0x80, s22, s0, $0xb8;
	[tilespmem:$0x13100] =	vst v63  }
0x166: {  	s19 =	simm.s32 $0xA500  }
0x167: {  	[tilespmem:s19], [sflag:$0x9] =	stream.indirect.gather [hbm4b:s5+s0], $0x80, s25, s0, $0xb8;
	[tilespmem:$0x13100] =	vst v63  }
0x168: {  	_ =	swait.ge [sflag:s31], $0x1400  }
0x169: {  	s22 =	rddreg [dreg:$0x17]  }
0x16a: {  	s19 =	sadd.s32 s12, s22  }
0x16b: {  	[sflag:s31] =	ssyncset.done $0x0;
	s12 =	sshrl.u32 s19, $0x3  }
0x16c: {  	[sflag:s31] =	ssyncadd.s32 $0xFFFFEC00;
	s22 =	sadd.s32 s2, s12  }
0x16d: {  	[tilespmem:s14], [sflag:$0x10] =	stream.linear.gather [hbm4b:s22+s3], $0x28, $0x38;
	[tilespmem:$0x13100] =	vst v63  }
0x16e: {  	_ =	swait.ge [sflag:s30], $0x28  }
0x16f: {  	[sflag:s30] =	ssyncset.done $0x0  }
0x170: {  	s12 =	sadd.s32 s7, s12;
	[sflag:s30] =	ssyncadd.s32 $0xFFFFFFD8  }
0x171: {  	[tilespmem:s16], [sflag:$0x10] =	stream.linear.gather [hbm4b:s12+s3], $0x28, $0x38;
	[tilespmem:$0x13100] =	vst v63  }
0x172: {  	_ =	swait.ge [sflag:s30], $0x28  }
.Ltmp8:
0x173: {  	[sflag:s30] =	ssyncset.done $0x0;
	(pc) =	sbr.rel .LBB2_2-.Ltmp8, $4  }
0x174: {  	s19 =	simm.s32 $0x5500;
	[sflag:s30] =	ssyncadd.s32 $0xFFFFFFD8  }
0x175: {  	[tilespmem:s19], [sflag:$0x5] =	stream.indirect.gather [hbm4b:s4+s0], $0x80, s14, s0, $0xb8;
	[tilespmem:$0x13100] =	vst v63  }
0x176: {  	s11 =	sadd.s32 $0x1, s11;
	s22 =	simm.s32 $0xB900  }
0x177: {  	[tilespmem:s22], [sflag:$0xA] =	stream.indirect.gather [hbm4b:s5+s0], $0x80, s16, s0, $0xb8;
	[tilespmem:$0x13100] =	vst v63  }
.LBB2_15:
0x178: {  	_ =	sfence.sel $0x180000  }
0x179: {  	[bflag:$0x0] =	sbarrier.arrive $0xFFFF  }
0x17a: {  	_ =	strace $0x90000050  }
0x17b: {  	s0 =	stileid.u32;
	[bflag:$0x2] =	sbarrier.arrive $0xFFFF  }
0x17c: {  	p0 =	sne.s32 s0, $0x0;
	s0 =	rddreg [dreg:$0x2]  }
0x17d: {  	s0 =	sadd.s32 @!p0 $0x100000, s0  }
0x17e: {  	[sflag:s0] =	ssyncadd.tile.s32 @!p0 $0x1;
	_ =	shalt  }
.Lfunc_end2:
_tile_overlayer_lowered:
.L_overlay_start_2:
0x17f: {  	(tag) =	ssettag $0x2  }
0x180: {  	s0 =	rddreg [dreg:$0x0];
	s2 =	stileid.u32  }
0x181: {  	s1 =	rddreg [dreg:$0x1];
	p0 =	sne.s32 s2, $0x0  }
0x182: {  	s3 =	rddreg [dreg:$0x2];
	[bflag:$0x3] =	sbarrier.arrive $0xFFFF;
	s2 =	simm.s32 @!p0 $0x1C10  }
0x183: {  	[timem:s3], [sflag:s2] =	dma.local @!p0 [hbm:s0], s1  }
0x184: {  	s0 =	simm.s32 @!p0 $0x10  }
0x185: {  	_ =	swait.ge @!p0 [sflag:s0], s1  }
0x186: {  	s1 =	ssub.s32 @!p0 $0x0, s1;
	[sflag:s0] =	ssyncset.done @!p0 $0x0  }
0x187: {  	[sflag:s0] =	ssyncadd.s32 @!p0 s1  }
0x188: {  	[bflag:$0x3] =	sbarrier.arrive $0xFFFF  }
0x189: {  	_ =	shalt  }

</sc_bundles>
